<compile_context>
chip_gen: v7x
topology: tpu7x:2x2x1
jax: 0.10.2.dev20260603
libtpu: 0.0.44.dev20260713+nightly
codegen_flags: <defaults>
</compile_context>

<pallas_src>
import functools
import jax
import jax.numpy as jnp
from jax import lax
from jax.experimental import pallas as pl
from jax.experimental.pallas import tpu as pltpu
from jax.experimental.pallas import tpu_sc as plsc

N = 10000
E = 320000
D = 128
G = 64
BN_EPS = 1e-5

NC, NS = 2, 16
NW = NC * NS
CHUNK = 128
C0 = 79
C1 = 78
SEG = 32
MAXC = 96
E_CAP0 = NS * C0 * CHUNK
E_TOT = NS * (C0 + C1) * CHUNK
NP = 10112
NP0 = N
RPT = NP // NS

_mesh = plsc.VectorSubcoreMesh(core_axis_name="c", subcore_axis_name="s")


def _zero_tile_buf(buf, nrows, ncols):
    zv = jnp.zeros((16,), jnp.float32)

    def body(r, _):
        for c in range(ncols // 16):
            buf[r, pl.ds(c * 16, 16)] = zv
        return 0

    lax.fori_loop(0, nrows, body, 0)


def _zero_acc_slice(buf, acc_sh, base):
    done = 0
    while done < RPT:
        nr = min(CHUNK, RPT - done)
        pltpu.sync_copy(buf.at[pl.ds(0, nr)],
                        acc_sh.at[pl.ds(base + done, nr)])
        done += nr


@functools.partial(
    pl.kernel,
    out_type=jax.ShapeDtypeStruct((NC, NP, D), jnp.float32),
    mesh=_mesh,
    scratch_types=[
        pltpu.VMEM_SHARED((NP, D), jnp.float32),
        pltpu.VMEM((SEG, CHUNK), jnp.int32),
        pltpu.VMEM((CHUNK, D), jnp.float32),
        pltpu.SemaphoreType.DMA,
    ],
)
def _sc_deg(dst_hbm, out_hbm, acc_sh, dst_v, buf_v, sem):
    cid = lax.axis_index("c")
    sid = lax.axis_index("s")
    wid = cid * NS + sid
    myc = jnp.where(cid == 0, C0, C1)

    _zero_tile_buf(buf_v, CHUNK, D)
    base = sid * RPT
    _zero_acc_slice(buf_v, acc_sh, base)

    ones = jnp.ones((16,), jnp.float32)

    def fill(r, _):
        for c in range(D // 16):
            buf_v[r, pl.ds(c * 16, 16)] = ones
        return 0

    lax.fori_loop(0, CHUNK, fill, 0)
    plsc.subcore_barrier()

    DEPTH = 4

    def issue(j):
        pltpu.async_copy(buf_v, acc_sh.at[dst_v.at[j]], sem, add=True)

    def drain(j):
        pltpu.make_async_copy(buf_v, acc_sh.at[dst_v.at[j]], sem).wait()

    def seg_body(s, _):
        nj = jnp.minimum(SEG, myc - s * SEG)

        pltpu.sync_copy(dst_hbm.at[wid].at[pl.ds(s * SEG, SEG)], dst_v)

        def prime(j, _):
            issue(j)
            return 0

        np_ = jnp.minimum(nj, DEPTH)
        lax.fori_loop(0, np_, prime, 0)

        def chunk(j, _):
            issue(j)
            drain(j - DEPTH)
            return 0

        lax.fori_loop(np_, nj, chunk, 0)

        def dr(j, _):
            drain(j)
            return 0

        lax.fori_loop(jnp.maximum(nj - DEPTH, 0), nj, dr, 0)
        return 0

    nseg = (myc + SEG - 1) // SEG
    lax.fori_loop(0, nseg, seg_body, 0)

    plsc.subcore_barrier()
    pltpu.sync_copy(acc_sh.at[pl.ds(base, RPT)],
                    out_hbm.at[cid].at[pl.ds(base, RPT)])


@functools.partial(
    pl.kernel,
    out_type=jax.ShapeDtypeStruct((NC, NP, D), jnp.float32),
    mesh=_mesh,
    scratch_types=[
        pltpu.VMEM_SHARED((NP, D), jnp.float32),
        pltpu.VMEM((SEG, CHUNK), jnp.int32),
        pltpu.VMEM((SEG, CHUNK), jnp.int32),
        pltpu.VMEM((CHUNK, D), jnp.float32),
        pltpu.VMEM((CHUNK, D), jnp.float32),
        pltpu.SemaphoreType.DMA,
        pltpu.SemaphoreType.DMA,
        pltpu.SemaphoreType.DMA,
    ],
)
def _sc_prop(hp_hbm, src_hbm, dst_hbm, out_hbm,
             acc_sh, src_v, dst_v, buf0, buf1, gsem, s0, s1):
    cid = lax.axis_index("c")
    sid = lax.axis_index("s")
    wid = cid * NS + sid
    myc = jnp.where(cid == 0, C0, C1)
    bufs = (buf0, buf1)
    ssem = (s0, s1)

    _zero_tile_buf(buf0, CHUNK, D)
    base = sid * RPT
    _zero_acc_slice(buf0, acc_sh, base)
    plsc.subcore_barrier()

    def gather(j, b):
        pltpu.async_copy(hp_hbm.at[src_v.at[j]], bufs[b], gsem).wait()

    def s_issue(j, b):
        pltpu.async_copy(bufs[b], acc_sh.at[dst_v.at[j]], ssem[b], add=True)

    def s_wait(j, b):
        pltpu.make_async_copy(bufs[b], acc_sh.at[dst_v.at[j]], ssem[b]).wait()

    def seg_body(s, _):
        nj = jnp.minimum(SEG, myc - s * SEG)
        pltpu.sync_copy(src_hbm.at[wid].at[pl.ds(s * SEG, SEG)], src_v)
        pltpu.sync_copy(dst_hbm.at[wid].at[pl.ds(s * SEG, SEG)], dst_v)

        def pair(p, _):
            j0 = 2 * p
            j1 = j0 + 1

            @pl.when(p > 0)
            def _():
                s_wait(j0 - 2, 0)

            gather(j0, 0)
            s_issue(j0, 0)

            @pl.when(j1 < nj)
            def _():
                @pl.when(p > 0)
                def _():
                    s_wait(j1 - 2, 1)

                gather(j1, 1)
                s_issue(j1, 1)

            return 0

        npair = (nj + 1) // 2
        lax.fori_loop(0, npair, pair, 0)

        s_wait(0, 0)

        @pl.when(nj >= 2)
        def _():
            s_wait(0, 1)

        return 0

    nseg = (myc + SEG - 1) // SEG
    lax.fori_loop(0, nseg, seg_body, 0)

    plsc.subcore_barrier()
    pltpu.sync_copy(acc_sh.at[pl.ds(base, RPT)],
                    out_hbm.at[cid].at[pl.ds(base, RPT)])


def _tc_pre_body(deg2_ref, x_ref, w1_ref, dinv_ref, h1p_ref):
    deg = deg2_ref[0] + deg2_ref[1]
    dinv_b = jax.lax.rsqrt(deg + 1.0)
    dinv_ref[...] = dinv_b
    h = jnp.dot(x_ref[...], w1_ref[...].T, preferred_element_type=jnp.float32)
    h1p_ref[...] = dinv_b * h


def _tc_mid_body(acc_ref, hp_ref, dinv_ref, b_ref, g_ref, be_ref, wn_ref,
                 out_ref):
    dinv_b = dinv_ref[...]
    z = dinv_b * (acc_ref[0] + acc_ref[1] + hp_ref[...]) + b_ref[...]
    z = z * (g_ref[...] * jax.lax.rsqrt(jnp.float32(1.0 + BN_EPS))) + be_ref[...]
    z = jnp.maximum(z, 0.0)
    h = jnp.dot(z, wn_ref[...].T, preferred_element_type=jnp.float32)
    rows = lax.broadcasted_iota(jnp.int32, (NP, D), 0)
    out_ref[...] = jnp.where(rows < N, dinv_b * h, 0.0)


def _tc_final_body(acc_ref, hp_ref, dinv_ref, b_ref, batch_ref,
                   lw1_ref, lb1_ref, lw2b_ref, lb2b_ref, out_ref):
    h3 = dinv_ref[...] * (acc_ref[0] + acc_ref[1] + hp_ref[...]) + b_ref[...]
    h3 = h3[:N]
    seg = lax.broadcasted_iota(jnp.int32, (G, N), 0)
    bat = jnp.broadcast_to(batch_ref[...][None, :], (G, N))
    mask = (seg == bat).astype(jnp.float32)
    sums = jnp.dot(mask, h3, preferred_element_type=jnp.float32)
    cnt = jnp.dot(mask, jnp.full((N, D), 1.0, jnp.float32),
                  preferred_element_type=jnp.float32)
    pooled = sums / jnp.maximum(cnt, 1.0)
    hm = jnp.dot(pooled, lw1_ref[...].T, preferred_element_type=jnp.float32)
    hm = jnp.maximum(hm + lb1_ref[...], 0.0)
    o = jnp.dot(hm, lw2b_ref[...], preferred_element_type=jnp.float32)
    out_ref[...] = o + lb2b_ref[...]


_tc_pre = pl.pallas_call(
    _tc_pre_body,
    out_shape=(jax.ShapeDtypeStruct((NP, D), jnp.float32),
               jax.ShapeDtypeStruct((NP, D), jnp.float32)),
)

_tc_mid = pl.pallas_call(
    _tc_mid_body,
    out_shape=jax.ShapeDtypeStruct((NP, D), jnp.float32),
)

_tc_final = pl.pallas_call(
    _tc_final_body,
    out_shape=jax.ShapeDtypeStruct((G, D), jnp.float32),
)


def _edge_layout(idx):
    ec = jnp.concatenate([idx, jnp.full((E_TOT - E,), NP0, jnp.int32)])
    p0 = ec[:E_CAP0].reshape(NS, C0, CHUNK)
    p0 = jnp.concatenate(
        [p0, jnp.full((NS, MAXC - C0, CHUNK), NP0, jnp.int32)], axis=1)
    p1 = ec[E_CAP0:].reshape(NS, C1, CHUNK)
    p1 = jnp.concatenate(
        [p1, jnp.full((NS, MAXC - C1, CHUNK), NP0, jnp.int32)], axis=1)
    return jnp.concatenate([p0, p1], axis=0)


def kernel(x, edge_index, batch, W1, b1, g1, be1, W2, b2, g2, be2, W3, b3,
           lw1, lb1, lw2, lb2):
    src_p = _edge_layout(edge_index[0])
    dst_p = _edge_layout(edge_index[1])

    x_p = jnp.zeros((NP, D), jnp.float32).at[:N].set(x)

    deg2 = _sc_deg(dst_p)
    dinv_b, h1p = _tc_pre(deg2, x_p, W1)
    acc1 = _sc_prop(h1p, src_p, dst_p)
    h2p = _tc_mid(acc1, h1p, dinv_b, b1, g1, be1, W2)
    acc2 = _sc_prop(h2p, src_p, dst_p)
    h3p = _tc_mid(acc2, h2p, dinv_b, b2, g2, be2, W3)
    acc3 = _sc_prop(h3p, src_p, dst_p)
    lw2b = jnp.broadcast_to(lw2.T, (G, D))
    lb2b = jnp.broadcast_to(lb2, (D,))
    out128 = _tc_final(acc3, h3p, dinv_b, b3, batch, lw1, lb1, lw2b, lb2b)
    return out128[:, :1]

# --- scband reference (transcript-rebuilt; emitter-appended) ---
"""Pipeline reference for scband-gcnmodel-19086834663447 (READ-ONLY COPY).

The authoritative reference and input builder live on the scoring server;
editing this copy changes nothing except your own understanding.
"""

import jax, jax.numpy as jnp
import numpy as np

N = 10000
E = 320000
D = 128
H = 128
G = 64
BN_EPS = 1e-5


def setup_inputs(seed: int = 0) -> dict:
    key = jax.random.key(seed)
    ks = jax.random.split(key, 20)
    x = jax.random.normal(ks[0], (N, D), dtype=jnp.float32)
    edge_index = jax.random.randint(ks[1], (2, E), 0, N, dtype=jnp.int32)
    batch = jnp.sort(jax.random.randint(ks[2], (N,), 0, G, dtype=jnp.int32))
    def lin(k, out_d, in_d):
        s = 1.0 / np.sqrt(in_d)
        kw, kb = jax.random.split(k)
        W = jax.random.uniform(kw, (out_d, in_d), jnp.float32, -s, s)
        b = jax.random.uniform(kb, (out_d,), jnp.float32, -s, s)
        return W, b
    W1, b1 = lin(ks[3], H, D)
    W2, b2 = lin(ks[4], H, H)
    W3, b3 = lin(ks[5], H, H)
    lw1, lb1 = lin(ks[6], H // 2, H)
    lw2, lb2 = lin(ks[7], 1, H // 2)
    g1 = jnp.ones((H,), jnp.float32); be1 = jnp.zeros((H,), jnp.float32)
    g2 = jnp.ones((H,), jnp.float32); be2 = jnp.zeros((H,), jnp.float32)
    return {"x": x, "edge_index": edge_index, "batch": batch,
            "W1": W1, "b1": b1, "g1": g1, "be1": be1,
            "W2": W2, "b2": b2, "g2": g2, "be2": be2,
            "W3": W3, "b3": b3,
            "lw1": lw1, "lb1": lb1, "lw2": lw2, "lb2": lb2}


def _gcn_conv(x, edge_index, W, b):
    # PyG GCNConv: out = D^-1/2 (A + I) D^-1/2 (X W^T) + b
    src = edge_index[0]
    dst = edge_index[1]
    loop = jnp.arange(N, dtype=src.dtype)
    s = jnp.concatenate([src, loop])
    d = jnp.concatenate([dst, loop])
    deg = jnp.zeros((N,), x.dtype).at[d].add(1.0)
    dinv = deg ** -0.5
    norm = (dinv[s] * dinv[d])[:, None]
    h = x @ W.T
    out = jnp.zeros((N, W.shape[0]), x.dtype).at[d].add(h[s] * norm)
    return out + b


def _bn_eval(x, gamma, beta):
    # BatchNorm1d in eval mode: running_mean=0, running_var=1
    return x * (gamma / jnp.sqrt(1.0 + BN_EPS)) + beta


def reference(x, edge_index, batch, W1, b1, g1, be1, W2, b2, g2, be2, W3, b3, lw1, lb1, lw2, lb2):
    h = _gcn_conv(x, edge_index, W1, b1)
    h = _bn_eval(h, g1, be1)
    h = jax.nn.relu(h)
    h = _gcn_conv(h, edge_index, W2, b2)
    h = _bn_eval(h, g2, be2)
    h = jax.nn.relu(h)
    h = _gcn_conv(h, edge_index, W3, b3)
    # global_mean_pool over graph ids
    sums = jax.ops.segment_sum(h, batch, num_segments=G)
    cnt = jax.ops.segment_sum(jnp.ones((N, 1), h.dtype), batch, num_segments=G)
    pooled = sums / jnp.maximum(cnt, 1.0)
    h = jax.nn.relu(pooled @ lw1.T + lb1)
    out = h @ lw2.T + lb2
    return out

if __name__ == "__main__":
    import jax
    _d = setup_inputs()
    print(jax.jit(kernel)(*tuple(_d.values())))

</pallas_src>

<mosaic_0001>
#map = affine_map<(d0, d1) -> (0, 0)>
#map1 = affine_map<(d0, d1) -> (0, 0, 0)>
module attributes {stable_mosaic.version = 14 : i64} {
  func.func @_sc_prop(%arg0: i32, %arg1: i32, %arg2: memref<10112x128xf32, #tpu.memory_space<hbm>>, %arg3: memref<32x96x128xi32, #tpu.memory_space<hbm>>, %arg4: memref<32x96x128xi32, #tpu.memory_space<hbm>>, %arg5: memref<2x10112x128xf32, #tpu.memory_space<hbm>>, %arg6: memref<10112x128xf32, #tpu.memory_space<vmem_shared>>, %arg7: memref<32x128xi32, #tpu.memory_space<vmem>>, %arg8: memref<32x128xi32, #tpu.memory_space<vmem>>, %arg9: memref<128x128xf32, #tpu.memory_space<vmem>>, %arg10: memref<128x128xf32, #tpu.memory_space<vmem>>, %arg11: memref<!tpu.dma_semaphore, #tpu.memory_space<semaphore_mem>>, %arg12: memref<!tpu.dma_semaphore, #tpu.memory_space<semaphore_mem>>, %arg13: memref<!tpu.dma_semaphore, #tpu.memory_space<semaphore_mem>>) attributes {dimension_semantics = [#tpu.dimension_semantics<core_parallel>, #tpu.dimension_semantics<subcore_parallel>], iteration_bounds = array<i64: 2, 16>, scalar_prefetch = 0 : i64, scratch_operands = 8 : i64, tpu.core_type = #tpu.core_type<sc_vector_subcore>, window_params = [{transform_indices = #map}, {transform_indices = #map1}, {transform_indices = #map1}, {transform_indices = #map1}]} {
    %mul3A = arith.constant 16 : i32
    %mul3A_0 = arith.muli %arg0, %mul3A : i32
    %add3A = arith.addi %mul3A_0, %arg1 : i32
    %eq3A = arith.constant 0 : i32
    %eq3A_1 = arith.cmpi eq, %arg0, %eq3A : i32
    %jit3A = arith.constant 79 : i32
    %jit3A_2 = arith.constant 78 : i32
    %select_n3A = arith.select %eq3A_1, %jit3A, %jit3A_2 : i32
    %broadcast_in_dim3A = arith.constant 0.000000e+00 : f32
    %broadcast_in_dim3A_3 = vector.broadcast %broadcast_in_dim3A : f32 to vector<16xf32>
    %scan3A = arith.constant 0 : i32
    %scan3A_4 = arith.constant 0 : i32
    %scan3A_5 = arith.constant 128 : i32
    %scan3A_6 = arith.addi %scan3A_4, %scan3A_5 : i32
    %scan3A_7 = arith.constant 1 : i32
    %scan3A_8 = scf.for %scan3A_56 = %scan3A_4 to %scan3A_6 step %scan3A_7 iter_args(%scan3A_57 = %scan3A) -> (i32)  : i32 {
      %swap3A = arith.index_cast %scan3A_56 : i32 to index
      %swap3A_58 = arith.constant 0 : index
      %swap3A_59 = tpu.vector_load %arg9[%swap3A, %swap3A_58] {strides = array<i32>} : memref<128x128xf32, #tpu.memory_space<vmem>>, vector<1x16xf32>,
      %swap3A_60 = vector.shape_cast %swap3A_59 : vector<1x16xf32> to vector<16xf32>
      %swap3A_61 = vector.shape_cast %broadcast_in_dim3A_3 : vector<16xf32> to vector<1x16xf32>
      tpu.vector_store %arg9[%swap3A, %swap3A_58], %swap3A_61 {strides = array<i32>} : memref<128x128xf32, #tpu.memory_space<vmem>>, vector<1x16xf32>,
      %swap3A_62 = arith.index_cast %scan3A_56 : i32 to index
      %swap3A_63 = arith.constant 16 : index
      %swap3A_64 = tpu.vector_load %arg9[%swap3A_62, %swap3A_63] {strides = array<i32>} : memref<128x128xf32, #tpu.memory_space<vmem>>, vector<1x16xf32>,
      %swap3A_65 = vector.shape_cast %swap3A_64 : vector<1x16xf32> to vector<16xf32>
      %swap3A_66 = vector.shape_cast %broadcast_in_dim3A_3 : vector<16xf32> to vector<1x16xf32>
      tpu.vector_store %arg9[%swap3A_62, %swap3A_63], %swap3A_66 {strides = array<i32>} : memref<128x128xf32, #tpu.memory_space<vmem>>, vector<1x16xf32>,
      %swap3A_67 = arith.index_cast %scan3A_56 : i32 to index
      %swap3A_68 = arith.constant 32 : index
      %swap3A_69 = tpu.vector_load %arg9[%swap3A_67, %swap3A_68] {strides = array<i32>} : memref<128x128xf32, #tpu.memory_space<vmem>>, vector<1x16xf32>,
      %swap3A_70 = vector.shape_cast %swap3A_69 : vector<1x16xf32> to vector<16xf32>
      %swap3A_71 = vector.shape_cast %broadcast_in_dim3A_3 : vector<16xf32> to vector<1x16xf32>
      tpu.vector_store %arg9[%swap3A_67, %swap3A_68], %swap3A_71 {strides = array<i32>} : memref<128x128xf32, #tpu.memory_space<vmem>>, vector<1x16xf32>,
      %swap3A_72 = arith.index_cast %scan3A_56 : i32 to index
      %swap3A_73 = arith.constant 48 : index
      %swap3A_74 = tpu.vector_load %arg9[%swap3A_72, %swap3A_73] {strides = array<i32>} : memref<128x128xf32, #tpu.memory_space<vmem>>, vector<1x16xf32>,
      %swap3A_75 = vector.shape_cast %swap3A_74 : vector<1x16xf32> to vector<16xf32>
      %swap3A_76 = vector.shape_cast %broadcast_in_dim3A_3 : vector<16xf32> to vector<1x16xf32>
      tpu.vector_store %arg9[%swap3A_72, %swap3A_73], %swap3A_76 {strides = array<i32>} : memref<128x128xf32, #tpu.memory_space<vmem>>, vector<1x16xf32>,
      %swap3A_77 = arith.index_cast %scan3A_56 : i32 to index
      %swap3A_78 = arith.constant 64 : index
      %swap3A_79 = tpu.vector_load %arg9[%swap3A_77, %swap3A_78] {strides = array<i32>} : memref<128x128xf32, #tpu.memory_space<vmem>>, vector<1x16xf32>,
      %swap3A_80 = vector.shape_cast %swap3A_79 : vector<1x16xf32> to vector<16xf32>
      %swap3A_81 = vector.shape_cast %broadcast_in_dim3A_3 : vector<16xf32> to vector<1x16xf32>
      tpu.vector_store %arg9[%swap3A_77, %swap3A_78], %swap3A_81 {strides = array<i32>} : memref<128x128xf32, #tpu.memory_space<vmem>>, vector<1x16xf32>,
      %swap3A_82 = arith.index_cast %scan3A_56 : i32 to index
      %swap3A_83 = arith.constant 80 : index
      %swap3A_84 = tpu.vector_load %arg9[%swap3A_82, %swap3A_83] {strides = array<i32>} : memref<128x128xf32, #tpu.memory_space<vmem>>, vector<1x16xf32>,
      %swap3A_85 = vector.shape_cast %swap3A_84 : vector<1x16xf32> to vector<16xf32>
      %swap3A_86 = vector.shape_cast %broadcast_in_dim3A_3 : vector<16xf32> to vector<1x16xf32>
      tpu.vector_store %arg9[%swap3A_82, %swap3A_83], %swap3A_86 {strides = array<i32>} : memref<128x128xf32, #tpu.memory_space<vmem>>, vector<1x16xf32>,
      %swap3A_87 = arith.index_cast %scan3A_56 : i32 to index
      %swap3A_88 = arith.constant 96 : index
      %swap3A_89 = tpu.vector_load %arg9[%swap3A_87, %swap3A_88] {strides = array<i32>} : memref<128x128xf32, #tpu.memory_space<vmem>>, vector<1x16xf32>,
      %swap3A_90 = vector.shape_cast %swap3A_89 : vector<1x16xf32> to vector<16xf32>
      %swap3A_91 = vector.shape_cast %broadcast_in_dim3A_3 : vector<16xf32> to vector<1x16xf32>
      tpu.vector_store %arg9[%swap3A_87, %swap3A_88], %swap3A_91 {strides = array<i32>} : memref<128x128xf32, #tpu.memory_space<vmem>>, vector<1x16xf32>,
      %swap3A_92 = arith.index_cast %scan3A_56 : i32 to index
      %swap3A_93 = arith.constant 112 : index
      %swap3A_94 = tpu.vector_load %arg9[%swap3A_92, %swap3A_93] {strides = array<i32>} : memref<128x128xf32, #tpu.memory_space<vmem>>, vector<1x16xf32>,
      %swap3A_95 = vector.shape_cast %swap3A_94 : vector<1x16xf32> to vector<16xf32>
      %swap3A_96 = vector.shape_cast %broadcast_in_dim3A_3 : vector<16xf32> to vector<1x16xf32>
      tpu.vector_store %arg9[%swap3A_92, %swap3A_93], %swap3A_96 {strides = array<i32>} : memref<128x128xf32, #tpu.memory_space<vmem>>, vector<1x16xf32>,
      %scan3A_97 = arith.constant 0 : i32
      scf.yield %scan3A_97 : i32
    }
    %scan3A_9 = arith.constant 128 : i32
    %mul3A_10 = arith.constant 632 : i32
    %mul3A_11 = arith.muli %arg1, %mul3A_10 : i32
    %add3A_12 = arith.constant 0 : i32
    %add3A_13 = arith.addi %mul3A_11, %add3A_12 : i32
    "tpu.region"() ({
      %run_scoped3A = tpu.sem_alloc : memref<!tpu.dma_semaphore, #tpu.memory_space<semaphore_mem>>
      %dma_start3A = arith.constant 0 : i32
      %dma_start3A_56 = arith.constant 0 : i32
      %dma_start3A_57 = tpu.memref_slice %arg9[%dma_start3A, %dma_start3A_56] : memref<128x128xf32, #tpu.memory_space<vmem>> -> memref<128x128xf32, #tpu.memory_space<vmem>>
      %dma_start3A_58 = arith.constant 0 : i32
      %dma_start3A_59 = tpu.memref_slice %arg6[%add3A_13, %dma_start3A_58] : memref<10112x128xf32, #tpu.memory_space<vmem_shared>> -> memref<128x128xf32, #tpu.memory_space<vmem_shared>>
      %dma_start3A_60 = arith.constant 0 : i32
      %dma_start3A_61 = tpu.memref_slice %arg6[%add3A_13, %dma_start3A_60] : memref<10112x128xf32, #tpu.memory_space<vmem_shared>> -> memref<128x128xf32, #tpu.memory_space<vmem_shared>>
      %dma_start3A_62 = arith.constant 0 : i32
      %dma_start3A_63 = arith.constant 0 : i32
      %dma_start3A_64 = tpu.memref_slice %arg9[%dma_start3A_62, %dma_start3A_63] : memref<128x128xf32, #tpu.memory_space<vmem>> -> memref<128x128xf32, #tpu.memory_space<vmem>>
      tpu.enqueue_dma source(%dma_start3A_64 : memref<128x128xf32, #tpu.memory_space<vmem>>) target(%dma_start3A_61 : memref<128x128xf32, #tpu.memory_space<vmem_shared>>) target_semaphore(%run_scoped3A : memref<!tpu.dma_semaphore, #tpu.memory_space<semaphore_mem>>)
      %dma_wait3A = arith.constant 0 : i32
      %dma_wait3A_65 = arith.constant 0 : i32
      %dma_wait3A_66 = tpu.memref_slice %arg9[%dma_wait3A, %dma_wait3A_65] : memref<128x128xf32, #tpu.memory_space<vmem>> -> memref<128x128xf32, #tpu.memory_space<vmem>>
      %dma_wait3A_67 = arith.constant 0 : i32
      %dma_wait3A_68 = tpu.memref_slice %arg6[%add3A_13, %dma_wait3A_67] : memref<10112x128xf32, #tpu.memory_space<vmem_shared>> -> memref<128x128xf32, #tpu.memory_space<vmem_shared>>
      %dma_wait3A_69 = arith.constant 0 : i32
      %dma_wait3A_70 = tpu.memref_slice %arg6[%add3A_13, %dma_wait3A_69] : memref<10112x128xf32, #tpu.memory_space<vmem_shared>> -> memref<128x128xf32, #tpu.memory_space<vmem_shared>>
      %dma_wait3A_71 = arith.constant 0 : i32
      %dma_wait3A_72 = arith.constant 0 : i32
      %dma_wait3A_73 = tpu.memref_slice %arg9[%dma_wait3A_71, %dma_wait3A_72] : memref<128x128xf32, #tpu.memory_space<vmem>> -> memref<128x128xf32, #tpu.memory_space<vmem>>
      tpu.wait_dma2 semaphore(%run_scoped3A : memref<!tpu.dma_semaphore, #tpu.memory_space<semaphore_mem>>) src(%dma_wait3A_73 : memref<128x128xf32, #tpu.memory_space<vmem>>) dst(%dma_wait3A_70 : memref<128x128xf32, #tpu.memory_space<vmem_shared>>)
      tpu.yield
    }) : () -> ()
    %add3A_14 = arith.constant 128 : i32
    %add3A_15 = arith.addi %mul3A_11, %add3A_14 : i32
    "tpu.region"() ({
      %run_scoped3A = tpu.sem_alloc : memref<!tpu.dma_semaphore, #tpu.memory_space<semaphore_mem>>
      %dma_start3A = arith.constant 0 : i32
      %dma_start3A_56 = arith.constant 0 : i32
      %dma_start3A_57 = tpu.memref_slice %arg9[%dma_start3A, %dma_start3A_56] : memref<128x128xf32, #tpu.memory_space<vmem>> -> memref<128x128xf32, #tpu.memory_space<vmem>>
      %dma_start3A_58 = arith.constant 0 : i32
      %dma_start3A_59 = tpu.memref_slice %arg6[%add3A_15, %dma_start3A_58] : memref<10112x128xf32, #tpu.memory_space<vmem_shared>> -> memref<128x128xf32, #tpu.memory_space<vmem_shared>>
      %dma_start3A_60 = arith.constant 0 : i32
      %dma_start3A_61 = tpu.memref_slice %arg6[%add3A_15, %dma_start3A_60] : memref<10112x128xf32, #tpu.memory_space<vmem_shared>> -> memref<128x128xf32, #tpu.memory_space<vmem_shared>>
      %dma_start3A_62 = arith.constant 0 : i32
      %dma_start3A_63 = arith.constant 0 : i32
      %dma_start3A_64 = tpu.memref_slice %arg9[%dma_start3A_62, %dma_start3A_63] : memref<128x128xf32, #tpu.memory_space<vmem>> -> memref<128x128xf32, #tpu.memory_space<vmem>>
      tpu.enqueue_dma source(%dma_start3A_64 : memref<128x128xf32, #tpu.memory_space<vmem>>) target(%dma_start3A_61 : memref<128x128xf32, #tpu.memory_space<vmem_shared>>) target_semaphore(%run_scoped3A : memref<!tpu.dma_semaphore, #tpu.memory_space<semaphore_mem>>)
      %dma_wait3A = arith.constant 0 : i32
      %dma_wait3A_65 = arith.constant 0 : i32
      %dma_wait3A_66 = tpu.memref_slice %arg9[%dma_wait3A, %dma_wait3A_65] : memref<128x128xf32, #tpu.memory_space<vmem>> -> memref<128x128xf32, #tpu.memory_space<vmem>>
      %dma_wait3A_67 = arith.constant 0 : i32
      %dma_wait3A_68 = tpu.memref_slice %arg6[%add3A_15, %dma_wait3A_67] : memref<10112x128xf32, #tpu.memory_space<vmem_shared>> -> memref<128x128xf32, #tpu.memory_space<vmem_shared>>
      %dma_wait3A_69 = arith.constant 0 : i32
      %dma_wait3A_70 = tpu.memref_slice %arg6[%add3A_15, %dma_wait3A_69] : memref<10112x128xf32, #tpu.memory_space<vmem_shared>> -> memref<128x128xf32, #tpu.memory_space<vmem_shared>>
      %dma_wait3A_71 = arith.constant 0 : i32
      %dma_wait3A_72 = arith.constant 0 : i32
      %dma_wait3A_73 = tpu.memref_slice %arg9[%dma_wait3A_71, %dma_wait3A_72] : memref<128x128xf32, #tpu.memory_space<vmem>> -> memref<128x128xf32, #tpu.memory_space<vmem>>
      tpu.wait_dma2 semaphore(%run_scoped3A : memref<!tpu.dma_semaphore, #tpu.memory_space<semaphore_mem>>) src(%dma_wait3A_73 : memref<128x128xf32, #tpu.memory_space<vmem>>) dst(%dma_wait3A_70 : memref<128x128xf32, #tpu.memory_space<vmem_shared>>)
      tpu.yield
    }) : () -> ()
    %add3A_16 = arith.constant 256 : i32
    %add3A_17 = arith.addi %mul3A_11, %add3A_16 : i32
    "tpu.region"() ({
      %run_scoped3A = tpu.sem_alloc : memref<!tpu.dma_semaphore, #tpu.memory_space<semaphore_mem>>
      %dma_start3A = arith.constant 0 : i32
      %dma_start3A_56 = arith.constant 0 : i32
      %dma_start3A_57 = tpu.memref_slice %arg9[%dma_start3A, %dma_start3A_56] : memref<128x128xf32, #tpu.memory_space<vmem>> -> memref<128x128xf32, #tpu.memory_space<vmem>>
      %dma_start3A_58 = arith.constant 0 : i32
      %dma_start3A_59 = tpu.memref_slice %arg6[%add3A_17, %dma_start3A_58] : memref<10112x128xf32, #tpu.memory_space<vmem_shared>> -> memref<128x128xf32, #tpu.memory_space<vmem_shared>>
      %dma_start3A_60 = arith.constant 0 : i32
      %dma_start3A_61 = tpu.memref_slice %arg6[%add3A_17, %dma_start3A_60] : memref<10112x128xf32, #tpu.memory_space<vmem_shared>> -> memref<128x128xf32, #tpu.memory_space<vmem_shared>>
      %dma_start3A_62 = arith.constant 0 : i32
      %dma_start3A_63 = arith.constant 0 : i32
      %dma_start3A_64 = tpu.memref_slice %arg9[%dma_start3A_62, %dma_start3A_63] : memref<128x128xf32, #tpu.memory_space<vmem>> -> memref<128x128xf32, #tpu.memory_space<vmem>>
      tpu.enqueue_dma source(%dma_start3A_64 : memref<128x128xf32, #tpu.memory_space<vmem>>) target(%dma_start3A_61 : memref<128x128xf32, #tpu.memory_space<vmem_shared>>) target_semaphore(%run_scoped3A : memref<!tpu.dma_semaphore, #tpu.memory_space<semaphore_mem>>)
      %dma_wait3A = arith.constant 0 : i32
      %dma_wait3A_65 = arith.constant 0 : i32
      %dma_wait3A_66 = tpu.memref_slice %arg9[%dma_wait3A, %dma_wait3A_65] : memref<128x128xf32, #tpu.memory_space<vmem>> -> memref<128x128xf32, #tpu.memory_space<vmem>>
      %dma_wait3A_67 = arith.constant 0 : i32
      %dma_wait3A_68 = tpu.memref_slice %arg6[%add3A_17, %dma_wait3A_67] : memref<10112x128xf32, #tpu.memory_space<vmem_shared>> -> memref<128x128xf32, #tpu.memory_space<vmem_shared>>
      %dma_wait3A_69 = arith.constant 0 : i32
      %dma_wait3A_70 = tpu.memref_slice %arg6[%add3A_17, %dma_wait3A_69] : memref<10112x128xf32, #tpu.memory_space<vmem_shared>> -> memref<128x128xf32, #tpu.memory_space<vmem_shared>>
      %dma_wait3A_71 = arith.constant 0 : i32
      %dma_wait3A_72 = arith.constant 0 : i32
      %dma_wait3A_73 = tpu.memref_slice %arg9[%dma_wait3A_71, %dma_wait3A_72] : memref<128x128xf32, #tpu.memory_space<vmem>> -> memref<128x128xf32, #tpu.memory_space<vmem>>
      tpu.wait_dma2 semaphore(%run_scoped3A : memref<!tpu.dma_semaphore, #tpu.memory_space<semaphore_mem>>) src(%dma_wait3A_73 : memref<128x128xf32, #tpu.memory_space<vmem>>) dst(%dma_wait3A_70 : memref<128x128xf32, #tpu.memory_space<vmem_shared>>)
      tpu.yield
    }) : () -> ()
    %add3A_18 = arith.constant 384 : i32
    %add3A_19 = arith.addi %mul3A_11, %add3A_18 : i32
    "tpu.region"() ({
      %run_scoped3A = tpu.sem_alloc : memref<!tpu.dma_semaphore, #tpu.memory_space<semaphore_mem>>
      %dma_start3A = arith.constant 0 : i32
      %dma_start3A_56 = arith.constant 0 : i32
      %dma_start3A_57 = tpu.memref_slice %arg9[%dma_start3A, %dma_start3A_56] : memref<128x128xf32, #tpu.memory_space<vmem>> -> memref<128x128xf32, #tpu.memory_space<vmem>>
      %dma_start3A_58 = arith.constant 0 : i32
      %dma_start3A_59 = tpu.memref_slice %arg6[%add3A_19, %dma_start3A_58] : memref<10112x128xf32, #tpu.memory_space<vmem_shared>> -> memref<128x128xf32, #tpu.memory_space<vmem_shared>>
      %dma_start3A_60 = arith.constant 0 : i32
      %dma_start3A_61 = tpu.memref_slice %arg6[%add3A_19, %dma_start3A_60] : memref<10112x128xf32, #tpu.memory_space<vmem_shared>> -> memref<128x128xf32, #tpu.memory_space<vmem_shared>>
      %dma_start3A_62 = arith.constant 0 : i32
      %dma_start3A_63 = arith.constant 0 : i32
      %dma_start3A_64 = tpu.memref_slice %arg9[%dma_start3A_62, %dma_start3A_63] : memref<128x128xf32, #tpu.memory_space<vmem>> -> memref<128x128xf32, #tpu.memory_space<vmem>>
      tpu.enqueue_dma source(%dma_start3A_64 : memref<128x128xf32, #tpu.memory_space<vmem>>) target(%dma_start3A_61 : memref<128x128xf32, #tpu.memory_space<vmem_shared>>) target_semaphore(%run_scoped3A : memref<!tpu.dma_semaphore, #tpu.memory_space<semaphore_mem>>)
      %dma_wait3A = arith.constant 0 : i32
      %dma_wait3A_65 = arith.constant 0 : i32
      %dma_wait3A_66 = tpu.memref_slice %arg9[%dma_wait3A, %dma_wait3A_65] : memref<128x128xf32, #tpu.memory_space<vmem>> -> memref<128x128xf32, #tpu.memory_space<vmem>>
      %dma_wait3A_67 = arith.constant 0 : i32
      %dma_wait3A_68 = tpu.memref_slice %arg6[%add3A_19, %dma_wait3A_67] : memref<10112x128xf32, #tpu.memory_space<vmem_shared>> -> memref<128x128xf32, #tpu.memory_space<vmem_shared>>
      %dma_wait3A_69 = arith.constant 0 : i32
      %dma_wait3A_70 = tpu.memref_slice %arg6[%add3A_19, %dma_wait3A_69] : memref<10112x128xf32, #tpu.memory_space<vmem_shared>> -> memref<128x128xf32, #tpu.memory_space<vmem_shared>>
      %dma_wait3A_71 = arith.constant 0 : i32
      %dma_wait3A_72 = arith.constant 0 : i32
      %dma_wait3A_73 = tpu.memref_slice %arg9[%dma_wait3A_71, %dma_wait3A_72] : memref<128x128xf32, #tpu.memory_space<vmem>> -> memref<128x128xf32, #tpu.memory_space<vmem>>
      tpu.wait_dma2 semaphore(%run_scoped3A : memref<!tpu.dma_semaphore, #tpu.memory_space<semaphore_mem>>) src(%dma_wait3A_73 : memref<128x128xf32, #tpu.memory_space<vmem>>) dst(%dma_wait3A_70 : memref<128x128xf32, #tpu.memory_space<vmem_shared>>)
      tpu.yield
    }) : () -> ()
    %add3A_20 = arith.constant 512 : i32
    %add3A_21 = arith.addi %mul3A_11, %add3A_20 : i32
    "tpu.region"() ({
      %run_scoped3A = tpu.sem_alloc : memref<!tpu.dma_semaphore, #tpu.memory_space<semaphore_mem>>
      %dma_start3A = arith.constant 0 : i32
      %dma_start3A_56 = arith.constant 0 : i32
      %dma_start3A_57 = tpu.memref_slice %arg9[%dma_start3A, %dma_start3A_56] : memref<128x128xf32, #tpu.memory_space<vmem>> -> memref<120x128xf32, #tpu.memory_space<vmem>>
      %dma_start3A_58 = arith.constant 0 : i32
      %dma_start3A_59 = tpu.memref_slice %arg6[%add3A_21, %dma_start3A_58] : memref<10112x128xf32, #tpu.memory_space<vmem_shared>> -> memref<120x128xf32, #tpu.memory_space<vmem_shared>>
      %dma_start3A_60 = arith.constant 0 : i32
      %dma_start3A_61 = tpu.memref_slice %arg6[%add3A_21, %dma_start3A_60] : memref<10112x128xf32, #tpu.memory_space<vmem_shared>> -> memref<120x128xf32, #tpu.memory_space<vmem_shared>>
      %dma_start3A_62 = arith.constant 0 : i32
      %dma_start3A_63 = arith.constant 0 : i32
      %dma_start3A_64 = tpu.memref_slice %arg9[%dma_start3A_62, %dma_start3A_63] : memref<128x128xf32, #tpu.memory_space<vmem>> -> memref<120x128xf32, #tpu.memory_space<vmem>>
      tpu.enqueue_dma source(%dma_start3A_64 : memref<120x128xf32, #tpu.memory_space<vmem>>) target(%dma_start3A_61 : memref<120x128xf32, #tpu.memory_space<vmem_shared>>) target_semaphore(%run_scoped3A : memref<!tpu.dma_semaphore, #tpu.memory_space<semaphore_mem>>)
      %dma_wait3A = arith.constant 0 : i32
      %dma_wait3A_65 = arith.constant 0 : i32
      %dma_wait3A_66 = tpu.memref_slice %arg9[%dma_wait3A, %dma_wait3A_65] : memref<128x128xf32, #tpu.memory_space<vmem>> -> memref<120x128xf32, #tpu.memory_space<vmem>>
      %dma_wait3A_67 = arith.constant 0 : i32
      %dma_wait3A_68 = tpu.memref_slice %arg6[%add3A_21, %dma_wait3A_67] : memref<10112x128xf32, #tpu.memory_space<vmem_shared>> -> memref<120x128xf32, #tpu.memory_space<vmem_shared>>
      %dma_wait3A_69 = arith.constant 0 : i32
      %dma_wait3A_70 = tpu.memref_slice %arg6[%add3A_21, %dma_wait3A_69] : memref<10112x128xf32, #tpu.memory_space<vmem_shared>> -> memref<120x128xf32, #tpu.memory_space<vmem_shared>>
      %dma_wait3A_71 = arith.constant 0 : i32
      %dma_wait3A_72 = arith.constant 0 : i32
      %dma_wait3A_73 = tpu.memref_slice %arg9[%dma_wait3A_71, %dma_wait3A_72] : memref<128x128xf32, #tpu.memory_space<vmem>> -> memref<120x128xf32, #tpu.memory_space<vmem>>
      tpu.wait_dma2 semaphore(%run_scoped3A : memref<!tpu.dma_semaphore, #tpu.memory_space<semaphore_mem>>) src(%dma_wait3A_73 : memref<120x128xf32, #tpu.memory_space<vmem>>) dst(%dma_wait3A_70 : memref<120x128xf32, #tpu.memory_space<vmem_shared>>)
      tpu.yield
    }) : () -> ()
    %barrier3A = arith.constant 0 : index
    tpu.barrier barrier_id(%barrier3A)
    %add3A_22 = arith.constant 32 : i32
    %add3A_23 = arith.addi %select_n3A, %add3A_22 : i32
    %sub3A = arith.constant 1 : i32
    %sub3A_24 = arith.subi %add3A_23, %sub3A : i32
    %jit3A_25 = arith.constant 32 : i32
    %div3A = arith.divsi %sub3A_24, %jit3A_25 : i32
    %sign3A = arith.constant 0 : i32
    %sign3A_26 = arith.cmpi sgt, %sub3A_24, %sign3A : i32
    %sign3A_27 = arith.extui %sign3A_26 : i1 to i32
    %sign3A_28 = arith.constant 0 : i32
    %sign3A_29 = arith.cmpi slt, %sub3A_24, %sign3A_28 : i32
    %sign3A_30 = arith.extui %sign3A_29 : i1 to i32
    %sign3A_31 = arith.subi %sign3A_27, %sign3A_30 : i32
    %sign3A_32 = arith.constant 0 : i32
    %sign3A_33 = arith.cmpi sgt, %jit3A_25, %sign3A_32 : i32
    %sign3A_34 = arith.extui %sign3A_33 : i1 to i32
    %sign3A_35 = arith.constant 0 : i32
    %sign3A_36 = arith.cmpi slt, %jit3A_25, %sign3A_35 : i32
    %sign3A_37 = arith.extui %sign3A_36 : i1 to i32
    %sign3A_38 = arith.subi %sign3A_34, %sign3A_37 : i32
    %ne3A = arith.cmpi ne, %sign3A_31, %sign3A_38 : i32
    %rem3A = arith.remsi %sub3A_24, %jit3A_25 : i32
    %ne3A_39 = arith.constant 0 : i32
    %ne3A_40 = arith.cmpi ne, %rem3A, %ne3A_39 : i32
    %and3A = arith.andi %ne3A, %ne3A_40 : i1
    %sub3A_41 = arith.constant 1 : i32
    %sub3A_42 = arith.subi %div3A, %sub3A_41 : i32
    %select_n3A_43 = arith.select %and3A, %sub3A_42, %div3A : i32
    %while3A = arith.constant 0 : i32
    %while3A_44 = arith.constant 0 : i32
    %while3A_45 = arith.subi %select_n3A_43, %while3A : i32
    %while3A_46 = arith.addi %while3A, %while3A_45 : i32
    %while3A_47 = arith.constant 1 : i32
    %while3A_48 = arith.divsi %while3A_45, %while3A_47 : i32
    %while3A_49 = arith.muli %while3A_48, %while3A_47 : i32
    %while3A_50 = arith.addi %while3A, %while3A_49 : i32
    %while3A_51 = arith.constant 1 : i32
    %while3A_52 = scf.for %while3A_56 = %while3A to %while3A_50 step %while3A_51 iter_args(%while3A_57 = %while3A_44) -> (i32)  : i32 {
      %mul3A_58 = arith.constant 32 : i32
      %mul3A_59 = arith.muli %while3A_56, %mul3A_58 : i32
      %sub3A_60 = arith.subi %select_n3A, %mul3A_59 : i32
      %min3A = arith.constant 32 : i32
      %min3A_61 = arith.minsi %min3A, %sub3A_60 : i32
      %mul3A_62 = arith.constant 32 : i32
      %mul3A_63 = arith.muli %while3A_56, %mul3A_62 : i32
      "tpu.region"() ({
        %run_scoped3A = tpu.sem_alloc : memref<!tpu.dma_semaphore, #tpu.memory_space<semaphore_mem>>
        %dma_start3A = arith.constant 0 : i32
        %dma_start3A_113 = arith.constant 0 : i32
        %dma_start3A_114 = tpu.memref_slice %arg3[%add3A, %dma_start3A, %dma_start3A_113] : memref<32x96x128xi32, #tpu.memory_space<hbm>> -> memref<1x96x128xi32, #tpu.memory_space<hbm>>
        %dma_start3A_115 = tpu.memref_squeeze %dma_start3A_114 : memref<1x96x128xi32, #tpu.memory_space<hbm>> -> memref<96x128xi32, #tpu.memory_space<hbm>>
        %dma_start3A_116 = arith.constant 0 : i32
        %dma_start3A_117 = tpu.memref_slice %dma_start3A_115[%mul3A_63, %dma_start3A_116] : memref<96x128xi32, #tpu.memory_space<hbm>> -> memref<32x128xi32, #tpu.memory_space<hbm>>
        %dma_start3A_118 = arith.constant 0 : i32
        %dma_start3A_119 = arith.constant 0 : i32
        %dma_start3A_120 = tpu.memref_slice %arg3[%add3A, %dma_start3A_118, %dma_start3A_119] : memref<32x96x128xi32, #tpu.memory_space<hbm>> -> memref<1x96x128xi32, #tpu.memory_space<hbm>>
        %dma_start3A_121 = tpu.memref_squeeze %dma_start3A_120 : memref<1x96x128xi32, #tpu.memory_space<hbm>> -> memref<96x128xi32, #tpu.memory_space<hbm>>
        %dma_start3A_122 = arith.constant 0 : i32
        %dma_start3A_123 = tpu.memref_slice %dma_start3A_121[%mul3A_63, %dma_start3A_122] : memref<96x128xi32, #tpu.memory_space<hbm>> -> memref<32x128xi32, #tpu.memory_space<hbm>>
        tpu.enqueue_dma source(%dma_start3A_123 : memref<32x128xi32, #tpu.memory_space<hbm>>) target(%arg7 : memref<32x128xi32, #tpu.memory_space<vmem>>) target_semaphore(%run_scoped3A : memref<!tpu.dma_semaphore, #tpu.memory_space<semaphore_mem>>)
        %dma_wait3A_124 = arith.constant 0 : i32
        %dma_wait3A_125 = arith.constant 0 : i32
        %dma_wait3A_126 = tpu.memref_slice %arg3[%add3A, %dma_wait3A_124, %dma_wait3A_125] : memref<32x96x128xi32, #tpu.memory_space<hbm>> -> memref<1x96x128xi32, #tpu.memory_space<hbm>>
        %dma_wait3A_127 = tpu.memref_squeeze %dma_wait3A_126 : memref<1x96x128xi32, #tpu.memory_space<hbm>> -> memref<96x128xi32, #tpu.memory_space<hbm>>
        %dma_wait3A_128 = arith.constant 0 : i32
        %dma_wait3A_129 = tpu.memref_slice %dma_wait3A_127[%mul3A_63, %dma_wait3A_128] : memref<96x128xi32, #tpu.memory_space<hbm>> -> memref<32x128xi32, #tpu.memory_space<hbm>>
        %dma_wait3A_130 = arith.constant 0 : i32
        %dma_wait3A_131 = arith.constant 0 : i32
        %dma_wait3A_132 = tpu.memref_slice %arg3[%add3A, %dma_wait3A_130, %dma_wait3A_131] : memref<32x96x128xi32, #tpu.memory_space<hbm>> -> memref<1x96x128xi32, #tpu.memory_space<hbm>>
        %dma_wait3A_133 = tpu.memref_squeeze %dma_wait3A_132 : memref<1x96x128xi32, #tpu.memory_space<hbm>> -> memref<96x128xi32, #tpu.memory_space<hbm>>
        %dma_wait3A_134 = arith.constant 0 : i32
        %dma_wait3A_135 = tpu.memref_slice %dma_wait3A_133[%mul3A_63, %dma_wait3A_134] : memref<96x128xi32, #tpu.memory_space<hbm>> -> memref<32x128xi32, #tpu.memory_space<hbm>>
        tpu.wait_dma2 semaphore(%run_scoped3A : memref<!tpu.dma_semaphore, #tpu.memory_space<semaphore_mem>>) src(%dma_wait3A_135 : memref<32x128xi32, #tpu.memory_space<hbm>>) dst(%arg7 : memref<32x128xi32, #tpu.memory_space<vmem>>)
        tpu.yield
      }) : () -> ()
      %mul3A_64 = arith.constant 32 : i32
      %mul3A_65 = arith.muli %while3A_56, %mul3A_64 : i32
      "tpu.region"() ({
        %run_scoped3A = tpu.sem_alloc : memref<!tpu.dma_semaphore, #tpu.memory_space<semaphore_mem>>
        %dma_start3A = arith.constant 0 : i32
        %dma_start3A_113 = arith.constant 0 : i32
        %dma_start3A_114 = tpu.memref_slice %arg4[%add3A, %dma_start3A, %dma_start3A_113] : memref<32x96x128xi32, #tpu.memory_space<hbm>> -> memref<1x96x128xi32, #tpu.memory_space<hbm>>
        %dma_start3A_115 = tpu.memref_squeeze %dma_start3A_114 : memref<1x96x128xi32, #tpu.memory_space<hbm>> -> memref<96x128xi32, #tpu.memory_space<hbm>>
        %dma_start3A_116 = arith.constant 0 : i32
        %dma_start3A_117 = tpu.memref_slice %dma_start3A_115[%mul3A_65, %dma_start3A_116] : memref<96x128xi32, #tpu.memory_space<hbm>> -> memref<32x128xi32, #tpu.memory_space<hbm>>
        %dma_start3A_118 = arith.constant 0 : i32
        %dma_start3A_119 = arith.constant 0 : i32
        %dma_start3A_120 = tpu.memref_slice %arg4[%add3A, %dma_start3A_118, %dma_start3A_119] : memref<32x96x128xi32, #tpu.memory_space<hbm>> -> memref<1x96x128xi32, #tpu.memory_space<hbm>>
        %dma_start3A_121 = tpu.memref_squeeze %dma_start3A_120 : memref<1x96x128xi32, #tpu.memory_space<hbm>> -> memref<96x128xi32, #tpu.memory_space<hbm>>
        %dma_start3A_122 = arith.constant 0 : i32
        %dma_start3A_123 = tpu.memref_slice %dma_start3A_121[%mul3A_65, %dma_start3A_122] : memref<96x128xi32, #tpu.memory_space<hbm>> -> memref<32x128xi32, #tpu.memory_space<hbm>>
        tpu.enqueue_dma source(%dma_start3A_123 : memref<32x128xi32, #tpu.memory_space<hbm>>) target(%arg8 : memref<32x128xi32, #tpu.memory_space<vmem>>) target_semaphore(%run_scoped3A : memref<!tpu.dma_semaphore, #tpu.memory_space<semaphore_mem>>)
        %dma_wait3A_124 = arith.constant 0 : i32
        %dma_wait3A_125 = arith.constant 0 : i32
        %dma_wait3A_126 = tpu.memref_slice %arg4[%add3A, %dma_wait3A_124, %dma_wait3A_125] : memref<32x96x128xi32, #tpu.memory_space<hbm>> -> memref<1x96x128xi32, #tpu.memory_space<hbm>>
        %dma_wait3A_127 = tpu.memref_squeeze %dma_wait3A_126 : memref<1x96x128xi32, #tpu.memory_space<hbm>> -> memref<96x128xi32, #tpu.memory_space<hbm>>
        %dma_wait3A_128 = arith.constant 0 : i32
        %dma_wait3A_129 = tpu.memref_slice %dma_wait3A_127[%mul3A_65, %dma_wait3A_128] : memref<96x128xi32, #tpu.memory_space<hbm>> -> memref<32x128xi32, #tpu.memory_space<hbm>>
        %dma_wait3A_130 = arith.constant 0 : i32
        %dma_wait3A_131 = arith.constant 0 : i32
        %dma_wait3A_132 = tpu.memref_slice %arg4[%add3A, %dma_wait3A_130, %dma_wait3A_131] : memref<32x96x128xi32, #tpu.memory_space<hbm>> -> memref<1x96x128xi32, #tpu.memory_space<hbm>>
        %dma_wait3A_133 = tpu.memref_squeeze %dma_wait3A_132 : memref<1x96x128xi32, #tpu.memory_space<hbm>> -> memref<96x128xi32, #tpu.memory_space<hbm>>
        %dma_wait3A_134 = arith.constant 0 : i32
        %dma_wait3A_135 = tpu.memref_slice %dma_wait3A_133[%mul3A_65, %dma_wait3A_134] : memref<96x128xi32, #tpu.memory_space<hbm>> -> memref<32x128xi32, #tpu.memory_space<hbm>>
        tpu.wait_dma2 semaphore(%run_scoped3A : memref<!tpu.dma_semaphore, #tpu.memory_space<semaphore_mem>>) src(%dma_wait3A_135 : memref<32x128xi32, #tpu.memory_space<hbm>>) dst(%arg8 : memref<32x128xi32, #tpu.memory_space<vmem>>)
        tpu.yield
      }) : () -> ()
      %add3A_66 = arith.constant 1 : i32
      %add3A_67 = arith.addi %min3A_61, %add3A_66 : i32
      %jit3A_68 = arith.constant 2 : i32
      %div3A_69 = arith.divsi %add3A_67, %jit3A_68 : i32
      %sign3A_70 = arith.constant 0 : i32
      %sign3A_71 = arith.cmpi sgt, %add3A_67, %sign3A_70 : i32
      %sign3A_72 = arith.extui %sign3A_71 : i1 to i32
      %sign3A_73 = arith.constant 0 : i32
      %sign3A_74 = arith.cmpi slt, %add3A_67, %sign3A_73 : i32
      %sign3A_75 = arith.extui %sign3A_74 : i1 to i32
      %sign3A_76 = arith.subi %sign3A_72, %sign3A_75 : i32
      %sign3A_77 = arith.constant 0 : i32
      %sign3A_78 = arith.cmpi sgt, %jit3A_68, %sign3A_77 : i32
      %sign3A_79 = arith.extui %sign3A_78 : i1 to i32
      %sign3A_80 = arith.constant 0 : i32
      %sign3A_81 = arith.cmpi slt, %jit3A_68, %sign3A_80 : i32
      %sign3A_82 = arith.extui %sign3A_81 : i1 to i32
      %sign3A_83 = arith.subi %sign3A_79, %sign3A_82 : i32
      %ne3A_84 = arith.cmpi ne, %sign3A_76, %sign3A_83 : i32
      %rem3A_85 = arith.remsi %add3A_67, %jit3A_68 : i32
      %ne3A_86 = arith.constant 0 : i32
      %ne3A_87 = arith.cmpi ne, %rem3A_85, %ne3A_86 : i32
      %and3A_88 = arith.andi %ne3A_84, %ne3A_87 : i1
      %sub3A_89 = arith.constant 1 : i32
      %sub3A_90 = arith.subi %div3A_69, %sub3A_89 : i32
      %select_n3A_91 = arith.select %and3A_88, %sub3A_90, %div3A_69 : i32
      %while3A_92 = arith.constant 0 : i32
      %while3A_93 = arith.constant 0 : i32
      %while3A_94 = arith.subi %select_n3A_91, %while3A_92 : i32
      %while3A_95 = arith.addi %while3A_92, %while3A_94 : i32
      %while3A_96 = arith.constant 1 : i32
      %while3A_97 = arith.divsi %while3A_94, %while3A_96 : i32
      %while3A_98 = arith.muli %while3A_97, %while3A_96 : i32
      %while3A_99 = arith.addi %while3A_92, %while3A_98 : i32
      %while3A_100 = arith.constant 1 : i32
      %while3A_101 = scf.for %while3A_113 = %while3A_92 to %while3A_99 step %while3A_100 iter_args(%while3A_114 = %while3A_93) -> (i32)  : i32 {
        %mul3A_115 = arith.constant 2 : i32
        %mul3A_116 = arith.muli %mul3A_115, %while3A_113 : i32
        %add3A_117 = arith.constant 1 : i32
        %add3A_118 = arith.addi %mul3A_116, %add3A_117 : i32
        %gt3A = arith.constant 0 : i32
        %gt3A_119 = arith.cmpi sgt, %while3A_113, %gt3A : i32
        %convert_element_type3A_120 = arith.extui %gt3A_119 : i1 to i32
        %cond3A_121 = arith.constant 0 : i32
        %cond3A_122 = arith.cmpi ne, %convert_element_type3A_120, %cond3A_121 : i32
        scf.if %cond3A_122 {
          %sub3A_144 = arith.constant 2 : i32
          %sub3A_145 = arith.subi %mul3A_116, %sub3A_144 : i32
          %dma_wait3A_146 = arith.constant 0 : i32
          %dma_wait3A_147 = tpu.memref_slice %arg8[%sub3A_145, %dma_wait3A_146] : memref<32x128xi32, #tpu.memory_space<vmem>> -> memref<1x128xi32, #tpu.memory_space<vmem>>
          %dma_wait3A_148 = tpu.memref_squeeze %dma_wait3A_147 : memref<1x128xi32, #tpu.memory_space<vmem>> -> memref<128xi32, #tpu.memory_space<vmem>>
          %dma_wait3A_149 = arith.constant 0 : i32
          %dma_wait3A_150 = arith.constant 0 : i32
          %dma_wait3A_151 = tpu.memref_slice %arg6[%dma_wait3A_149, %dma_wait3A_150] : memref<10112x128xf32, #tpu.memory_space<vmem_shared>> -> memref<10112x128xf32, #tpu.memory_space<vmem_shared>>
          tpu.wait_indirect_dma semaphore(%arg12 : memref<!tpu.dma_semaphore, #tpu.memory_space<semaphore_mem>>) src(%arg9 : memref<128x128xf32, #tpu.memory_space<vmem>>) dst(%dma_wait3A_151 : memref<10112x128xf32, #tpu.memory_space<vmem_shared>>)
        } else {
        }
        %dma_start3A = arith.constant 0 : i32
        %dma_start3A_123 = tpu.memref_slice %arg7[%mul3A_116, %dma_start3A] : memref<32x128xi32, #tpu.memory_space<vmem>> -> memref<1x128xi32, #tpu.memory_space<vmem>>
        %dma_start3A_124 = tpu.memref_squeeze %dma_start3A_123 : memref<1x128xi32, #tpu.memory_space<vmem>> -> memref<128xi32, #tpu.memory_space<vmem>>
        %dma_start3A_125 = arith.constant 0 : i32
        %dma_start3A_126 = arith.constant 0 : i32
        %dma_start3A_127 = tpu.memref_slice %arg2[%dma_start3A_125, %dma_start3A_126] : memref<10112x128xf32, #tpu.memory_space<hbm>> -> memref<10112x128xf32, #tpu.memory_space<hbm>>
        tpu.enqueue_indirect_dma source(%dma_start3A_127 : memref<10112x128xf32, #tpu.memory_space<hbm>>) target(%arg9 : memref<128x128xf32, #tpu.memory_space<vmem>>) offsets(%dma_start3A_124 : memref<128xi32, #tpu.memory_space<vmem>>) semaphore(%arg11 : memref<!tpu.dma_semaphore, #tpu.memory_space<semaphore_mem>>)
        %dma_wait3A_128 = arith.constant 0 : i32
        %dma_wait3A_129 = tpu.memref_slice %arg7[%mul3A_116, %dma_wait3A_128] : memref<32x128xi32, #tpu.memory_space<vmem>> -> memref<1x128xi32, #tpu.memory_space<vmem>>
        %dma_wait3A_130 = tpu.memref_squeeze %dma_wait3A_129 : memref<1x128xi32, #tpu.memory_space<vmem>> -> memref<128xi32, #tpu.memory_space<vmem>>
        %dma_wait3A_131 = arith.constant 0 : i32
        %dma_wait3A_132 = arith.constant 0 : i32
        %dma_wait3A_133 = tpu.memref_slice %arg2[%dma_wait3A_131, %dma_wait3A_132] : memref<10112x128xf32, #tpu.memory_space<hbm>> -> memref<10112x128xf32, #tpu.memory_space<hbm>>
        tpu.wait_indirect_dma semaphore(%arg11 : memref<!tpu.dma_semaphore, #tpu.memory_space<semaphore_mem>>) src(%dma_wait3A_133 : memref<10112x128xf32, #tpu.memory_space<hbm>>) dst(%arg9 : memref<128x128xf32, #tpu.memory_space<vmem>>)
        %dma_start3A_134 = arith.constant 0 : i32
        %dma_start3A_135 = tpu.memref_slice %arg8[%mul3A_116, %dma_start3A_134] : memref<32x128xi32, #tpu.memory_space<vmem>> -> memref<1x128xi32, #tpu.memory_space<vmem>>
        %dma_start3A_136 = tpu.memref_squeeze %dma_start3A_135 : memref<1x128xi32, #tpu.memory_space<vmem>> -> memref<128xi32, #tpu.memory_space<vmem>>
        %dma_start3A_137 = arith.constant 0 : i32
        %dma_start3A_138 = arith.constant 0 : i32
        %dma_start3A_139 = tpu.memref_slice %arg6[%dma_start3A_137, %dma_start3A_138] : memref<10112x128xf32, #tpu.memory_space<vmem_shared>> -> memref<10112x128xf32, #tpu.memory_space<vmem_shared>>
        tpu.enqueue_indirect_dma source(%arg9 : memref<128x128xf32, #tpu.memory_space<vmem>>) target(%dma_start3A_139 : memref<10112x128xf32, #tpu.memory_space<vmem_shared>>) offsets(%dma_start3A_136 : memref<128xi32, #tpu.memory_space<vmem>>) semaphore(%arg12 : memref<!tpu.dma_semaphore, #tpu.memory_space<semaphore_mem>>) {add = true}
        %lt3A = arith.cmpi slt, %add3A_118, %min3A_61 : i32
        %convert_element_type3A_140 = arith.extui %lt3A : i1 to i32
        %cond3A_141 = arith.constant 0 : i32
        %cond3A_142 = arith.cmpi ne, %convert_element_type3A_140, %cond3A_141 : i32
        scf.if %cond3A_142 {
          %gt3A_144 = arith.constant 0 : i32
          %gt3A_145 = arith.cmpi sgt, %while3A_113, %gt3A_144 : i32
          %convert_element_type3A_146 = arith.extui %gt3A_145 : i1 to i32
          %cond3A_147 = arith.constant 0 : i32
          %cond3A_148 = arith.cmpi ne, %convert_element_type3A_146, %cond3A_147 : i32
          scf.if %cond3A_148 {
            %sub3A_167 = arith.constant 2 : i32
            %sub3A_168 = arith.subi %add3A_118, %sub3A_167 : i32
            %dma_wait3A_169 = arith.constant 0 : i32
            %dma_wait3A_170 = tpu.memref_slice %arg8[%sub3A_168, %dma_wait3A_169] : memref<32x128xi32, #tpu.memory_space<vmem>> -> memref<1x128xi32, #tpu.memory_space<vmem>>
            %dma_wait3A_171 = tpu.memref_squeeze %dma_wait3A_170 : memref<1x128xi32, #tpu.memory_space<vmem>> -> memref<128xi32, #tpu.memory_space<vmem>>
            %dma_wait3A_172 = arith.constant 0 : i32
            %dma_wait3A_173 = arith.constant 0 : i32
            %dma_wait3A_174 = tpu.memref_slice %arg6[%dma_wait3A_172, %dma_wait3A_173] : memref<10112x128xf32, #tpu.memory_space<vmem_shared>> -> memref<10112x128xf32, #tpu.memory_space<vmem_shared>>
            tpu.wait_indirect_dma semaphore(%arg13 : memref<!tpu.dma_semaphore, #tpu.memory_space<semaphore_mem>>) src(%arg10 : memref<128x128xf32, #tpu.memory_space<vmem>>) dst(%dma_wait3A_174 : memref<10112x128xf32, #tpu.memory_space<vmem_shared>>)
          } else {
          }
          %dma_start3A_149 = arith.constant 0 : i32
          %dma_start3A_150 = tpu.memref_slice %arg7[%add3A_118, %dma_start3A_149] : memref<32x128xi32, #tpu.memory_space<vmem>> -> memref<1x128xi32, #tpu.memory_space<vmem>>
          %dma_start3A_151 = tpu.memref_squeeze %dma_start3A_150 : memref<1x128xi32, #tpu.memory_space<vmem>> -> memref<128xi32, #tpu.memory_space<vmem>>
          %dma_start3A_152 = arith.constant 0 : i32
          %dma_start3A_153 = arith.constant 0 : i32
          %dma_start3A_154 = tpu.memref_slice %arg2[%dma_start3A_152, %dma_start3A_153] : memref<10112x128xf32, #tpu.memory_space<hbm>> -> memref<10112x128xf32, #tpu.memory_space<hbm>>
          tpu.enqueue_indirect_dma source(%dma_start3A_154 : memref<10112x128xf32, #tpu.memory_space<hbm>>) target(%arg10 : memref<128x128xf32, #tpu.memory_space<vmem>>) offsets(%dma_start3A_151 : memref<128xi32, #tpu.memory_space<vmem>>) semaphore(%arg11 : memref<!tpu.dma_semaphore, #tpu.memory_space<semaphore_mem>>)
          %dma_wait3A_155 = arith.constant 0 : i32
          %dma_wait3A_156 = tpu.memref_slice %arg7[%add3A_118, %dma_wait3A_155] : memref<32x128xi32, #tpu.memory_space<vmem>> -> memref<1x128xi32, #tpu.memory_space<vmem>>
          %dma_wait3A_157 = tpu.memref_squeeze %dma_wait3A_156 : memref<1x128xi32, #tpu.memory_space<vmem>> -> memref<128xi32, #tpu.memory_space<vmem>>
          %dma_wait3A_158 = arith.constant 0 : i32
          %dma_wait3A_159 = arith.constant 0 : i32
          %dma_wait3A_160 = tpu.memref_slice %arg2[%dma_wait3A_158, %dma_wait3A_159] : memref<10112x128xf32, #tpu.memory_space<hbm>> -> memref<10112x128xf32, #tpu.memory_space<hbm>>
          tpu.wait_indirect_dma semaphore(%arg11 : memref<!tpu.dma_semaphore, #tpu.memory_space<semaphore_mem>>) src(%dma_wait3A_160 : memref<10112x128xf32, #tpu.memory_space<hbm>>) dst(%arg10 : memref<128x128xf32, #tpu.memory_space<vmem>>)
          %dma_start3A_161 = arith.constant 0 : i32
          %dma_start3A_162 = tpu.memref_slice %arg8[%add3A_118, %dma_start3A_161] : memref<32x128xi32, #tpu.memory_space<vmem>> -> memref<1x128xi32, #tpu.memory_space<vmem>>
          %dma_start3A_163 = tpu.memref_squeeze %dma_start3A_162 : memref<1x128xi32, #tpu.memory_space<vmem>> -> memref<128xi32, #tpu.memory_space<vmem>>
          %dma_start3A_164 = arith.constant 0 : i32
          %dma_start3A_165 = arith.constant 0 : i32
          %dma_start3A_166 = tpu.memref_slice %arg6[%dma_start3A_164, %dma_start3A_165] : memref<10112x128xf32, #tpu.memory_space<vmem_shared>> -> memref<10112x128xf32, #tpu.memory_space<vmem_shared>>
          tpu.enqueue_indirect_dma source(%arg10 : memref<128x128xf32, #tpu.memory_space<vmem>>) target(%dma_start3A_166 : memref<10112x128xf32, #tpu.memory_space<vmem_shared>>) offsets(%dma_start3A_163 : memref<128xi32, #tpu.memory_space<vmem>>) semaphore(%arg13 : memref<!tpu.dma_semaphore, #tpu.memory_space<semaphore_mem>>) {add = true}
        } else {
        }
        %while3A_143 = arith.constant 0 : i32
        scf.yield %while3A_143 : i32
      }
      %while3A_102 = arith.constant 1 : i32
      %while3A_103 = scf.for %while3A_113 = %while3A_99 to %while3A_95 step %while3A_102 iter_args(%while3A_114 = %while3A_101) -> (i32)  : i32 {
        %mul3A_115 = arith.constant 2 : i32
        %mul3A_116 = arith.muli %mul3A_115, %while3A_113 : i32
        %add3A_117 = arith.constant 1 : i32
        %add3A_118 = arith.addi %mul3A_116, %add3A_117 : i32
        %gt3A = arith.constant 0 : i32
        %gt3A_119 = arith.cmpi sgt, %while3A_113, %gt3A : i32
        %convert_element_type3A_120 = arith.extui %gt3A_119 : i1 to i32
        %cond3A_121 = arith.constant 0 : i32
        %cond3A_122 = arith.cmpi ne, %convert_element_type3A_120, %cond3A_121 : i32
        scf.if %cond3A_122 {
          %sub3A_144 = arith.constant 2 : i32
          %sub3A_145 = arith.subi %mul3A_116, %sub3A_144 : i32
          %dma_wait3A_146 = arith.constant 0 : i32
          %dma_wait3A_147 = tpu.memref_slice %arg8[%sub3A_145, %dma_wait3A_146] : memref<32x128xi32, #tpu.memory_space<vmem>> -> memref<1x128xi32, #tpu.memory_space<vmem>>
          %dma_wait3A_148 = tpu.memref_squeeze %dma_wait3A_147 : memref<1x128xi32, #tpu.memory_space<vmem>> -> memref<128xi32, #tpu.memory_space<vmem>>
          %dma_wait3A_149 = arith.constant 0 : i32
          %dma_wait3A_150 = arith.constant 0 : i32
          %dma_wait3A_151 = tpu.memref_slice %arg6[%dma_wait3A_149, %dma_wait3A_150] : memref<10112x128xf32, #tpu.memory_space<vmem_shared>> -> memref<10112x128xf32, #tpu.memory_space<vmem_shared>>
          tpu.wait_indirect_dma semaphore(%arg12 : memref<!tpu.dma_semaphore, #tpu.memory_space<semaphore_mem>>) src(%arg9 : memref<128x128xf32, #tpu.memory_space<vmem>>) dst(%dma_wait3A_151 : memref<10112x128xf32, #tpu.memory_space<vmem_shared>>)
        } else {
        }
        %dma_start3A = arith.constant 0 : i32
        %dma_start3A_123 = tpu.memref_slice %arg7[%mul3A_116, %dma_start3A] : memref<32x128xi32, #tpu.memory_space<vmem>> -> memref<1x128xi32, #tpu.memory_space<vmem>>
        %dma_start3A_124 = tpu.memref_squeeze %dma_start3A_123 : memref<1x128xi32, #tpu.memory_space<vmem>> -> memref<128xi32, #tpu.memory_space<vmem>>
        %dma_start3A_125 = arith.constant 0 : i32
        %dma_start3A_126 = arith.constant 0 : i32
        %dma_start3A_127 = tpu.memref_slice %arg2[%dma_start3A_125, %dma_start3A_126] : memref<10112x128xf32, #tpu.memory_space<hbm>> -> memref<10112x128xf32, #tpu.memory_space<hbm>>
        tpu.enqueue_indirect_dma source(%dma_start3A_127 : memref<10112x128xf32, #tpu.memory_space<hbm>>) target(%arg9 : memref<128x128xf32, #tpu.memory_space<vmem>>) offsets(%dma_start3A_124 : memref<128xi32, #tpu.memory_space<vmem>>) semaphore(%arg11 : memref<!tpu.dma_semaphore, #tpu.memory_space<semaphore_mem>>)
        %dma_wait3A_128 = arith.constant 0 : i32
        %dma_wait3A_129 = tpu.memref_slice %arg7[%mul3A_116, %dma_wait3A_128] : memref<32x128xi32, #tpu.memory_space<vmem>> -> memref<1x128xi32, #tpu.memory_space<vmem>>
        %dma_wait3A_130 = tpu.memref_squeeze %dma_wait3A_129 : memref<1x128xi32, #tpu.memory_space<vmem>> -> memref<128xi32, #tpu.memory_space<vmem>>
        %dma_wait3A_131 = arith.constant 0 : i32
        %dma_wait3A_132 = arith.constant 0 : i32
        %dma_wait3A_133 = tpu.memref_slice %arg2[%dma_wait3A_131, %dma_wait3A_132] : memref<10112x128xf32, #tpu.memory_space<hbm>> -> memref<10112x128xf32, #tpu.memory_space<hbm>>
        tpu.wait_indirect_dma semaphore(%arg11 : memref<!tpu.dma_semaphore, #tpu.memory_space<semaphore_mem>>) src(%dma_wait3A_133 : memref<10112x128xf32, #tpu.memory_space<hbm>>) dst(%arg9 : memref<128x128xf32, #tpu.memory_space<vmem>>)
        %dma_start3A_134 = arith.constant 0 : i32
        %dma_start3A_135 = tpu.memref_slice %arg8[%mul3A_116, %dma_start3A_134] : memref<32x128xi32, #tpu.memory_space<vmem>> -> memref<1x128xi32, #tpu.memory_space<vmem>>
        %dma_start3A_136 = tpu.memref_squeeze %dma_start3A_135 : memref<1x128xi32, #tpu.memory_space<vmem>> -> memref<128xi32, #tpu.memory_space<vmem>>
        %dma_start3A_137 = arith.constant 0 : i32
        %dma_start3A_138 = arith.constant 0 : i32
        %dma_start3A_139 = tpu.memref_slice %arg6[%dma_start3A_137, %dma_start3A_138] : memref<10112x128xf32, #tpu.memory_space<vmem_shared>> -> memref<10112x128xf32, #tpu.memory_space<vmem_shared>>
        tpu.enqueue_indirect_dma source(%arg9 : memref<128x128xf32, #tpu.memory_space<vmem>>) target(%dma_start3A_139 : memref<10112x128xf32, #tpu.memory_space<vmem_shared>>) offsets(%dma_start3A_136 : memref<128xi32, #tpu.memory_space<vmem>>) semaphore(%arg12 : memref<!tpu.dma_semaphore, #tpu.memory_space<semaphore_mem>>) {add = true}
        %lt3A = arith.cmpi slt, %add3A_118, %min3A_61 : i32
        %convert_element_type3A_140 = arith.extui %lt3A : i1 to i32
        %cond3A_141 = arith.constant 0 : i32
        %cond3A_142 = arith.cmpi ne, %convert_element_type3A_140, %cond3A_141 : i32
        scf.if %cond3A_142 {
          %gt3A_144 = arith.constant 0 : i32
          %gt3A_145 = arith.cmpi sgt, %while3A_113, %gt3A_144 : i32
          %convert_element_type3A_146 = arith.extui %gt3A_145 : i1 to i32
          %cond3A_147 = arith.constant 0 : i32
          %cond3A_148 = arith.cmpi ne, %convert_element_type3A_146, %cond3A_147 : i32
          scf.if %cond3A_148 {
            %sub3A_167 = arith.constant 2 : i32
            %sub3A_168 = arith.subi %add3A_118, %sub3A_167 : i32
            %dma_wait3A_169 = arith.constant 0 : i32
            %dma_wait3A_170 = tpu.memref_slice %arg8[%sub3A_168, %dma_wait3A_169] : memref<32x128xi32, #tpu.memory_space<vmem>> -> memref<1x128xi32, #tpu.memory_space<vmem>>
            %dma_wait3A_171 = tpu.memref_squeeze %dma_wait3A_170 : memref<1x128xi32, #tpu.memory_space<vmem>> -> memref<128xi32, #tpu.memory_space<vmem>>
            %dma_wait3A_172 = arith.constant 0 : i32
            %dma_wait3A_173 = arith.constant 0 : i32
            %dma_wait3A_174 = tpu.memref_slice %arg6[%dma_wait3A_172, %dma_wait3A_173] : memref<10112x128xf32, #tpu.memory_space<vmem_shared>> -> memref<10112x128xf32, #tpu.memory_space<vmem_shared>>
            tpu.wait_indirect_dma semaphore(%arg13 : memref<!tpu.dma_semaphore, #tpu.memory_space<semaphore_mem>>) src(%arg10 : memref<128x128xf32, #tpu.memory_space<vmem>>) dst(%dma_wait3A_174 : memref<10112x128xf32, #tpu.memory_space<vmem_shared>>)
          } else {
          }
          %dma_start3A_149 = arith.constant 0 : i32
          %dma_start3A_150 = tpu.memref_slice %arg7[%add3A_118, %dma_start3A_149] : memref<32x128xi32, #tpu.memory_space<vmem>> -> memref<1x128xi32, #tpu.memory_space<vmem>>
          %dma_start3A_151 = tpu.memref_squeeze %dma_start3A_150 : memref<1x128xi32, #tpu.memory_space<vmem>> -> memref<128xi32, #tpu.memory_space<vmem>>
          %dma_start3A_152 = arith.constant 0 : i32
          %dma_start3A_153 = arith.constant 0 : i32
          %dma_start3A_154 = tpu.memref_slice %arg2[%dma_start3A_152, %dma_start3A_153] : memref<10112x128xf32, #tpu.memory_space<hbm>> -> memref<10112x128xf32, #tpu.memory_space<hbm>>
          tpu.enqueue_indirect_dma source(%dma_start3A_154 : memref<10112x128xf32, #tpu.memory_space<hbm>>) target(%arg10 : memref<128x128xf32, #tpu.memory_space<vmem>>) offsets(%dma_start3A_151 : memref<128xi32, #tpu.memory_space<vmem>>) semaphore(%arg11 : memref<!tpu.dma_semaphore, #tpu.memory_space<semaphore_mem>>)
          %dma_wait3A_155 = arith.constant 0 : i32
          %dma_wait3A_156 = tpu.memref_slice %arg7[%add3A_118, %dma_wait3A_155] : memref<32x128xi32, #tpu.memory_space<vmem>> -> memref<1x128xi32, #tpu.memory_space<vmem>>
          %dma_wait3A_157 = tpu.memref_squeeze %dma_wait3A_156 : memref<1x128xi32, #tpu.memory_space<vmem>> -> memref<128xi32, #tpu.memory_space<vmem>>
          %dma_wait3A_158 = arith.constant 0 : i32
          %dma_wait3A_159 = arith.constant 0 : i32
          %dma_wait3A_160 = tpu.memref_slice %arg2[%dma_wait3A_158, %dma_wait3A_159] : memref<10112x128xf32, #tpu.memory_space<hbm>> -> memref<10112x128xf32, #tpu.memory_space<hbm>>
          tpu.wait_indirect_dma semaphore(%arg11 : memref<!tpu.dma_semaphore, #tpu.memory_space<semaphore_mem>>) src(%dma_wait3A_160 : memref<10112x128xf32, #tpu.memory_space<hbm>>) dst(%arg10 : memref<128x128xf32, #tpu.memory_space<vmem>>)
          %dma_start3A_161 = arith.constant 0 : i32
          %dma_start3A_162 = tpu.memref_slice %arg8[%add3A_118, %dma_start3A_161] : memref<32x128xi32, #tpu.memory_space<vmem>> -> memref<1x128xi32, #tpu.memory_space<vmem>>
          %dma_start3A_163 = tpu.memref_squeeze %dma_start3A_162 : memref<1x128xi32, #tpu.memory_space<vmem>> -> memref<128xi32, #tpu.memory_space<vmem>>
          %dma_start3A_164 = arith.constant 0 : i32
          %dma_start3A_165 = arith.constant 0 : i32
          %dma_start3A_166 = tpu.memref_slice %arg6[%dma_start3A_164, %dma_start3A_165] : memref<10112x128xf32, #tpu.memory_space<vmem_shared>> -> memref<10112x128xf32, #tpu.memory_space<vmem_shared>>
          tpu.enqueue_indirect_dma source(%arg10 : memref<128x128xf32, #tpu.memory_space<vmem>>) target(%dma_start3A_166 : memref<10112x128xf32, #tpu.memory_space<vmem_shared>>) offsets(%dma_start3A_163 : memref<128xi32, #tpu.memory_space<vmem>>) semaphore(%arg13 : memref<!tpu.dma_semaphore, #tpu.memory_space<semaphore_mem>>) {add = true}
        } else {
        }
        %while3A_143 = arith.constant 0 : i32
        scf.yield %while3A_143 : i32
      }
      %dma_wait3A = arith.constant 0 : i32
      %dma_wait3A_104 = arith.constant 0 : i32
      %dma_wait3A_105 = tpu.memref_slice %arg8[%dma_wait3A, %dma_wait3A_104] : memref<32x128xi32, #tpu.memory_space<vmem>> -> memref<1x128xi32, #tpu.memory_space<vmem>>
      %dma_wait3A_106 = tpu.memref_squeeze %dma_wait3A_105 : memref<1x128xi32, #tpu.memory_space<vmem>> -> memref<128xi32, #tpu.memory_space<vmem>>
      %dma_wait3A_107 = arith.constant 0 : i32
      %dma_wait3A_108 = arith.constant 0 : i32
      %dma_wait3A_109 = tpu.memref_slice %arg6[%dma_wait3A_107, %dma_wait3A_108] : memref<10112x128xf32, #tpu.memory_space<vmem_shared>> -> memref<10112x128xf32, #tpu.memory_space<vmem_shared>>
      tpu.wait_indirect_dma semaphore(%arg12 : memref<!tpu.dma_semaphore, #tpu.memory_space<semaphore_mem>>) src(%arg9 : memref<128x128xf32, #tpu.memory_space<vmem>>) dst(%dma_wait3A_109 : memref<10112x128xf32, #tpu.memory_space<vmem_shared>>)
      %ge3A = arith.constant 2 : i32
      %ge3A_110 = arith.cmpi sge, %min3A_61, %ge3A : i32
      %convert_element_type3A = arith.extui %ge3A_110 : i1 to i32
      %cond3A = arith.constant 0 : i32
      %cond3A_111 = arith.cmpi ne, %convert_element_type3A, %cond3A : i32
      scf.if %cond3A_111 {
        %dma_wait3A_113 = arith.constant 0 : i32
        %dma_wait3A_114 = arith.constant 0 : i32
        %dma_wait3A_115 = tpu.memref_slice %arg8[%dma_wait3A_113, %dma_wait3A_114] : memref<32x128xi32, #tpu.memory_space<vmem>> -> memref<1x128xi32, #tpu.memory_space<vmem>>
        %dma_wait3A_116 = tpu.memref_squeeze %dma_wait3A_115 : memref<1x128xi32, #tpu.memory_space<vmem>> -> memref<128xi32, #tpu.memory_space<vmem>>
        %dma_wait3A_117 = arith.constant 0 : i32
        %dma_wait3A_118 = arith.constant 0 : i32
        %dma_wait3A_119 = tpu.memref_slice %arg6[%dma_wait3A_117, %dma_wait3A_118] : memref<10112x128xf32, #tpu.memory_space<vmem_shared>> -> memref<10112x128xf32, #tpu.memory_space<vmem_shared>>
        tpu.wait_indirect_dma semaphore(%arg13 : memref<!tpu.dma_semaphore, #tpu.memory_space<semaphore_mem>>) src(%arg10 : memref<128x128xf32, #tpu.memory_space<vmem>>) dst(%dma_wait3A_119 : memref<10112x128xf32, #tpu.memory_space<vmem_shared>>)
      } else {
      }
      %while3A_112 = arith.constant 0 : i32
      scf.yield %while3A_112 : i32
    }
    %while3A_53 = arith.constant 1 : i32
    %while3A_54 = scf.for %while3A_56 = %while3A_50 to %while3A_46 step %while3A_53 iter_args(%while3A_57 = %while3A_52) -> (i32)  : i32 {
      %mul3A_58 = arith.constant 32 : i32
      %mul3A_59 = arith.muli %while3A_56, %mul3A_58 : i32
      %sub3A_60 = arith.subi %select_n3A, %mul3A_59 : i32
      %min3A = arith.constant 32 : i32
      %min3A_61 = arith.minsi %min3A, %sub3A_60 : i32
      %mul3A_62 = arith.constant 32 : i32
      %mul3A_63 = arith.muli %while3A_56, %mul3A_62 : i32
      "tpu.region"() ({
        %run_scoped3A = tpu.sem_alloc : memref<!tpu.dma_semaphore, #tpu.memory_space<semaphore_mem>>
        %dma_start3A = arith.constant 0 : i32
        %dma_start3A_113 = arith.constant 0 : i32
        %dma_start3A_114 = tpu.memref_slice %arg3[%add3A, %dma_start3A, %dma_start3A_113] : memref<32x96x128xi32, #tpu.memory_space<hbm>> -> memref<1x96x128xi32, #tpu.memory_space<hbm>>
        %dma_start3A_115 = tpu.memref_squeeze %dma_start3A_114 : memref<1x96x128xi32, #tpu.memory_space<hbm>> -> memref<96x128xi32, #tpu.memory_space<hbm>>
        %dma_start3A_116 = arith.constant 0 : i32
        %dma_start3A_117 = tpu.memref_slice %dma_start3A_115[%mul3A_63, %dma_start3A_116] : memref<96x128xi32, #tpu.memory_space<hbm>> -> memref<32x128xi32, #tpu.memory_space<hbm>>
        %dma_start3A_118 = arith.constant 0 : i32
        %dma_start3A_119 = arith.constant 0 : i32
        %dma_start3A_120 = tpu.memref_slice %arg3[%add3A, %dma_start3A_118, %dma_start3A_119] : memref<32x96x128xi32, #tpu.memory_space<hbm>> -> memref<1x96x128xi32, #tpu.memory_space<hbm>>
        %dma_start3A_121 = tpu.memref_squeeze %dma_start3A_120 : memref<1x96x128xi32, #tpu.memory_space<hbm>> -> memref<96x128xi32, #tpu.memory_space<hbm>>
        %dma_start3A_122 = arith.constant 0 : i32
        %dma_start3A_123 = tpu.memref_slice %dma_start3A_121[%mul3A_63, %dma_start3A_122] : memref<96x128xi32, #tpu.memory_space<hbm>> -> memref<32x128xi32, #tpu.memory_space<hbm>>
        tpu.enqueue_dma source(%dma_start3A_123 : memref<32x128xi32, #tpu.memory_space<hbm>>) target(%arg7 : memref<32x128xi32, #tpu.memory_space<vmem>>) target_semaphore(%run_scoped3A : memref<!tpu.dma_semaphore, #tpu.memory_space<semaphore_mem>>)
        %dma_wait3A_124 = arith.constant 0 : i32
        %dma_wait3A_125 = arith.constant 0 : i32
        %dma_wait3A_126 = tpu.memref_slice %arg3[%add3A, %dma_wait3A_124, %dma_wait3A_125] : memref<32x96x128xi32, #tpu.memory_space<hbm>> -> memref<1x96x128xi32, #tpu.memory_space<hbm>>
        %dma_wait3A_127 = tpu.memref_squeeze %dma_wait3A_126 : memref<1x96x128xi32, #tpu.memory_space<hbm>> -> memref<96x128xi32, #tpu.memory_space<hbm>>
        %dma_wait3A_128 = arith.constant 0 : i32
        %dma_wait3A_129 = tpu.memref_slice %dma_wait3A_127[%mul3A_63, %dma_wait3A_128] : memref<96x128xi32, #tpu.memory_space<hbm>> -> memref<32x128xi32, #tpu.memory_space<hbm>>
        %dma_wait3A_130 = arith.constant 0 : i32
        %dma_wait3A_131 = arith.constant 0 : i32
        %dma_wait3A_132 = tpu.memref_slice %arg3[%add3A, %dma_wait3A_130, %dma_wait3A_131] : memref<32x96x128xi32, #tpu.memory_space<hbm>> -> memref<1x96x128xi32, #tpu.memory_space<hbm>>
        %dma_wait3A_133 = tpu.memref_squeeze %dma_wait3A_132 : memref<1x96x128xi32, #tpu.memory_space<hbm>> -> memref<96x128xi32, #tpu.memory_space<hbm>>
        %dma_wait3A_134 = arith.constant 0 : i32
        %dma_wait3A_135 = tpu.memref_slice %dma_wait3A_133[%mul3A_63, %dma_wait3A_134] : memref<96x128xi32, #tpu.memory_space<hbm>> -> memref<32x128xi32, #tpu.memory_space<hbm>>
        tpu.wait_dma2 semaphore(%run_scoped3A : memref<!tpu.dma_semaphore, #tpu.memory_space<semaphore_mem>>) src(%dma_wait3A_135 : memref<32x128xi32, #tpu.memory_space<hbm>>) dst(%arg7 : memref<32x128xi32, #tpu.memory_space<vmem>>)
        tpu.yield
      }) : () -> ()
      %mul3A_64 = arith.constant 32 : i32
      %mul3A_65 = arith.muli %while3A_56, %mul3A_64 : i32
      "tpu.region"() ({
        %run_scoped3A = tpu.sem_alloc : memref<!tpu.dma_semaphore, #tpu.memory_space<semaphore_mem>>
        %dma_start3A = arith.constant 0 : i32
        %dma_start3A_113 = arith.constant 0 : i32
        %dma_start3A_114 = tpu.memref_slice %arg4[%add3A, %dma_start3A, %dma_start3A_113] : memref<32x96x128xi32, #tpu.memory_space<hbm>> -> memref<1x96x128xi32, #tpu.memory_space<hbm>>
        %dma_start3A_115 = tpu.memref_squeeze %dma_start3A_114 : memref<1x96x128xi32, #tpu.memory_space<hbm>> -> memref<96x128xi32, #tpu.memory_space<hbm>>
        %dma_start3A_116 = arith.constant 0 : i32
        %dma_start3A_117 = tpu.memref_slice %dma_start3A_115[%mul3A_65, %dma_start3A_116] : memref<96x128xi32, #tpu.memory_space<hbm>> -> memref<32x128xi32, #tpu.memory_space<hbm>>
        %dma_start3A_118 = arith.constant 0 : i32
        %dma_start3A_119 = arith.constant 0 : i32
        %dma_start3A_120 = tpu.memref_slice %arg4[%add3A, %dma_start3A_118, %dma_start3A_119] : memref<32x96x128xi32, #tpu.memory_space<hbm>> -> memref<1x96x128xi32, #tpu.memory_space<hbm>>
        %dma_start3A_121 = tpu.memref_squeeze %dma_start3A_120 : memref<1x96x128xi32, #tpu.memory_space<hbm>> -> memref<96x128xi32, #tpu.memory_space<hbm>>
        %dma_start3A_122 = arith.constant 0 : i32
        %dma_start3A_123 = tpu.memref_slice %dma_start3A_121[%mul3A_65, %dma_start3A_122] : memref<96x128xi32, #tpu.memory_space<hbm>> -> memref<32x128xi32, #tpu.memory_space<hbm>>
        tpu.enqueue_dma source(%dma_start3A_123 : memref<32x128xi32, #tpu.memory_space<hbm>>) target(%arg8 : memref<32x128xi32, #tpu.memory_space<vmem>>) target_semaphore(%run_scoped3A : memref<!tpu.dma_semaphore, #tpu.memory_space<semaphore_mem>>)
        %dma_wait3A_124 = arith.constant 0 : i32
        %dma_wait3A_125 = arith.constant 0 : i32
        %dma_wait3A_126 = tpu.memref_slice %arg4[%add3A, %dma_wait3A_124, %dma_wait3A_125] : memref<32x96x128xi32, #tpu.memory_space<hbm>> -> memref<1x96x128xi32, #tpu.memory_space<hbm>>
        %dma_wait3A_127 = tpu.memref_squeeze %dma_wait3A_126 : memref<1x96x128xi32, #tpu.memory_space<hbm>> -> memref<96x128xi32, #tpu.memory_space<hbm>>
        %dma_wait3A_128 = arith.constant 0 : i32
        %dma_wait3A_129 = tpu.memref_slice %dma_wait3A_127[%mul3A_65, %dma_wait3A_128] : memref<96x128xi32, #tpu.memory_space<hbm>> -> memref<32x128xi32, #tpu.memory_space<hbm>>
        %dma_wait3A_130 = arith.constant 0 : i32
        %dma_wait3A_131 = arith.constant 0 : i32
        %dma_wait3A_132 = tpu.memref_slice %arg4[%add3A, %dma_wait3A_130, %dma_wait3A_131] : memref<32x96x128xi32, #tpu.memory_space<hbm>> -> memref<1x96x128xi32, #tpu.memory_space<hbm>>
        %dma_wait3A_133 = tpu.memref_squeeze %dma_wait3A_132 : memref<1x96x128xi32, #tpu.memory_space<hbm>> -> memref<96x128xi32, #tpu.memory_space<hbm>>
        %dma_wait3A_134 = arith.constant 0 : i32
        %dma_wait3A_135 = tpu.memref_slice %dma_wait3A_133[%mul3A_65, %dma_wait3A_134] : memref<96x128xi32, #tpu.memory_space<hbm>> -> memref<32x128xi32, #tpu.memory_space<hbm>>
        tpu.wait_dma2 semaphore(%run_scoped3A : memref<!tpu.dma_semaphore, #tpu.memory_space<semaphore_mem>>) src(%dma_wait3A_135 : memref<32x128xi32, #tpu.memory_space<hbm>>) dst(%arg8 : memref<32x128xi32, #tpu.memory_space<vmem>>)
        tpu.yield
      }) : () -> ()
      %add3A_66 = arith.constant 1 : i32
      %add3A_67 = arith.addi %min3A_61, %add3A_66 : i32
      %jit3A_68 = arith.constant 2 : i32
      %div3A_69 = arith.divsi %add3A_67, %jit3A_68 : i32
      %sign3A_70 = arith.constant 0 : i32
      %sign3A_71 = arith.cmpi sgt, %add3A_67, %sign3A_70 : i32
      %sign3A_72 = arith.extui %sign3A_71 : i1 to i32
      %sign3A_73 = arith.constant 0 : i32
      %sign3A_74 = arith.cmpi slt, %add3A_67, %sign3A_73 : i32
      %sign3A_75 = arith.extui %sign3A_74 : i1 to i32
      %sign3A_76 = arith.subi %sign3A_72, %sign3A_75 : i32
      %sign3A_77 = arith.constant 0 : i32
      %sign3A_78 = arith.cmpi sgt, %jit3A_68, %sign3A_77 : i32
      %sign3A_79 = arith.extui %sign3A_78 : i1 to i32
      %sign3A_80 = arith.constant 0 : i32
      %sign3A_81 = arith.cmpi slt, %jit3A_68, %sign3A_80 : i32
      %sign3A_82 = arith.extui %sign3A_81 : i1 to i32
      %sign3A_83 = arith.subi %sign3A_79, %sign3A_82 : i32
      %ne3A_84 = arith.cmpi ne, %sign3A_76, %sign3A_83 : i32
      %rem3A_85 = arith.remsi %add3A_67, %jit3A_68 : i32
      %ne3A_86 = arith.constant 0 : i32
      %ne3A_87 = arith.cmpi ne, %rem3A_85, %ne3A_86 : i32
      %and3A_88 = arith.andi %ne3A_84, %ne3A_87 : i1
      %sub3A_89 = arith.constant 1 : i32
      %sub3A_90 = arith.subi %div3A_69, %sub3A_89 : i32
      %select_n3A_91 = arith.select %and3A_88, %sub3A_90, %div3A_69 : i32
      %while3A_92 = arith.constant 0 : i32
      %while3A_93 = arith.constant 0 : i32
      %while3A_94 = arith.subi %select_n3A_91, %while3A_92 : i32
      %while3A_95 = arith.addi %while3A_92, %while3A_94 : i32
      %while3A_96 = arith.constant 1 : i32
      %while3A_97 = arith.divsi %while3A_94, %while3A_96 : i32
      %while3A_98 = arith.muli %while3A_97, %while3A_96 : i32
      %while3A_99 = arith.addi %while3A_92, %while3A_98 : i32
      %while3A_100 = arith.constant 1 : i32
      %while3A_101 = scf.for %while3A_113 = %while3A_92 to %while3A_99 step %while3A_100 iter_args(%while3A_114 = %while3A_93) -> (i32)  : i32 {
        %mul3A_115 = arith.constant 2 : i32
        %mul3A_116 = arith.muli %mul3A_115, %while3A_113 : i32
        %add3A_117 = arith.constant 1 : i32
        %add3A_118 = arith.addi %mul3A_116, %add3A_117 : i32
        %gt3A = arith.constant 0 : i32
        %gt3A_119 = arith.cmpi sgt, %while3A_113, %gt3A : i32
        %convert_element_type3A_120 = arith.extui %gt3A_119 : i1 to i32
        %cond3A_121 = arith.constant 0 : i32
        %cond3A_122 = arith.cmpi ne, %convert_element_type3A_120, %cond3A_121 : i32
        scf.if %cond3A_122 {
          %sub3A_144 = arith.constant 2 : i32
          %sub3A_145 = arith.subi %mul3A_116, %sub3A_144 : i32
          %dma_wait3A_146 = arith.constant 0 : i32
          %dma_wait3A_147 = tpu.memref_slice %arg8[%sub3A_145, %dma_wait3A_146] : memref<32x128xi32, #tpu.memory_space<vmem>> -> memref<1x128xi32, #tpu.memory_space<vmem>>
          %dma_wait3A_148 = tpu.memref_squeeze %dma_wait3A_147 : memref<1x128xi32, #tpu.memory_space<vmem>> -> memref<128xi32, #tpu.memory_space<vmem>>
          %dma_wait3A_149 = arith.constant 0 : i32
          %dma_wait3A_150 = arith.constant 0 : i32
          %dma_wait3A_151 = tpu.memref_slice %arg6[%dma_wait3A_149, %dma_wait3A_150] : memref<10112x128xf32, #tpu.memory_space<vmem_shared>> -> memref<10112x128xf32, #tpu.memory_space<vmem_shared>>
          tpu.wait_indirect_dma semaphore(%arg12 : memref<!tpu.dma_semaphore, #tpu.memory_space<semaphore_mem>>) src(%arg9 : memref<128x128xf32, #tpu.memory_space<vmem>>) dst(%dma_wait3A_151 : memref<10112x128xf32, #tpu.memory_space<vmem_shared>>)
        } else {
        }
        %dma_start3A = arith.constant 0 : i32
        %dma_start3A_123 = tpu.memref_slice %arg7[%mul3A_116, %dma_start3A] : memref<32x128xi32, #tpu.memory_space<vmem>> -> memref<1x128xi32, #tpu.memory_space<vmem>>
        %dma_start3A_124 = tpu.memref_squeeze %dma_start3A_123 : memref<1x128xi32, #tpu.memory_space<vmem>> -> memref<128xi32, #tpu.memory_space<vmem>>
        %dma_start3A_125 = arith.constant 0 : i32
        %dma_start3A_126 = arith.constant 0 : i32
        %dma_start3A_127 = tpu.memref_slice %arg2[%dma_start3A_125, %dma_start3A_126] : memref<10112x128xf32, #tpu.memory_space<hbm>> -> memref<10112x128xf32, #tpu.memory_space<hbm>>
        tpu.enqueue_indirect_dma source(%dma_start3A_127 : memref<10112x128xf32, #tpu.memory_space<hbm>>) target(%arg9 : memref<128x128xf32, #tpu.memory_space<vmem>>) offsets(%dma_start3A_124 : memref<128xi32, #tpu.memory_space<vmem>>) semaphore(%arg11 : memref<!tpu.dma_semaphore, #tpu.memory_space<semaphore_mem>>)
        %dma_wait3A_128 = arith.constant 0 : i32
        %dma_wait3A_129 = tpu.memref_slice %arg7[%mul3A_116, %dma_wait3A_128] : memref<32x128xi32, #tpu.memory_space<vmem>> -> memref<1x128xi32, #tpu.memory_space<vmem>>
        %dma_wait3A_130 = tpu.memref_squeeze %dma_wait3A_129 : memref<1x128xi32, #tpu.memory_space<vmem>> -> memref<128xi32, #tpu.memory_space<vmem>>
        %dma_wait3A_131 = arith.constant 0 : i32
        %dma_wait3A_132 = arith.constant 0 : i32
        %dma_wait3A_133 = tpu.memref_slice %arg2[%dma_wait3A_131, %dma_wait3A_132] : memref<10112x128xf32, #tpu.memory_space<hbm>> -> memref<10112x128xf32, #tpu.memory_space<hbm>>
        tpu.wait_indirect_dma semaphore(%arg11 : memref<!tpu.dma_semaphore, #tpu.memory_space<semaphore_mem>>) src(%dma_wait3A_133 : memref<10112x128xf32, #tpu.memory_space<hbm>>) dst(%arg9 : memref<128x128xf32, #tpu.memory_space<vmem>>)
        %dma_start3A_134 = arith.constant 0 : i32
        %dma_start3A_135 = tpu.memref_slice %arg8[%mul3A_116, %dma_start3A_134] : memref<32x128xi32, #tpu.memory_space<vmem>> -> memref<1x128xi32, #tpu.memory_space<vmem>>
        %dma_start3A_136 = tpu.memref_squeeze %dma_start3A_135 : memref<1x128xi32, #tpu.memory_space<vmem>> -> memref<128xi32, #tpu.memory_space<vmem>>
        %dma_start3A_137 = arith.constant 0 : i32
        %dma_start3A_138 = arith.constant 0 : i32
        %dma_start3A_139 = tpu.memref_slice %arg6[%dma_start3A_137, %dma_start3A_138] : memref<10112x128xf32, #tpu.memory_space<vmem_shared>> -> memref<10112x128xf32, #tpu.memory_space<vmem_shared>>
        tpu.enqueue_indirect_dma source(%arg9 : memref<128x128xf32, #tpu.memory_space<vmem>>) target(%dma_start3A_139 : memref<10112x128xf32, #tpu.memory_space<vmem_shared>>) offsets(%dma_start3A_136 : memref<128xi32, #tpu.memory_space<vmem>>) semaphore(%arg12 : memref<!tpu.dma_semaphore, #tpu.memory_space<semaphore_mem>>) {add = true}
        %lt3A = arith.cmpi slt, %add3A_118, %min3A_61 : i32
        %convert_element_type3A_140 = arith.extui %lt3A : i1 to i32
        %cond3A_141 = arith.constant 0 : i32
        %cond3A_142 = arith.cmpi ne, %convert_element_type3A_140, %cond3A_141 : i32
        scf.if %cond3A_142 {
          %gt3A_144 = arith.constant 0 : i32
          %gt3A_145 = arith.cmpi sgt, %while3A_113, %gt3A_144 : i32
          %convert_element_type3A_146 = arith.extui %gt3A_145 : i1 to i32
          %cond3A_147 = arith.constant 0 : i32
          %cond3A_148 = arith.cmpi ne, %convert_element_type3A_146, %cond3A_147 : i32
          scf.if %cond3A_148 {
            %sub3A_167 = arith.constant 2 : i32
            %sub3A_168 = arith.subi %add3A_118, %sub3A_167 : i32
            %dma_wait3A_169 = arith.constant 0 : i32
            %dma_wait3A_170 = tpu.memref_slice %arg8[%sub3A_168, %dma_wait3A_169] : memref<32x128xi32, #tpu.memory_space<vmem>> -> memref<1x128xi32, #tpu.memory_space<vmem>>
            %dma_wait3A_171 = tpu.memref_squeeze %dma_wait3A_170 : memref<1x128xi32, #tpu.memory_space<vmem>> -> memref<128xi32, #tpu.memory_space<vmem>>
            %dma_wait3A_172 = arith.constant 0 : i32
            %dma_wait3A_173 = arith.constant 0 : i32
            %dma_wait3A_174 = tpu.memref_slice %arg6[%dma_wait3A_172, %dma_wait3A_173] : memref<10112x128xf32, #tpu.memory_space<vmem_shared>> -> memref<10112x128xf32, #tpu.memory_space<vmem_shared>>
            tpu.wait_indirect_dma semaphore(%arg13 : memref<!tpu.dma_semaphore, #tpu.memory_space<semaphore_mem>>) src(%arg10 : memref<128x128xf32, #tpu.memory_space<vmem>>) dst(%dma_wait3A_174 : memref<10112x128xf32, #tpu.memory_space<vmem_shared>>)
          } else {
          }
          %dma_start3A_149 = arith.constant 0 : i32
          %dma_start3A_150 = tpu.memref_slice %arg7[%add3A_118, %dma_start3A_149] : memref<32x128xi32, #tpu.memory_space<vmem>> -> memref<1x128xi32, #tpu.memory_space<vmem>>
          %dma_start3A_151 = tpu.memref_squeeze %dma_start3A_150 : memref<1x128xi32, #tpu.memory_space<vmem>> -> memref<128xi32, #tpu.memory_space<vmem>>
          %dma_start3A_152 = arith.constant 0 : i32
          %dma_start3A_153 = arith.constant 0 : i32
          %dma_start3A_154 = tpu.memref_slice %arg2[%dma_start3A_152, %dma_start3A_153] : memref<10112x128xf32, #tpu.memory_space<hbm>> -> memref<10112x128xf32, #tpu.memory_space<hbm>>
          tpu.enqueue_indirect_dma source(%dma_start3A_154 : memref<10112x128xf32, #tpu.memory_space<hbm>>) target(%arg10 : memref<128x128xf32, #tpu.memory_space<vmem>>) offsets(%dma_start3A_151 : memref<128xi32, #tpu.memory_space<vmem>>) semaphore(%arg11 : memref<!tpu.dma_semaphore, #tpu.memory_space<semaphore_mem>>)
          %dma_wait3A_155 = arith.constant 0 : i32
          %dma_wait3A_156 = tpu.memref_slice %arg7[%add3A_118, %dma_wait3A_155] : memref<32x128xi32, #tpu.memory_space<vmem>> -> memref<1x128xi32, #tpu.memory_space<vmem>>
          %dma_wait3A_157 = tpu.memref_squeeze %dma_wait3A_156 : memref<1x128xi32, #tpu.memory_space<vmem>> -> memref<128xi32, #tpu.memory_space<vmem>>
          %dma_wait3A_158 = arith.constant 0 : i32
          %dma_wait3A_159 = arith.constant 0 : i32
          %dma_wait3A_160 = tpu.memref_slice %arg2[%dma_wait3A_158, %dma_wait3A_159] : memref<10112x128xf32, #tpu.memory_space<hbm>> -> memref<10112x128xf32, #tpu.memory_space<hbm>>
          tpu.wait_indirect_dma semaphore(%arg11 : memref<!tpu.dma_semaphore, #tpu.memory_space<semaphore_mem>>) src(%dma_wait3A_160 : memref<10112x128xf32, #tpu.memory_space<hbm>>) dst(%arg10 : memref<128x128xf32, #tpu.memory_space<vmem>>)
          %dma_start3A_161 = arith.constant 0 : i32
          %dma_start3A_162 = tpu.memref_slice %arg8[%add3A_118, %dma_start3A_161] : memref<32x128xi32, #tpu.memory_space<vmem>> -> memref<1x128xi32, #tpu.memory_space<vmem>>
          %dma_start3A_163 = tpu.memref_squeeze %dma_start3A_162 : memref<1x128xi32, #tpu.memory_space<vmem>> -> memref<128xi32, #tpu.memory_space<vmem>>
          %dma_start3A_164 = arith.constant 0 : i32
          %dma_start3A_165 = arith.constant 0 : i32
          %dma_start3A_166 = tpu.memref_slice %arg6[%dma_start3A_164, %dma_start3A_165] : memref<10112x128xf32, #tpu.memory_space<vmem_shared>> -> memref<10112x128xf32, #tpu.memory_space<vmem_shared>>
          tpu.enqueue_indirect_dma source(%arg10 : memref<128x128xf32, #tpu.memory_space<vmem>>) target(%dma_start3A_166 : memref<10112x128xf32, #tpu.memory_space<vmem_shared>>) offsets(%dma_start3A_163 : memref<128xi32, #tpu.memory_space<vmem>>) semaphore(%arg13 : memref<!tpu.dma_semaphore, #tpu.memory_space<semaphore_mem>>) {add = true}
        } else {
        }
        %while3A_143 = arith.constant 0 : i32
        scf.yield %while3A_143 : i32
      }
      %while3A_102 = arith.constant 1 : i32
      %while3A_103 = scf.for %while3A_113 = %while3A_99 to %while3A_95 step %while3A_102 iter_args(%while3A_114 = %while3A_101) -> (i32)  : i32 {
        %mul3A_115 = arith.constant 2 : i32
        %mul3A_116 = arith.muli %mul3A_115, %while3A_113 : i32
        %add3A_117 = arith.constant 1 : i32
        %add3A_118 = arith.addi %mul3A_116, %add3A_117 : i32
        %gt3A = arith.constant 0 : i32
        %gt3A_119 = arith.cmpi sgt, %while3A_113, %gt3A : i32
        %convert_element_type3A_120 = arith.extui %gt3A_119 : i1 to i32
        %cond3A_121 = arith.constant 0 : i32
        %cond3A_122 = arith.cmpi ne, %convert_element_type3A_120, %cond3A_121 : i32
        scf.if %cond3A_122 {
          %sub3A_144 = arith.constant 2 : i32
          %sub3A_145 = arith.subi %mul3A_116, %sub3A_144 : i32
          %dma_wait3A_146 = arith.constant 0 : i32
          %dma_wait3A_147 = tpu.memref_slice %arg8[%sub3A_145, %dma_wait3A_146] : memref<32x128xi32, #tpu.memory_space<vmem>> -> memref<1x128xi32, #tpu.memory_space<vmem>>
          %dma_wait3A_148 = tpu.memref_squeeze %dma_wait3A_147 : memref<1x128xi32, #tpu.memory_space<vmem>> -> memref<128xi32, #tpu.memory_space<vmem>>
          %dma_wait3A_149 = arith.constant 0 : i32
          %dma_wait3A_150 = arith.constant 0 : i32
          %dma_wait3A_151 = tpu.memref_slice %arg6[%dma_wait3A_149, %dma_wait3A_150] : memref<10112x128xf32, #tpu.memory_space<vmem_shared>> -> memref<10112x128xf32, #tpu.memory_space<vmem_shared>>
          tpu.wait_indirect_dma semaphore(%arg12 : memref<!tpu.dma_semaphore, #tpu.memory_space<semaphore_mem>>) src(%arg9 : memref<128x128xf32, #tpu.memory_space<vmem>>) dst(%dma_wait3A_151 : memref<10112x128xf32, #tpu.memory_space<vmem_shared>>)
        } else {
        }
        %dma_start3A = arith.constant 0 : i32
        %dma_start3A_123 = tpu.memref_slice %arg7[%mul3A_116, %dma_start3A] : memref<32x128xi32, #tpu.memory_space<vmem>> -> memref<1x128xi32, #tpu.memory_space<vmem>>
        %dma_start3A_124 = tpu.memref_squeeze %dma_start3A_123 : memref<1x128xi32, #tpu.memory_space<vmem>> -> memref<128xi32, #tpu.memory_space<vmem>>
        %dma_start3A_125 = arith.constant 0 : i32
        %dma_start3A_126 = arith.constant 0 : i32
        %dma_start3A_127 = tpu.memref_slice %arg2[%dma_start3A_125, %dma_start3A_126] : memref<10112x128xf32, #tpu.memory_space<hbm>> -> memref<10112x128xf32, #tpu.memory_space<hbm>>
        tpu.enqueue_indirect_dma source(%dma_start3A_127 : memref<10112x128xf32, #tpu.memory_space<hbm>>) target(%arg9 : memref<128x128xf32, #tpu.memory_space<vmem>>) offsets(%dma_start3A_124 : memref<128xi32, #tpu.memory_space<vmem>>) semaphore(%arg11 : memref<!tpu.dma_semaphore, #tpu.memory_space<semaphore_mem>>)
        %dma_wait3A_128 = arith.constant 0 : i32
        %dma_wait3A_129 = tpu.memref_slice %arg7[%mul3A_116, %dma_wait3A_128] : memref<32x128xi32, #tpu.memory_space<vmem>> -> memref<1x128xi32, #tpu.memory_space<vmem>>
        %dma_wait3A_130 = tpu.memref_squeeze %dma_wait3A_129 : memref<1x128xi32, #tpu.memory_space<vmem>> -> memref<128xi32, #tpu.memory_space<vmem>>
        %dma_wait3A_131 = arith.constant 0 : i32
        %dma_wait3A_132 = arith.constant 0 : i32
        %dma_wait3A_133 = tpu.memref_slice %arg2[%dma_wait3A_131, %dma_wait3A_132] : memref<10112x128xf32, #tpu.memory_space<hbm>> -> memref<10112x128xf32, #tpu.memory_space<hbm>>
        tpu.wait_indirect_dma semaphore(%arg11 : memref<!tpu.dma_semaphore, #tpu.memory_space<semaphore_mem>>) src(%dma_wait3A_133 : memref<10112x128xf32, #tpu.memory_space<hbm>>) dst(%arg9 : memref<128x128xf32, #tpu.memory_space<vmem>>)
        %dma_start3A_134 = arith.constant 0 : i32
        %dma_start3A_135 = tpu.memref_slice %arg8[%mul3A_116, %dma_start3A_134] : memref<32x128xi32, #tpu.memory_space<vmem>> -> memref<1x128xi32, #tpu.memory_space<vmem>>
        %dma_start3A_136 = tpu.memref_squeeze %dma_start3A_135 : memref<1x128xi32, #tpu.memory_space<vmem>> -> memref<128xi32, #tpu.memory_space<vmem>>
        %dma_start3A_137 = arith.constant 0 : i32
        %dma_start3A_138 = arith.constant 0 : i32
        %dma_start3A_139 = tpu.memref_slice %arg6[%dma_start3A_137, %dma_start3A_138] : memref<10112x128xf32, #tpu.memory_space<vmem_shared>> -> memref<10112x128xf32, #tpu.memory_space<vmem_shared>>
        tpu.enqueue_indirect_dma source(%arg9 : memref<128x128xf32, #tpu.memory_space<vmem>>) target(%dma_start3A_139 : memref<10112x128xf32, #tpu.memory_space<vmem_shared>>) offsets(%dma_start3A_136 : memref<128xi32, #tpu.memory_space<vmem>>) semaphore(%arg12 : memref<!tpu.dma_semaphore, #tpu.memory_space<semaphore_mem>>) {add = true}
        %lt3A = arith.cmpi slt, %add3A_118, %min3A_61 : i32
        %convert_element_type3A_140 = arith.extui %lt3A : i1 to i32
        %cond3A_141 = arith.constant 0 : i32
        %cond3A_142 = arith.cmpi ne, %convert_element_type3A_140, %cond3A_141 : i32
        scf.if %cond3A_142 {
          %gt3A_144 = arith.constant 0 : i32
          %gt3A_145 = arith.cmpi sgt, %while3A_113, %gt3A_144 : i32
          %convert_element_type3A_146 = arith.extui %gt3A_145 : i1 to i32
          %cond3A_147 = arith.constant 0 : i32
          %cond3A_148 = arith.cmpi ne, %convert_element_type3A_146, %cond3A_147 : i32
          scf.if %cond3A_148 {
            %sub3A_167 = arith.constant 2 : i32
            %sub3A_168 = arith.subi %add3A_118, %sub3A_167 : i32
            %dma_wait3A_169 = arith.constant 0 : i32
            %dma_wait3A_170 = tpu.memref_slice %arg8[%sub3A_168, %dma_wait3A_169] : memref<32x128xi32, #tpu.memory_space<vmem>> -> memref<1x128xi32, #tpu.memory_space<vmem>>
            %dma_wait3A_171 = tpu.memref_squeeze %dma_wait3A_170 : memref<1x128xi32, #tpu.memory_space<vmem>> -> memref<128xi32, #tpu.memory_space<vmem>>
            %dma_wait3A_172 = arith.constant 0 : i32
            %dma_wait3A_173 = arith.constant 0 : i32
            %dma_wait3A_174 = tpu.memref_slice %arg6[%dma_wait3A_172, %dma_wait3A_173] : memref<10112x128xf32, #tpu.memory_space<vmem_shared>> -> memref<10112x128xf32, #tpu.memory_space<vmem_shared>>
            tpu.wait_indirect_dma semaphore(%arg13 : memref<!tpu.dma_semaphore, #tpu.memory_space<semaphore_mem>>) src(%arg10 : memref<128x128xf32, #tpu.memory_space<vmem>>) dst(%dma_wait3A_174 : memref<10112x128xf32, #tpu.memory_space<vmem_shared>>)
          } else {
          }
          %dma_start3A_149 = arith.constant 0 : i32
          %dma_start3A_150 = tpu.memref_slice %arg7[%add3A_118, %dma_start3A_149] : memref<32x128xi32, #tpu.memory_space<vmem>> -> memref<1x128xi32, #tpu.memory_space<vmem>>
          %dma_start3A_151 = tpu.memref_squeeze %dma_start3A_150 : memref<1x128xi32, #tpu.memory_space<vmem>> -> memref<128xi32, #tpu.memory_space<vmem>>
          %dma_start3A_152 = arith.constant 0 : i32
          %dma_start3A_153 = arith.constant 0 : i32
          %dma_start3A_154 = tpu.memref_slice %arg2[%dma_start3A_152, %dma_start3A_153] : memref<10112x128xf32, #tpu.memory_space<hbm>> -> memref<10112x128xf32, #tpu.memory_space<hbm>>
          tpu.enqueue_indirect_dma source(%dma_start3A_154 : memref<10112x128xf32, #tpu.memory_space<hbm>>) target(%arg10 : memref<128x128xf32, #tpu.memory_space<vmem>>) offsets(%dma_start3A_151 : memref<128xi32, #tpu.memory_space<vmem>>) semaphore(%arg11 : memref<!tpu.dma_semaphore, #tpu.memory_space<semaphore_mem>>)
          %dma_wait3A_155 = arith.constant 0 : i32
          %dma_wait3A_156 = tpu.memref_slice %arg7[%add3A_118, %dma_wait3A_155] : memref<32x128xi32, #tpu.memory_space<vmem>> -> memref<1x128xi32, #tpu.memory_space<vmem>>
          %dma_wait3A_157 = tpu.memref_squeeze %dma_wait3A_156 : memref<1x128xi32, #tpu.memory_space<vmem>> -> memref<128xi32, #tpu.memory_space<vmem>>
          %dma_wait3A_158 = arith.constant 0 : i32
          %dma_wait3A_159 = arith.constant 0 : i32
          %dma_wait3A_160 = tpu.memref_slice %arg2[%dma_wait3A_158, %dma_wait3A_159] : memref<10112x128xf32, #tpu.memory_space<hbm>> -> memref<10112x128xf32, #tpu.memory_space<hbm>>
          tpu.wait_indirect_dma semaphore(%arg11 : memref<!tpu.dma_semaphore, #tpu.memory_space<semaphore_mem>>) src(%dma_wait3A_160 : memref<10112x128xf32, #tpu.memory_space<hbm>>) dst(%arg10 : memref<128x128xf32, #tpu.memory_space<vmem>>)
          %dma_start3A_161 = arith.constant 0 : i32
          %dma_start3A_162 = tpu.memref_slice %arg8[%add3A_118, %dma_start3A_161] : memref<32x128xi32, #tpu.memory_space<vmem>> -> memref<1x128xi32, #tpu.memory_space<vmem>>
          %dma_start3A_163 = tpu.memref_squeeze %dma_start3A_162 : memref<1x128xi32, #tpu.memory_space<vmem>> -> memref<128xi32, #tpu.memory_space<vmem>>
          %dma_start3A_164 = arith.constant 0 : i32
          %dma_start3A_165 = arith.constant 0 : i32
          %dma_start3A_166 = tpu.memref_slice %arg6[%dma_start3A_164, %dma_start3A_165] : memref<10112x128xf32, #tpu.memory_space<vmem_shared>> -> memref<10112x128xf32, #tpu.memory_space<vmem_shared>>
          tpu.enqueue_indirect_dma source(%arg10 : memref<128x128xf32, #tpu.memory_space<vmem>>) target(%dma_start3A_166 : memref<10112x128xf32, #tpu.memory_space<vmem_shared>>) offsets(%dma_start3A_163 : memref<128xi32, #tpu.memory_space<vmem>>) semaphore(%arg13 : memref<!tpu.dma_semaphore, #tpu.memory_space<semaphore_mem>>) {add = true}
        } else {
        }
        %while3A_143 = arith.constant 0 : i32
        scf.yield %while3A_143 : i32
      }
      %dma_wait3A = arith.constant 0 : i32
      %dma_wait3A_104 = arith.constant 0 : i32
      %dma_wait3A_105 = tpu.memref_slice %arg8[%dma_wait3A, %dma_wait3A_104] : memref<32x128xi32, #tpu.memory_space<vmem>> -> memref<1x128xi32, #tpu.memory_space<vmem>>
      %dma_wait3A_106 = tpu.memref_squeeze %dma_wait3A_105 : memref<1x128xi32, #tpu.memory_space<vmem>> -> memref<128xi32, #tpu.memory_space<vmem>>
      %dma_wait3A_107 = arith.constant 0 : i32
      %dma_wait3A_108 = arith.constant 0 : i32
      %dma_wait3A_109 = tpu.memref_slice %arg6[%dma_wait3A_107, %dma_wait3A_108] : memref<10112x128xf32, #tpu.memory_space<vmem_shared>> -> memref<10112x128xf32, #tpu.memory_space<vmem_shared>>
      tpu.wait_indirect_dma semaphore(%arg12 : memref<!tpu.dma_semaphore, #tpu.memory_space<semaphore_mem>>) src(%arg9 : memref<128x128xf32, #tpu.memory_space<vmem>>) dst(%dma_wait3A_109 : memref<10112x128xf32, #tpu.memory_space<vmem_shared>>)
      %ge3A = arith.constant 2 : i32
      %ge3A_110 = arith.cmpi sge, %min3A_61, %ge3A : i32
      %convert_element_type3A = arith.extui %ge3A_110 : i1 to i32
      %cond3A = arith.constant 0 : i32
      %cond3A_111 = arith.cmpi ne, %convert_element_type3A, %cond3A : i32
      scf.if %cond3A_111 {
        %dma_wait3A_113 = arith.constant 0 : i32
        %dma_wait3A_114 = arith.constant 0 : i32
        %dma_wait3A_115 = tpu.memref_slice %arg8[%dma_wait3A_113, %dma_wait3A_114] : memref<32x128xi32, #tpu.memory_space<vmem>> -> memref<1x128xi32, #tpu.memory_space<vmem>>
        %dma_wait3A_116 = tpu.memref_squeeze %dma_wait3A_115 : memref<1x128xi32, #tpu.memory_space<vmem>> -> memref<128xi32, #tpu.memory_space<vmem>>
        %dma_wait3A_117 = arith.constant 0 : i32
        %dma_wait3A_118 = arith.constant 0 : i32
        %dma_wait3A_119 = tpu.memref_slice %arg6[%dma_wait3A_117, %dma_wait3A_118] : memref<10112x128xf32, #tpu.memory_space<vmem_shared>> -> memref<10112x128xf32, #tpu.memory_space<vmem_shared>>
        tpu.wait_indirect_dma semaphore(%arg13 : memref<!tpu.dma_semaphore, #tpu.memory_space<semaphore_mem>>) src(%arg10 : memref<128x128xf32, #tpu.memory_space<vmem>>) dst(%dma_wait3A_119 : memref<10112x128xf32, #tpu.memory_space<vmem_shared>>)
      } else {
      }
      %while3A_112 = arith.constant 0 : i32
      scf.yield %while3A_112 : i32
    }
    %barrier3A_55 = arith.constant 0 : index
    tpu.barrier barrier_id(%barrier3A_55)
    "tpu.region"() ({
      %run_scoped3A = tpu.sem_alloc : memref<!tpu.dma_semaphore, #tpu.memory_space<semaphore_mem>>
      %dma_start3A = arith.constant 0 : i32
      %dma_start3A_56 = arith.constant 0 : i32
      %dma_start3A_57 = tpu.memref_slice %arg5[%arg0, %dma_start3A, %dma_start3A_56] : memref<2x10112x128xf32, #tpu.memory_space<hbm>> -> memref<1x10112x128xf32, #tpu.memory_space<hbm>>
      %dma_start3A_58 = tpu.memref_squeeze %dma_start3A_57 : memref<1x10112x128xf32, #tpu.memory_space<hbm>> -> memref<10112x128xf32, #tpu.memory_space<hbm>>
      %dma_start3A_59 = arith.constant 0 : i32
      %dma_start3A_60 = tpu.memref_slice %dma_start3A_58[%mul3A_11, %dma_start3A_59] : memref<10112x128xf32, #tpu.memory_space<hbm>> -> memref<632x128xf32, #tpu.memory_space<hbm>>
      %dma_start3A_61 = arith.constant 0 : i32
      %dma_start3A_62 = tpu.memref_slice %arg6[%mul3A_11, %dma_start3A_61] : memref<10112x128xf32, #tpu.memory_space<vmem_shared>> -> memref<632x128xf32, #tpu.memory_space<vmem_shared>>
      tpu.enqueue_dma source(%dma_start3A_62 : memref<632x128xf32, #tpu.memory_space<vmem_shared>>) target(%dma_start3A_60 : memref<632x128xf32, #tpu.memory_space<hbm>>) target_semaphore(%run_scoped3A : memref<!tpu.dma_semaphore, #tpu.memory_space<semaphore_mem>>)
      %dma_wait3A = arith.constant 0 : i32
      %dma_wait3A_63 = arith.constant 0 : i32
      %dma_wait3A_64 = tpu.memref_slice %arg5[%arg0, %dma_wait3A, %dma_wait3A_63] : memref<2x10112x128xf32, #tpu.memory_space<hbm>> -> memref<1x10112x128xf32, #tpu.memory_space<hbm>>
      %dma_wait3A_65 = tpu.memref_squeeze %dma_wait3A_64 : memref<1x10112x128xf32, #tpu.memory_space<hbm>> -> memref<10112x128xf32, #tpu.memory_space<hbm>>
      %dma_wait3A_66 = arith.constant 0 : i32
      %dma_wait3A_67 = tpu.memref_slice %dma_wait3A_65[%mul3A_11, %dma_wait3A_66] : memref<10112x128xf32, #tpu.memory_space<hbm>> -> memref<632x128xf32, #tpu.memory_space<hbm>>
      %dma_wait3A_68 = arith.constant 0 : i32
      %dma_wait3A_69 = tpu.memref_slice %arg6[%mul3A_11, %dma_wait3A_68] : memref<10112x128xf32, #tpu.memory_space<vmem_shared>> -> memref<632x128xf32, #tpu.memory_space<vmem_shared>>
      tpu.wait_dma2 semaphore(%run_scoped3A : memref<!tpu.dma_semaphore, #tpu.memory_space<semaphore_mem>>) src(%dma_wait3A_69 : memref<632x128xf32, #tpu.memory_space<vmem_shared>>) dst(%dma_wait3A_67 : memref<632x128xf32, #tpu.memory_space<hbm>>)
      tpu.yield
    }) : () -> ()
    return
  }
}

#map = affine_map<(d0, d1) -> (0, 0)>
#map1 = affine_map<(d0, d1) -> (0, 0, 0)>
module attributes {stable_mosaic.version = 14 : i64} {
  func.func @_sc_prop(%arg0: i32, %arg1: i32, %arg2: memref<10112x128xf32, #tpu.memory_space<hbm>>, %arg3: memref<32x96x128xi32, #tpu.memory_space<hbm>>, %arg4: memref<32x96x128xi32, #tpu.memory_space<hbm>>, %arg5: memref<2x10112x128xf32, #tpu.memory_space<hbm>>, %arg6: memref<10112x128xf32, #tpu.memory_space<vmem_shared>>, %arg7: memref<32x128xi32, #tpu.memory_space<vmem>>, %arg8: memref<32x128xi32, #tpu.memory_space<vmem>>, %arg9: memref<128x128xf32, #tpu.memory_space<vmem>>, %arg10: memref<128x128xf32, #tpu.memory_space<vmem>>, %arg11: memref<!tpu.dma_semaphore, #tpu.memory_space<semaphore_mem>>, %arg12: memref<!tpu.dma_semaphore, #tpu.memory_space<semaphore_mem>>, %arg13: memref<!tpu.dma_semaphore, #tpu.memory_space<semaphore_mem>>) attributes {dimension_semantics = [#tpu.dimension_semantics<core_parallel>, #tpu.dimension_semantics<subcore_parallel>], iteration_bounds = array<i64: 2, 16>, scalar_prefetch = 0 : i64, scratch_operands = 8 : i64, tpu.core_type = #tpu.core_type<sc_vector_subcore>, window_params = [{transform_indices = #map}, {transform_indices = #map1}, {transform_indices = #map1}, {transform_indices = #map1}]} {
    %mul3A = arith.constant 16 : i32
    %mul3A_0 = arith.muli %arg0, %mul3A : i32
    %add3A = arith.addi %mul3A_0, %arg1 : i32
    %eq3A = arith.constant 0 : i32
    %eq3A_1 = arith.cmpi eq, %arg0, %eq3A : i32
    %jit3A = arith.constant 79 : i32
    %jit3A_2 = arith.constant 78 : i32
    %select_n3A = arith.select %eq3A_1, %jit3A, %jit3A_2 : i32
    %broadcast_in_dim3A = arith.constant 0.000000e+00 : f32
    %broadcast_in_dim3A_3 = vector.broadcast %broadcast_in_dim3A : f32 to vector<16xf32>
    %scan3A = arith.constant 0 : i32
    %scan3A_4 = arith.constant 0 : i32
    %scan3A_5 = arith.constant 128 : i32
    %scan3A_6 = arith.addi %scan3A_4, %scan3A_5 : i32
    %scan3A_7 = arith.constant 1 : i32
    %scan3A_8 = scf.for %scan3A_56 = %scan3A_4 to %scan3A_6 step %scan3A_7 iter_args(%scan3A_57 = %scan3A) -> (i32)  : i32 {
      %swap3A = arith.index_cast %scan3A_56 : i32 to index
      %swap3A_58 = arith.constant 0 : index
      %swap3A_59 = tpu.vector_load %arg9[%swap3A, %swap3A_58] {strides = array<i32>} : memref<128x128xf32, #tpu.memory_space<vmem>>, vector<1x16xf32>,
      %swap3A_60 = vector.shape_cast %swap3A_59 : vector<1x16xf32> to vector<16xf32>
      %swap3A_61 = vector.shape_cast %broadcast_in_dim3A_3 : vector<16xf32> to vector<1x16xf32>
      tpu.vector_store %arg9[%swap3A, %swap3A_58], %swap3A_61 {strides = array<i32>} : memref<128x128xf32, #tpu.memory_space<vmem>>, vector<1x16xf32>,
      %swap3A_62 = arith.index_cast %scan3A_56 : i32 to index
      %swap3A_63 = arith.constant 16 : index
      %swap3A_64 = tpu.vector_load %arg9[%swap3A_62, %swap3A_63] {strides = array<i32>} : memref<128x128xf32, #tpu.memory_space<vmem>>, vector<1x16xf32>,
      %swap3A_65 = vector.shape_cast %swap3A_64 : vector<1x16xf32> to vector<16xf32>
      %swap3A_66 = vector.shape_cast %broadcast_in_dim3A_3 : vector<16xf32> to vector<1x16xf32>
      tpu.vector_store %arg9[%swap3A_62, %swap3A_63], %swap3A_66 {strides = array<i32>} : memref<128x128xf32, #tpu.memory_space<vmem>>, vector<1x16xf32>,
      %swap3A_67 = arith.index_cast %scan3A_56 : i32 to index
      %swap3A_68 = arith.constant 32 : index
      %swap3A_69 = tpu.vector_load %arg9[%swap3A_67, %swap3A_68] {strides = array<i32>} : memref<128x128xf32, #tpu.memory_space<vmem>>, vector<1x16xf32>,
      %swap3A_70 = vector.shape_cast %swap3A_69 : vector<1x16xf32> to vector<16xf32>
      %swap3A_71 = vector.shape_cast %broadcast_in_dim3A_3 : vector<16xf32> to vector<1x16xf32>
      tpu.vector_store %arg9[%swap3A_67, %swap3A_68], %swap3A_71 {strides = array<i32>} : memref<128x128xf32, #tpu.memory_space<vmem>>, vector<1x16xf32>,
      %swap3A_72 = arith.index_cast %scan3A_56 : i32 to index
      %swap3A_73 = arith.constant 48 : index
      %swap3A_74 = tpu.vector_load %arg9[%swap3A_72, %swap3A_73] {strides = array<i32>} : memref<128x128xf32, #tpu.memory_space<vmem>>, vector<1x16xf32>,
      %swap3A_75 = vector.shape_cast %swap3A_74 : vector<1x16xf32> to vector<16xf32>
      %swap3A_76 = vector.shape_cast %broadcast_in_dim3A_3 : vector<16xf32> to vector<1x16xf32>
      tpu.vector_store %arg9[%swap3A_72, %swap3A_73], %swap3A_76 {strides = array<i32>} : memref<128x128xf32, #tpu.memory_space<vmem>>, vector<1x16xf32>,
      %swap3A_77 = arith.index_cast %scan3A_56 : i32 to index
      %swap3A_78 = arith.constant 64 : index
      %swap3A_79 = tpu.vector_load %arg9[%swap3A_77, %swap3A_78] {strides = array<i32>} : memref<128x128xf32, #tpu.memory_space<vmem>>, vector<1x16xf32>,
      %swap3A_80 = vector.shape_cast %swap3A_79 : vector<1x16xf32> to vector<16xf32>
      %swap3A_81 = vector.shape_cast %broadcast_in_dim3A_3 : vector<16xf32> to vector<1x16xf32>
      tpu.vector_store %arg9[%swap3A_77, %swap3A_78], %swap3A_81 {strides = array<i32>} : memref<128x128xf32, #tpu.memory_space<vmem>>, vector<1x16xf32>,
      %swap3A_82 = arith.index_cast %scan3A_56 : i32 to index
      %swap3A_83 = arith.constant 80 : index
      %swap3A_84 = tpu.vector_load %arg9[%swap3A_82, %swap3A_83] {strides = array<i32>} : memref<128x128xf32, #tpu.memory_space<vmem>>, vector<1x16xf32>,
      %swap3A_85 = vector.shape_cast %swap3A_84 : vector<1x16xf32> to vector<16xf32>
      %swap3A_86 = vector.shape_cast %broadcast_in_dim3A_3 : vector<16xf32> to vector<1x16xf32>
      tpu.vector_store %arg9[%swap3A_82, %swap3A_83], %swap3A_86 {strides = array<i32>} : memref<128x128xf32, #tpu.memory_space<vmem>>, vector<1x16xf32>,
      %swap3A_87 = arith.index_cast %scan3A_56 : i32 to index
      %swap3A_88 = arith.constant 96 : index
      %swap3A_89 = tpu.vector_load %arg9[%swap3A_87, %swap3A_88] {strides = array<i32>} : memref<128x128xf32, #tpu.memory_space<vmem>>, vector<1x16xf32>,
      %swap3A_90 = vector.shape_cast %swap3A_89 : vector<1x16xf32> to vector<16xf32>
      %swap3A_91 = vector.shape_cast %broadcast_in_dim3A_3 : vector<16xf32> to vector<1x16xf32>
      tpu.vector_store %arg9[%swap3A_87, %swap3A_88], %swap3A_91 {strides = array<i32>} : memref<128x128xf32, #tpu.memory_space<vmem>>, vector<1x16xf32>,
      %swap3A_92 = arith.index_cast %scan3A_56 : i32 to index
      %swap3A_93 = arith.constant 112 : index
      %swap3A_94 = tpu.vector_load %arg9[%swap3A_92, %swap3A_93] {strides = array<i32>} : memref<128x128xf32, #tpu.memory_space<vmem>>, vector<1x16xf32>,
      %swap3A_95 = vector.shape_cast %swap3A_94 : vector<1x16xf32> to vector<16xf32>
      %swap3A_96 = vector.shape_cast %broadcast_in_dim3A_3 : vector<16xf32> to vector<1x16xf32>
      tpu.vector_store %arg9[%swap3A_92, %swap3A_93], %swap3A_96 {strides = array<i32>} : memref<128x128xf32, #tpu.memory_space<vmem>>, vector<1x16xf32>,
      %scan3A_97 = arith.constant 0 : i32
      scf.yield %scan3A_97 : i32
    }
    %scan3A_9 = arith.constant 128 : i32
    %mul3A_10 = arith.constant 632 : i32
    %mul3A_11 = arith.muli %arg1, %mul3A_10 : i32
    %add3A_12 = arith.constant 0 : i32
    %add3A_13 = arith.addi %mul3A_11, %add3A_12 : i32
    "tpu.region"() ({
      %run_scoped3A = tpu.sem_alloc : memref<!tpu.dma_semaphore, #tpu.memory_space<semaphore_mem>>
      %dma_start3A = arith.constant 0 : i32
      %dma_start3A_56 = arith.constant 0 : i32
      %dma_start3A_57 = tpu.memref_slice %arg9[%dma_start3A, %dma_start3A_56] : memref<128x128xf32, #tpu.memory_space<vmem>> -> memref<128x128xf32, #tpu.memory_space<vmem>>
      %dma_start3A_58 = arith.constant 0 : i32
      %dma_start3A_59 = tpu.memref_slice %arg6[%add3A_13, %dma_start3A_58] : memref<10112x128xf32, #tpu.memory_space<vmem_shared>> -> memref<128x128xf32, #tpu.memory_space<vmem_shared>>
      %dma_start3A_60 = arith.constant 0 : i32
      %dma_start3A_61 = tpu.memref_slice %arg6[%add3A_13, %dma_start3A_60] : memref<10112x128xf32, #tpu.memory_space<vmem_shared>> -> memref<128x128xf32, #tpu.memory_space<vmem_shared>>
      %dma_start3A_62 = arith.constant 0 : i32
      %dma_start3A_63 = arith.constant 0 : i32
      %dma_start3A_64 = tpu.memref_slice %arg9[%dma_start3A_62, %dma_start3A_63] : memref<128x128xf32, #tpu.memory_space<vmem>> -> memref<128x128xf32, #tpu.memory_space<vmem>>
      tpu.enqueue_dma source(%dma_start3A_64 : memref<128x128xf32, #tpu.memory_space<vmem>>) target(%dma_start3A_61 : memref<128x128xf32, #tpu.memory_space<vmem_shared>>) target_semaphore(%run_scoped3A : memref<!tpu.dma_semaphore, #tpu.memory_space<semaphore_mem>>)
      %dma_wait3A = arith.constant 0 : i32
      %dma_wait3A_65 = arith.constant 0 : i32
      %dma_wait3A_66 = tpu.memref_slice %arg9[%dma_wait3A, %dma_wait3A_65] : memref<128x128xf32, #tpu.memory_space<vmem>> -> memref<128x128xf32, #tpu.memory_space<vmem>>
      %dma_wait3A_67 = arith.constant 0 : i32
      %dma_wait3A_68 = tpu.memref_slice %arg6[%add3A_13, %dma_wait3A_67] : memref<10112x128xf32, #tpu.memory_space<vmem_shared>> -> memref<128x128xf32, #tpu.memory_space<vmem_shared>>
      %dma_wait3A_69 = arith.constant 0 : i32
      %dma_wait3A_70 = tpu.memref_slice %arg6[%add3A_13, %dma_wait3A_69] : memref<10112x128xf32, #tpu.memory_space<vmem_shared>> -> memref<128x128xf32, #tpu.memory_space<vmem_shared>>
      %dma_wait3A_71 = arith.constant 0 : i32
      %dma_wait3A_72 = arith.constant 0 : i32
      %dma_wait3A_73 = tpu.memref_slice %arg9[%dma_wait3A_71, %dma_wait3A_72] : memref<128x128xf32, #tpu.memory_space<vmem>> -> memref<128x128xf32, #tpu.memory_space<vmem>>
      tpu.wait_dma2 semaphore(%run_scoped3A : memref<!tpu.dma_semaphore, #tpu.memory_space<semaphore_mem>>) src(%dma_wait3A_73 : memref<128x128xf32, #tpu.memory_space<vmem>>) dst(%dma_wait3A_70 : memref<128x128xf32, #tpu.memory_space<vmem_shared>>)
      tpu.yield
    }) : () -> ()
    %add3A_14 = arith.constant 128 : i32
    %add3A_15 = arith.addi %mul3A_11, %add3A_14 : i32
    "tpu.region"() ({
      %run_scoped3A = tpu.sem_alloc : memref<!tpu.dma_semaphore, #tpu.memory_space<semaphore_mem>>
      %dma_start3A = arith.constant 0 : i32
      %dma_start3A_56 = arith.constant 0 : i32
      %dma_start3A_57 = tpu.memref_slice %arg9[%dma_start3A, %dma_start3A_56] : memref<128x128xf32, #tpu.memory_space<vmem>> -> memref<128x128xf32, #tpu.memory_space<vmem>>
      %dma_start3A_58 = arith.constant 0 : i32
      %dma_start3A_59 = tpu.memref_slice %arg6[%add3A_15, %dma_start3A_58] : memref<10112x128xf32, #tpu.memory_space<vmem_shared>> -> memref<128x128xf32, #tpu.memory_space<vmem_shared>>
      %dma_start3A_60 = arith.constant 0 : i32
      %dma_start3A_61 = tpu.memref_slice %arg6[%add3A_15, %dma_start3A_60] : memref<10112x128xf32, #tpu.memory_space<vmem_shared>> -> memref<128x128xf32, #tpu.memory_space<vmem_shared>>
      %dma_start3A_62 = arith.constant 0 : i32
      %dma_start3A_63 = arith.constant 0 : i32
      %dma_start3A_64 = tpu.memref_slice %arg9[%dma_start3A_62, %dma_start3A_63] : memref<128x128xf32, #tpu.memory_space<vmem>> -> memref<128x128xf32, #tpu.memory_space<vmem>>
      tpu.enqueue_dma source(%dma_start3A_64 : memref<128x128xf32, #tpu.memory_space<vmem>>) target(%dma_start3A_61 : memref<128x128xf32, #tpu.memory_space<vmem_shared>>) target_semaphore(%run_scoped3A : memref<!tpu.dma_semaphore, #tpu.memory_space<semaphore_mem>>)
      %dma_wait3A = arith.constant 0 : i32
      %dma_wait3A_65 = arith.constant 0 : i32
      %dma_wait3A_66 = tpu.memref_slice %arg9[%dma_wait3A, %dma_wait3A_65] : memref<128x128xf32, #tpu.memory_space<vmem>> -> memref<128x128xf32, #tpu.memory_space<vmem>>
      %dma_wait3A_67 = arith.constant 0 : i32
      %dma_wait3A_68 = tpu.memref_slice %arg6[%add3A_15, %dma_wait3A_67] : memref<10112x128xf32, #tpu.memory_space<vmem_shared>> -> memref<128x128xf32, #tpu.memory_space<vmem_shared>>
      %dma_wait3A_69 = arith.constant 0 : i32
      %dma_wait3A_70 = tpu.memref_slice %arg6[%add3A_15, %dma_wait3A_69] : memref<10112x128xf32, #tpu.memory_space<vmem_shared>> -> memref<128x128xf32, #tpu.memory_space<vmem_shared>>
      %dma_wait3A_71 = arith.constant 0 : i32
      %dma_wait3A_72 = arith.constant 0 : i32
      %dma_wait3A_73 = tpu.memref_slice %arg9[%dma_wait3A_71, %dma_wait3A_72] : memref<128x128xf32, #tpu.memory_space<vmem>> -> memref<128x128xf32, #tpu.memory_space<vmem>>
      tpu.wait_dma2 semaphore(%run_scoped3A : memref<!tpu.dma_semaphore, #tpu.memory_space<semaphore_mem>>) src(%dma_wait3A_73 : memref<128x128xf32, #tpu.memory_space<vmem>>) dst(%dma_wait3A_70 : memref<128x128xf32, #tpu.memory_space<vmem_shared>>)
      tpu.yield
    }) : () -> ()
    %add3A_16 = arith.constant 256 : i32
    %add3A_17 = arith.addi %mul3A_11, %add3A_16 : i32
    "tpu.region"() ({
      %run_scoped3A = tpu.sem_alloc : memref<!tpu.dma_semaphore, #tpu.memory_space<semaphore_mem>>
      %dma_start3A = arith.constant 0 : i32
      %dma_start3A_56 = arith.constant 0 : i32
      %dma_start3A_57 = tpu.memref_slice %arg9[%dma_start3A, %dma_start3A_56] : memref<128x128xf32, #tpu.memory_space<vmem>> -> memref<128x128xf32, #tpu.memory_space<vmem>>
      %dma_start3A_58 = arith.constant 0 : i32
      %dma_start3A_59 = tpu.memref_slice %arg6[%add3A_17, %dma_start3A_58] : memref<10112x128xf32, #tpu.memory_space<vmem_shared>> -> memref<128x128xf32, #tpu.memory_space<vmem_shared>>
      %dma_start3A_60 = arith.constant 0 : i32
      %dma_start3A_61 = tpu.memref_slice %arg6[%add3A_17, %dma_start3A_60] : memref<10112x128xf32, #tpu.memory_space<vmem_shared>> -> memref<128x128xf32, #tpu.memory_space<vmem_shared>>
      %dma_start3A_62 = arith.constant 0 : i32
      %dma_start3A_63 = arith.constant 0 : i32
      %dma_start3A_64 = tpu.memref_slice %arg9[%dma_start3A_62, %dma_start3A_63] : memref<128x128xf32, #tpu.memory_space<vmem>> -> memref<128x128xf32, #tpu.memory_space<vmem>>
      tpu.enqueue_dma source(%dma_start3A_64 : memref<128x128xf32, #tpu.memory_space<vmem>>) target(%dma_start3A_61 : memref<128x128xf32, #tpu.memory_space<vmem_shared>>) target_semaphore(%run_scoped3A : memref<!tpu.dma_semaphore, #tpu.memory_space<semaphore_mem>>)
      %dma_wait3A = arith.constant 0 : i32
      %dma_wait3A_65 = arith.constant 0 : i32
      %dma_wait3A_66 = tpu.memref_slice %arg9[%dma_wait3A, %dma_wait3A_65] : memref<128x128xf32, #tpu.memory_space<vmem>> -> memref<128x128xf32, #tpu.memory_space<vmem>>
      %dma_wait3A_67 = arith.constant 0 : i32
      %dma_wait3A_68 = tpu.memref_slice %arg6[%add3A_17, %dma_wait3A_67] : memref<10112x128xf32, #tpu.memory_space<vmem_shared>> -> memref<128x128xf32, #tpu.memory_space<vmem_shared>>
      %dma_wait3A_69 = arith.constant 0 : i32
      %dma_wait3A_70 = tpu.memref_slice %arg6[%add3A_17, %dma_wait3A_69] : memref<10112x128xf32, #tpu.memory_space<vmem_shared>> -> memref<128x128xf32, #tpu.memory_space<vmem_shared>>
      %dma_wait3A_71 = arith.constant 0 : i32
      %dma_wait3A_72 = arith.constant 0 : i32
      %dma_wait3A_73 = tpu.memref_slice %arg9[%dma_wait3A_71, %dma_wait3A_72] : memref<128x128xf32, #tpu.memory_space<vmem>> -> memref<128x128xf32, #tpu.memory_space<vmem>>
      tpu.wait_dma2 semaphore(%run_scoped3A : memref<!tpu.dma_semaphore, #tpu.memory_space<semaphore_mem>>) src(%dma_wait3A_73 : memref<128x128xf32, #tpu.memory_space<vmem>>) dst(%dma_wait3A_70 : memref<128x128xf32, #tpu.memory_space<vmem_shared>>)
      tpu.yield
    }) : () -> ()
    %add3A_18 = arith.constant 384 : i32
    %add3A_19 = arith.addi %mul3A_11, %add3A_18 : i32
    "tpu.region"() ({
      %run_scoped3A = tpu.sem_alloc : memref<!tpu.dma_semaphore, #tpu.memory_space<semaphore_mem>>
      %dma_start3A = arith.constant 0 : i32
      %dma_start3A_56 = arith.constant 0 : i32
      %dma_start3A_57 = tpu.memref_slice %arg9[%dma_start3A, %dma_start3A_56] : memref<128x128xf32, #tpu.memory_space<vmem>> -> memref<128x128xf32, #tpu.memory_space<vmem>>
      %dma_start3A_58 = arith.constant 0 : i32
      %dma_start3A_59 = tpu.memref_slice %arg6[%add3A_19, %dma_start3A_58] : memref<10112x128xf32, #tpu.memory_space<vmem_shared>> -> memref<128x128xf32, #tpu.memory_space<vmem_shared>>
      %dma_start3A_60 = arith.constant 0 : i32
      %dma_start3A_61 = tpu.memref_slice %arg6[%add3A_19, %dma_start3A_60] : memref<10112x128xf32, #tpu.memory_space<vmem_shared>> -> memref<128x128xf32, #tpu.memory_space<vmem_shared>>
      %dma_start3A_62 = arith.constant 0 : i32
      %dma_start3A_63 = arith.constant 0 : i32
      %dma_start3A_64 = tpu.memref_slice %arg9[%dma_start3A_62, %dma_start3A_63] : memref<128x128xf32, #tpu.memory_space<vmem>> -> memref<128x128xf32, #tpu.memory_space<vmem>>
      tpu.enqueue_dma source(%dma_start3A_64 : memref<128x128xf32, #tpu.memory_space<vmem>>) target(%dma_start3A_61 : memref<128x128xf32, #tpu.memory_space<vmem_shared>>) target_semaphore(%run_scoped3A : memref<!tpu.dma_semaphore, #tpu.memory_space<semaphore_mem>>)
      %dma_wait3A = arith.constant 0 : i32
      %dma_wait3A_65 = arith.constant 0 : i32
      %dma_wait3A_66 = tpu.memref_slice %arg9[%dma_wait3A, %dma_wait3A_65] : memref<128x128xf32, #tpu.memory_space<vmem>> -> memref<128x128xf32, #tpu.memory_space<vmem>>
      %dma_wait3A_67 = arith.constant 0 : i32
      %dma_wait3A_68 = tpu.memref_slice %arg6[%add3A_19, %dma_wait3A_67] : memref<10112x128xf32, #tpu.memory_space<vmem_shared>> -> memref<128x128xf32, #tpu.memory_space<vmem_shared>>
      %dma_wait3A_69 = arith.constant 0 : i32
      %dma_wait3A_70 = tpu.memref_slice %arg6[%add3A_19, %dma_wait3A_69] : memref<10112x128xf32, #tpu.memory_space<vmem_shared>> -> memref<128x128xf32, #tpu.memory_space<vmem_shared>>
      %dma_wait3A_71 = arith.constant 0 : i32
      %dma_wait3A_72 = arith.constant 0 : i32
      %dma_wait3A_73 = tpu.memref_slice %arg9[%dma_wait3A_71, %dma_wait3A_72] : memref<128x128xf32, #tpu.memory_space<vmem>> -> memref<128x128xf32, #tpu.memory_space<vmem>>
      tpu.wait_dma2 semaphore(%run_scoped3A : memref<!tpu.dma_semaphore, #tpu.memory_space<semaphore_mem>>) src(%dma_wait3A_73 : memref<128x128xf32, #tpu.memory_space<vmem>>) dst(%dma_wait3A_70 : memref<128x128xf32, #tpu.memory_space<vmem_shared>>)
      tpu.yield
    }) : () -> ()
    %add3A_20 = arith.constant 512 : i32
    %add3A_21 = arith.addi %mul3A_11, %add3A_20 : i32
    "tpu.region"() ({
      %run_scoped3A = tpu.sem_alloc : memref<!tpu.dma_semaphore, #tpu.memory_space<semaphore_mem>>
      %dma_start3A = arith.constant 0 : i32
      %dma_start3A_56 = arith.constant 0 : i32
      %dma_start3A_57 = tpu.memref_slice %arg9[%dma_start3A, %dma_start3A_56] : memref<128x128xf32, #tpu.memory_space<vmem>> -> memref<120x128xf32, #tpu.memory_space<vmem>>
      %dma_start3A_58 = arith.constant 0 : i32
      %dma_start3A_59 = tpu.memref_slice %arg6[%add3A_21, %dma_start3A_58] : memref<10112x128xf32, #tpu.memory_space<vmem_shared>> -> memref<120x128xf32, #tpu.memory_space<vmem_shared>>
      %dma_start3A_60 = arith.constant 0 : i32
      %dma_start3A_61 = tpu.memref_slice %arg6[%add3A_21, %dma_start3A_60] : memref<10112x128xf32, #tpu.memory_space<vmem_shared>> -> memref<120x128xf32, #tpu.memory_space<vmem_shared>>
      %dma_start3A_62 = arith.constant 0 : i32
      %dma_start3A_63 = arith.constant 0 : i32
      %dma_start3A_64 = tpu.memref_slice %arg9[%dma_start3A_62, %dma_start3A_63] : memref<128x128xf32, #tpu.memory_space<vmem>> -> memref<120x128xf32, #tpu.memory_space<vmem>>
      tpu.enqueue_dma source(%dma_start3A_64 : memref<120x128xf32, #tpu.memory_space<vmem>>) target(%dma_start3A_61 : memref<120x128xf32, #tpu.memory_space<vmem_shared>>) target_semaphore(%run_scoped3A : memref<!tpu.dma_semaphore, #tpu.memory_space<semaphore_mem>>)
      %dma_wait3A = arith.constant 0 : i32
      %dma_wait3A_65 = arith.constant 0 : i32
      %dma_wait3A_66 = tpu.memref_slice %arg9[%dma_wait3A, %dma_wait3A_65] : memref<128x128xf32, #tpu.memory_space<vmem>> -> memref<120x128xf32, #tpu.memory_space<vmem>>
      %dma_wait3A_67 = arith.constant 0 : i32
      %dma_wait3A_68 = tpu.memref_slice %arg6[%add3A_21, %dma_wait3A_67] : memref<10112x128xf32, #tpu.memory_space<vmem_shared>> -> memref<120x128xf32, #tpu.memory_space<vmem_shared>>
      %dma_wait3A_69 = arith.constant 0 : i32
      %dma_wait3A_70 = tpu.memref_slice %arg6[%add3A_21, %dma_wait3A_69] : memref<10112x128xf32, #tpu.memory_space<vmem_shared>> -> memref<120x128xf32, #tpu.memory_space<vmem_shared>>
      %dma_wait3A_71 = arith.constant 0 : i32
      %dma_wait3A_72 = arith.constant 0 : i32
      %dma_wait3A_73 = tpu.memref_slice %arg9[%dma_wait3A_71, %dma_wait3A_72] : memref<128x128xf32, #tpu.memory_space<vmem>> -> memref<120x128xf32, #tpu.memory_space<vmem>>
      tpu.wait_dma2 semaphore(%run_scoped3A : memref<!tpu.dma_semaphore, #tpu.memory_space<semaphore_mem>>) src(%dma_wait3A_73 : memref<120x128xf32, #tpu.memory_space<vmem>>) dst(%dma_wait3A_70 : memref<120x128xf32, #tpu.memory_space<vmem_shared>>)
      tpu.yield
    }) : () -> ()
    %barrier3A = arith.constant 0 : index
    tpu.barrier barrier_id(%barrier3A)
    %add3A_22 = arith.constant 32 : i32
    %add3A_23 = arith.addi %select_n3A, %add3A_22 : i32
    %sub3A = arith.constant 1 : i32
    %sub3A_24 = arith.subi %add3A_23, %sub3A : i32
    %jit3A_25 = arith.constant 32 : i32
    %div3A = arith.divsi %sub3A_24, %jit3A_25 : i32
    %sign3A = arith.constant 0 : i32
    %sign3A_26 = arith.cmpi sgt, %sub3A_24, %sign3A : i32
    %sign3A_27 = arith.extui %sign3A_26 : i1 to i32
    %sign3A_28 = arith.constant 0 : i32
    %sign3A_29 = arith.cmpi slt, %sub3A_24, %sign3A_28 : i32
    %sign3A_30 = arith.extui %sign3A_29 : i1 to i32
    %sign3A_31 = arith.subi %sign3A_27, %sign3A_30 : i32
    %sign3A_32 = arith.constant 0 : i32
    %sign3A_33 = arith.cmpi sgt, %jit3A_25, %sign3A_32 : i32
    %sign3A_34 = arith.extui %sign3A_33 : i1 to i32
    %sign3A_35 = arith.constant 0 : i32
    %sign3A_36 = arith.cmpi slt, %jit3A_25, %sign3A_35 : i32
    %sign3A_37 = arith.extui %sign3A_36 : i1 to i32
    %sign3A_38 = arith.subi %sign3A_34, %sign3A_37 : i32
    %ne3A = arith.cmpi ne, %sign3A_31, %sign3A_38 : i32
    %rem3A = arith.remsi %sub3A_24, %jit3A_25 : i32
    %ne3A_39 = arith.constant 0 : i32
    %ne3A_40 = arith.cmpi ne, %rem3A, %ne3A_39 : i32
    %and3A = arith.andi %ne3A, %ne3A_40 : i1
    %sub3A_41 = arith.constant 1 : i32
    %sub3A_42 = arith.subi %div3A, %sub3A_41 : i32
    %select_n3A_43 = arith.select %and3A, %sub3A_42, %div3A : i32
    %while3A = arith.constant 0 : i32
    %while3A_44 = arith.constant 0 : i32
    %while3A_45 = arith.subi %select_n3A_43, %while3A : i32
    %while3A_46 = arith.addi %while3A, %while3A_45 : i32
    %while3A_47 = arith.constant 1 : i32
    %while3A_48 = arith.divsi %while3A_45, %while3A_47 : i32
    %while3A_49 = arith.muli %while3A_48, %while3A_47 : i32
    %while3A_50 = arith.addi %while3A, %while3A_49 : i32
    %while3A_51 = arith.constant 1 : i32
    %while3A_52 = scf.for %while3A_56 = %while3A to %while3A_50 step %while3A_51 iter_args(%while3A_57 = %while3A_44) -> (i32)  : i32 {
      %mul3A_58 = arith.constant 32 : i32
      %mul3A_59 = arith.muli %while3A_56, %mul3A_58 : i32
      %sub3A_60 = arith.subi %select_n3A, %mul3A_59 : i32
      %min3A = arith.constant 32 : i32
      %min3A_61 = arith.minsi %min3A, %sub3A_60 : i32
      %mul3A_62 = arith.constant 32 : i32
      %mul3A_63 = arith.muli %while3A_56, %mul3A_62 : i32
      "tpu.region"() ({
        %run_scoped3A = tpu.sem_alloc : memref<!tpu.dma_semaphore, #tpu.memory_space<semaphore_mem>>
        %dma_start3A = arith.constant 0 : i32
        %dma_start3A_113 = arith.constant 0 : i32
        %dma_start3A_114 = tpu.memref_slice %arg3[%add3A, %dma_start3A, %dma_start3A_113] : memref<32x96x128xi32, #tpu.memory_space<hbm>> -> memref<1x96x128xi32, #tpu.memory_space<hbm>>
        %dma_start3A_115 = tpu.memref_squeeze %dma_start3A_114 : memref<1x96x128xi32, #tpu.memory_space<hbm>> -> memref<96x128xi32, #tpu.memory_space<hbm>>
        %dma_start3A_116 = arith.constant 0 : i32
        %dma_start3A_117 = tpu.memref_slice %dma_start3A_115[%mul3A_63, %dma_start3A_116] : memref<96x128xi32, #tpu.memory_space<hbm>> -> memref<32x128xi32, #tpu.memory_space<hbm>>
        %dma_start3A_118 = arith.constant 0 : i32
        %dma_start3A_119 = arith.constant 0 : i32
        %dma_start3A_120 = tpu.memref_slice %arg3[%add3A, %dma_start3A_118, %dma_start3A_119] : memref<32x96x128xi32, #tpu.memory_space<hbm>> -> memref<1x96x128xi32, #tpu.memory_space<hbm>>
        %dma_start3A_121 = tpu.memref_squeeze %dma_start3A_120 : memref<1x96x128xi32, #tpu.memory_space<hbm>> -> memref<96x128xi32, #tpu.memory_space<hbm>>
        %dma_start3A_122 = arith.constant 0 : i32
        %dma_start3A_123 = tpu.memref_slice %dma_start3A_121[%mul3A_63, %dma_start3A_122] : memref<96x128xi32, #tpu.memory_space<hbm>> -> memref<32x128xi32, #tpu.memory_space<hbm>>
        tpu.enqueue_dma source(%dma_start3A_123 : memref<32x128xi32, #tpu.memory_space<hbm>>) target(%arg7 : memref<32x128xi32, #tpu.memory_space<vmem>>) target_semaphore(%run_scoped3A : memref<!tpu.dma_semaphore, #tpu.memory_space<semaphore_mem>>)
        %dma_wait3A_124 = arith.constant 0 : i32
        %dma_wait3A_125 = arith.constant 0 : i32
        %dma_wait3A_126 = tpu.memref_slice %arg3[%add3A, %dma_wait3A_124, %dma_wait3A_125] : memref<32x96x128xi32, #tpu.memory_space<hbm>> -> memref<1x96x128xi32, #tpu.memory_space<hbm>>
        %dma_wait3A_127 = tpu.memref_squeeze %dma_wait3A_126 : memref<1x96x128xi32, #tpu.memory_space<hbm>> -> memref<96x128xi32, #tpu.memory_space<hbm>>
        %dma_wait3A_128 = arith.constant 0 : i32
        %dma_wait3A_129 = tpu.memref_slice %dma_wait3A_127[%mul3A_63, %dma_wait3A_128] : memref<96x128xi32, #tpu.memory_space<hbm>> -> memref<32x128xi32, #tpu.memory_space<hbm>>
        %dma_wait3A_130 = arith.constant 0 : i32
        %dma_wait3A_131 = arith.constant 0 : i32
        %dma_wait3A_132 = tpu.memref_slice %arg3[%add3A, %dma_wait3A_130, %dma_wait3A_131] : memref<32x96x128xi32, #tpu.memory_space<hbm>> -> memref<1x96x128xi32, #tpu.memory_space<hbm>>
        %dma_wait3A_133 = tpu.memref_squeeze %dma_wait3A_132 : memref<1x96x128xi32, #tpu.memory_space<hbm>> -> memref<96x128xi32, #tpu.memory_space<hbm>>
        %dma_wait3A_134 = arith.constant 0 : i32
        %dma_wait3A_135 = tpu.memref_slice %dma_wait3A_133[%mul3A_63, %dma_wait3A_134] : memref<96x128xi32, #tpu.memory_space<hbm>> -> memref<32x128xi32, #tpu.memory_space<hbm>>
        tpu.wait_dma2 semaphore(%run_scoped3A : memref<!tpu.dma_semaphore, #tpu.memory_space<semaphore_mem>>) src(%dma_wait3A_135 : memref<32x128xi32, #tpu.memory_space<hbm>>) dst(%arg7 : memref<32x128xi32, #tpu.memory_space<vmem>>)
        tpu.yield
      }) : () -> ()
      %mul3A_64 = arith.constant 32 : i32
      %mul3A_65 = arith.muli %while3A_56, %mul3A_64 : i32
      "tpu.region"() ({
        %run_scoped3A = tpu.sem_alloc : memref<!tpu.dma_semaphore, #tpu.memory_space<semaphore_mem>>
        %dma_start3A = arith.constant 0 : i32
        %dma_start3A_113 = arith.constant 0 : i32
        %dma_start3A_114 = tpu.memref_slice %arg4[%add3A, %dma_start3A, %dma_start3A_113] : memref<32x96x128xi32, #tpu.memory_space<hbm>> -> memref<1x96x128xi32, #tpu.memory_space<hbm>>
        %dma_start3A_115 = tpu.memref_squeeze %dma_start3A_114 : memref<1x96x128xi32, #tpu.memory_space<hbm>> -> memref<96x128xi32, #tpu.memory_space<hbm>>
        %dma_start3A_116 = arith.constant 0 : i32
        %dma_start3A_117 = tpu.memref_slice %dma_start3A_115[%mul3A_65, %dma_start3A_116] : memref<96x128xi32, #tpu.memory_space<hbm>> -> memref<32x128xi32, #tpu.memory_space<hbm>>
        %dma_start3A_118 = arith.constant 0 : i32
        %dma_start3A_119 = arith.constant 0 : i32
        %dma_start3A_120 = tpu.memref_slice %arg4[%add3A, %dma_start3A_118, %dma_start3A_119] : memref<32x96x128xi32, #tpu.memory_space<hbm>> -> memref<1x96x128xi32, #tpu.memory_space<hbm>>
        %dma_start3A_121 = tpu.memref_squeeze %dma_start3A_120 : memref<1x96x128xi32, #tpu.memory_space<hbm>> -> memref<96x128xi32, #tpu.memory_space<hbm>>
        %dma_start3A_122 = arith.constant 0 : i32
        %dma_start3A_123 = tpu.memref_slice %dma_start3A_121[%mul3A_65, %dma_start3A_122] : memref<96x128xi32, #tpu.memory_space<hbm>> -> memref<32x128xi32, #tpu.memory_space<hbm>>
        tpu.enqueue_dma source(%dma_start3A_123 : memref<32x128xi32, #tpu.memory_space<hbm>>) target(%arg8 : memref<32x128xi32, #tpu.memory_space<vmem>>) target_semaphore(%run_scoped3A : memref<!tpu.dma_semaphore, #tpu.memory_space<semaphore_mem>>)
        %dma_wait3A_124 = arith.constant 0 : i32
        %dma_wait3A_125 = arith.constant 0 : i32
        %dma_wait3A_126 = tpu.memref_slice %arg4[%add3A, %dma_wait3A_124, %dma_wait3A_125] : memref<32x96x128xi32, #tpu.memory_space<hbm>> -> memref<1x96x128xi32, #tpu.memory_space<hbm>>
        %dma_wait3A_127 = tpu.memref_squeeze %dma_wait3A_126 : memref<1x96x128xi32, #tpu.memory_space<hbm>> -> memref<96x128xi32, #tpu.memory_space<hbm>>
        %dma_wait3A_128 = arith.constant 0 : i32
        %dma_wait3A_129 = tpu.memref_slice %dma_wait3A_127[%mul3A_65, %dma_wait3A_128] : memref<96x128xi32, #tpu.memory_space<hbm>> -> memref<32x128xi32, #tpu.memory_space<hbm>>
        %dma_wait3A_130 = arith.constant 0 : i32
        %dma_wait3A_131 = arith.constant 0 : i32
        %dma_wait3A_132 = tpu.memref_slice %arg4[%add3A, %dma_wait3A_130, %dma_wait3A_131] : memref<32x96x128xi32, #tpu.memory_space<hbm>> -> memref<1x96x128xi32, #tpu.memory_space<hbm>>
        %dma_wait3A_133 = tpu.memref_squeeze %dma_wait3A_132 : memref<1x96x128xi32, #tpu.memory_space<hbm>> -> memref<96x128xi32, #tpu.memory_space<hbm>>
        %dma_wait3A_134 = arith.constant 0 : i32
        %dma_wait3A_135 = tpu.memref_slice %dma_wait3A_133[%mul3A_65, %dma_wait3A_134] : memref<96x128xi32, #tpu.memory_space<hbm>> -> memref<32x128xi32, #tpu.memory_space<hbm>>
        tpu.wait_dma2 semaphore(%run_scoped3A : memref<!tpu.dma_semaphore, #tpu.memory_space<semaphore_mem>>) src(%dma_wait3A_135 : memref<32x128xi32, #tpu.memory_space<hbm>>) dst(%arg8 : memref<32x128xi32, #tpu.memory_space<vmem>>)
        tpu.yield
      }) : () -> ()
      %add3A_66 = arith.constant 1 : i32
      %add3A_67 = arith.addi %min3A_61, %add3A_66 : i32
      %jit3A_68 = arith.constant 2 : i32
      %div3A_69 = arith.divsi %add3A_67, %jit3A_68 : i32
      %sign3A_70 = arith.constant 0 : i32
      %sign3A_71 = arith.cmpi sgt, %add3A_67, %sign3A_70 : i32
      %sign3A_72 = arith.extui %sign3A_71 : i1 to i32
      %sign3A_73 = arith.constant 0 : i32
      %sign3A_74 = arith.cmpi slt, %add3A_67, %sign3A_73 : i32
      %sign3A_75 = arith.extui %sign3A_74 : i1 to i32
      %sign3A_76 = arith.subi %sign3A_72, %sign3A_75 : i32
      %sign3A_77 = arith.constant 0 : i32
      %sign3A_78 = arith.cmpi sgt, %jit3A_68, %sign3A_77 : i32
      %sign3A_79 = arith.extui %sign3A_78 : i1 to i32
      %sign3A_80 = arith.constant 0 : i32
      %sign3A_81 = arith.cmpi slt, %jit3A_68, %sign3A_80 : i32
      %sign3A_82 = arith.extui %sign3A_81 : i1 to i32
      %sign3A_83 = arith.subi %sign3A_79, %sign3A_82 : i32
      %ne3A_84 = arith.cmpi ne, %sign3A_76, %sign3A_83 : i32
      %rem3A_85 = arith.remsi %add3A_67, %jit3A_68 : i32
      %ne3A_86 = arith.constant 0 : i32
      %ne3A_87 = arith.cmpi ne, %rem3A_85, %ne3A_86 : i32
      %and3A_88 = arith.andi %ne3A_84, %ne3A_87 : i1
      %sub3A_89 = arith.constant 1 : i32
      %sub3A_90 = arith.subi %div3A_69, %sub3A_89 : i32
      %select_n3A_91 = arith.select %and3A_88, %sub3A_90, %div3A_69 : i32
      %while3A_92 = arith.constant 0 : i32
      %while3A_93 = arith.constant 0 : i32
      %while3A_94 = arith.subi %select_n3A_91, %while3A_92 : i32
      %while3A_95 = arith.addi %while3A_92, %while3A_94 : i32
      %while3A_96 = arith.constant 1 : i32
      %while3A_97 = arith.divsi %while3A_94, %while3A_96 : i32
      %while3A_98 = arith.muli %while3A_97, %while3A_96 : i32
      %while3A_99 = arith.addi %while3A_92, %while3A_98 : i32
      %while3A_100 = arith.constant 1 : i32
      %while3A_101 = scf.for %while3A_113 = %while3A_92 to %while3A_99 step %while3A_100 iter_args(%while3A_114 = %while3A_93) -> (i32)  : i32 {
        %mul3A_115 = arith.constant 2 : i32
        %mul3A_116 = arith.muli %mul3A_115, %while3A_113 : i32
        %add3A_117 = arith.constant 1 : i32
        %add3A_118 = arith.addi %mul3A_116, %add3A_117 : i32
        %gt3A = arith.constant 0 : i32
        %gt3A_119 = arith.cmpi sgt, %while3A_113, %gt3A : i32
        %convert_element_type3A_120 = arith.extui %gt3A_119 : i1 to i32
        %cond3A_121 = arith.constant 0 : i32
        %cond3A_122 = arith.cmpi ne, %convert_element_type3A_120, %cond3A_121 : i32
        scf.if %cond3A_122 {
          %sub3A_144 = arith.constant 2 : i32
          %sub3A_145 = arith.subi %mul3A_116, %sub3A_144 : i32
          %dma_wait3A_146 = arith.constant 0 : i32
          %dma_wait3A_147 = tpu.memref_slice %arg8[%sub3A_145, %dma_wait3A_146] : memref<32x128xi32, #tpu.memory_space<vmem>> -> memref<1x128xi32, #tpu.memory_space<vmem>>
          %dma_wait3A_148 = tpu.memref_squeeze %dma_wait3A_147 : memref<1x128xi32, #tpu.memory_space<vmem>> -> memref<128xi32, #tpu.memory_space<vmem>>
          %dma_wait3A_149 = arith.constant 0 : i32
          %dma_wait3A_150 = arith.constant 0 : i32
          %dma_wait3A_151 = tpu.memref_slice %arg6[%dma_wait3A_149, %dma_wait3A_150] : memref<10112x128xf32, #tpu.memory_space<vmem_shared>> -> memref<10112x128xf32, #tpu.memory_space<vmem_shared>>
          tpu.wait_indirect_dma semaphore(%arg12 : memref<!tpu.dma_semaphore, #tpu.memory_space<semaphore_mem>>) src(%arg9 : memref<128x128xf32, #tpu.memory_space<vmem>>) dst(%dma_wait3A_151 : memref<10112x128xf32, #tpu.memory_space<vmem_shared>>)
        } else {
        }
        %dma_start3A = arith.constant 0 : i32
        %dma_start3A_123 = tpu.memref_slice %arg7[%mul3A_116, %dma_start3A] : memref<32x128xi32, #tpu.memory_space<vmem>> -> memref<1x128xi32, #tpu.memory_space<vmem>>
        %dma_start3A_124 = tpu.memref_squeeze %dma_start3A_123 : memref<1x128xi32, #tpu.memory_space<vmem>> -> memref<128xi32, #tpu.memory_space<vmem>>
        %dma_start3A_125 = arith.constant 0 : i32
        %dma_start3A_126 = arith.constant 0 : i32
        %dma_start3A_127 = tpu.memref_slice %arg2[%dma_start3A_125, %dma_start3A_126] : memref<10112x128xf32, #tpu.memory_space<hbm>> -> memref<10112x128xf32, #tpu.memory_space<hbm>>
        tpu.enqueue_indirect_dma source(%dma_start3A_127 : memref<10112x128xf32, #tpu.memory_space<hbm>>) target(%arg9 : memref<128x128xf32, #tpu.memory_space<vmem>>) offsets(%dma_start3A_124 : memref<128xi32, #tpu.memory_space<vmem>>) semaphore(%arg11 : memref<!tpu.dma_semaphore, #tpu.memory_space<semaphore_mem>>)
        %dma_wait3A_128 = arith.constant 0 : i32
        %dma_wait3A_129 = tpu.memref_slice %arg7[%mul3A_116, %dma_wait3A_128] : memref<32x128xi32, #tpu.memory_space<vmem>> -> memref<1x128xi32, #tpu.memory_space<vmem>>
        %dma_wait3A_130 = tpu.memref_squeeze %dma_wait3A_129 : memref<1x128xi32, #tpu.memory_space<vmem>> -> memref<128xi32, #tpu.memory_space<vmem>>
        %dma_wait3A_131 = arith.constant 0 : i32
        %dma_wait3A_132 = arith.constant 0 : i32
        %dma_wait3A_133 = tpu.memref_slice %arg2[%dma_wait3A_131, %dma_wait3A_132] : memref<10112x128xf32, #tpu.memory_space<hbm>> -> memref<10112x128xf32, #tpu.memory_space<hbm>>
        tpu.wait_indirect_dma semaphore(%arg11 : memref<!tpu.dma_semaphore, #tpu.memory_space<semaphore_mem>>) src(%dma_wait3A_133 : memref<10112x128xf32, #tpu.memory_space<hbm>>) dst(%arg9 : memref<128x128xf32, #tpu.memory_space<vmem>>)
        %dma_start3A_134 = arith.constant 0 : i32
        %dma_start3A_135 = tpu.memref_slice %arg8[%mul3A_116, %dma_start3A_134] : memref<32x128xi32, #tpu.memory_space<vmem>> -> memref<1x128xi32, #tpu.memory_space<vmem>>
        %dma_start3A_136 = tpu.memref_squeeze %dma_start3A_135 : memref<1x128xi32, #tpu.memory_space<vmem>> -> memref<128xi32, #tpu.memory_space<vmem>>
        %dma_start3A_137 = arith.constant 0 : i32
        %dma_start3A_138 = arith.constant 0 : i32
        %dma_start3A_139 = tpu.memref_slice %arg6[%dma_start3A_137, %dma_start3A_138] : memref<10112x128xf32, #tpu.memory_space<vmem_shared>> -> memref<10112x128xf32, #tpu.memory_space<vmem_shared>>
        tpu.enqueue_indirect_dma source(%arg9 : memref<128x128xf32, #tpu.memory_space<vmem>>) target(%dma_start3A_139 : memref<10112x128xf32, #tpu.memory_space<vmem_shared>>) offsets(%dma_start3A_136 : memref<128xi32, #tpu.memory_space<vmem>>) semaphore(%arg12 : memref<!tpu.dma_semaphore, #tpu.memory_space<semaphore_mem>>) {add = true}
        %lt3A = arith.cmpi slt, %add3A_118, %min3A_61 : i32
        %convert_element_type3A_140 = arith.extui %lt3A : i1 to i32
        %cond3A_141 = arith.constant 0 : i32
        %cond3A_142 = arith.cmpi ne, %convert_element_type3A_140, %cond3A_141 : i32
        scf.if %cond3A_142 {
          %gt3A_144 = arith.constant 0 : i32
          %gt3A_145 = arith.cmpi sgt, %while3A_113, %gt3A_144 : i32
          %convert_element_type3A_146 = arith.extui %gt3A_145 : i1 to i32
          %cond3A_147 = arith.constant 0 : i32
          %cond3A_148 = arith.cmpi ne, %convert_element_type3A_146, %cond3A_147 : i32
          scf.if %cond3A_148 {
            %sub3A_167 = arith.constant 2 : i32
            %sub3A_168 = arith.subi %add3A_118, %sub3A_167 : i32
            %dma_wait3A_169 = arith.constant 0 : i32
            %dma_wait3A_170 = tpu.memref_slice %arg8[%sub3A_168, %dma_wait3A_169] : memref<32x128xi32, #tpu.memory_space<vmem>> -> memref<1x128xi32, #tpu.memory_space<vmem>>
            %dma_wait3A_171 = tpu.memref_squeeze %dma_wait3A_170 : memref<1x128xi32, #tpu.memory_space<vmem>> -> memref<128xi32, #tpu.memory_space<vmem>>
            %dma_wait3A_172 = arith.constant 0 : i32
            %dma_wait3A_173 = arith.constant 0 : i32
            %dma_wait3A_174 = tpu.memref_slice %arg6[%dma_wait3A_172, %dma_wait3A_173] : memref<10112x128xf32, #tpu.memory_space<vmem_shared>> -> memref<10112x128xf32, #tpu.memory_space<vmem_shared>>
            tpu.wait_indirect_dma semaphore(%arg13 : memref<!tpu.dma_semaphore, #tpu.memory_space<semaphore_mem>>) src(%arg10 : memref<128x128xf32, #tpu.memory_space<vmem>>) dst(%dma_wait3A_174 : memref<10112x128xf32, #tpu.memory_space<vmem_shared>>)
          } else {
          }
          %dma_start3A_149 = arith.constant 0 : i32
          %dma_start3A_150 = tpu.memref_slice %arg7[%add3A_118, %dma_start3A_149] : memref<32x128xi32, #tpu.memory_space<vmem>> -> memref<1x128xi32, #tpu.memory_space<vmem>>
          %dma_start3A_151 = tpu.memref_squeeze %dma_start3A_150 : memref<1x128xi32, #tpu.memory_space<vmem>> -> memref<128xi32, #tpu.memory_space<vmem>>
          %dma_start3A_152 = arith.constant 0 : i32
          %dma_start3A_153 = arith.constant 0 : i32
          %dma_start3A_154 = tpu.memref_slice %arg2[%dma_start3A_152, %dma_start3A_153] : memref<10112x128xf32, #tpu.memory_space<hbm>> -> memref<10112x128xf32, #tpu.memory_space<hbm>>
          tpu.enqueue_indirect_dma source(%dma_start3A_154 : memref<10112x128xf32, #tpu.memory_space<hbm>>) target(%arg10 : memref<128x128xf32, #tpu.memory_space<vmem>>) offsets(%dma_start3A_151 : memref<128xi32, #tpu.memory_space<vmem>>) semaphore(%arg11 : memref<!tpu.dma_semaphore, #tpu.memory_space<semaphore_mem>>)
          %dma_wait3A_155 = arith.constant 0 : i32
          %dma_wait3A_156 = tpu.memref_slice %arg7[%add3A_118, %dma_wait3A_155] : memref<32x128xi32, #tpu.memory_space<vmem>> -> memref<1x128xi32, #tpu.memory_space<vmem>>
          %dma_wait3A_157 = tpu.memref_squeeze %dma_wait3A_156 : memref<1x128xi32, #tpu.memory_space<vmem>> -> memref<128xi32, #tpu.memory_space<vmem>>
          %dma_wait3A_158 = arith.constant 0 : i32
          %dma_wait3A_159 = arith.constant 0 : i32
          %dma_wait3A_160 = tpu.memref_slice %arg2[%dma_wait3A_158, %dma_wait3A_159] : memref<10112x128xf32, #tpu.memory_space<hbm>> -> memref<10112x128xf32, #tpu.memory_space<hbm>>
          tpu.wait_indirect_dma semaphore(%arg11 : memref<!tpu.dma_semaphore, #tpu.memory_space<semaphore_mem>>) src(%dma_wait3A_160 : memref<10112x128xf32, #tpu.memory_space<hbm>>) dst(%arg10 : memref<128x128xf32, #tpu.memory_space<vmem>>)
          %dma_start3A_161 = arith.constant 0 : i32
          %dma_start3A_162 = tpu.memref_slice %arg8[%add3A_118, %dma_start3A_161] : memref<32x128xi32, #tpu.memory_space<vmem>> -> memref<1x128xi32, #tpu.memory_space<vmem>>
          %dma_start3A_163 = tpu.memref_squeeze %dma_start3A_162 : memref<1x128xi32, #tpu.memory_space<vmem>> -> memref<128xi32, #tpu.memory_space<vmem>>
          %dma_start3A_164 = arith.constant 0 : i32
          %dma_start3A_165 = arith.constant 0 : i32
          %dma_start3A_166 = tpu.memref_slice %arg6[%dma_start3A_164, %dma_start3A_165] : memref<10112x128xf32, #tpu.memory_space<vmem_shared>> -> memref<10112x128xf32, #tpu.memory_space<vmem_shared>>
          tpu.enqueue_indirect_dma source(%arg10 : memref<128x128xf32, #tpu.memory_space<vmem>>) target(%dma_start3A_166 : memref<10112x128xf32, #tpu.memory_space<vmem_shared>>) offsets(%dma_start3A_163 : memref<128xi32, #tpu.memory_space<vmem>>) semaphore(%arg13 : memref<!tpu.dma_semaphore, #tpu.memory_space<semaphore_mem>>) {add = true}
        } else {
        }
        %while3A_143 = arith.constant 0 : i32
        scf.yield %while3A_143 : i32
      }
      %while3A_102 = arith.constant 1 : i32
      %while3A_103 = scf.for %while3A_113 = %while3A_99 to %while3A_95 step %while3A_102 iter_args(%while3A_114 = %while3A_101) -> (i32)  : i32 {
        %mul3A_115 = arith.constant 2 : i32
        %mul3A_116 = arith.muli %mul3A_115, %while3A_113 : i32
        %add3A_117 = arith.constant 1 : i32
        %add3A_118 = arith.addi %mul3A_116, %add3A_117 : i32
        %gt3A = arith.constant 0 : i32
        %gt3A_119 = arith.cmpi sgt, %while3A_113, %gt3A : i32
        %convert_element_type3A_120 = arith.extui %gt3A_119 : i1 to i32
        %cond3A_121 = arith.constant 0 : i32
        %cond3A_122 = arith.cmpi ne, %convert_element_type3A_120, %cond3A_121 : i32
        scf.if %cond3A_122 {
          %sub3A_144 = arith.constant 2 : i32
          %sub3A_145 = arith.subi %mul3A_116, %sub3A_144 : i32
          %dma_wait3A_146 = arith.constant 0 : i32
          %dma_wait3A_147 = tpu.memref_slice %arg8[%sub3A_145, %dma_wait3A_146] : memref<32x128xi32, #tpu.memory_space<vmem>> -> memref<1x128xi32, #tpu.memory_space<vmem>>
          %dma_wait3A_148 = tpu.memref_squeeze %dma_wait3A_147 : memref<1x128xi32, #tpu.memory_space<vmem>> -> memref<128xi32, #tpu.memory_space<vmem>>
          %dma_wait3A_149 = arith.constant 0 : i32
          %dma_wait3A_150 = arith.constant 0 : i32
          %dma_wait3A_151 = tpu.memref_slice %arg6[%dma_wait3A_149, %dma_wait3A_150] : memref<10112x128xf32, #tpu.memory_space<vmem_shared>> -> memref<10112x128xf32, #tpu.memory_space<vmem_shared>>
          tpu.wait_indirect_dma semaphore(%arg12 : memref<!tpu.dma_semaphore, #tpu.memory_space<semaphore_mem>>) src(%arg9 : memref<128x128xf32, #tpu.memory_space<vmem>>) dst(%dma_wait3A_151 : memref<10112x128xf32, #tpu.memory_space<vmem_shared>>)
        } else {
        }
        %dma_start3A = arith.constant 0 : i32
        %dma_start3A_123 = tpu.memref_slice %arg7[%mul3A_116, %dma_start3A] : memref<32x128xi32, #tpu.memory_space<vmem>> -> memref<1x128xi32, #tpu.memory_space<vmem>>
        %dma_start3A_124 = tpu.memref_squeeze %dma_start3A_123 : memref<1x128xi32, #tpu.memory_space<vmem>> -> memref<128xi32, #tpu.memory_space<vmem>>
        %dma_start3A_125 = arith.constant 0 : i32
        %dma_start3A_126 = arith.constant 0 : i32
        %dma_start3A_127 = tpu.memref_slice %arg2[%dma_start3A_125, %dma_start3A_126] : memref<10112x128xf32, #tpu.memory_space<hbm>> -> memref<10112x128xf32, #tpu.memory_space<hbm>>
        tpu.enqueue_indirect_dma source(%dma_start3A_127 : memref<10112x128xf32, #tpu.memory_space<hbm>>) target(%arg9 : memref<128x128xf32, #tpu.memory_space<vmem>>) offsets(%dma_start3A_124 : memref<128xi32, #tpu.memory_space<vmem>>) semaphore(%arg11 : memref<!tpu.dma_semaphore, #tpu.memory_space<semaphore_mem>>)
        %dma_wait3A_128 = arith.constant 0 : i32
        %dma_wait3A_129 = tpu.memref_slice %arg7[%mul3A_116, %dma_wait3A_128] : memref<32x128xi32, #tpu.memory_space<vmem>> -> memref<1x128xi32, #tpu.memory_space<vmem>>
        %dma_wait3A_130 = tpu.memref_squeeze %dma_wait3A_129 : memref<1x128xi32, #tpu.memory_space<vmem>> -> memref<128xi32, #tpu.memory_space<vmem>>
        %dma_wait3A_131 = arith.constant 0 : i32
        %dma_wait3A_132 = arith.constant 0 : i32
        %dma_wait3A_133 = tpu.memref_slice %arg2[%dma_wait3A_131, %dma_wait3A_132] : memref<10112x128xf32, #tpu.memory_space<hbm>> -> memref<10112x128xf32, #tpu.memory_space<hbm>>
        tpu.wait_indirect_dma semaphore(%arg11 : memref<!tpu.dma_semaphore, #tpu.memory_space<semaphore_mem>>) src(%dma_wait3A_133 : memref<10112x128xf32, #tpu.memory_space<hbm>>) dst(%arg9 : memref<128x128xf32, #tpu.memory_space<vmem>>)
        %dma_start3A_134 = arith.constant 0 : i32
        %dma_start3A_135 = tpu.memref_slice %arg8[%mul3A_116, %dma_start3A_134] : memref<32x128xi32, #tpu.memory_space<vmem>> -> memref<1x128xi32, #tpu.memory_space<vmem>>
        %dma_start3A_136 = tpu.memref_squeeze %dma_start3A_135 : memref<1x128xi32, #tpu.memory_space<vmem>> -> memref<128xi32, #tpu.memory_space<vmem>>
        %dma_start3A_137 = arith.constant 0 : i32
        %dma_start3A_138 = arith.constant 0 : i32
        %dma_start3A_139 = tpu.memref_slice %arg6[%dma_start3A_137, %dma_start3A_138] : memref<10112x128xf32, #tpu.memory_space<vmem_shared>> -> memref<10112x128xf32, #tpu.memory_space<vmem_shared>>
        tpu.enqueue_indirect_dma source(%arg9 : memref<128x128xf32, #tpu.memory_space<vmem>>) target(%dma_start3A_139 : memref<10112x128xf32, #tpu.memory_space<vmem_shared>>) offsets(%dma_start3A_136 : memref<128xi32, #tpu.memory_space<vmem>>) semaphore(%arg12 : memref<!tpu.dma_semaphore, #tpu.memory_space<semaphore_mem>>) {add = true}
        %lt3A = arith.cmpi slt, %add3A_118, %min3A_61 : i32
        %convert_element_type3A_140 = arith.extui %lt3A : i1 to i32
        %cond3A_141 = arith.constant 0 : i32
        %cond3A_142 = arith.cmpi ne, %convert_element_type3A_140, %cond3A_141 : i32
        scf.if %cond3A_142 {
          %gt3A_144 = arith.constant 0 : i32
          %gt3A_145 = arith.cmpi sgt, %while3A_113, %gt3A_144 : i32
          %convert_element_type3A_146 = arith.extui %gt3A_145 : i1 to i32
          %cond3A_147 = arith.constant 0 : i32
          %cond3A_148 = arith.cmpi ne, %convert_element_type3A_146, %cond3A_147 : i32
          scf.if %cond3A_148 {
            %sub3A_167 = arith.constant 2 : i32
            %sub3A_168 = arith.subi %add3A_118, %sub3A_167 : i32
            %dma_wait3A_169 = arith.constant 0 : i32
            %dma_wait3A_170 = tpu.memref_slice %arg8[%sub3A_168, %dma_wait3A_169] : memref<32x128xi32, #tpu.memory_space<vmem>> -> memref<1x128xi32, #tpu.memory_space<vmem>>
            %dma_wait3A_171 = tpu.memref_squeeze %dma_wait3A_170 : memref<1x128xi32, #tpu.memory_space<vmem>> -> memref<128xi32, #tpu.memory_space<vmem>>
            %dma_wait3A_172 = arith.constant 0 : i32
            %dma_wait3A_173 = arith.constant 0 : i32
            %dma_wait3A_174 = tpu.memref_slice %arg6[%dma_wait3A_172, %dma_wait3A_173] : memref<10112x128xf32, #tpu.memory_space<vmem_shared>> -> memref<10112x128xf32, #tpu.memory_space<vmem_shared>>
            tpu.wait_indirect_dma semaphore(%arg13 : memref<!tpu.dma_semaphore, #tpu.memory_space<semaphore_mem>>) src(%arg10 : memref<128x128xf32, #tpu.memory_space<vmem>>) dst(%dma_wait3A_174 : memref<10112x128xf32, #tpu.memory_space<vmem_shared>>)
          } else {
          }
          %dma_start3A_149 = arith.constant 0 : i32
          %dma_start3A_150 = tpu.memref_slice %arg7[%add3A_118, %dma_start3A_149] : memref<32x128xi32, #tpu.memory_space<vmem>> -> memref<1x128xi32, #tpu.memory_space<vmem>>
          %dma_start3A_151 = tpu.memref_squeeze %dma_start3A_150 : memref<1x128xi32, #tpu.memory_space<vmem>> -> memref<128xi32, #tpu.memory_space<vmem>>
          %dma_start3A_152 = arith.constant 0 : i32
          %dma_start3A_153 = arith.constant 0 : i32
          %dma_start3A_154 = tpu.memref_slice %arg2[%dma_start3A_152, %dma_start3A_153] : memref<10112x128xf32, #tpu.memory_space<hbm>> -> memref<10112x128xf32, #tpu.memory_space<hbm>>
          tpu.enqueue_indirect_dma source(%dma_start3A_154 : memref<10112x128xf32, #tpu.memory_space<hbm>>) target(%arg10 : memref<128x128xf32, #tpu.memory_space<vmem>>) offsets(%dma_start3A_151 : memref<128xi32, #tpu.memory_space<vmem>>) semaphore(%arg11 : memref<!tpu.dma_semaphore, #tpu.memory_space<semaphore_mem>>)
          %dma_wait3A_155 = arith.constant 0 : i32
          %dma_wait3A_156 = tpu.memref_slice %arg7[%add3A_118, %dma_wait3A_155] : memref<32x128xi32, #tpu.memory_space<vmem>> -> memref<1x128xi32, #tpu.memory_space<vmem>>
          %dma_wait3A_157 = tpu.memref_squeeze %dma_wait3A_156 : memref<1x128xi32, #tpu.memory_space<vmem>> -> memref<128xi32, #tpu.memory_space<vmem>>
          %dma_wait3A_158 = arith.constant 0 : i32
          %dma_wait3A_159 = arith.constant 0 : i32
          %dma_wait3A_160 = tpu.memref_slice %arg2[%dma_wait3A_158, %dma_wait3A_159] : memref<10112x128xf32, #tpu.memory_space<hbm>> -> memref<10112x128xf32, #tpu.memory_space<hbm>>
          tpu.wait_indirect_dma semaphore(%arg11 : memref<!tpu.dma_semaphore, #tpu.memory_space<semaphore_mem>>) src(%dma_wait3A_160 : memref<10112x128xf32, #tpu.memory_space<hbm>>) dst(%arg10 : memref<128x128xf32, #tpu.memory_space<vmem>>)
          %dma_start3A_161 = arith.constant 0 : i32
          %dma_start3A_162 = tpu.memref_slice %arg8[%add3A_118, %dma_start3A_161] : memref<32x128xi32, #tpu.memory_space<vmem>> -> memref<1x128xi32, #tpu.memory_space<vmem>>
          %dma_start3A_163 = tpu.memref_squeeze %dma_start3A_162 : memref<1x128xi32, #tpu.memory_space<vmem>> -> memref<128xi32, #tpu.memory_space<vmem>>
          %dma_start3A_164 = arith.constant 0 : i32
          %dma_start3A_165 = arith.constant 0 : i32
          %dma_start3A_166 = tpu.memref_slice %arg6[%dma_start3A_164, %dma_start3A_165] : memref<10112x128xf32, #tpu.memory_space<vmem_shared>> -> memref<10112x128xf32, #tpu.memory_space<vmem_shared>>
          tpu.enqueue_indirect_dma source(%arg10 : memref<128x128xf32, #tpu.memory_space<vmem>>) target(%dma_start3A_166 : memref<10112x128xf32, #tpu.memory_space<vmem_shared>>) offsets(%dma_start3A_163 : memref<128xi32, #tpu.memory_space<vmem>>) semaphore(%arg13 : memref<!tpu.dma_semaphore, #tpu.memory_space<semaphore_mem>>) {add = true}
        } else {
        }
        %while3A_143 = arith.constant 0 : i32
        scf.yield %while3A_143 : i32
      }
      %dma_wait3A = arith.constant 0 : i32
      %dma_wait3A_104 = arith.constant 0 : i32
      %dma_wait3A_105 = tpu.memref_slice %arg8[%dma_wait3A, %dma_wait3A_104] : memref<32x128xi32, #tpu.memory_space<vmem>> -> memref<1x128xi32, #tpu.memory_space<vmem>>
      %dma_wait3A_106 = tpu.memref_squeeze %dma_wait3A_105 : memref<1x128xi32, #tpu.memory_space<vmem>> -> memref<128xi32, #tpu.memory_space<vmem>>
      %dma_wait3A_107 = arith.constant 0 : i32
      %dma_wait3A_108 = arith.constant 0 : i32
      %dma_wait3A_109 = tpu.memref_slice %arg6[%dma_wait3A_107, %dma_wait3A_108] : memref<10112x128xf32, #tpu.memory_space<vmem_shared>> -> memref<10112x128xf32, #tpu.memory_space<vmem_shared>>
      tpu.wait_indirect_dma semaphore(%arg12 : memref<!tpu.dma_semaphore, #tpu.memory_space<semaphore_mem>>) src(%arg9 : memref<128x128xf32, #tpu.memory_space<vmem>>) dst(%dma_wait3A_109 : memref<10112x128xf32, #tpu.memory_space<vmem_shared>>)
      %ge3A = arith.constant 2 : i32
      %ge3A_110 = arith.cmpi sge, %min3A_61, %ge3A : i32
      %convert_element_type3A = arith.extui %ge3A_110 : i1 to i32
      %cond3A = arith.constant 0 : i32
      %cond3A_111 = arith.cmpi ne, %convert_element_type3A, %cond3A : i32
      scf.if %cond3A_111 {
        %dma_wait3A_113 = arith.constant 0 : i32
        %dma_wait3A_114 = arith.constant 0 : i32
        %dma_wait3A_115 = tpu.memref_slice %arg8[%dma_wait3A_113, %dma_wait3A_114] : memref<32x128xi32, #tpu.memory_space<vmem>> -> memref<1x128xi32, #tpu.memory_space<vmem>>
        %dma_wait3A_116 = tpu.memref_squeeze %dma_wait3A_115 : memref<1x128xi32, #tpu.memory_space<vmem>> -> memref<128xi32, #tpu.memory_space<vmem>>
        %dma_wait3A_117 = arith.constant 0 : i32
        %dma_wait3A_118 = arith.constant 0 : i32
        %dma_wait3A_119 = tpu.memref_slice %arg6[%dma_wait3A_117, %dma_wait3A_118] : memref<10112x128xf32, #tpu.memory_space<vmem_shared>> -> memref<10112x128xf32, #tpu.memory_space<vmem_shared>>
        tpu.wait_indirect_dma semaphore(%arg13 : memref<!tpu.dma_semaphore, #tpu.memory_space<semaphore_mem>>) src(%arg10 : memref<128x128xf32, #tpu.memory_space<vmem>>) dst(%dma_wait3A_119 : memref<10112x128xf32, #tpu.memory_space<vmem_shared>>)
      } else {
      }
      %while3A_112 = arith.constant 0 : i32
      scf.yield %while3A_112 : i32
    }
    %while3A_53 = arith.constant 1 : i32
    %while3A_54 = scf.for %while3A_56 = %while3A_50 to %while3A_46 step %while3A_53 iter_args(%while3A_57 = %while3A_52) -> (i32)  : i32 {
      %mul3A_58 = arith.constant 32 : i32
      %mul3A_59 = arith.muli %while3A_56, %mul3A_58 : i32
      %sub3A_60 = arith.subi %select_n3A, %mul3A_59 : i32
      %min3A = arith.constant 32 : i32
      %min3A_61 = arith.minsi %min3A, %sub3A_60 : i32
      %mul3A_62 = arith.constant 32 : i32
      %mul3A_63 = arith.muli %while3A_56, %mul3A_62 : i32
      "tpu.region"() ({
        %run_scoped3A = tpu.sem_alloc : memref<!tpu.dma_semaphore, #tpu.memory_space<semaphore_mem>>
        %dma_start3A = arith.constant 0 : i32
        %dma_start3A_113 = arith.constant 0 : i32
        %dma_start3A_114 = tpu.memref_slice %arg3[%add3A, %dma_start3A, %dma_start3A_113] : memref<32x96x128xi32, #tpu.memory_space<hbm>> -> memref<1x96x128xi32, #tpu.memory_space<hbm>>
        %dma_start3A_115 = tpu.memref_squeeze %dma_start3A_114 : memref<1x96x128xi32, #tpu.memory_space<hbm>> -> memref<96x128xi32, #tpu.memory_space<hbm>>
        %dma_start3A_116 = arith.constant 0 : i32
        %dma_start3A_117 = tpu.memref_slice %dma_start3A_115[%mul3A_63, %dma_start3A_116] : memref<96x128xi32, #tpu.memory_space<hbm>> -> memref<32x128xi32, #tpu.memory_space<hbm>>
        %dma_start3A_118 = arith.constant 0 : i32
        %dma_start3A_119 = arith.constant 0 : i32
        %dma_start3A_120 = tpu.memref_slice %arg3[%add3A, %dma_start3A_118, %dma_start3A_119] : memref<32x96x128xi32, #tpu.memory_space<hbm>> -> memref<1x96x128xi32, #tpu.memory_space<hbm>>
        %dma_start3A_121 = tpu.memref_squeeze %dma_start3A_120 : memref<1x96x128xi32, #tpu.memory_space<hbm>> -> memref<96x128xi32, #tpu.memory_space<hbm>>
        %dma_start3A_122 = arith.constant 0 : i32
        %dma_start3A_123 = tpu.memref_slice %dma_start3A_121[%mul3A_63, %dma_start3A_122] : memref<96x128xi32, #tpu.memory_space<hbm>> -> memref<32x128xi32, #tpu.memory_space<hbm>>
        tpu.enqueue_dma source(%dma_start3A_123 : memref<32x128xi32, #tpu.memory_space<hbm>>) target(%arg7 : memref<32x128xi32, #tpu.memory_space<vmem>>) target_semaphore(%run_scoped3A : memref<!tpu.dma_semaphore, #tpu.memory_space<semaphore_mem>>)
        %dma_wait3A_124 = arith.constant 0 : i32
        %dma_wait3A_125 = arith.constant 0 : i32
        %dma_wait3A_126 = tpu.memref_slice %arg3[%add3A, %dma_wait3A_124, %dma_wait3A_125] : memref<32x96x128xi32, #tpu.memory_space<hbm>> -> memref<1x96x128xi32, #tpu.memory_space<hbm>>
        %dma_wait3A_127 = tpu.memref_squeeze %dma_wait3A_126 : memref<1x96x128xi32, #tpu.memory_space<hbm>> -> memref<96x128xi32, #tpu.memory_space<hbm>>
        %dma_wait3A_128 = arith.constant 0 : i32
        %dma_wait3A_129 = tpu.memref_slice %dma_wait3A_127[%mul3A_63, %dma_wait3A_128] : memref<96x128xi32, #tpu.memory_space<hbm>> -> memref<32x128xi32, #tpu.memory_space<hbm>>
        %dma_wait3A_130 = arith.constant 0 : i32
        %dma_wait3A_131 = arith.constant 0 : i32
        %dma_wait3A_132 = tpu.memref_slice %arg3[%add3A, %dma_wait3A_130, %dma_wait3A_131] : memref<32x96x128xi32, #tpu.memory_space<hbm>> -> memref<1x96x128xi32, #tpu.memory_space<hbm>>
        %dma_wait3A_133 = tpu.memref_squeeze %dma_wait3A_132 : memref<1x96x128xi32, #tpu.memory_space<hbm>> -> memref<96x128xi32, #tpu.memory_space<hbm>>
        %dma_wait3A_134 = arith.constant 0 : i32
        %dma_wait3A_135 = tpu.memref_slice %dma_wait3A_133[%mul3A_63, %dma_wait3A_134] : memref<96x128xi32, #tpu.memory_space<hbm>> -> memref<32x128xi32, #tpu.memory_space<hbm>>
        tpu.wait_dma2 semaphore(%run_scoped3A : memref<!tpu.dma_semaphore, #tpu.memory_space<semaphore_mem>>) src(%dma_wait3A_135 : memref<32x128xi32, #tpu.memory_space<hbm>>) dst(%arg7 : memref<32x128xi32, #tpu.memory_space<vmem>>)
        tpu.yield
      }) : () -> ()
      %mul3A_64 = arith.constant 32 : i32
      %mul3A_65 = arith.muli %while3A_56, %mul3A_64 : i32
      "tpu.region"() ({
        %run_scoped3A = tpu.sem_alloc : memref<!tpu.dma_semaphore, #tpu.memory_space<semaphore_mem>>
        %dma_start3A = arith.constant 0 : i32
        %dma_start3A_113 = arith.constant 0 : i32
        %dma_start3A_114 = tpu.memref_slice %arg4[%add3A, %dma_start3A, %dma_start3A_113] : memref<32x96x128xi32, #tpu.memory_space<hbm>> -> memref<1x96x128xi32, #tpu.memory_space<hbm>>
        %dma_start3A_115 = tpu.memref_squeeze %dma_start3A_114 : memref<1x96x128xi32, #tpu.memory_space<hbm>> -> memref<96x128xi32, #tpu.memory_space<hbm>>
        %dma_start3A_116 = arith.constant 0 : i32
        %dma_start3A_117 = tpu.memref_slice %dma_start3A_115[%mul3A_65, %dma_start3A_116] : memref<96x128xi32, #tpu.memory_space<hbm>> -> memref<32x128xi32, #tpu.memory_space<hbm>>
        %dma_start3A_118 = arith.constant 0 : i32
        %dma_start3A_119 = arith.constant 0 : i32
        %dma_start3A_120 = tpu.memref_slice %arg4[%add3A, %dma_start3A_118, %dma_start3A_119] : memref<32x96x128xi32, #tpu.memory_space<hbm>> -> memref<1x96x128xi32, #tpu.memory_space<hbm>>
        %dma_start3A_121 = tpu.memref_squeeze %dma_start3A_120 : memref<1x96x128xi32, #tpu.memory_space<hbm>> -> memref<96x128xi32, #tpu.memory_space<hbm>>
        %dma_start3A_122 = arith.constant 0 : i32
        %dma_start3A_123 = tpu.memref_slice %dma_start3A_121[%mul3A_65, %dma_start3A_122] : memref<96x128xi32, #tpu.memory_space<hbm>> -> memref<32x128xi32, #tpu.memory_space<hbm>>
        tpu.enqueue_dma source(%dma_start3A_123 : memref<32x128xi32, #tpu.memory_space<hbm>>) target(%arg8 : memref<32x128xi32, #tpu.memory_space<vmem>>) target_semaphore(%run_scoped3A : memref<!tpu.dma_semaphore, #tpu.memory_space<semaphore_mem>>)
        %dma_wait3A_124 = arith.constant 0 : i32
        %dma_wait3A_125 = arith.constant 0 : i32
        %dma_wait3A_126 = tpu.memref_slice %arg4[%add3A, %dma_wait3A_124, %dma_wait3A_125] : memref<32x96x128xi32, #tpu.memory_space<hbm>> -> memref<1x96x128xi32, #tpu.memory_space<hbm>>
        %dma_wait3A_127 = tpu.memref_squeeze %dma_wait3A_126 : memref<1x96x128xi32, #tpu.memory_space<hbm>> -> memref<96x128xi32, #tpu.memory_space<hbm>>
        %dma_wait3A_128 = arith.constant 0 : i32
        %dma_wait3A_129 = tpu.memref_slice %dma_wait3A_127[%mul3A_65, %dma_wait3A_128] : memref<96x128xi32, #tpu.memory_space<hbm>> -> memref<32x128xi32, #tpu.memory_space<hbm>>
        %dma_wait3A_130 = arith.constant 0 : i32
        %dma_wait3A_131 = arith.constant 0 : i32
        %dma_wait3A_132 = tpu.memref_slice %arg4[%add3A, %dma_wait3A_130, %dma_wait3A_131] : memref<32x96x128xi32, #tpu.memory_space<hbm>> -> memref<1x96x128xi32, #tpu.memory_space<hbm>>
        %dma_wait3A_133 = tpu.memref_squeeze %dma_wait3A_132 : memref<1x96x128xi32, #tpu.memory_space<hbm>> -> memref<96x128xi32, #tpu.memory_space<hbm>>
        %dma_wait3A_134 = arith.constant 0 : i32
        %dma_wait3A_135 = tpu.memref_slice %dma_wait3A_133[%mul3A_65, %dma_wait3A_134] : memref<96x128xi32, #tpu.memory_space<hbm>> -> memref<32x128xi32, #tpu.memory_space<hbm>>
        tpu.wait_dma2 semaphore(%run_scoped3A : memref<!tpu.dma_semaphore, #tpu.memory_space<semaphore_mem>>) src(%dma_wait3A_135 : memref<32x128xi32, #tpu.memory_space<hbm>>) dst(%arg8 : memref<32x128xi32, #tpu.memory_space<vmem>>)
        tpu.yield
      }) : () -> ()
      %add3A_66 = arith.constant 1 : i32
      %add3A_67 = arith.addi %min3A_61, %add3A_66 : i32
      %jit3A_68 = arith.constant 2 : i32
      %div3A_69 = arith.divsi %add3A_67, %jit3A_68 : i32
      %sign3A_70 = arith.constant 0 : i32
      %sign3A_71 = arith.cmpi sgt, %add3A_67, %sign3A_70 : i32
      %sign3A_72 = arith.extui %sign3A_71 : i1 to i32
      %sign3A_73 = arith.constant 0 : i32
      %sign3A_74 = arith.cmpi slt, %add3A_67, %sign3A_73 : i32
      %sign3A_75 = arith.extui %sign3A_74 : i1 to i32
      %sign3A_76 = arith.subi %sign3A_72, %sign3A_75 : i32
      %sign3A_77 = arith.constant 0 : i32
      %sign3A_78 = arith.cmpi sgt, %jit3A_68, %sign3A_77 : i32
      %sign3A_79 = arith.extui %sign3A_78 : i1 to i32
      %sign3A_80 = arith.constant 0 : i32
      %sign3A_81 = arith.cmpi slt, %jit3A_68, %sign3A_80 : i32
      %sign3A_82 = arith.extui %sign3A_81 : i1 to i32
      %sign3A_83 = arith.subi %sign3A_79, %sign3A_82 : i32
      %ne3A_84 = arith.cmpi ne, %sign3A_76, %sign3A_83 : i32
      %rem3A_85 = arith.remsi %add3A_67, %jit3A_68 : i32
      %ne3A_86 = arith.constant 0 : i32
      %ne3A_87 = arith.cmpi ne, %rem3A_85, %ne3A_86 : i32
      %and3A_88 = arith.andi %ne3A_84, %ne3A_87 : i1
      %sub3A_89 = arith.constant 1 : i32
      %sub3A_90 = arith.subi %div3A_69, %sub3A_89 : i32
      %select_n3A_91 = arith.select %and3A_88, %sub3A_90, %div3A_69 : i32
      %while3A_92 = arith.constant 0 : i32
      %while3A_93 = arith.constant 0 : i32
      %while3A_94 = arith.subi %select_n3A_91, %while3A_92 : i32
      %while3A_95 = arith.addi %while3A_92, %while3A_94 : i32
      %while3A_96 = arith.constant 1 : i32
      %while3A_97 = arith.divsi %while3A_94, %while3A_96 : i32
      %while3A_98 = arith.muli %while3A_97, %while3A_96 : i32
      %while3A_99 = arith.addi %while3A_92, %while3A_98 : i32
      %while3A_100 = arith.constant 1 : i32
      %while3A_101 = scf.for %while3A_113 = %while3A_92 to %while3A_99 step %while3A_100 iter_args(%while3A_114 = %while3A_93) -> (i32)  : i32 {
        %mul3A_115 = arith.constant 2 : i32
        %mul3A_116 = arith.muli %mul3A_115, %while3A_113 : i32
        %add3A_117 = arith.constant 1 : i32
        %add3A_118 = arith.addi %mul3A_116, %add3A_117 : i32
        %gt3A = arith.constant 0 : i32
        %gt3A_119 = arith.cmpi sgt, %while3A_113, %gt3A : i32
        %convert_element_type3A_120 = arith.extui %gt3A_119 : i1 to i32
        %cond3A_121 = arith.constant 0 : i32
        %cond3A_122 = arith.cmpi ne, %convert_element_type3A_120, %cond3A_121 : i32
        scf.if %cond3A_122 {
          %sub3A_144 = arith.constant 2 : i32
          %sub3A_145 = arith.subi %mul3A_116, %sub3A_144 : i32
          %dma_wait3A_146 = arith.constant 0 : i32
          %dma_wait3A_147 = tpu.memref_slice %arg8[%sub3A_145, %dma_wait3A_146] : memref<32x128xi32, #tpu.memory_space<vmem>> -> memref<1x128xi32, #tpu.memory_space<vmem>>
          %dma_wait3A_148 = tpu.memref_squeeze %dma_wait3A_147 : memref<1x128xi32, #tpu.memory_space<vmem>> -> memref<128xi32, #tpu.memory_space<vmem>>
          %dma_wait3A_149 = arith.constant 0 : i32
          %dma_wait3A_150 = arith.constant 0 : i32
          %dma_wait3A_151 = tpu.memref_slice %arg6[%dma_wait3A_149, %dma_wait3A_150] : memref<10112x128xf32, #tpu.memory_space<vmem_shared>> -> memref<10112x128xf32, #tpu.memory_space<vmem_shared>>
          tpu.wait_indirect_dma semaphore(%arg12 : memref<!tpu.dma_semaphore, #tpu.memory_space<semaphore_mem>>) src(%arg9 : memref<128x128xf32, #tpu.memory_space<vmem>>) dst(%dma_wait3A_151 : memref<10112x128xf32, #tpu.memory_space<vmem_shared>>)
        } else {
        }
        %dma_start3A = arith.constant 0 : i32
        %dma_start3A_123 = tpu.memref_slice %arg7[%mul3A_116, %dma_start3A] : memref<32x128xi32, #tpu.memory_space<vmem>> -> memref<1x128xi32, #tpu.memory_space<vmem>>
        %dma_start3A_124 = tpu.memref_squeeze %dma_start3A_123 : memref<1x128xi32, #tpu.memory_space<vmem>> -> memref<128xi32, #tpu.memory_space<vmem>>
        %dma_start3A_125 = arith.constant 0 : i32
        %dma_start3A_126 = arith.constant 0 : i32
        %dma_start3A_127 = tpu.memref_slice %arg2[%dma_start3A_125, %dma_start3A_126] : memref<10112x128xf32, #tpu.memory_space<hbm>> -> memref<10112x128xf32, #tpu.memory_space<hbm>>
        tpu.enqueue_indirect_dma source(%dma_start3A_127 : memref<10112x128xf32, #tpu.memory_space<hbm>>) target(%arg9 : memref<128x128xf32, #tpu.memory_space<vmem>>) offsets(%dma_start3A_124 : memref<128xi32, #tpu.memory_space<vmem>>) semaphore(%arg11 : memref<!tpu.dma_semaphore, #tpu.memory_space<semaphore_mem>>)
        %dma_wait3A_128 = arith.constant 0 : i32
        %dma_wait3A_129 = tpu.memref_slice %arg7[%mul3A_116, %dma_wait3A_128] : memref<32x128xi32, #tpu.memory_space<vmem>> -> memref<1x128xi32, #tpu.memory_space<vmem>>
        %dma_wait3A_130 = tpu.memref_squeeze %dma_wait3A_129 : memref<1x128xi32, #tpu.memory_space<vmem>> -> memref<128xi32, #tpu.memory_space<vmem>>
        %dma_wait3A_131 = arith.constant 0 : i32
        %dma_wait3A_132 = arith.constant 0 : i32
        %dma_wait3A_133 = tpu.memref_slice %arg2[%dma_wait3A_131, %dma_wait3A_132] : memref<10112x128xf32, #tpu.memory_space<hbm>> -> memref<10112x128xf32, #tpu.memory_space<hbm>>
        tpu.wait_indirect_dma semaphore(%arg11 : memref<!tpu.dma_semaphore, #tpu.memory_space<semaphore_mem>>) src(%dma_wait3A_133 : memref<10112x128xf32, #tpu.memory_space<hbm>>) dst(%arg9 : memref<128x128xf32, #tpu.memory_space<vmem>>)
        %dma_start3A_134 = arith.constant 0 : i32
        %dma_start3A_135 = tpu.memref_slice %arg8[%mul3A_116, %dma_start3A_134] : memref<32x128xi32, #tpu.memory_space<vmem>> -> memref<1x128xi32, #tpu.memory_space<vmem>>
        %dma_start3A_136 = tpu.memref_squeeze %dma_start3A_135 : memref<1x128xi32, #tpu.memory_space<vmem>> -> memref<128xi32, #tpu.memory_space<vmem>>
        %dma_start3A_137 = arith.constant 0 : i32
        %dma_start3A_138 = arith.constant 0 : i32
        %dma_start3A_139 = tpu.memref_slice %arg6[%dma_start3A_137, %dma_start3A_138] : memref<10112x128xf32, #tpu.memory_space<vmem_shared>> -> memref<10112x128xf32, #tpu.memory_space<vmem_shared>>
        tpu.enqueue_indirect_dma source(%arg9 : memref<128x128xf32, #tpu.memory_space<vmem>>) target(%dma_start3A_139 : memref<10112x128xf32, #tpu.memory_space<vmem_shared>>) offsets(%dma_start3A_136 : memref<128xi32, #tpu.memory_space<vmem>>) semaphore(%arg12 : memref<!tpu.dma_semaphore, #tpu.memory_space<semaphore_mem>>) {add = true}
        %lt3A = arith.cmpi slt, %add3A_118, %min3A_61 : i32
        %convert_element_type3A_140 = arith.extui %lt3A : i1 to i32
        %cond3A_141 = arith.constant 0 : i32
        %cond3A_142 = arith.cmpi ne, %convert_element_type3A_140, %cond3A_141 : i32
        scf.if %cond3A_142 {
          %gt3A_144 = arith.constant 0 : i32
          %gt3A_145 = arith.cmpi sgt, %while3A_113, %gt3A_144 : i32
          %convert_element_type3A_146 = arith.extui %gt3A_145 : i1 to i32
          %cond3A_147 = arith.constant 0 : i32
          %cond3A_148 = arith.cmpi ne, %convert_element_type3A_146, %cond3A_147 : i32
          scf.if %cond3A_148 {
            %sub3A_167 = arith.constant 2 : i32
            %sub3A_168 = arith.subi %add3A_118, %sub3A_167 : i32
            %dma_wait3A_169 = arith.constant 0 : i32
            %dma_wait3A_170 = tpu.memref_slice %arg8[%sub3A_168, %dma_wait3A_169] : memref<32x128xi32, #tpu.memory_space<vmem>> -> memref<1x128xi32, #tpu.memory_space<vmem>>
            %dma_wait3A_171 = tpu.memref_squeeze %dma_wait3A_170 : memref<1x128xi32, #tpu.memory_space<vmem>> -> memref<128xi32, #tpu.memory_space<vmem>>
            %dma_wait3A_172 = arith.constant 0 : i32
            %dma_wait3A_173 = arith.constant 0 : i32
            %dma_wait3A_174 = tpu.memref_slice %arg6[%dma_wait3A_172, %dma_wait3A_173] : memref<10112x128xf32, #tpu.memory_space<vmem_shared>> -> memref<10112x128xf32, #tpu.memory_space<vmem_shared>>
            tpu.wait_indirect_dma semaphore(%arg13 : memref<!tpu.dma_semaphore, #tpu.memory_space<semaphore_mem>>) src(%arg10 : memref<128x128xf32, #tpu.memory_space<vmem>>) dst(%dma_wait3A_174 : memref<10112x128xf32, #tpu.memory_space<vmem_shared>>)
          } else {
          }
          %dma_start3A_149 = arith.constant 0 : i32
          %dma_start3A_150 = tpu.memref_slice %arg7[%add3A_118, %dma_start3A_149] : memref<32x128xi32, #tpu.memory_space<vmem>> -> memref<1x128xi32, #tpu.memory_space<vmem>>
          %dma_start3A_151 = tpu.memref_squeeze %dma_start3A_150 : memref<1x128xi32, #tpu.memory_space<vmem>> -> memref<128xi32, #tpu.memory_space<vmem>>
          %dma_start3A_152 = arith.constant 0 : i32
          %dma_start3A_153 = arith.constant 0 : i32
          %dma_start3A_154 = tpu.memref_slice %arg2[%dma_start3A_152, %dma_start3A_153] : memref<10112x128xf32, #tpu.memory_space<hbm>> -> memref<10112x128xf32, #tpu.memory_space<hbm>>
          tpu.enqueue_indirect_dma source(%dma_start3A_154 : memref<10112x128xf32, #tpu.memory_space<hbm>>) target(%arg10 : memref<128x128xf32, #tpu.memory_space<vmem>>) offsets(%dma_start3A_151 : memref<128xi32, #tpu.memory_space<vmem>>) semaphore(%arg11 : memref<!tpu.dma_semaphore, #tpu.memory_space<semaphore_mem>>)
          %dma_wait3A_155 = arith.constant 0 : i32
          %dma_wait3A_156 = tpu.memref_slice %arg7[%add3A_118, %dma_wait3A_155] : memref<32x128xi32, #tpu.memory_space<vmem>> -> memref<1x128xi32, #tpu.memory_space<vmem>>
          %dma_wait3A_157 = tpu.memref_squeeze %dma_wait3A_156 : memref<1x128xi32, #tpu.memory_space<vmem>> -> memref<128xi32, #tpu.memory_space<vmem>>
          %dma_wait3A_158 = arith.constant 0 : i32
          %dma_wait3A_159 = arith.constant 0 : i32
          %dma_wait3A_160 = tpu.memref_slice %arg2[%dma_wait3A_158, %dma_wait3A_159] : memref<10112x128xf32, #tpu.memory_space<hbm>> -> memref<10112x128xf32, #tpu.memory_space<hbm>>
          tpu.wait_indirect_dma semaphore(%arg11 : memref<!tpu.dma_semaphore, #tpu.memory_space<semaphore_mem>>) src(%dma_wait3A_160 : memref<10112x128xf32, #tpu.memory_space<hbm>>) dst(%arg10 : memref<128x128xf32, #tpu.memory_space<vmem>>)
          %dma_start3A_161 = arith.constant 0 : i32
          %dma_start3A_162 = tpu.memref_slice %arg8[%add3A_118, %dma_start3A_161] : memref<32x128xi32, #tpu.memory_space<vmem>> -> memref<1x128xi32, #tpu.memory_space<vmem>>
          %dma_start3A_163 = tpu.memref_squeeze %dma_start3A_162 : memref<1x128xi32, #tpu.memory_space<vmem>> -> memref<128xi32, #tpu.memory_space<vmem>>
          %dma_start3A_164 = arith.constant 0 : i32
          %dma_start3A_165 = arith.constant 0 : i32
          %dma_start3A_166 = tpu.memref_slice %arg6[%dma_start3A_164, %dma_start3A_165] : memref<10112x128xf32, #tpu.memory_space<vmem_shared>> -> memref<10112x128xf32, #tpu.memory_space<vmem_shared>>
          tpu.enqueue_indirect_dma source(%arg10 : memref<128x128xf32, #tpu.memory_space<vmem>>) target(%dma_start3A_166 : memref<10112x128xf32, #tpu.memory_space<vmem_shared>>) offsets(%dma_start3A_163 : memref<128xi32, #tpu.memory_space<vmem>>) semaphore(%arg13 : memref<!tpu.dma_semaphore, #tpu.memory_space<semaphore_mem>>) {add = true}
        } else {
        }
        %while3A_143 = arith.constant 0 : i32
        scf.yield %while3A_143 : i32
      }
      %while3A_102 = arith.constant 1 : i32
      %while3A_103 = scf.for %while3A_113 = %while3A_99 to %while3A_95 step %while3A_102 iter_args(%while3A_114 = %while3A_101) -> (i32)  : i32 {
        %mul3A_115 = arith.constant 2 : i32
        %mul3A_116 = arith.muli %mul3A_115, %while3A_113 : i32
        %add3A_117 = arith.constant 1 : i32
        %add3A_118 = arith.addi %mul3A_116, %add3A_117 : i32
        %gt3A = arith.constant 0 : i32
        %gt3A_119 = arith.cmpi sgt, %while3A_113, %gt3A : i32
        %convert_element_type3A_120 = arith.extui %gt3A_119 : i1 to i32
        %cond3A_121 = arith.constant 0 : i32
        %cond3A_122 = arith.cmpi ne, %convert_element_type3A_120, %cond3A_121 : i32
        scf.if %cond3A_122 {
          %sub3A_144 = arith.constant 2 : i32
          %sub3A_145 = arith.subi %mul3A_116, %sub3A_144 : i32
          %dma_wait3A_146 = arith.constant 0 : i32
          %dma_wait3A_147 = tpu.memref_slice %arg8[%sub3A_145, %dma_wait3A_146] : memref<32x128xi32, #tpu.memory_space<vmem>> -> memref<1x128xi32, #tpu.memory_space<vmem>>
          %dma_wait3A_148 = tpu.memref_squeeze %dma_wait3A_147 : memref<1x128xi32, #tpu.memory_space<vmem>> -> memref<128xi32, #tpu.memory_space<vmem>>
          %dma_wait3A_149 = arith.constant 0 : i32
          %dma_wait3A_150 = arith.constant 0 : i32
          %dma_wait3A_151 = tpu.memref_slice %arg6[%dma_wait3A_149, %dma_wait3A_150] : memref<10112x128xf32, #tpu.memory_space<vmem_shared>> -> memref<10112x128xf32, #tpu.memory_space<vmem_shared>>
          tpu.wait_indirect_dma semaphore(%arg12 : memref<!tpu.dma_semaphore, #tpu.memory_space<semaphore_mem>>) src(%arg9 : memref<128x128xf32, #tpu.memory_space<vmem>>) dst(%dma_wait3A_151 : memref<10112x128xf32, #tpu.memory_space<vmem_shared>>)
        } else {
        }
        %dma_start3A = arith.constant 0 : i32
        %dma_start3A_123 = tpu.memref_slice %arg7[%mul3A_116, %dma_start3A] : memref<32x128xi32, #tpu.memory_space<vmem>> -> memref<1x128xi32, #tpu.memory_space<vmem>>
        %dma_start3A_124 = tpu.memref_squeeze %dma_start3A_123 : memref<1x128xi32, #tpu.memory_space<vmem>> -> memref<128xi32, #tpu.memory_space<vmem>>
        %dma_start3A_125 = arith.constant 0 : i32
        %dma_start3A_126 = arith.constant 0 : i32
        %dma_start3A_127 = tpu.memref_slice %arg2[%dma_start3A_125, %dma_start3A_126] : memref<10112x128xf32, #tpu.memory_space<hbm>> -> memref<10112x128xf32, #tpu.memory_space<hbm>>
        tpu.enqueue_indirect_dma source(%dma_start3A_127 : memref<10112x128xf32, #tpu.memory_space<hbm>>) target(%arg9 : memref<128x128xf32, #tpu.memory_space<vmem>>) offsets(%dma_start3A_124 : memref<128xi32, #tpu.memory_space<vmem>>) semaphore(%arg11 : memref<!tpu.dma_semaphore, #tpu.memory_space<semaphore_mem>>)
        %dma_wait3A_128 = arith.constant 0 : i32
        %dma_wait3A_129 = tpu.memref_slice %arg7[%mul3A_116, %dma_wait3A_128] : memref<32x128xi32, #tpu.memory_space<vmem>> -> memref<1x128xi32, #tpu.memory_space<vmem>>
        %dma_wait3A_130 = tpu.memref_squeeze %dma_wait3A_129 : memref<1x128xi32, #tpu.memory_space<vmem>> -> memref<128xi32, #tpu.memory_space<vmem>>
        %dma_wait3A_131 = arith.constant 0 : i32
        %dma_wait3A_132 = arith.constant 0 : i32
        %dma_wait3A_133 = tpu.memref_slice %arg2[%dma_wait3A_131, %dma_wait3A_132] : memref<10112x128xf32, #tpu.memory_space<hbm>> -> memref<10112x128xf32, #tpu.memory_space<hbm>>
        tpu.wait_indirect_dma semaphore(%arg11 : memref<!tpu.dma_semaphore, #tpu.memory_space<semaphore_mem>>) src(%dma_wait3A_133 : memref<10112x128xf32, #tpu.memory_space<hbm>>) dst(%arg9 : memref<128x128xf32, #tpu.memory_space<vmem>>)
        %dma_start3A_134 = arith.constant 0 : i32
        %dma_start3A_135 = tpu.memref_slice %arg8[%mul3A_116, %dma_start3A_134] : memref<32x128xi32, #tpu.memory_space<vmem>> -> memref<1x128xi32, #tpu.memory_space<vmem>>
        %dma_start3A_136 = tpu.memref_squeeze %dma_start3A_135 : memref<1x128xi32, #tpu.memory_space<vmem>> -> memref<128xi32, #tpu.memory_space<vmem>>
        %dma_start3A_137 = arith.constant 0 : i32
        %dma_start3A_138 = arith.constant 0 : i32
        %dma_start3A_139 = tpu.memref_slice %arg6[%dma_start3A_137, %dma_start3A_138] : memref<10112x128xf32, #tpu.memory_space<vmem_shared>> -> memref<10112x128xf32, #tpu.memory_space<vmem_shared>>
        tpu.enqueue_indirect_dma source(%arg9 : memref<128x128xf32, #tpu.memory_space<vmem>>) target(%dma_start3A_139 : memref<10112x128xf32, #tpu.memory_space<vmem_shared>>) offsets(%dma_start3A_136 : memref<128xi32, #tpu.memory_space<vmem>>) semaphore(%arg12 : memref<!tpu.dma_semaphore, #tpu.memory_space<semaphore_mem>>) {add = true}
        %lt3A = arith.cmpi slt, %add3A_118, %min3A_61 : i32
        %convert_element_type3A_140 = arith.extui %lt3A : i1 to i32
        %cond3A_141 = arith.constant 0 : i32
        %cond3A_142 = arith.cmpi ne, %convert_element_type3A_140, %cond3A_141 : i32
        scf.if %cond3A_142 {
          %gt3A_144 = arith.constant 0 : i32
          %gt3A_145 = arith.cmpi sgt, %while3A_113, %gt3A_144 : i32
          %convert_element_type3A_146 = arith.extui %gt3A_145 : i1 to i32
          %cond3A_147 = arith.constant 0 : i32
          %cond3A_148 = arith.cmpi ne, %convert_element_type3A_146, %cond3A_147 : i32
          scf.if %cond3A_148 {
            %sub3A_167 = arith.constant 2 : i32
            %sub3A_168 = arith.subi %add3A_118, %sub3A_167 : i32
            %dma_wait3A_169 = arith.constant 0 : i32
            %dma_wait3A_170 = tpu.memref_slice %arg8[%sub3A_168, %dma_wait3A_169] : memref<32x128xi32, #tpu.memory_space<vmem>> -> memref<1x128xi32, #tpu.memory_space<vmem>>
            %dma_wait3A_171 = tpu.memref_squeeze %dma_wait3A_170 : memref<1x128xi32, #tpu.memory_space<vmem>> -> memref<128xi32, #tpu.memory_space<vmem>>
            %dma_wait3A_172 = arith.constant 0 : i32
            %dma_wait3A_173 = arith.constant 0 : i32
            %dma_wait3A_174 = tpu.memref_slice %arg6[%dma_wait3A_172, %dma_wait3A_173] : memref<10112x128xf32, #tpu.memory_space<vmem_shared>> -> memref<10112x128xf32, #tpu.memory_space<vmem_shared>>
            tpu.wait_indirect_dma semaphore(%arg13 : memref<!tpu.dma_semaphore, #tpu.memory_space<semaphore_mem>>) src(%arg10 : memref<128x128xf32, #tpu.memory_space<vmem>>) dst(%dma_wait3A_174 : memref<10112x128xf32, #tpu.memory_space<vmem_shared>>)
          } else {
          }
          %dma_start3A_149 = arith.constant 0 : i32
          %dma_start3A_150 = tpu.memref_slice %arg7[%add3A_118, %dma_start3A_149] : memref<32x128xi32, #tpu.memory_space<vmem>> -> memref<1x128xi32, #tpu.memory_space<vmem>>
          %dma_start3A_151 = tpu.memref_squeeze %dma_start3A_150 : memref<1x128xi32, #tpu.memory_space<vmem>> -> memref<128xi32, #tpu.memory_space<vmem>>
          %dma_start3A_152 = arith.constant 0 : i32
          %dma_start3A_153 = arith.constant 0 : i32
          %dma_start3A_154 = tpu.memref_slice %arg2[%dma_start3A_152, %dma_start3A_153] : memref<10112x128xf32, #tpu.memory_space<hbm>> -> memref<10112x128xf32, #tpu.memory_space<hbm>>
          tpu.enqueue_indirect_dma source(%dma_start3A_154 : memref<10112x128xf32, #tpu.memory_space<hbm>>) target(%arg10 : memref<128x128xf32, #tpu.memory_space<vmem>>) offsets(%dma_start3A_151 : memref<128xi32, #tpu.memory_space<vmem>>) semaphore(%arg11 : memref<!tpu.dma_semaphore, #tpu.memory_space<semaphore_mem>>)
          %dma_wait3A_155 = arith.constant 0 : i32
          %dma_wait3A_156 = tpu.memref_slice %arg7[%add3A_118, %dma_wait3A_155] : memref<32x128xi32, #tpu.memory_space<vmem>> -> memref<1x128xi32, #tpu.memory_space<vmem>>
          %dma_wait3A_157 = tpu.memref_squeeze %dma_wait3A_156 : memref<1x128xi32, #tpu.memory_space<vmem>> -> memref<128xi32, #tpu.memory_space<vmem>>
          %dma_wait3A_158 = arith.constant 0 : i32
          %dma_wait3A_159 = arith.constant 0 : i32
          %dma_wait3A_160 = tpu.memref_slice %arg2[%dma_wait3A_158, %dma_wait3A_159] : memref<10112x128xf32, #tpu.memory_space<hbm>> -> memref<10112x128xf32, #tpu.memory_space<hbm>>
          tpu.wait_indirect_dma semaphore(%arg11 : memref<!tpu.dma_semaphore, #tpu.memory_space<semaphore_mem>>) src(%dma_wait3A_160 : memref<10112x128xf32, #tpu.memory_space<hbm>>) dst(%arg10 : memref<128x128xf32, #tpu.memory_space<vmem>>)
          %dma_start3A_161 = arith.constant 0 : i32
          %dma_start3A_162 = tpu.memref_slice %arg8[%add3A_118, %dma_start3A_161] : memref<32x128xi32, #tpu.memory_space<vmem>> -> memref<1x128xi32, #tpu.memory_space<vmem>>
          %dma_start3A_163 = tpu.memref_squeeze %dma_start3A_162 : memref<1x128xi32, #tpu.memory_space<vmem>> -> memref<128xi32, #tpu.memory_space<vmem>>
          %dma_start3A_164 = arith.constant 0 : i32
          %dma_start3A_165 = arith.constant 0 : i32
          %dma_start3A_166 = tpu.memref_slice %arg6[%dma_start3A_164, %dma_start3A_165] : memref<10112x128xf32, #tpu.memory_space<vmem_shared>> -> memref<10112x128xf32, #tpu.memory_space<vmem_shared>>
          tpu.enqueue_indirect_dma source(%arg10 : memref<128x128xf32, #tpu.memory_space<vmem>>) target(%dma_start3A_166 : memref<10112x128xf32, #tpu.memory_space<vmem_shared>>) offsets(%dma_start3A_163 : memref<128xi32, #tpu.memory_space<vmem>>) semaphore(%arg13 : memref<!tpu.dma_semaphore, #tpu.memory_space<semaphore_mem>>) {add = true}
        } else {
        }
        %while3A_143 = arith.constant 0 : i32
        scf.yield %while3A_143 : i32
      }
      %dma_wait3A = arith.constant 0 : i32
      %dma_wait3A_104 = arith.constant 0 : i32
      %dma_wait3A_105 = tpu.memref_slice %arg8[%dma_wait3A, %dma_wait3A_104] : memref<32x128xi32, #tpu.memory_space<vmem>> -> memref<1x128xi32, #tpu.memory_space<vmem>>
      %dma_wait3A_106 = tpu.memref_squeeze %dma_wait3A_105 : memref<1x128xi32, #tpu.memory_space<vmem>> -> memref<128xi32, #tpu.memory_space<vmem>>
      %dma_wait3A_107 = arith.constant 0 : i32
      %dma_wait3A_108 = arith.constant 0 : i32
      %dma_wait3A_109 = tpu.memref_slice %arg6[%dma_wait3A_107, %dma_wait3A_108] : memref<10112x128xf32, #tpu.memory_space<vmem_shared>> -> memref<10112x128xf32, #tpu.memory_space<vmem_shared>>
      tpu.wait_indirect_dma semaphore(%arg12 : memref<!tpu.dma_semaphore, #tpu.memory_space<semaphore_mem>>) src(%arg9 : memref<128x128xf32, #tpu.memory_space<vmem>>) dst(%dma_wait3A_109 : memref<10112x128xf32, #tpu.memory_space<vmem_shared>>)
      %ge3A = arith.constant 2 : i32
      %ge3A_110 = arith.cmpi sge, %min3A_61, %ge3A : i32
      %convert_element_type3A = arith.extui %ge3A_110 : i1 to i32
      %cond3A = arith.constant 0 : i32
      %cond3A_111 = arith.cmpi ne, %convert_element_type3A, %cond3A : i32
      scf.if %cond3A_111 {
        %dma_wait3A_113 = arith.constant 0 : i32
        %dma_wait3A_114 = arith.constant 0 : i32
        %dma_wait3A_115 = tpu.memref_slice %arg8[%dma_wait3A_113, %dma_wait3A_114] : memref<32x128xi32, #tpu.memory_space<vmem>> -> memref<1x128xi32, #tpu.memory_space<vmem>>
        %dma_wait3A_116 = tpu.memref_squeeze %dma_wait3A_115 : memref<1x128xi32, #tpu.memory_space<vmem>> -> memref<128xi32, #tpu.memory_space<vmem>>
        %dma_wait3A_117 = arith.constant 0 : i32
        %dma_wait3A_118 = arith.constant 0 : i32
        %dma_wait3A_119 = tpu.memref_slice %arg6[%dma_wait3A_117, %dma_wait3A_118] : memref<10112x128xf32, #tpu.memory_space<vmem_shared>> -> memref<10112x128xf32, #tpu.memory_space<vmem_shared>>
        tpu.wait_indirect_dma semaphore(%arg13 : memref<!tpu.dma_semaphore, #tpu.memory_space<semaphore_mem>>) src(%arg10 : memref<128x128xf32, #tpu.memory_space<vmem>>) dst(%dma_wait3A_119 : memref<10112x128xf32, #tpu.memory_space<vmem_shared>>)
      } else {
      }
      %while3A_112 = arith.constant 0 : i32
      scf.yield %while3A_112 : i32
    }
    %barrier3A_55 = arith.constant 0 : index
    tpu.barrier barrier_id(%barrier3A_55)
    "tpu.region"() ({
      %run_scoped3A = tpu.sem_alloc : memref<!tpu.dma_semaphore, #tpu.memory_space<semaphore_mem>>
      %dma_start3A = arith.constant 0 : i32
      %dma_start3A_56 = arith.constant 0 : i32
      %dma_start3A_57 = tpu.memref_slice %arg5[%arg0, %dma_start3A, %dma_start3A_56] : memref<2x10112x128xf32, #tpu.memory_space<hbm>> -> memref<1x10112x128xf32, #tpu.memory_space<hbm>>
      %dma_start3A_58 = tpu.memref_squeeze %dma_start3A_57 : memref<1x10112x128xf32, #tpu.memory_space<hbm>> -> memref<10112x128xf32, #tpu.memory_space<hbm>>
      %dma_start3A_59 = arith.constant 0 : i32
      %dma_start3A_60 = tpu.memref_slice %dma_start3A_58[%mul3A_11, %dma_start3A_59] : memref<10112x128xf32, #tpu.memory_space<hbm>> -> memref<632x128xf32, #tpu.memory_space<hbm>>
      %dma_start3A_61 = arith.constant 0 : i32
      %dma_start3A_62 = tpu.memref_slice %arg6[%mul3A_11, %dma_start3A_61] : memref<10112x128xf32, #tpu.memory_space<vmem_shared>> -> memref<632x128xf32, #tpu.memory_space<vmem_shared>>
      tpu.enqueue_dma source(%dma_start3A_62 : memref<632x128xf32, #tpu.memory_space<vmem_shared>>) target(%dma_start3A_60 : memref<632x128xf32, #tpu.memory_space<hbm>>) target_semaphore(%run_scoped3A : memref<!tpu.dma_semaphore, #tpu.memory_space<semaphore_mem>>)
      %dma_wait3A = arith.constant 0 : i32
      %dma_wait3A_63 = arith.constant 0 : i32
      %dma_wait3A_64 = tpu.memref_slice %arg5[%arg0, %dma_wait3A, %dma_wait3A_63] : memref<2x10112x128xf32, #tpu.memory_space<hbm>> -> memref<1x10112x128xf32, #tpu.memory_space<hbm>>
      %dma_wait3A_65 = tpu.memref_squeeze %dma_wait3A_64 : memref<1x10112x128xf32, #tpu.memory_space<hbm>> -> memref<10112x128xf32, #tpu.memory_space<hbm>>
      %dma_wait3A_66 = arith.constant 0 : i32
      %dma_wait3A_67 = tpu.memref_slice %dma_wait3A_65[%mul3A_11, %dma_wait3A_66] : memref<10112x128xf32, #tpu.memory_space<hbm>> -> memref<632x128xf32, #tpu.memory_space<hbm>>
      %dma_wait3A_68 = arith.constant 0 : i32
      %dma_wait3A_69 = tpu.memref_slice %arg6[%mul3A_11, %dma_wait3A_68] : memref<10112x128xf32, #tpu.memory_space<vmem_shared>> -> memref<632x128xf32, #tpu.memory_space<vmem_shared>>
      tpu.wait_dma2 semaphore(%run_scoped3A : memref<!tpu.dma_semaphore, #tpu.memory_space<semaphore_mem>>) src(%dma_wait3A_69 : memref<632x128xf32, #tpu.memory_space<vmem_shared>>) dst(%dma_wait3A_67 : memref<632x128xf32, #tpu.memory_space<hbm>>)
      tpu.yield
    }) : () -> ()
    return
  }
}

#map = affine_map<(d0, d1) -> (0, 0)>
#map1 = affine_map<(d0, d1) -> (0, 0, 0)>
module attributes {stable_mosaic.version = 14 : i64} {
  func.func @_sc_prop(%arg0: i32, %arg1: i32, %arg2: memref<10112x128xf32, #tpu.memory_space<hbm>>, %arg3: memref<32x96x128xi32, #tpu.memory_space<hbm>>, %arg4: memref<32x96x128xi32, #tpu.memory_space<hbm>>, %arg5: memref<2x10112x128xf32, #tpu.memory_space<hbm>>, %arg6: memref<10112x128xf32, #tpu.memory_space<vmem_shared>>, %arg7: memref<32x128xi32, #tpu.memory_space<vmem>>, %arg8: memref<32x128xi32, #tpu.memory_space<vmem>>, %arg9: memref<128x128xf32, #tpu.memory_space<vmem>>, %arg10: memref<128x128xf32, #tpu.memory_space<vmem>>, %arg11: memref<!tpu.dma_semaphore, #tpu.memory_space<semaphore_mem>>, %arg12: memref<!tpu.dma_semaphore, #tpu.memory_space<semaphore_mem>>, %arg13: memref<!tpu.dma_semaphore, #tpu.memory_space<semaphore_mem>>) attributes {dimension_semantics = [#tpu.dimension_semantics<core_parallel>, #tpu.dimension_semantics<subcore_parallel>], iteration_bounds = array<i64: 2, 16>, scalar_prefetch = 0 : i64, scratch_operands = 8 : i64, tpu.core_type = #tpu.core_type<sc_vector_subcore>, window_params = [{transform_indices = #map}, {transform_indices = #map1}, {transform_indices = #map1}, {transform_indices = #map1}]} {
    %mul3A = arith.constant 16 : i32
    %mul3A_0 = arith.muli %arg0, %mul3A : i32
    %add3A = arith.addi %mul3A_0, %arg1 : i32
    %eq3A = arith.constant 0 : i32
    %eq3A_1 = arith.cmpi eq, %arg0, %eq3A : i32
    %jit3A = arith.constant 79 : i32
    %jit3A_2 = arith.constant 78 : i32
    %select_n3A = arith.select %eq3A_1, %jit3A, %jit3A_2 : i32
    %broadcast_in_dim3A = arith.constant 0.000000e+00 : f32
    %broadcast_in_dim3A_3 = vector.broadcast %broadcast_in_dim3A : f32 to vector<16xf32>
    %scan3A = arith.constant 0 : i32
    %scan3A_4 = arith.constant 0 : i32
    %scan3A_5 = arith.constant 128 : i32
    %scan3A_6 = arith.addi %scan3A_4, %scan3A_5 : i32
    %scan3A_7 = arith.constant 1 : i32
    %scan3A_8 = scf.for %scan3A_56 = %scan3A_4 to %scan3A_6 step %scan3A_7 iter_args(%scan3A_57 = %scan3A) -> (i32)  : i32 {
      %swap3A = arith.index_cast %scan3A_56 : i32 to index
      %swap3A_58 = arith.constant 0 : index
      %swap3A_59 = tpu.vector_load %arg9[%swap3A, %swap3A_58] {strides = array<i32>} : memref<128x128xf32, #tpu.memory_space<vmem>>, vector<1x16xf32>,
      %swap3A_60 = vector.shape_cast %swap3A_59 : vector<1x16xf32> to vector<16xf32>
      %swap3A_61 = vector.shape_cast %broadcast_in_dim3A_3 : vector<16xf32> to vector<1x16xf32>
      tpu.vector_store %arg9[%swap3A, %swap3A_58], %swap3A_61 {strides = array<i32>} : memref<128x128xf32, #tpu.memory_space<vmem>>, vector<1x16xf32>,
      %swap3A_62 = arith.index_cast %scan3A_56 : i32 to index
      %swap3A_63 = arith.constant 16 : index
      %swap3A_64 = tpu.vector_load %arg9[%swap3A_62, %swap3A_63] {strides = array<i32>} : memref<128x128xf32, #tpu.memory_space<vmem>>, vector<1x16xf32>,
      %swap3A_65 = vector.shape_cast %swap3A_64 : vector<1x16xf32> to vector<16xf32>
      %swap3A_66 = vector.shape_cast %broadcast_in_dim3A_3 : vector<16xf32> to vector<1x16xf32>
      tpu.vector_store %arg9[%swap3A_62, %swap3A_63], %swap3A_66 {strides = array<i32>} : memref<128x128xf32, #tpu.memory_space<vmem>>, vector<1x16xf32>,
      %swap3A_67 = arith.index_cast %scan3A_56 : i32 to index
      %swap3A_68 = arith.constant 32 : index
      %swap3A_69 = tpu.vector_load %arg9[%swap3A_67, %swap3A_68] {strides = array<i32>} : memref<128x128xf32, #tpu.memory_space<vmem>>, vector<1x16xf32>,
      %swap3A_70 = vector.shape_cast %swap3A_69 : vector<1x16xf32> to vector<16xf32>
      %swap3A_71 = vector.shape_cast %broadcast_in_dim3A_3 : vector<16xf32> to vector<1x16xf32>
      tpu.vector_store %arg9[%swap3A_67, %swap3A_68], %swap3A_71 {strides = array<i32>} : memref<128x128xf32, #tpu.memory_space<vmem>>, vector<1x16xf32>,
      %swap3A_72 = arith.index_cast %scan3A_56 : i32 to index
      %swap3A_73 = arith.constant 48 : index
      %swap3A_74 = tpu.vector_load %arg9[%swap3A_72, %swap3A_73] {strides = array<i32>} : memref<128x128xf32, #tpu.memory_space<vmem>>, vector<1x16xf32>,
      %swap3A_75 = vector.shape_cast %swap3A_74 : vector<1x16xf32> to vector<16xf32>
      %swap3A_76 = vector.shape_cast %broadcast_in_dim3A_3 : vector<16xf32> to vector<1x16xf32>
      tpu.vector_store %arg9[%swap3A_72, %swap3A_73], %swap3A_76 {strides = array<i32>} : memref<128x128xf32, #tpu.memory_space<vmem>>, vector<1x16xf32>,
      %swap3A_77 = arith.index_cast %scan3A_56 : i32 to index
      %swap3A_78 = arith.constant 64 : index
      %swap3A_79 = tpu.vector_load %arg9[%swap3A_77, %swap3A_78] {strides = array<i32>} : memref<128x128xf32, #tpu.memory_space<vmem>>, vector<1x16xf32>,
      %swap3A_80 = vector.shape_cast %swap3A_79 : vector<1x16xf32> to vector<16xf32>
      %swap3A_81 = vector.shape_cast %broadcast_in_dim3A_3 : vector<16xf32> to vector<1x16xf32>
      tpu.vector_store %arg9[%swap3A_77, %swap3A_78], %swap3A_81 {strides = array<i32>} : memref<128x128xf32, #tpu.memory_space<vmem>>, vector<1x16xf32>,
      %swap3A_82 = arith.index_cast %scan3A_56 : i32 to index
      %swap3A_83 = arith.constant 80 : index
      %swap3A_84 = tpu.vector_load %arg9[%swap3A_82, %swap3A_83] {strides = array<i32>} : memref<128x128xf32, #tpu.memory_space<vmem>>, vector<1x16xf32>,
      %swap3A_85 = vector.shape_cast %swap3A_84 : vector<1x16xf32> to vector<16xf32>
      %swap3A_86 = vector.shape_cast %broadcast_in_dim3A_3 : vector<16xf32> to vector<1x16xf32>
      tpu.vector_store %arg9[%swap3A_82, %swap3A_83], %swap3A_86 {strides = array<i32>} : memref<128x128xf32, #tpu.memory_space<vmem>>, vector<1x16xf32>,
      %swap3A_87 = arith.index_cast %scan3A_56 : i32 to index
      %swap3A_88 = arith.constant 96 : index
      %swap3A_89 = tpu.vector_load %arg9[%swap3A_87, %swap3A_88] {strides = array<i32>} : memref<128x128xf32, #tpu.memory_space<vmem>>, vector<1x16xf32>,
      %swap3A_90 = vector.shape_cast %swap3A_89 : vector<1x16xf32> to vector<16xf32>
      %swap3A_91 = vector.shape_cast %broadcast_in_dim3A_3 : vector<16xf32> to vector<1x16xf32>
      tpu.vector_store %arg9[%swap3A_87, %swap3A_88], %swap3A_91 {strides = array<i32>} : memref<128x128xf32, #tpu.memory_space<vmem>>, vector<1x16xf32>,
      %swap3A_92 = arith.index_cast %scan3A_56 : i32 to index
      %swap3A_93 = arith.constant 112 : index
      %swap3A_94 = tpu.vector_load %arg9[%swap3A_92, %swap3A_93] {strides = array<i32>} : memref<128x128xf32, #tpu.memory_space<vmem>>, vector<1x16xf32>,
      %swap3A_95 = vector.shape_cast %swap3A_94 : vector<1x16xf32> to vector<16xf32>
      %swap3A_96 = vector.shape_cast %broadcast_in_dim3A_3 : vector<16xf32> to vector<1x16xf32>
      tpu.vector_store %arg9[%swap3A_92, %swap3A_93], %swap3A_96 {strides = array<i32>} : memref<128x128xf32, #tpu.memory_space<vmem>>, vector<1x16xf32>,
      %scan3A_97 = arith.constant 0 : i32
      scf.yield %scan3A_97 : i32
    }
    %scan3A_9 = arith.constant 128 : i32
    %mul3A_10 = arith.constant 632 : i32
    %mul3A_11 = arith.muli %arg1, %mul3A_10 : i32
    %add3A_12 = arith.constant 0 : i32
    %add3A_13 = arith.addi %mul3A_11, %add3A_12 : i32
    "tpu.region"() ({
      %run_scoped3A = tpu.sem_alloc : memref<!tpu.dma_semaphore, #tpu.memory_space<semaphore_mem>>
      %dma_start3A = arith.constant 0 : i32
      %dma_start3A_56 = arith.constant 0 : i32
      %dma_start3A_57 = tpu.memref_slice %arg9[%dma_start3A, %dma_start3A_56] : memref<128x128xf32, #tpu.memory_space<vmem>> -> memref<128x128xf32, #tpu.memory_space<vmem>>
      %dma_start3A_58 = arith.constant 0 : i32
      %dma_start3A_59 = tpu.memref_slice %arg6[%add3A_13, %dma_start3A_58] : memref<10112x128xf32, #tpu.memory_space<vmem_shared>> -> memref<128x128xf32, #tpu.memory_space<vmem_shared>>
      %dma_start3A_60 = arith.constant 0 : i32
      %dma_start3A_61 = tpu.memref_slice %arg6[%add3A_13, %dma_start3A_60] : memref<10112x128xf32, #tpu.memory_space<vmem_shared>> -> memref<128x128xf32, #tpu.memory_space<vmem_shared>>
      %dma_start3A_62 = arith.constant 0 : i32
      %dma_start3A_63 = arith.constant 0 : i32
      %dma_start3A_64 = tpu.memref_slice %arg9[%dma_start3A_62, %dma_start3A_63] : memref<128x128xf32, #tpu.memory_space<vmem>> -> memref<128x128xf32, #tpu.memory_space<vmem>>
      tpu.enqueue_dma source(%dma_start3A_64 : memref<128x128xf32, #tpu.memory_space<vmem>>) target(%dma_start3A_61 : memref<128x128xf32, #tpu.memory_space<vmem_shared>>) target_semaphore(%run_scoped3A : memref<!tpu.dma_semaphore, #tpu.memory_space<semaphore_mem>>)
      %dma_wait3A = arith.constant 0 : i32
      %dma_wait3A_65 = arith.constant 0 : i32
      %dma_wait3A_66 = tpu.memref_slice %arg9[%dma_wait3A, %dma_wait3A_65] : memref<128x128xf32, #tpu.memory_space<vmem>> -> memref<128x128xf32, #tpu.memory_space<vmem>>
      %dma_wait3A_67 = arith.constant 0 : i32
      %dma_wait3A_68 = tpu.memref_slice %arg6[%add3A_13, %dma_wait3A_67] : memref<10112x128xf32, #tpu.memory_space<vmem_shared>> -> memref<128x128xf32, #tpu.memory_space<vmem_shared>>
      %dma_wait3A_69 = arith.constant 0 : i32
      %dma_wait3A_70 = tpu.memref_slice %arg6[%add3A_13, %dma_wait3A_69] : memref<10112x128xf32, #tpu.memory_space<vmem_shared>> -> memref<128x128xf32, #tpu.memory_space<vmem_shared>>
      %dma_wait3A_71 = arith.constant 0 : i32
      %dma_wait3A_72 = arith.constant 0 : i32
      %dma_wait3A_73 = tpu.memref_slice %arg9[%dma_wait3A_71, %dma_wait3A_72] : memref<128x128xf32, #tpu.memory_space<vmem>> -> memref<128x128xf32, #tpu.memory_space<vmem>>
      tpu.wait_dma2 semaphore(%run_scoped3A : memref<!tpu.dma_semaphore, #tpu.memory_space<semaphore_mem>>) src(%dma_wait3A_73 : memref<128x128xf32, #tpu.memory_space<vmem>>) dst(%dma_wait3A_70 : memref<128x128xf32, #tpu.memory_space<vmem_shared>>)
      tpu.yield
    }) : () -> ()
    %add3A_14 = arith.constant 128 : i32
    %add3A_15 = arith.addi %mul3A_11, %add3A_14 : i32
    "tpu.region"() ({
      %run_scoped3A = tpu.sem_alloc : memref<!tpu.dma_semaphore, #tpu.memory_space<semaphore_mem>>
      %dma_start3A = arith.constant 0 : i32
      %dma_start3A_56 = arith.constant 0 : i32
      %dma_start3A_57 = tpu.memref_slice %arg9[%dma_start3A, %dma_start3A_56] : memref<128x128xf32, #tpu.memory_space<vmem>> -> memref<128x128xf32, #tpu.memory_space<vmem>>
      %dma_start3A_58 = arith.constant 0 : i32
      %dma_start3A_59 = tpu.memref_slice %arg6[%add3A_15, %dma_start3A_58] : memref<10112x128xf32, #tpu.memory_space<vmem_shared>> -> memref<128x128xf32, #tpu.memory_space<vmem_shared>>
      %dma_start3A_60 = arith.constant 0 : i32
      %dma_start3A_61 = tpu.memref_slice %arg6[%add3A_15, %dma_start3A_60] : memref<10112x128xf32, #tpu.memory_space<vmem_shared>> -> memref<128x128xf32, #tpu.memory_space<vmem_shared>>
      %dma_start3A_62 = arith.constant 0 : i32
      %dma_start3A_63 = arith.constant 0 : i32
      %dma_start3A_64 = tpu.memref_slice %arg9[%dma_start3A_62, %dma_start3A_63] : memref<128x128xf32, #tpu.memory_space<vmem>> -> memref<128x128xf32, #tpu.memory_space<vmem>>
      tpu.enqueue_dma source(%dma_start3A_64 : memref<128x128xf32, #tpu.memory_space<vmem>>) target(%dma_start3A_61 : memref<128x128xf32, #tpu.memory_space<vmem_shared>>) target_semaphore(%run_scoped3A : memref<!tpu.dma_semaphore, #tpu.memory_space<semaphore_mem>>)
      %dma_wait3A = arith.constant 0 : i32
      %dma_wait3A_65 = arith.constant 0 : i32
      %dma_wait3A_66 = tpu.memref_slice %arg9[%dma_wait3A, %dma_wait3A_65] : memref<128x128xf32, #tpu.memory_space<vmem>> -> memref<128x128xf32, #tpu.memory_space<vmem>>
      %dma_wait3A_67 = arith.constant 0 : i32
      %dma_wait3A_68 = tpu.memref_slice %arg6[%add3A_15, %dma_wait3A_67] : memref<10112x128xf32, #tpu.memory_space<vmem_shared>> -> memref<128x128xf32, #tpu.memory_space<vmem_shared>>
      %dma_wait3A_69 = arith.constant 0 : i32
      %dma_wait3A_70 = tpu.memref_slice %arg6[%add3A_15, %dma_wait3A_69] : memref<10112x128xf32, #tpu.memory_space<vmem_shared>> -> memref<128x128xf32, #tpu.memory_space<vmem_shared>>
      %dma_wait3A_71 = arith.constant 0 : i32
      %dma_wait3A_72 = arith.constant 0 : i32
      %dma_wait3A_73 = tpu.memref_slice %arg9[%dma_wait3A_71, %dma_wait3A_72] : memref<128x128xf32, #tpu.memory_space<vmem>> -> memref<128x128xf32, #tpu.memory_space<vmem>>
      tpu.wait_dma2 semaphore(%run_scoped3A : memref<!tpu.dma_semaphore, #tpu.memory_space<semaphore_mem>>) src(%dma_wait3A_73 : memref<128x128xf32, #tpu.memory_space<vmem>>) dst(%dma_wait3A_70 : memref<128x128xf32, #tpu.memory_space<vmem_shared>>)
      tpu.yield
    }) : () -> ()
    %add3A_16 = arith.constant 256 : i32
    %add3A_17 = arith.addi %mul3A_11, %add3A_16 : i32
    "tpu.region"() ({
      %run_scoped3A = tpu.sem_alloc : memref<!tpu.dma_semaphore, #tpu.memory_space<semaphore_mem>>
      %dma_start3A = arith.constant 0 : i32
      %dma_start3A_56 = arith.constant 0 : i32
      %dma_start3A_57 = tpu.memref_slice %arg9[%dma_start3A, %dma_start3A_56] : memref<128x128xf32, #tpu.memory_space<vmem>> -> memref<128x128xf32, #tpu.memory_space<vmem>>
      %dma_start3A_58 = arith.constant 0 : i32
      %dma_start3A_59 = tpu.memref_slice %arg6[%add3A_17, %dma_start3A_58] : memref<10112x128xf32, #tpu.memory_space<vmem_shared>> -> memref<128x128xf32, #tpu.memory_space<vmem_shared>>
      %dma_start3A_60 = arith.constant 0 : i32
      %dma_start3A_61 = tpu.memref_slice %arg6[%add3A_17, %dma_start3A_60] : memref<10112x128xf32, #tpu.memory_space<vmem_shared>> -> memref<128x128xf32, #tpu.memory_space<vmem_shared>>
      %dma_start3A_62 = arith.constant 0 : i32
      %dma_start3A_63 = arith.constant 0 : i32
      %dma_start3A_64 = tpu.memref_slice %arg9[%dma_start3A_62, %dma_start3A_63] : memref<128x128xf32, #tpu.memory_space<vmem>> -> memref<128x128xf32, #tpu.memory_space<vmem>>
      tpu.enqueue_dma source(%dma_start3A_64 : memref<128x128xf32, #tpu.memory_space<vmem>>) target(%dma_start3A_61 : memref<128x128xf32, #tpu.memory_space<vmem_shared>>) target_semaphore(%run_scoped3A : memref<!tpu.dma_semaphore, #tpu.memory_space<semaphore_mem>>)
      %dma_wait3A = arith.constant 0 : i32
      %dma_wait3A_65 = arith.constant 0 : i32
      %dma_wait3A_66 = tpu.memref_slice %arg9[%dma_wait3A, %dma_wait3A_65] : memref<128x128xf32, #tpu.memory_space<vmem>> -> memref<128x128xf32, #tpu.memory_space<vmem>>
      %dma_wait3A_67 = arith.constant 0 : i32
      %dma_wait3A_68 = tpu.memref_slice %arg6[%add3A_17, %dma_wait3A_67] : memref<10112x128xf32, #tpu.memory_space<vmem_shared>> -> memref<128x128xf32, #tpu.memory_space<vmem_shared>>
      %dma_wait3A_69 = arith.constant 0 : i32
      %dma_wait3A_70 = tpu.memref_slice %arg6[%add3A_17, %dma_wait3A_69] : memref<10112x128xf32, #tpu.memory_space<vmem_shared>> -> memref<128x128xf32, #tpu.memory_space<vmem_shared>>
      %dma_wait3A_71 = arith.constant 0 : i32
      %dma_wait3A_72 = arith.constant 0 : i32
      %dma_wait3A_73 = tpu.memref_slice %arg9[%dma_wait3A_71, %dma_wait3A_72] : memref<128x128xf32, #tpu.memory_space<vmem>> -> memref<128x128xf32, #tpu.memory_space<vmem>>
      tpu.wait_dma2 semaphore(%run_scoped3A : memref<!tpu.dma_semaphore, #tpu.memory_space<semaphore_mem>>) src(%dma_wait3A_73 : memref<128x128xf32, #tpu.memory_space<vmem>>) dst(%dma_wait3A_70 : memref<128x128xf32, #tpu.memory_space<vmem_shared>>)
      tpu.yield
    }) : () -> ()
    %add3A_18 = arith.constant 384 : i32
    %add3A_19 = arith.addi %mul3A_11, %add3A_18 : i32
    "tpu.region"() ({
      %run_scoped3A = tpu.sem_alloc : memref<!tpu.dma_semaphore, #tpu.memory_space<semaphore_mem>>
      %dma_start3A = arith.constant 0 : i32
      %dma_start3A_56 = arith.constant 0 : i32
      %dma_start3A_57 = tpu.memref_slice %arg9[%dma_start3A, %dma_start3A_56] : memref<128x128xf32, #tpu.memory_space<vmem>> -> memref<128x128xf32, #tpu.memory_space<vmem>>
      %dma_start3A_58 = arith.constant 0 : i32
      %dma_start3A_59 = tpu.memref_slice %arg6[%add3A_19, %dma_start3A_58] : memref<10112x128xf32, #tpu.memory_space<vmem_shared>> -> memref<128x128xf32, #tpu.memory_space<vmem_shared>>
      %dma_start3A_60 = arith.constant 0 : i32
      %dma_start3A_61 = tpu.memref_slice %arg6[%add3A_19, %dma_start3A_60] : memref<10112x128xf32, #tpu.memory_space<vmem_shared>> -> memref<128x128xf32, #tpu.memory_space<vmem_shared>>
      %dma_start3A_62 = arith.constant 0 : i32
      %dma_start3A_63 = arith.constant 0 : i32
      %dma_start3A_64 = tpu.memref_slice %arg9[%dma_start3A_62, %dma_start3A_63] : memref<128x128xf32, #tpu.memory_space<vmem>> -> memref<128x128xf32, #tpu.memory_space<vmem>>
      tpu.enqueue_dma source(%dma_start3A_64 : memref<128x128xf32, #tpu.memory_space<vmem>>) target(%dma_start3A_61 : memref<128x128xf32, #tpu.memory_space<vmem_shared>>) target_semaphore(%run_scoped3A : memref<!tpu.dma_semaphore, #tpu.memory_space<semaphore_mem>>)
      %dma_wait3A = arith.constant 0 : i32
      %dma_wait3A_65 = arith.constant 0 : i32
      %dma_wait3A_66 = tpu.memref_slice %arg9[%dma_wait3A, %dma_wait3A_65] : memref<128x128xf32, #tpu.memory_space<vmem>> -> memref<128x128xf32, #tpu.memory_space<vmem>>
      %dma_wait3A_67 = arith.constant 0 : i32
      %dma_wait3A_68 = tpu.memref_slice %arg6[%add3A_19, %dma_wait3A_67] : memref<10112x128xf32, #tpu.memory_space<vmem_shared>> -> memref<128x128xf32, #tpu.memory_space<vmem_shared>>
      %dma_wait3A_69 = arith.constant 0 : i32
      %dma_wait3A_70 = tpu.memref_slice %arg6[%add3A_19, %dma_wait3A_69] : memref<10112x128xf32, #tpu.memory_space<vmem_shared>> -> memref<128x128xf32, #tpu.memory_space<vmem_shared>>
      %dma_wait3A_71 = arith.constant 0 : i32
      %dma_wait3A_72 = arith.constant 0 : i32
      %dma_wait3A_73 = tpu.memref_slice %arg9[%dma_wait3A_71, %dma_wait3A_72] : memref<128x128xf32, #tpu.memory_space<vmem>> -> memref<128x128xf32, #tpu.memory_space<vmem>>
      tpu.wait_dma2 semaphore(%run_scoped3A : memref<!tpu.dma_semaphore, #tpu.memory_space<semaphore_mem>>) src(%dma_wait3A_73 : memref<128x128xf32, #tpu.memory_space<vmem>>) dst(%dma_wait3A_70 : memref<128x128xf32, #tpu.memory_space<vmem_shared>>)
      tpu.yield
    }) : () -> ()
    %add3A_20 = arith.constant 512 : i32
    %add3A_21 = arith.addi %mul3A_11, %add3A_20 : i32
    "tpu.region"() ({
      %run_scoped3A = tpu.sem_alloc : memref<!tpu.dma_semaphore, #tpu.memory_space<semaphore_mem>>
      %dma_start3A = arith.constant 0 : i32
      %dma_start3A_56 = arith.constant 0 : i32
      %dma_start3A_57 = tpu.memref_slice %arg9[%dma_start3A, %dma_start3A_56] : memref<128x128xf32, #tpu.memory_space<vmem>> -> memref<120x128xf32, #tpu.memory_space<vmem>>
      %dma_start3A_58 = arith.constant 0 : i32
      %dma_start3A_59 = tpu.memref_slice %arg6[%add3A_21, %dma_start3A_58] : memref<10112x128xf32, #tpu.memory_space<vmem_shared>> -> memref<120x128xf32, #tpu.memory_space<vmem_shared>>
      %dma_start3A_60 = arith.constant 0 : i32
      %dma_start3A_61 = tpu.memref_slice %arg6[%add3A_21, %dma_start3A_60] : memref<10112x128xf32, #tpu.memory_space<vmem_shared>> -> memref<120x128xf32, #tpu.memory_space<vmem_shared>>
      %dma_start3A_62 = arith.constant 0 : i32
      %dma_start3A_63 = arith.constant 0 : i32
      %dma_start3A_64 = tpu.memref_slice %arg9[%dma_start3A_62, %dma_start3A_63] : memref<128x128xf32, #tpu.memory_space<vmem>> -> memref<120x128xf32, #tpu.memory_space<vmem>>
      tpu.enqueue_dma source(%dma_start3A_64 : memref<120x128xf32, #tpu.memory_space<vmem>>) target(%dma_start3A_61 : memref<120x128xf32, #tpu.memory_space<vmem_shared>>) target_semaphore(%run_scoped3A : memref<!tpu.dma_semaphore, #tpu.memory_space<semaphore_mem>>)
      %dma_wait3A = arith.constant 0 : i32
      %dma_wait3A_65 = arith.constant 0 : i32
      %dma_wait3A_66 = tpu.memref_slice %arg9[%dma_wait3A, %dma_wait3A_65] : memref<128x128xf32, #tpu.memory_space<vmem>> -> memref<120x128xf32, #tpu.memory_space<vmem>>
      %dma_wait3A_67 = arith.constant 0 : i32
      %dma_wait3A_68 = tpu.memref_slice %arg6[%add3A_21, %dma_wait3A_67] : memref<10112x128xf32, #tpu.memory_space<vmem_shared>> -> memref<120x128xf32, #tpu.memory_space<vmem_shared>>
      %dma_wait3A_69 = arith.constant 0 : i32
      %dma_wait3A_70 = tpu.memref_slice %arg6[%add3A_21, %dma_wait3A_69] : memref<10112x128xf32, #tpu.memory_space<vmem_shared>> -> memref<120x128xf32, #tpu.memory_space<vmem_shared>>
      %dma_wait3A_71 = arith.constant 0 : i32
      %dma_wait3A_72 = arith.constant 0 : i32
      %dma_wait3A_73 = tpu.memref_slice %arg9[%dma_wait3A_71, %dma_wait3A_72] : memref<128x128xf32, #tpu.memory_space<vmem>> -> memref<120x128xf32, #tpu.memory_space<vmem>>
      tpu.wait_dma2 semaphore(%run_scoped3A : memref<!tpu.dma_semaphore, #tpu.memory_space<semaphore_mem>>) src(%dma_wait3A_73 : memref<120x128xf32, #tpu.memory_space<vmem>>) dst(%dma_wait3A_70 : memref<120x128xf32, #tpu.memory_space<vmem_shared>>)
      tpu.yield
    }) : () -> ()
    %barrier3A = arith.constant 0 : index
    tpu.barrier barrier_id(%barrier3A)
    %add3A_22 = arith.constant 32 : i32
    %add3A_23 = arith.addi %select_n3A, %add3A_22 : i32
    %sub3A = arith.constant 1 : i32
    %sub3A_24 = arith.subi %add3A_23, %sub3A : i32
    %jit3A_25 = arith.constant 32 : i32
    %div3A = arith.divsi %sub3A_24, %jit3A_25 : i32
    %sign3A = arith.constant 0 : i32
    %sign3A_26 = arith.cmpi sgt, %sub3A_24, %sign3A : i32
    %sign3A_27 = arith.extui %sign3A_26 : i1 to i32
    %sign3A_28 = arith.constant 0 : i32
    %sign3A_29 = arith.cmpi slt, %sub3A_24, %sign3A_28 : i32
    %sign3A_30 = arith.extui %sign3A_29 : i1 to i32
    %sign3A_31 = arith.subi %sign3A_27, %sign3A_30 : i32
    %sign3A_32 = arith.constant 0 : i32
    %sign3A_33 = arith.cmpi sgt, %jit3A_25, %sign3A_32 : i32
    %sign3A_34 = arith.extui %sign3A_33 : i1 to i32
    %sign3A_35 = arith.constant 0 : i32
    %sign3A_36 = arith.cmpi slt, %jit3A_25, %sign3A_35 : i32
    %sign3A_37 = arith.extui %sign3A_36 : i1 to i32
    %sign3A_38 = arith.subi %sign3A_34, %sign3A_37 : i32
    %ne3A = arith.cmpi ne, %sign3A_31, %sign3A_38 : i32
    %rem3A = arith.remsi %sub3A_24, %jit3A_25 : i32
    %ne3A_39 = arith.constant 0 : i32
    %ne3A_40 = arith.cmpi ne, %rem3A, %ne3A_39 : i32
    %and3A = arith.andi %ne3A, %ne3A_40 : i1
    %sub3A_41 = arith.constant 1 : i32
    %sub3A_42 = arith.subi %div3A, %sub3A_41 : i32
    %select_n3A_43 = arith.select %and3A, %sub3A_42, %div3A : i32
    %while3A = arith.constant 0 : i32
    %while3A_44 = arith.constant 0 : i32
    %while3A_45 = arith.subi %select_n3A_43, %while3A : i32
    %while3A_46 = arith.addi %while3A, %while3A_45 : i32
    %while3A_47 = arith.constant 1 : i32
    %while3A_48 = arith.divsi %while3A_45, %while3A_47 : i32
    %while3A_49 = arith.muli %while3A_48, %while3A_47 : i32
    %while3A_50 = arith.addi %while3A, %while3A_49 : i32
    %while3A_51 = arith.constant 1 : i32
    %while3A_52 = scf.for %while3A_56 = %while3A to %while3A_50 step %while3A_51 iter_args(%while3A_57 = %while3A_44) -> (i32)  : i32 {
      %mul3A_58 = arith.constant 32 : i32
      %mul3A_59 = arith.muli %while3A_56, %mul3A_58 : i32
      %sub3A_60 = arith.subi %select_n3A, %mul3A_59 : i32
      %min3A = arith.constant 32 : i32
      %min3A_61 = arith.minsi %min3A, %sub3A_60 : i32
      %mul3A_62 = arith.constant 32 : i32
      %mul3A_63 = arith.muli %while3A_56, %mul3A_62 : i32
      "tpu.region"() ({
        %run_scoped3A = tpu.sem_alloc : memref<!tpu.dma_semaphore, #tpu.memory_space<semaphore_mem>>
        %dma_start3A = arith.constant 0 : i32
        %dma_start3A_113 = arith.constant 0 : i32
        %dma_start3A_114 = tpu.memref_slice %arg3[%add3A, %dma_start3A, %dma_start3A_113] : memref<32x96x128xi32, #tpu.memory_space<hbm>> -> memref<1x96x128xi32, #tpu.memory_space<hbm>>
        %dma_start3A_115 = tpu.memref_squeeze %dma_start3A_114 : memref<1x96x128xi32, #tpu.memory_space<hbm>> -> memref<96x128xi32, #tpu.memory_space<hbm>>
        %dma_start3A_116 = arith.constant 0 : i32
        %dma_start3A_117 = tpu.memref_slice %dma_start3A_115[%mul3A_63, %dma_start3A_116] : memref<96x128xi32, #tpu.memory_space<hbm>> -> memref<32x128xi32, #tpu.memory_space<hbm>>
        %dma_start3A_118 = arith.constant 0 : i32
        %dma_start3A_119 = arith.constant 0 : i32
        %dma_start3A_120 = tpu.memref_slice %arg3[%add3A, %dma_start3A_118, %dma_start3A_119] : memref<32x96x128xi32, #tpu.memory_space<hbm>> -> memref<1x96x128xi32, #tpu.memory_space<hbm>>
        %dma_start3A_121 = tpu.memref_squeeze %dma_start3A_120 : memref<1x96x128xi32, #tpu.memory_space<hbm>> -> memref<96x128xi32, #tpu.memory_space<hbm>>
        %dma_start3A_122 = arith.constant 0 : i32
        %dma_start3A_123 = tpu.memref_slice %dma_start3A_121[%mul3A_63, %dma_start3A_122] : memref<96x128xi32, #tpu.memory_space<hbm>> -> memref<32x128xi32, #tpu.memory_space<hbm>>
        tpu.enqueue_dma source(%dma_start3A_123 : memref<32x128xi32, #tpu.memory_space<hbm>>) target(%arg7 : memref<32x128xi32, #tpu.memory_space<vmem>>) target_semaphore(%run_scoped3A : memref<!tpu.dma_semaphore, #tpu.memory_space<semaphore_mem>>)
        %dma_wait3A_124 = arith.constant 0 : i32
        %dma_wait3A_125 = arith.constant 0 : i32
        %dma_wait3A_126 = tpu.memref_slice %arg3[%add3A, %dma_wait3A_124, %dma_wait3A_125] : memref<32x96x128xi32, #tpu.memory_space<hbm>> -> memref<1x96x128xi32, #tpu.memory_space<hbm>>
        %dma_wait3A_127 = tpu.memref_squeeze %dma_wait3A_126 : memref<1x96x128xi32, #tpu.memory_space<hbm>> -> memref<96x128xi32, #tpu.memory_space<hbm>>
        %dma_wait3A_128 = arith.constant 0 : i32
        %dma_wait3A_129 = tpu.memref_slice %dma_wait3A_127[%mul3A_63, %dma_wait3A_128] : memref<96x128xi32, #tpu.memory_space<hbm>> -> memref<32x128xi32, #tpu.memory_space<hbm>>
        %dma_wait3A_130 = arith.constant 0 : i32
        %dma_wait3A_131 = arith.constant 0 : i32
        %dma_wait3A_132 = tpu.memref_slice %arg3[%add3A, %dma_wait3A_130, %dma_wait3A_131] : memref<32x96x128xi32, #tpu.memory_space<hbm>> -> memref<1x96x128xi32, #tpu.memory_space<hbm>>
        %dma_wait3A_133 = tpu.memref_squeeze %dma_wait3A_132 : memref<1x96x128xi32, #tpu.memory_space<hbm>> -> memref<96x128xi32, #tpu.memory_space<hbm>>
        %dma_wait3A_134 = arith.constant 0 : i32
        %dma_wait3A_135 = tpu.memref_slice %dma_wait3A_133[%mul3A_63, %dma_wait3A_134] : memref<96x128xi32, #tpu.memory_space<hbm>> -> memref<32x128xi32, #tpu.memory_space<hbm>>
        tpu.wait_dma2 semaphore(%run_scoped3A : memref<!tpu.dma_semaphore, #tpu.memory_space<semaphore_mem>>) src(%dma_wait3A_135 : memref<32x128xi32, #tpu.memory_space<hbm>>) dst(%arg7 : memref<32x128xi32, #tpu.memory_space<vmem>>)
        tpu.yield
      }) : () -> ()
      %mul3A_64 = arith.constant 32 : i32
      %mul3A_65 = arith.muli %while3A_56, %mul3A_64 : i32
      "tpu.region"() ({
        %run_scoped3A = tpu.sem_alloc : memref<!tpu.dma_semaphore, #tpu.memory_space<semaphore_mem>>
        %dma_start3A = arith.constant 0 : i32
        %dma_start3A_113 = arith.constant 0 : i32
        %dma_start3A_114 = tpu.memref_slice %arg4[%add3A, %dma_start3A, %dma_start3A_113] : memref<32x96x128xi32, #tpu.memory_space<hbm>> -> memref<1x96x128xi32, #tpu.memory_space<hbm>>
        %dma_start3A_115 = tpu.memref_squeeze %dma_start3A_114 : memref<1x96x128xi32, #tpu.memory_space<hbm>> -> memref<96x128xi32, #tpu.memory_space<hbm>>
        %dma_start3A_116 = arith.constant 0 : i32
        %dma_start3A_117 = tpu.memref_slice %dma_start3A_115[%mul3A_65, %dma_start3A_116] : memref<96x128xi32, #tpu.memory_space<hbm>> -> memref<32x128xi32, #tpu.memory_space<hbm>>
        %dma_start3A_118 = arith.constant 0 : i32
        %dma_start3A_119 = arith.constant 0 : i32
        %dma_start3A_120 = tpu.memref_slice %arg4[%add3A, %dma_start3A_118, %dma_start3A_119] : memref<32x96x128xi32, #tpu.memory_space<hbm>> -> memref<1x96x128xi32, #tpu.memory_space<hbm>>
        %dma_start3A_121 = tpu.memref_squeeze %dma_start3A_120 : memref<1x96x128xi32, #tpu.memory_space<hbm>> -> memref<96x128xi32, #tpu.memory_space<hbm>>
        %dma_start3A_122 = arith.constant 0 : i32
        %dma_start3A_123 = tpu.memref_slice %dma_start3A_121[%mul3A_65, %dma_start3A_122] : memref<96x128xi32, #tpu.memory_space<hbm>> -> memref<32x128xi32, #tpu.memory_space<hbm>>
        tpu.enqueue_dma source(%dma_start3A_123 : memref<32x128xi32, #tpu.memory_space<hbm>>) target(%arg8 : memref<32x128xi32, #tpu.memory_space<vmem>>) target_semaphore(%run_scoped3A : memref<!tpu.dma_semaphore, #tpu.memory_space<semaphore_mem>>)
        %dma_wait3A_124 = arith.constant 0 : i32
        %dma_wait3A_125 = arith.constant 0 : i32
        %dma_wait3A_126 = tpu.memref_slice %arg4[%add3A, %dma_wait3A_124, %dma_wait3A_125] : memref<32x96x128xi32, #tpu.memory_space<hbm>> -> memref<1x96x128xi32, #tpu.memory_space<hbm>>
        %dma_wait3A_127 = tpu.memref_squeeze %dma_wait3A_126 : memref<1x96x128xi32, #tpu.memory_space<hbm>> -> memref<96x128xi32, #tpu.memory_space<hbm>>
        %dma_wait3A_128 = arith.constant 0 : i32
        %dma_wait3A_129 = tpu.memref_slice %dma_wait3A_127[%mul3A_65, %dma_wait3A_128] : memref<96x128xi32, #tpu.memory_space<hbm>> -> memref<32x128xi32, #tpu.memory_space<hbm>>
        %dma_wait3A_130 = arith.constant 0 : i32
        %dma_wait3A_131 = arith.constant 0 : i32
        %dma_wait3A_132 = tpu.memref_slice %arg4[%add3A, %dma_wait3A_130, %dma_wait3A_131] : memref<32x96x128xi32, #tpu.memory_space<hbm>> -> memref<1x96x128xi32, #tpu.memory_space<hbm>>
        %dma_wait3A_133 = tpu.memref_squeeze %dma_wait3A_132 : memref<1x96x128xi32, #tpu.memory_space<hbm>> -> memref<96x128xi32, #tpu.memory_space<hbm>>
        %dma_wait3A_134 = arith.constant 0 : i32
        %dma_wait3A_135 = tpu.memref_slice %dma_wait3A_133[%mul3A_65, %dma_wait3A_134] : memref<96x128xi32, #tpu.memory_space<hbm>> -> memref<32x128xi32, #tpu.memory_space<hbm>>
        tpu.wait_dma2 semaphore(%run_scoped3A : memref<!tpu.dma_semaphore, #tpu.memory_space<semaphore_mem>>) src(%dma_wait3A_135 : memref<32x128xi32, #tpu.memory_space<hbm>>) dst(%arg8 : memref<32x128xi32, #tpu.memory_space<vmem>>)
        tpu.yield
      }) : () -> ()
      %add3A_66 = arith.constant 1 : i32
      %add3A_67 = arith.addi %min3A_61, %add3A_66 : i32
      %jit3A_68 = arith.constant 2 : i32
      %div3A_69 = arith.divsi %add3A_67, %jit3A_68 : i32
      %sign3A_70 = arith.constant 0 : i32
      %sign3A_71 = arith.cmpi sgt, %add3A_67, %sign3A_70 : i32
      %sign3A_72 = arith.extui %sign3A_71 : i1 to i32
      %sign3A_73 = arith.constant 0 : i32
      %sign3A_74 = arith.cmpi slt, %add3A_67, %sign3A_73 : i32
      %sign3A_75 = arith.extui %sign3A_74 : i1 to i32
      %sign3A_76 = arith.subi %sign3A_72, %sign3A_75 : i32
      %sign3A_77 = arith.constant 0 : i32
      %sign3A_78 = arith.cmpi sgt, %jit3A_68, %sign3A_77 : i32
      %sign3A_79 = arith.extui %sign3A_78 : i1 to i32
      %sign3A_80 = arith.constant 0 : i32
      %sign3A_81 = arith.cmpi slt, %jit3A_68, %sign3A_80 : i32
      %sign3A_82 = arith.extui %sign3A_81 : i1 to i32
      %sign3A_83 = arith.subi %sign3A_79, %sign3A_82 : i32
      %ne3A_84 = arith.cmpi ne, %sign3A_76, %sign3A_83 : i32
      %rem3A_85 = arith.remsi %add3A_67, %jit3A_68 : i32
      %ne3A_86 = arith.constant 0 : i32
      %ne3A_87 = arith.cmpi ne, %rem3A_85, %ne3A_86 : i32
      %and3A_88 = arith.andi %ne3A_84, %ne3A_87 : i1
      %sub3A_89 = arith.constant 1 : i32
      %sub3A_90 = arith.subi %div3A_69, %sub3A_89 : i32
      %select_n3A_91 = arith.select %and3A_88, %sub3A_90, %div3A_69 : i32
      %while3A_92 = arith.constant 0 : i32
      %while3A_93 = arith.constant 0 : i32
      %while3A_94 = arith.subi %select_n3A_91, %while3A_92 : i32
      %while3A_95 = arith.addi %while3A_92, %while3A_94 : i32
      %while3A_96 = arith.constant 1 : i32
      %while3A_97 = arith.divsi %while3A_94, %while3A_96 : i32
      %while3A_98 = arith.muli %while3A_97, %while3A_96 : i32
      %while3A_99 = arith.addi %while3A_92, %while3A_98 : i32
      %while3A_100 = arith.constant 1 : i32
      %while3A_101 = scf.for %while3A_113 = %while3A_92 to %while3A_99 step %while3A_100 iter_args(%while3A_114 = %while3A_93) -> (i32)  : i32 {
        %mul3A_115 = arith.constant 2 : i32
        %mul3A_116 = arith.muli %mul3A_115, %while3A_113 : i32
        %add3A_117 = arith.constant 1 : i32
        %add3A_118 = arith.addi %mul3A_116, %add3A_117 : i32
        %gt3A = arith.constant 0 : i32
        %gt3A_119 = arith.cmpi sgt, %while3A_113, %gt3A : i32
        %convert_element_type3A_120 = arith.extui %gt3A_119 : i1 to i32
        %cond3A_121 = arith.constant 0 : i32
        %cond3A_122 = arith.cmpi ne, %convert_element_type3A_120, %cond3A_121 : i32
        scf.if %cond3A_122 {
          %sub3A_144 = arith.constant 2 : i32
          %sub3A_145 = arith.subi %mul3A_116, %sub3A_144 : i32
          %dma_wait3A_146 = arith.constant 0 : i32
          %dma_wait3A_147 = tpu.memref_slice %arg8[%sub3A_145, %dma_wait3A_146] : memref<32x128xi32, #tpu.memory_space<vmem>> -> memref<1x128xi32, #tpu.memory_space<vmem>>
          %dma_wait3A_148 = tpu.memref_squeeze %dma_wait3A_147 : memref<1x128xi32, #tpu.memory_space<vmem>> -> memref<128xi32, #tpu.memory_space<vmem>>
          %dma_wait3A_149 = arith.constant 0 : i32
          %dma_wait3A_150 = arith.constant 0 : i32
          %dma_wait3A_151 = tpu.memref_slice %arg6[%dma_wait3A_149, %dma_wait3A_150] : memref<10112x128xf32, #tpu.memory_space<vmem_shared>> -> memref<10112x128xf32, #tpu.memory_space<vmem_shared>>
          tpu.wait_indirect_dma semaphore(%arg12 : memref<!tpu.dma_semaphore, #tpu.memory_space<semaphore_mem>>) src(%arg9 : memref<128x128xf32, #tpu.memory_space<vmem>>) dst(%dma_wait3A_151 : memref<10112x128xf32, #tpu.memory_space<vmem_shared>>)
        } else {
        }
        %dma_start3A = arith.constant 0 : i32
        %dma_start3A_123 = tpu.memref_slice %arg7[%mul3A_116, %dma_start3A] : memref<32x128xi32, #tpu.memory_space<vmem>> -> memref<1x128xi32, #tpu.memory_space<vmem>>
        %dma_start3A_124 = tpu.memref_squeeze %dma_start3A_123 : memref<1x128xi32, #tpu.memory_space<vmem>> -> memref<128xi32, #tpu.memory_space<vmem>>
        %dma_start3A_125 = arith.constant 0 : i32
        %dma_start3A_126 = arith.constant 0 : i32
        %dma_start3A_127 = tpu.memref_slice %arg2[%dma_start3A_125, %dma_start3A_126] : memref<10112x128xf32, #tpu.memory_space<hbm>> -> memref<10112x128xf32, #tpu.memory_space<hbm>>
        tpu.enqueue_indirect_dma source(%dma_start3A_127 : memref<10112x128xf32, #tpu.memory_space<hbm>>) target(%arg9 : memref<128x128xf32, #tpu.memory_space<vmem>>) offsets(%dma_start3A_124 : memref<128xi32, #tpu.memory_space<vmem>>) semaphore(%arg11 : memref<!tpu.dma_semaphore, #tpu.memory_space<semaphore_mem>>)
        %dma_wait3A_128 = arith.constant 0 : i32
        %dma_wait3A_129 = tpu.memref_slice %arg7[%mul3A_116, %dma_wait3A_128] : memref<32x128xi32, #tpu.memory_space<vmem>> -> memref<1x128xi32, #tpu.memory_space<vmem>>
        %dma_wait3A_130 = tpu.memref_squeeze %dma_wait3A_129 : memref<1x128xi32, #tpu.memory_space<vmem>> -> memref<128xi32, #tpu.memory_space<vmem>>
        %dma_wait3A_131 = arith.constant 0 : i32
        %dma_wait3A_132 = arith.constant 0 : i32
        %dma_wait3A_133 = tpu.memref_slice %arg2[%dma_wait3A_131, %dma_wait3A_132] : memref<10112x128xf32, #tpu.memory_space<hbm>> -> memref<10112x128xf32, #tpu.memory_space<hbm>>
        tpu.wait_indirect_dma semaphore(%arg11 : memref<!tpu.dma_semaphore, #tpu.memory_space<semaphore_mem>>) src(%dma_wait3A_133 : memref<10112x128xf32, #tpu.memory_space<hbm>>) dst(%arg9 : memref<128x128xf32, #tpu.memory_space<vmem>>)
        %dma_start3A_134 = arith.constant 0 : i32
        %dma_start3A_135 = tpu.memref_slice %arg8[%mul3A_116, %dma_start3A_134] : memref<32x128xi32, #tpu.memory_space<vmem>> -> memref<1x128xi32, #tpu.memory_space<vmem>>
        %dma_start3A_136 = tpu.memref_squeeze %dma_start3A_135 : memref<1x128xi32, #tpu.memory_space<vmem>> -> memref<128xi32, #tpu.memory_space<vmem>>
        %dma_start3A_137 = arith.constant 0 : i32
        %dma_start3A_138 = arith.constant 0 : i32
        %dma_start3A_139 = tpu.memref_slice %arg6[%dma_start3A_137, %dma_start3A_138] : memref<10112x128xf32, #tpu.memory_space<vmem_shared>> -> memref<10112x128xf32, #tpu.memory_space<vmem_shared>>
        tpu.enqueue_indirect_dma source(%arg9 : memref<128x128xf32, #tpu.memory_space<vmem>>) target(%dma_start3A_139 : memref<10112x128xf32, #tpu.memory_space<vmem_shared>>) offsets(%dma_start3A_136 : memref<128xi32, #tpu.memory_space<vmem>>) semaphore(%arg12 : memref<!tpu.dma_semaphore, #tpu.memory_space<semaphore_mem>>) {add = true}
        %lt3A = arith.cmpi slt, %add3A_118, %min3A_61 : i32
        %convert_element_type3A_140 = arith.extui %lt3A : i1 to i32
        %cond3A_141 = arith.constant 0 : i32
        %cond3A_142 = arith.cmpi ne, %convert_element_type3A_140, %cond3A_141 : i32
        scf.if %cond3A_142 {
          %gt3A_144 = arith.constant 0 : i32
          %gt3A_145 = arith.cmpi sgt, %while3A_113, %gt3A_144 : i32
          %convert_element_type3A_146 = arith.extui %gt3A_145 : i1 to i32
          %cond3A_147 = arith.constant 0 : i32
          %cond3A_148 = arith.cmpi ne, %convert_element_type3A_146, %cond3A_147 : i32
          scf.if %cond3A_148 {
            %sub3A_167 = arith.constant 2 : i32
            %sub3A_168 = arith.subi %add3A_118, %sub3A_167 : i32
            %dma_wait3A_169 = arith.constant 0 : i32
            %dma_wait3A_170 = tpu.memref_slice %arg8[%sub3A_168, %dma_wait3A_169] : memref<32x128xi32, #tpu.memory_space<vmem>> -> memref<1x128xi32, #tpu.memory_space<vmem>>
            %dma_wait3A_171 = tpu.memref_squeeze %dma_wait3A_170 : memref<1x128xi32, #tpu.memory_space<vmem>> -> memref<128xi32, #tpu.memory_space<vmem>>
            %dma_wait3A_172 = arith.constant 0 : i32
            %dma_wait3A_173 = arith.constant 0 : i32
            %dma_wait3A_174 = tpu.memref_slice %arg6[%dma_wait3A_172, %dma_wait3A_173] : memref<10112x128xf32, #tpu.memory_space<vmem_shared>> -> memref<10112x128xf32, #tpu.memory_space<vmem_shared>>
            tpu.wait_indirect_dma semaphore(%arg13 : memref<!tpu.dma_semaphore, #tpu.memory_space<semaphore_mem>>) src(%arg10 : memref<128x128xf32, #tpu.memory_space<vmem>>) dst(%dma_wait3A_174 : memref<10112x128xf32, #tpu.memory_space<vmem_shared>>)
          } else {
          }
          %dma_start3A_149 = arith.constant 0 : i32
          %dma_start3A_150 = tpu.memref_slice %arg7[%add3A_118, %dma_start3A_149] : memref<32x128xi32, #tpu.memory_space<vmem>> -> memref<1x128xi32, #tpu.memory_space<vmem>>
          %dma_start3A_151 = tpu.memref_squeeze %dma_start3A_150 : memref<1x128xi32, #tpu.memory_space<vmem>> -> memref<128xi32, #tpu.memory_space<vmem>>
          %dma_start3A_152 = arith.constant 0 : i32
          %dma_start3A_153 = arith.constant 0 : i32
          %dma_start3A_154 = tpu.memref_slice %arg2[%dma_start3A_152, %dma_start3A_153] : memref<10112x128xf32, #tpu.memory_space<hbm>> -> memref<10112x128xf32, #tpu.memory_space<hbm>>
          tpu.enqueue_indirect_dma source(%dma_start3A_154 : memref<10112x128xf32, #tpu.memory_space<hbm>>) target(%arg10 : memref<128x128xf32, #tpu.memory_space<vmem>>) offsets(%dma_start3A_151 : memref<128xi32, #tpu.memory_space<vmem>>) semaphore(%arg11 : memref<!tpu.dma_semaphore, #tpu.memory_space<semaphore_mem>>)
          %dma_wait3A_155 = arith.constant 0 : i32
          %dma_wait3A_156 = tpu.memref_slice %arg7[%add3A_118, %dma_wait3A_155] : memref<32x128xi32, #tpu.memory_space<vmem>> -> memref<1x128xi32, #tpu.memory_space<vmem>>
          %dma_wait3A_157 = tpu.memref_squeeze %dma_wait3A_156 : memref<1x128xi32, #tpu.memory_space<vmem>> -> memref<128xi32, #tpu.memory_space<vmem>>
          %dma_wait3A_158 = arith.constant 0 : i32
          %dma_wait3A_159 = arith.constant 0 : i32
          %dma_wait3A_160 = tpu.memref_slice %arg2[%dma_wait3A_158, %dma_wait3A_159] : memref<10112x128xf32, #tpu.memory_space<hbm>> -> memref<10112x128xf32, #tpu.memory_space<hbm>>
          tpu.wait_indirect_dma semaphore(%arg11 : memref<!tpu.dma_semaphore, #tpu.memory_space<semaphore_mem>>) src(%dma_wait3A_160 : memref<10112x128xf32, #tpu.memory_space<hbm>>) dst(%arg10 : memref<128x128xf32, #tpu.memory_space<vmem>>)
          %dma_start3A_161 = arith.constant 0 : i32
          %dma_start3A_162 = tpu.memref_slice %arg8[%add3A_118, %dma_start3A_161] : memref<32x128xi32, #tpu.memory_space<vmem>> -> memref<1x128xi32, #tpu.memory_space<vmem>>
          %dma_start3A_163 = tpu.memref_squeeze %dma_start3A_162 : memref<1x128xi32, #tpu.memory_space<vmem>> -> memref<128xi32, #tpu.memory_space<vmem>>
          %dma_start3A_164 = arith.constant 0 : i32
          %dma_start3A_165 = arith.constant 0 : i32
          %dma_start3A_166 = tpu.memref_slice %arg6[%dma_start3A_164, %dma_start3A_165] : memref<10112x128xf32, #tpu.memory_space<vmem_shared>> -> memref<10112x128xf32, #tpu.memory_space<vmem_shared>>
          tpu.enqueue_indirect_dma source(%arg10 : memref<128x128xf32, #tpu.memory_space<vmem>>) target(%dma_start3A_166 : memref<10112x128xf32, #tpu.memory_space<vmem_shared>>) offsets(%dma_start3A_163 : memref<128xi32, #tpu.memory_space<vmem>>) semaphore(%arg13 : memref<!tpu.dma_semaphore, #tpu.memory_space<semaphore_mem>>) {add = true}
        } else {
        }
        %while3A_143 = arith.constant 0 : i32
        scf.yield %while3A_143 : i32
      }
      %while3A_102 = arith.constant 1 : i32
      %while3A_103 = scf.for %while3A_113 = %while3A_99 to %while3A_95 step %while3A_102 iter_args(%while3A_114 = %while3A_101) -> (i32)  : i32 {
        %mul3A_115 = arith.constant 2 : i32
        %mul3A_116 = arith.muli %mul3A_115, %while3A_113 : i32
        %add3A_117 = arith.constant 1 : i32
        %add3A_118 = arith.addi %mul3A_116, %add3A_117 : i32
        %gt3A = arith.constant 0 : i32
        %gt3A_119 = arith.cmpi sgt, %while3A_113, %gt3A : i32
        %convert_element_type3A_120 = arith.extui %gt3A_119 : i1 to i32
        %cond3A_121 = arith.constant 0 : i32
        %cond3A_122 = arith.cmpi ne, %convert_element_type3A_120, %cond3A_121 : i32
        scf.if %cond3A_122 {
          %sub3A_144 = arith.constant 2 : i32
          %sub3A_145 = arith.subi %mul3A_116, %sub3A_144 : i32
          %dma_wait3A_146 = arith.constant 0 : i32
          %dma_wait3A_147 = tpu.memref_slice %arg8[%sub3A_145, %dma_wait3A_146] : memref<32x128xi32, #tpu.memory_space<vmem>> -> memref<1x128xi32, #tpu.memory_space<vmem>>
          %dma_wait3A_148 = tpu.memref_squeeze %dma_wait3A_147 : memref<1x128xi32, #tpu.memory_space<vmem>> -> memref<128xi32, #tpu.memory_space<vmem>>
          %dma_wait3A_149 = arith.constant 0 : i32
          %dma_wait3A_150 = arith.constant 0 : i32
          %dma_wait3A_151 = tpu.memref_slice %arg6[%dma_wait3A_149, %dma_wait3A_150] : memref<10112x128xf32, #tpu.memory_space<vmem_shared>> -> memref<10112x128xf32, #tpu.memory_space<vmem_shared>>
          tpu.wait_indirect_dma semaphore(%arg12 : memref<!tpu.dma_semaphore, #tpu.memory_space<semaphore_mem>>) src(%arg9 : memref<128x128xf32, #tpu.memory_space<vmem>>) dst(%dma_wait3A_151 : memref<10112x128xf32, #tpu.memory_space<vmem_shared>>)
        } else {
        }
        %dma_start3A = arith.constant 0 : i32
        %dma_start3A_123 = tpu.memref_slice %arg7[%mul3A_116, %dma_start3A] : memref<32x128xi32, #tpu.memory_space<vmem>> -> memref<1x128xi32, #tpu.memory_space<vmem>>
        %dma_start3A_124 = tpu.memref_squeeze %dma_start3A_123 : memref<1x128xi32, #tpu.memory_space<vmem>> -> memref<128xi32, #tpu.memory_space<vmem>>
        %dma_start3A_125 = arith.constant 0 : i32
        %dma_start3A_126 = arith.constant 0 : i32
        %dma_start3A_127 = tpu.memref_slice %arg2[%dma_start3A_125, %dma_start3A_126] : memref<10112x128xf32, #tpu.memory_space<hbm>> -> memref<10112x128xf32, #tpu.memory_space<hbm>>
        tpu.enqueue_indirect_dma source(%dma_start3A_127 : memref<10112x128xf32, #tpu.memory_space<hbm>>) target(%arg9 : memref<128x128xf32, #tpu.memory_space<vmem>>) offsets(%dma_start3A_124 : memref<128xi32, #tpu.memory_space<vmem>>) semaphore(%arg11 : memref<!tpu.dma_semaphore, #tpu.memory_space<semaphore_mem>>)
        %dma_wait3A_128 = arith.constant 0 : i32
        %dma_wait3A_129 = tpu.memref_slice %arg7[%mul3A_116, %dma_wait3A_128] : memref<32x128xi32, #tpu.memory_space<vmem>> -> memref<1x128xi32, #tpu.memory_space<vmem>>
        %dma_wait3A_130 = tpu.memref_squeeze %dma_wait3A_129 : memref<1x128xi32, #tpu.memory_space<vmem>> -> memref<128xi32, #tpu.memory_space<vmem>>
        %dma_wait3A_131 = arith.constant 0 : i32
        %dma_wait3A_132 = arith.constant 0 : i32
        %dma_wait3A_133 = tpu.memref_slice %arg2[%dma_wait3A_131, %dma_wait3A_132] : memref<10112x128xf32, #tpu.memory_space<hbm>> -> memref<10112x128xf32, #tpu.memory_space<hbm>>
        tpu.wait_indirect_dma semaphore(%arg11 : memref<!tpu.dma_semaphore, #tpu.memory_space<semaphore_mem>>) src(%dma_wait3A_133 : memref<10112x128xf32, #tpu.memory_space<hbm>>) dst(%arg9 : memref<128x128xf32, #tpu.memory_space<vmem>>)
        %dma_start3A_134 = arith.constant 0 : i32
        %dma_start3A_135 = tpu.memref_slice %arg8[%mul3A_116, %dma_start3A_134] : memref<32x128xi32, #tpu.memory_space<vmem>> -> memref<1x128xi32, #tpu.memory_space<vmem>>
        %dma_start3A_136 = tpu.memref_squeeze %dma_start3A_135 : memref<1x128xi32, #tpu.memory_space<vmem>> -> memref<128xi32, #tpu.memory_space<vmem>>
        %dma_start3A_137 = arith.constant 0 : i32
        %dma_start3A_138 = arith.constant 0 : i32
        %dma_start3A_139 = tpu.memref_slice %arg6[%dma_start3A_137, %dma_start3A_138] : memref<10112x128xf32, #tpu.memory_space<vmem_shared>> -> memref<10112x128xf32, #tpu.memory_space<vmem_shared>>
        tpu.enqueue_indirect_dma source(%arg9 : memref<128x128xf32, #tpu.memory_space<vmem>>) target(%dma_start3A_139 : memref<10112x128xf32, #tpu.memory_space<vmem_shared>>) offsets(%dma_start3A_136 : memref<128xi32, #tpu.memory_space<vmem>>) semaphore(%arg12 : memref<!tpu.dma_semaphore, #tpu.memory_space<semaphore_mem>>) {add = true}
        %lt3A = arith.cmpi slt, %add3A_118, %min3A_61 : i32
        %convert_element_type3A_140 = arith.extui %lt3A : i1 to i32
        %cond3A_141 = arith.constant 0 : i32
        %cond3A_142 = arith.cmpi ne, %convert_element_type3A_140, %cond3A_141 : i32
        scf.if %cond3A_142 {
          %gt3A_144 = arith.constant 0 : i32
          %gt3A_145 = arith.cmpi sgt, %while3A_113, %gt3A_144 : i32
          %convert_element_type3A_146 = arith.extui %gt3A_145 : i1 to i32
          %cond3A_147 = arith.constant 0 : i32
          %cond3A_148 = arith.cmpi ne, %convert_element_type3A_146, %cond3A_147 : i32
          scf.if %cond3A_148 {
            %sub3A_167 = arith.constant 2 : i32
            %sub3A_168 = arith.subi %add3A_118, %sub3A_167 : i32
            %dma_wait3A_169 = arith.constant 0 : i32
            %dma_wait3A_170 = tpu.memref_slice %arg8[%sub3A_168, %dma_wait3A_169] : memref<32x128xi32, #tpu.memory_space<vmem>> -> memref<1x128xi32, #tpu.memory_space<vmem>>
            %dma_wait3A_171 = tpu.memref_squeeze %dma_wait3A_170 : memref<1x128xi32, #tpu.memory_space<vmem>> -> memref<128xi32, #tpu.memory_space<vmem>>
            %dma_wait3A_172 = arith.constant 0 : i32
            %dma_wait3A_173 = arith.constant 0 : i32
            %dma_wait3A_174 = tpu.memref_slice %arg6[%dma_wait3A_172, %dma_wait3A_173] : memref<10112x128xf32, #tpu.memory_space<vmem_shared>> -> memref<10112x128xf32, #tpu.memory_space<vmem_shared>>
            tpu.wait_indirect_dma semaphore(%arg13 : memref<!tpu.dma_semaphore, #tpu.memory_space<semaphore_mem>>) src(%arg10 : memref<128x128xf32, #tpu.memory_space<vmem>>) dst(%dma_wait3A_174 : memref<10112x128xf32, #tpu.memory_space<vmem_shared>>)
          } else {
          }
          %dma_start3A_149 = arith.constant 0 : i32
          %dma_start3A_150 = tpu.memref_slice %arg7[%add3A_118, %dma_start3A_149] : memref<32x128xi32, #tpu.memory_space<vmem>> -> memref<1x128xi32, #tpu.memory_space<vmem>>
          %dma_start3A_151 = tpu.memref_squeeze %dma_start3A_150 : memref<1x128xi32, #tpu.memory_space<vmem>> -> memref<128xi32, #tpu.memory_space<vmem>>
          %dma_start3A_152 = arith.constant 0 : i32
          %dma_start3A_153 = arith.constant 0 : i32
          %dma_start3A_154 = tpu.memref_slice %arg2[%dma_start3A_152, %dma_start3A_153] : memref<10112x128xf32, #tpu.memory_space<hbm>> -> memref<10112x128xf32, #tpu.memory_space<hbm>>
          tpu.enqueue_indirect_dma source(%dma_start3A_154 : memref<10112x128xf32, #tpu.memory_space<hbm>>) target(%arg10 : memref<128x128xf32, #tpu.memory_space<vmem>>) offsets(%dma_start3A_151 : memref<128xi32, #tpu.memory_space<vmem>>) semaphore(%arg11 : memref<!tpu.dma_semaphore, #tpu.memory_space<semaphore_mem>>)
          %dma_wait3A_155 = arith.constant 0 : i32
          %dma_wait3A_156 = tpu.memref_slice %arg7[%add3A_118, %dma_wait3A_155] : memref<32x128xi32, #tpu.memory_space<vmem>> -> memref<1x128xi32, #tpu.memory_space<vmem>>
          %dma_wait3A_157 = tpu.memref_squeeze %dma_wait3A_156 : memref<1x128xi32, #tpu.memory_space<vmem>> -> memref<128xi32, #tpu.memory_space<vmem>>
          %dma_wait3A_158 = arith.constant 0 : i32
          %dma_wait3A_159 = arith.constant 0 : i32
          %dma_wait3A_160 = tpu.memref_slice %arg2[%dma_wait3A_158, %dma_wait3A_159] : memref<10112x128xf32, #tpu.memory_space<hbm>> -> memref<10112x128xf32, #tpu.memory_space<hbm>>
          tpu.wait_indirect_dma semaphore(%arg11 : memref<!tpu.dma_semaphore, #tpu.memory_space<semaphore_mem>>) src(%dma_wait3A_160 : memref<10112x128xf32, #tpu.memory_space<hbm>>) dst(%arg10 : memref<128x128xf32, #tpu.memory_space<vmem>>)
          %dma_start3A_161 = arith.constant 0 : i32
          %dma_start3A_162 = tpu.memref_slice %arg8[%add3A_118, %dma_start3A_161] : memref<32x128xi32, #tpu.memory_space<vmem>> -> memref<1x128xi32, #tpu.memory_space<vmem>>
          %dma_start3A_163 = tpu.memref_squeeze %dma_start3A_162 : memref<1x128xi32, #tpu.memory_space<vmem>> -> memref<128xi32, #tpu.memory_space<vmem>>
          %dma_start3A_164 = arith.constant 0 : i32
          %dma_start3A_165 = arith.constant 0 : i32
          %dma_start3A_166 = tpu.memref_slice %arg6[%dma_start3A_164, %dma_start3A_165] : memref<10112x128xf32, #tpu.memory_space<vmem_shared>> -> memref<10112x128xf32, #tpu.memory_space<vmem_shared>>
          tpu.enqueue_indirect_dma source(%arg10 : memref<128x128xf32, #tpu.memory_space<vmem>>) target(%dma_start3A_166 : memref<10112x128xf32, #tpu.memory_space<vmem_shared>>) offsets(%dma_start3A_163 : memref<128xi32, #tpu.memory_space<vmem>>) semaphore(%arg13 : memref<!tpu.dma_semaphore, #tpu.memory_space<semaphore_mem>>) {add = true}
        } else {
        }
        %while3A_143 = arith.constant 0 : i32
        scf.yield %while3A_143 : i32
      }
      %dma_wait3A = arith.constant 0 : i32
      %dma_wait3A_104 = arith.constant 0 : i32
      %dma_wait3A_105 = tpu.memref_slice %arg8[%dma_wait3A, %dma_wait3A_104] : memref<32x128xi32, #tpu.memory_space<vmem>> -> memref<1x128xi32, #tpu.memory_space<vmem>>
      %dma_wait3A_106 = tpu.memref_squeeze %dma_wait3A_105 : memref<1x128xi32, #tpu.memory_space<vmem>> -> memref<128xi32, #tpu.memory_space<vmem>>
      %dma_wait3A_107 = arith.constant 0 : i32
      %dma_wait3A_108 = arith.constant 0 : i32
      %dma_wait3A_109 = tpu.memref_slice %arg6[%dma_wait3A_107, %dma_wait3A_108] : memref<10112x128xf32, #tpu.memory_space<vmem_shared>> -> memref<10112x128xf32, #tpu.memory_space<vmem_shared>>
      tpu.wait_indirect_dma semaphore(%arg12 : memref<!tpu.dma_semaphore, #tpu.memory_space<semaphore_mem>>) src(%arg9 : memref<128x128xf32, #tpu.memory_space<vmem>>) dst(%dma_wait3A_109 : memref<10112x128xf32, #tpu.memory_space<vmem_shared>>)
      %ge3A = arith.constant 2 : i32
      %ge3A_110 = arith.cmpi sge, %min3A_61, %ge3A : i32
      %convert_element_type3A = arith.extui %ge3A_110 : i1 to i32
      %cond3A = arith.constant 0 : i32
      %cond3A_111 = arith.cmpi ne, %convert_element_type3A, %cond3A : i32
      scf.if %cond3A_111 {
        %dma_wait3A_113 = arith.constant 0 : i32
        %dma_wait3A_114 = arith.constant 0 : i32
        %dma_wait3A_115 = tpu.memref_slice %arg8[%dma_wait3A_113, %dma_wait3A_114] : memref<32x128xi32, #tpu.memory_space<vmem>> -> memref<1x128xi32, #tpu.memory_space<vmem>>
        %dma_wait3A_116 = tpu.memref_squeeze %dma_wait3A_115 : memref<1x128xi32, #tpu.memory_space<vmem>> -> memref<128xi32, #tpu.memory_space<vmem>>
        %dma_wait3A_117 = arith.constant 0 : i32
        %dma_wait3A_118 = arith.constant 0 : i32
        %dma_wait3A_119 = tpu.memref_slice %arg6[%dma_wait3A_117, %dma_wait3A_118] : memref<10112x128xf32, #tpu.memory_space<vmem_shared>> -> memref<10112x128xf32, #tpu.memory_space<vmem_shared>>
        tpu.wait_indirect_dma semaphore(%arg13 : memref<!tpu.dma_semaphore, #tpu.memory_space<semaphore_mem>>) src(%arg10 : memref<128x128xf32, #tpu.memory_space<vmem>>) dst(%dma_wait3A_119 : memref<10112x128xf32, #tpu.memory_space<vmem_shared>>)
      } else {
      }
      %while3A_112 = arith.constant 0 : i32
      scf.yield %while3A_112 : i32
    }
    %while3A_53 = arith.constant 1 : i32
    %while3A_54 = scf.for %while3A_56 = %while3A_50 to %while3A_46 step %while3A_53 iter_args(%while3A_57 = %while3A_52) -> (i32)  : i32 {
      %mul3A_58 = arith.constant 32 : i32
      %mul3A_59 = arith.muli %while3A_56, %mul3A_58 : i32
      %sub3A_60 = arith.subi %select_n3A, %mul3A_59 : i32
      %min3A = arith.constant 32 : i32
      %min3A_61 = arith.minsi %min3A, %sub3A_60 : i32
      %mul3A_62 = arith.constant 32 : i32
      %mul3A_63 = arith.muli %while3A_56, %mul3A_62 : i32
      "tpu.region"() ({
        %run_scoped3A = tpu.sem_alloc : memref<!tpu.dma_semaphore, #tpu.memory_space<semaphore_mem>>
        %dma_start3A = arith.constant 0 : i32
        %dma_start3A_113 = arith.constant 0 : i32
        %dma_start3A_114 = tpu.memref_slice %arg3[%add3A, %dma_start3A, %dma_start3A_113] : memref<32x96x128xi32, #tpu.memory_space<hbm>> -> memref<1x96x128xi32, #tpu.memory_space<hbm>>
        %dma_start3A_115 = tpu.memref_squeeze %dma_start3A_114 : memref<1x96x128xi32, #tpu.memory_space<hbm>> -> memref<96x128xi32, #tpu.memory_space<hbm>>
        %dma_start3A_116 = arith.constant 0 : i32
        %dma_start3A_117 = tpu.memref_slice %dma_start3A_115[%mul3A_63, %dma_start3A_116] : memref<96x128xi32, #tpu.memory_space<hbm>> -> memref<32x128xi32, #tpu.memory_space<hbm>>
        %dma_start3A_118 = arith.constant 0 : i32
        %dma_start3A_119 = arith.constant 0 : i32
        %dma_start3A_120 = tpu.memref_slice %arg3[%add3A, %dma_start3A_118, %dma_start3A_119] : memref<32x96x128xi32, #tpu.memory_space<hbm>> -> memref<1x96x128xi32, #tpu.memory_space<hbm>>
        %dma_start3A_121 = tpu.memref_squeeze %dma_start3A_120 : memref<1x96x128xi32, #tpu.memory_space<hbm>> -> memref<96x128xi32, #tpu.memory_space<hbm>>
        %dma_start3A_122 = arith.constant 0 : i32
        %dma_start3A_123 = tpu.memref_slice %dma_start3A_121[%mul3A_63, %dma_start3A_122] : memref<96x128xi32, #tpu.memory_space<hbm>> -> memref<32x128xi32, #tpu.memory_space<hbm>>
        tpu.enqueue_dma source(%dma_start3A_123 : memref<32x128xi32, #tpu.memory_space<hbm>>) target(%arg7 : memref<32x128xi32, #tpu.memory_space<vmem>>) target_semaphore(%run_scoped3A : memref<!tpu.dma_semaphore, #tpu.memory_space<semaphore_mem>>)
        %dma_wait3A_124 = arith.constant 0 : i32
        %dma_wait3A_125 = arith.constant 0 : i32
        %dma_wait3A_126 = tpu.memref_slice %arg3[%add3A, %dma_wait3A_124, %dma_wait3A_125] : memref<32x96x128xi32, #tpu.memory_space<hbm>> -> memref<1x96x128xi32, #tpu.memory_space<hbm>>
        %dma_wait3A_127 = tpu.memref_squeeze %dma_wait3A_126 : memref<1x96x128xi32, #tpu.memory_space<hbm>> -> memref<96x128xi32, #tpu.memory_space<hbm>>
        %dma_wait3A_128 = arith.constant 0 : i32
        %dma_wait3A_129 = tpu.memref_slice %dma_wait3A_127[%mul3A_63, %dma_wait3A_128] : memref<96x128xi32, #tpu.memory_space<hbm>> -> memref<32x128xi32, #tpu.memory_space<hbm>>
        %dma_wait3A_130 = arith.constant 0 : i32
        %dma_wait3A_131 = arith.constant 0 : i32
        %dma_wait3A_132 = tpu.memref_slice %arg3[%add3A, %dma_wait3A_130, %dma_wait3A_131] : memref<32x96x128xi32, #tpu.memory_space<hbm>> -> memref<1x96x128xi32, #tpu.memory_space<hbm>>
        %dma_wait3A_133 = tpu.memref_squeeze %dma_wait3A_132 : memref<1x96x128xi32, #tpu.memory_space<hbm>> -> memref<96x128xi32, #tpu.memory_space<hbm>>
        %dma_wait3A_134 = arith.constant 0 : i32
        %dma_wait3A_135 = tpu.memref_slice %dma_wait3A_133[%mul3A_63, %dma_wait3A_134] : memref<96x128xi32, #tpu.memory_space<hbm>> -> memref<32x128xi32, #tpu.memory_space<hbm>>
        tpu.wait_dma2 semaphore(%run_scoped3A : memref<!tpu.dma_semaphore, #tpu.memory_space<semaphore_mem>>) src(%dma_wait3A_135 : memref<32x128xi32, #tpu.memory_space<hbm>>) dst(%arg7 : memref<32x128xi32, #tpu.memory_space<vmem>>)
        tpu.yield
      }) : () -> ()
      %mul3A_64 = arith.constant 32 : i32
      %mul3A_65 = arith.muli %while3A_56, %mul3A_64 : i32
      "tpu.region"() ({
        %run_scoped3A = tpu.sem_alloc : memref<!tpu.dma_semaphore, #tpu.memory_space<semaphore_mem>>
        %dma_start3A = arith.constant 0 : i32
        %dma_start3A_113 = arith.constant 0 : i32
        %dma_start3A_114 = tpu.memref_slice %arg4[%add3A, %dma_start3A, %dma_start3A_113] : memref<32x96x128xi32, #tpu.memory_space<hbm>> -> memref<1x96x128xi32, #tpu.memory_space<hbm>>
        %dma_start3A_115 = tpu.memref_squeeze %dma_start3A_114 : memref<1x96x128xi32, #tpu.memory_space<hbm>> -> memref<96x128xi32, #tpu.memory_space<hbm>>
        %dma_start3A_116 = arith.constant 0 : i32
        %dma_start3A_117 = tpu.memref_slice %dma_start3A_115[%mul3A_65, %dma_start3A_116] : memref<96x128xi32, #tpu.memory_space<hbm>> -> memref<32x128xi32, #tpu.memory_space<hbm>>
        %dma_start3A_118 = arith.constant 0 : i32
        %dma_start3A_119 = arith.constant 0 : i32
        %dma_start3A_120 = tpu.memref_slice %arg4[%add3A, %dma_start3A_118, %dma_start3A_119] : memref<32x96x128xi32, #tpu.memory_space<hbm>> -> memref<1x96x128xi32, #tpu.memory_space<hbm>>
        %dma_start3A_121 = tpu.memref_squeeze %dma_start3A_120 : memref<1x96x128xi32, #tpu.memory_space<hbm>> -> memref<96x128xi32, #tpu.memory_space<hbm>>
        %dma_start3A_122 = arith.constant 0 : i32
        %dma_start3A_123 = tpu.memref_slice %dma_start3A_121[%mul3A_65, %dma_start3A_122] : memref<96x128xi32, #tpu.memory_space<hbm>> -> memref<32x128xi32, #tpu.memory_space<hbm>>
        tpu.enqueue_dma source(%dma_start3A_123 : memref<32x128xi32, #tpu.memory_space<hbm>>) target(%arg8 : memref<32x128xi32, #tpu.memory_space<vmem>>) target_semaphore(%run_scoped3A : memref<!tpu.dma_semaphore, #tpu.memory_space<semaphore_mem>>)
        %dma_wait3A_124 = arith.constant 0 : i32
        %dma_wait3A_125 = arith.constant 0 : i32
        %dma_wait3A_126 = tpu.memref_slice %arg4[%add3A, %dma_wait3A_124, %dma_wait3A_125] : memref<32x96x128xi32, #tpu.memory_space<hbm>> -> memref<1x96x128xi32, #tpu.memory_space<hbm>>
        %dma_wait3A_127 = tpu.memref_squeeze %dma_wait3A_126 : memref<1x96x128xi32, #tpu.memory_space<hbm>> -> memref<96x128xi32, #tpu.memory_space<hbm>>
        %dma_wait3A_128 = arith.constant 0 : i32
        %dma_wait3A_129 = tpu.memref_slice %dma_wait3A_127[%mul3A_65, %dma_wait3A_128] : memref<96x128xi32, #tpu.memory_space<hbm>> -> memref<32x128xi32, #tpu.memory_space<hbm>>
        %dma_wait3A_130 = arith.constant 0 : i32
        %dma_wait3A_131 = arith.constant 0 : i32
        %dma_wait3A_132 = tpu.memref_slice %arg4[%add3A, %dma_wait3A_130, %dma_wait3A_131] : memref<32x96x128xi32, #tpu.memory_space<hbm>> -> memref<1x96x128xi32, #tpu.memory_space<hbm>>
        %dma_wait3A_133 = tpu.memref_squeeze %dma_wait3A_132 : memref<1x96x128xi32, #tpu.memory_space<hbm>> -> memref<96x128xi32, #tpu.memory_space<hbm>>
        %dma_wait3A_134 = arith.constant 0 : i32
        %dma_wait3A_135 = tpu.memref_slice %dma_wait3A_133[%mul3A_65, %dma_wait3A_134] : memref<96x128xi32, #tpu.memory_space<hbm>> -> memref<32x128xi32, #tpu.memory_space<hbm>>
        tpu.wait_dma2 semaphore(%run_scoped3A : memref<!tpu.dma_semaphore, #tpu.memory_space<semaphore_mem>>) src(%dma_wait3A_135 : memref<32x128xi32, #tpu.memory_space<hbm>>) dst(%arg8 : memref<32x128xi32, #tpu.memory_space<vmem>>)
        tpu.yield
      }) : () -> ()
      %add3A_66 = arith.constant 1 : i32
      %add3A_67 = arith.addi %min3A_61, %add3A_66 : i32
      %jit3A_68 = arith.constant 2 : i32
      %div3A_69 = arith.divsi %add3A_67, %jit3A_68 : i32
      %sign3A_70 = arith.constant 0 : i32
      %sign3A_71 = arith.cmpi sgt, %add3A_67, %sign3A_70 : i32
      %sign3A_72 = arith.extui %sign3A_71 : i1 to i32
      %sign3A_73 = arith.constant 0 : i32
      %sign3A_74 = arith.cmpi slt, %add3A_67, %sign3A_73 : i32
      %sign3A_75 = arith.extui %sign3A_74 : i1 to i32
      %sign3A_76 = arith.subi %sign3A_72, %sign3A_75 : i32
      %sign3A_77 = arith.constant 0 : i32
      %sign3A_78 = arith.cmpi sgt, %jit3A_68, %sign3A_77 : i32
      %sign3A_79 = arith.extui %sign3A_78 : i1 to i32
      %sign3A_80 = arith.constant 0 : i32
      %sign3A_81 = arith.cmpi slt, %jit3A_68, %sign3A_80 : i32
      %sign3A_82 = arith.extui %sign3A_81 : i1 to i32
      %sign3A_83 = arith.subi %sign3A_79, %sign3A_82 : i32
      %ne3A_84 = arith.cmpi ne, %sign3A_76, %sign3A_83 : i32
      %rem3A_85 = arith.remsi %add3A_67, %jit3A_68 : i32
      %ne3A_86 = arith.constant 0 : i32
      %ne3A_87 = arith.cmpi ne, %rem3A_85, %ne3A_86 : i32
      %and3A_88 = arith.andi %ne3A_84, %ne3A_87 : i1
      %sub3A_89 = arith.constant 1 : i32
      %sub3A_90 = arith.subi %div3A_69, %sub3A_89 : i32
      %select_n3A_91 = arith.select %and3A_88, %sub3A_90, %div3A_69 : i32
      %while3A_92 = arith.constant 0 : i32
      %while3A_93 = arith.constant 0 : i32
      %while3A_94 = arith.subi %select_n3A_91, %while3A_92 : i32
      %while3A_95 = arith.addi %while3A_92, %while3A_94 : i32
      %while3A_96 = arith.constant 1 : i32
      %while3A_97 = arith.divsi %while3A_94, %while3A_96 : i32
      %while3A_98 = arith.muli %while3A_97, %while3A_96 : i32
      %while3A_99 = arith.addi %while3A_92, %while3A_98 : i32
      %while3A_100 = arith.constant 1 : i32
      %while3A_101 = scf.for %while3A_113 = %while3A_92 to %while3A_99 step %while3A_100 iter_args(%while3A_114 = %while3A_93) -> (i32)  : i32 {
        %mul3A_115 = arith.constant 2 : i32
        %mul3A_116 = arith.muli %mul3A_115, %while3A_113 : i32
        %add3A_117 = arith.constant 1 : i32
        %add3A_118 = arith.addi %mul3A_116, %add3A_117 : i32
        %gt3A = arith.constant 0 : i32
        %gt3A_119 = arith.cmpi sgt, %while3A_113, %gt3A : i32
        %convert_element_type3A_120 = arith.extui %gt3A_119 : i1 to i32
        %cond3A_121 = arith.constant 0 : i32
        %cond3A_122 = arith.cmpi ne, %convert_element_type3A_120, %cond3A_121 : i32
        scf.if %cond3A_122 {
          %sub3A_144 = arith.constant 2 : i32
          %sub3A_145 = arith.subi %mul3A_116, %sub3A_144 : i32
          %dma_wait3A_146 = arith.constant 0 : i32
          %dma_wait3A_147 = tpu.memref_slice %arg8[%sub3A_145, %dma_wait3A_146] : memref<32x128xi32, #tpu.memory_space<vmem>> -> memref<1x128xi32, #tpu.memory_space<vmem>>
          %dma_wait3A_148 = tpu.memref_squeeze %dma_wait3A_147 : memref<1x128xi32, #tpu.memory_space<vmem>> -> memref<128xi32, #tpu.memory_space<vmem>>
          %dma_wait3A_149 = arith.constant 0 : i32
          %dma_wait3A_150 = arith.constant 0 : i32
          %dma_wait3A_151 = tpu.memref_slice %arg6[%dma_wait3A_149, %dma_wait3A_150] : memref<10112x128xf32, #tpu.memory_space<vmem_shared>> -> memref<10112x128xf32, #tpu.memory_space<vmem_shared>>
          tpu.wait_indirect_dma semaphore(%arg12 : memref<!tpu.dma_semaphore, #tpu.memory_space<semaphore_mem>>) src(%arg9 : memref<128x128xf32, #tpu.memory_space<vmem>>) dst(%dma_wait3A_151 : memref<10112x128xf32, #tpu.memory_space<vmem_shared>>)
        } else {
        }
        %dma_start3A = arith.constant 0 : i32
        %dma_start3A_123 = tpu.memref_slice %arg7[%mul3A_116, %dma_start3A] : memref<32x128xi32, #tpu.memory_space<vmem>> -> memref<1x128xi32, #tpu.memory_space<vmem>>
        %dma_start3A_124 = tpu.memref_squeeze %dma_start3A_123 : memref<1x128xi32, #tpu.memory_space<vmem>> -> memref<128xi32, #tpu.memory_space<vmem>>
        %dma_start3A_125 = arith.constant 0 : i32
        %dma_start3A_126 = arith.constant 0 : i32
        %dma_start3A_127 = tpu.memref_slice %arg2[%dma_start3A_125, %dma_start3A_126] : memref<10112x128xf32, #tpu.memory_space<hbm>> -> memref<10112x128xf32, #tpu.memory_space<hbm>>
        tpu.enqueue_indirect_dma source(%dma_start3A_127 : memref<10112x128xf32, #tpu.memory_space<hbm>>) target(%arg9 : memref<128x128xf32, #tpu.memory_space<vmem>>) offsets(%dma_start3A_124 : memref<128xi32, #tpu.memory_space<vmem>>) semaphore(%arg11 : memref<!tpu.dma_semaphore, #tpu.memory_space<semaphore_mem>>)
        %dma_wait3A_128 = arith.constant 0 : i32
        %dma_wait3A_129 = tpu.memref_slice %arg7[%mul3A_116, %dma_wait3A_128] : memref<32x128xi32, #tpu.memory_space<vmem>> -> memref<1x128xi32, #tpu.memory_space<vmem>>
        %dma_wait3A_130 = tpu.memref_squeeze %dma_wait3A_129 : memref<1x128xi32, #tpu.memory_space<vmem>> -> memref<128xi32, #tpu.memory_space<vmem>>
        %dma_wait3A_131 = arith.constant 0 : i32
        %dma_wait3A_132 = arith.constant 0 : i32
        %dma_wait3A_133 = tpu.memref_slice %arg2[%dma_wait3A_131, %dma_wait3A_132] : memref<10112x128xf32, #tpu.memory_space<hbm>> -> memref<10112x128xf32, #tpu.memory_space<hbm>>
        tpu.wait_indirect_dma semaphore(%arg11 : memref<!tpu.dma_semaphore, #tpu.memory_space<semaphore_mem>>) src(%dma_wait3A_133 : memref<10112x128xf32, #tpu.memory_space<hbm>>) dst(%arg9 : memref<128x128xf32, #tpu.memory_space<vmem>>)
        %dma_start3A_134 = arith.constant 0 : i32
        %dma_start3A_135 = tpu.memref_slice %arg8[%mul3A_116, %dma_start3A_134] : memref<32x128xi32, #tpu.memory_space<vmem>> -> memref<1x128xi32, #tpu.memory_space<vmem>>
        %dma_start3A_136 = tpu.memref_squeeze %dma_start3A_135 : memref<1x128xi32, #tpu.memory_space<vmem>> -> memref<128xi32, #tpu.memory_space<vmem>>
        %dma_start3A_137 = arith.constant 0 : i32
        %dma_start3A_138 = arith.constant 0 : i32
        %dma_start3A_139 = tpu.memref_slice %arg6[%dma_start3A_137, %dma_start3A_138] : memref<10112x128xf32, #tpu.memory_space<vmem_shared>> -> memref<10112x128xf32, #tpu.memory_space<vmem_shared>>
        tpu.enqueue_indirect_dma source(%arg9 : memref<128x128xf32, #tpu.memory_space<vmem>>) target(%dma_start3A_139 : memref<10112x128xf32, #tpu.memory_space<vmem_shared>>) offsets(%dma_start3A_136 : memref<128xi32, #tpu.memory_space<vmem>>) semaphore(%arg12 : memref<!tpu.dma_semaphore, #tpu.memory_space<semaphore_mem>>) {add = true}
        %lt3A = arith.cmpi slt, %add3A_118, %min3A_61 : i32
        %convert_element_type3A_140 = arith.extui %lt3A : i1 to i32
        %cond3A_141 = arith.constant 0 : i32
        %cond3A_142 = arith.cmpi ne, %convert_element_type3A_140, %cond3A_141 : i32
        scf.if %cond3A_142 {
          %gt3A_144 = arith.constant 0 : i32
          %gt3A_145 = arith.cmpi sgt, %while3A_113, %gt3A_144 : i32
          %convert_element_type3A_146 = arith.extui %gt3A_145 : i1 to i32
          %cond3A_147 = arith.constant 0 : i32
          %cond3A_148 = arith.cmpi ne, %convert_element_type3A_146, %cond3A_147 : i32
          scf.if %cond3A_148 {
            %sub3A_167 = arith.constant 2 : i32
            %sub3A_168 = arith.subi %add3A_118, %sub3A_167 : i32
            %dma_wait3A_169 = arith.constant 0 : i32
            %dma_wait3A_170 = tpu.memref_slice %arg8[%sub3A_168, %dma_wait3A_169] : memref<32x128xi32, #tpu.memory_space<vmem>> -> memref<1x128xi32, #tpu.memory_space<vmem>>
            %dma_wait3A_171 = tpu.memref_squeeze %dma_wait3A_170 : memref<1x128xi32, #tpu.memory_space<vmem>> -> memref<128xi32, #tpu.memory_space<vmem>>
            %dma_wait3A_172 = arith.constant 0 : i32
            %dma_wait3A_173 = arith.constant 0 : i32
            %dma_wait3A_174 = tpu.memref_slice %arg6[%dma_wait3A_172, %dma_wait3A_173] : memref<10112x128xf32, #tpu.memory_space<vmem_shared>> -> memref<10112x128xf32, #tpu.memory_space<vmem_shared>>
            tpu.wait_indirect_dma semaphore(%arg13 : memref<!tpu.dma_semaphore, #tpu.memory_space<semaphore_mem>>) src(%arg10 : memref<128x128xf32, #tpu.memory_space<vmem>>) dst(%dma_wait3A_174 : memref<10112x128xf32, #tpu.memory_space<vmem_shared>>)
          } else {
          }
          %dma_start3A_149 = arith.constant 0 : i32
          %dma_start3A_150 = tpu.memref_slice %arg7[%add3A_118, %dma_start3A_149] : memref<32x128xi32, #tpu.memory_space<vmem>> -> memref<1x128xi32, #tpu.memory_space<vmem>>
          %dma_start3A_151 = tpu.memref_squeeze %dma_start3A_150 : memref<1x128xi32, #tpu.memory_space<vmem>> -> memref<128xi32, #tpu.memory_space<vmem>>
          %dma_start3A_152 = arith.constant 0 : i32
          %dma_start3A_153 = arith.constant 0 : i32
          %dma_start3A_154 = tpu.memref_slice %arg2[%dma_start3A_152, %dma_start3A_153] : memref<10112x128xf32, #tpu.memory_space<hbm>> -> memref<10112x128xf32, #tpu.memory_space<hbm>>
          tpu.enqueue_indirect_dma source(%dma_start3A_154 : memref<10112x128xf32, #tpu.memory_space<hbm>>) target(%arg10 : memref<128x128xf32, #tpu.memory_space<vmem>>) offsets(%dma_start3A_151 : memref<128xi32, #tpu.memory_space<vmem>>) semaphore(%arg11 : memref<!tpu.dma_semaphore, #tpu.memory_space<semaphore_mem>>)
          %dma_wait3A_155 = arith.constant 0 : i32
          %dma_wait3A_156 = tpu.memref_slice %arg7[%add3A_118, %dma_wait3A_155] : memref<32x128xi32, #tpu.memory_space<vmem>> -> memref<1x128xi32, #tpu.memory_space<vmem>>
          %dma_wait3A_157 = tpu.memref_squeeze %dma_wait3A_156 : memref<1x128xi32, #tpu.memory_space<vmem>> -> memref<128xi32, #tpu.memory_space<vmem>>
          %dma_wait3A_158 = arith.constant 0 : i32
          %dma_wait3A_159 = arith.constant 0 : i32
          %dma_wait3A_160 = tpu.memref_slice %arg2[%dma_wait3A_158, %dma_wait3A_159] : memref<10112x128xf32, #tpu.memory_space<hbm>> -> memref<10112x128xf32, #tpu.memory_space<hbm>>
          tpu.wait_indirect_dma semaphore(%arg11 : memref<!tpu.dma_semaphore, #tpu.memory_space<semaphore_mem>>) src(%dma_wait3A_160 : memref<10112x128xf32, #tpu.memory_space<hbm>>) dst(%arg10 : memref<128x128xf32, #tpu.memory_space<vmem>>)
          %dma_start3A_161 = arith.constant 0 : i32
          %dma_start3A_162 = tpu.memref_slice %arg8[%add3A_118, %dma_start3A_161] : memref<32x128xi32, #tpu.memory_space<vmem>> -> memref<1x128xi32, #tpu.memory_space<vmem>>
          %dma_start3A_163 = tpu.memref_squeeze %dma_start3A_162 : memref<1x128xi32, #tpu.memory_space<vmem>> -> memref<128xi32, #tpu.memory_space<vmem>>
          %dma_start3A_164 = arith.constant 0 : i32
          %dma_start3A_165 = arith.constant 0 : i32
          %dma_start3A_166 = tpu.memref_slice %arg6[%dma_start3A_164, %dma_start3A_165] : memref<10112x128xf32, #tpu.memory_space<vmem_shared>> -> memref<10112x128xf32, #tpu.memory_space<vmem_shared>>
          tpu.enqueue_indirect_dma source(%arg10 : memref<128x128xf32, #tpu.memory_space<vmem>>) target(%dma_start3A_166 : memref<10112x128xf32, #tpu.memory_space<vmem_shared>>) offsets(%dma_start3A_163 : memref<128xi32, #tpu.memory_space<vmem>>) semaphore(%arg13 : memref<!tpu.dma_semaphore, #tpu.memory_space<semaphore_mem>>) {add = true}
        } else {
        }
        %while3A_143 = arith.constant 0 : i32
        scf.yield %while3A_143 : i32
      }
      %while3A_102 = arith.constant 1 : i32
      %while3A_103 = scf.for %while3A_113 = %while3A_99 to %while3A_95 step %while3A_102 iter_args(%while3A_114 = %while3A_101) -> (i32)  : i32 {
        %mul3A_115 = arith.constant 2 : i32
        %mul3A_116 = arith.muli %mul3A_115, %while3A_113 : i32
        %add3A_117 = arith.constant 1 : i32
        %add3A_118 = arith.addi %mul3A_116, %add3A_117 : i32
        %gt3A = arith.constant 0 : i32
        %gt3A_119 = arith.cmpi sgt, %while3A_113, %gt3A : i32
        %convert_element_type3A_120 = arith.extui %gt3A_119 : i1 to i32
        %cond3A_121 = arith.constant 0 : i32
        %cond3A_122 = arith.cmpi ne, %convert_element_type3A_120, %cond3A_121 : i32
        scf.if %cond3A_122 {
          %sub3A_144 = arith.constant 2 : i32
          %sub3A_145 = arith.subi %mul3A_116, %sub3A_144 : i32
          %dma_wait3A_146 = arith.constant 0 : i32
          %dma_wait3A_147 = tpu.memref_slice %arg8[%sub3A_145, %dma_wait3A_146] : memref<32x128xi32, #tpu.memory_space<vmem>> -> memref<1x128xi32, #tpu.memory_space<vmem>>
          %dma_wait3A_148 = tpu.memref_squeeze %dma_wait3A_147 : memref<1x128xi32, #tpu.memory_space<vmem>> -> memref<128xi32, #tpu.memory_space<vmem>>
          %dma_wait3A_149 = arith.constant 0 : i32
          %dma_wait3A_150 = arith.constant 0 : i32
          %dma_wait3A_151 = tpu.memref_slice %arg6[%dma_wait3A_149, %dma_wait3A_150] : memref<10112x128xf32, #tpu.memory_space<vmem_shared>> -> memref<10112x128xf32, #tpu.memory_space<vmem_shared>>
          tpu.wait_indirect_dma semaphore(%arg12 : memref<!tpu.dma_semaphore, #tpu.memory_space<semaphore_mem>>) src(%arg9 : memref<128x128xf32, #tpu.memory_space<vmem>>) dst(%dma_wait3A_151 : memref<10112x128xf32, #tpu.memory_space<vmem_shared>>)
        } else {
        }
        %dma_start3A = arith.constant 0 : i32
        %dma_start3A_123 = tpu.memref_slice %arg7[%mul3A_116, %dma_start3A] : memref<32x128xi32, #tpu.memory_space<vmem>> -> memref<1x128xi32, #tpu.memory_space<vmem>>
        %dma_start3A_124 = tpu.memref_squeeze %dma_start3A_123 : memref<1x128xi32, #tpu.memory_space<vmem>> -> memref<128xi32, #tpu.memory_space<vmem>>
        %dma_start3A_125 = arith.constant 0 : i32
        %dma_start3A_126 = arith.constant 0 : i32
        %dma_start3A_127 = tpu.memref_slice %arg2[%dma_start3A_125, %dma_start3A_126] : memref<10112x128xf32, #tpu.memory_space<hbm>> -> memref<10112x128xf32, #tpu.memory_space<hbm>>
        tpu.enqueue_indirect_dma source(%dma_start3A_127 : memref<10112x128xf32, #tpu.memory_space<hbm>>) target(%arg9 : memref<128x128xf32, #tpu.memory_space<vmem>>) offsets(%dma_start3A_124 : memref<128xi32, #tpu.memory_space<vmem>>) semaphore(%arg11 : memref<!tpu.dma_semaphore, #tpu.memory_space<semaphore_mem>>)
        %dma_wait3A_128 = arith.constant 0 : i32
        %dma_wait3A_129 = tpu.memref_slice %arg7[%mul3A_116, %dma_wait3A_128] : memref<32x128xi32, #tpu.memory_space<vmem>> -> memref<1x128xi32, #tpu.memory_space<vmem>>
        %dma_wait3A_130 = tpu.memref_squeeze %dma_wait3A_129 : memref<1x128xi32, #tpu.memory_space<vmem>> -> memref<128xi32, #tpu.memory_space<vmem>>
        %dma_wait3A_131 = arith.constant 0 : i32
        %dma_wait3A_132 = arith.constant 0 : i32
        %dma_wait3A_133 = tpu.memref_slice %arg2[%dma_wait3A_131, %dma_wait3A_132] : memref<10112x128xf32, #tpu.memory_space<hbm>> -> memref<10112x128xf32, #tpu.memory_space<hbm>>
        tpu.wait_indirect_dma semaphore(%arg11 : memref<!tpu.dma_semaphore, #tpu.memory_space<semaphore_mem>>) src(%dma_wait3A_133 : memref<10112x128xf32, #tpu.memory_space<hbm>>) dst(%arg9 : memref<128x128xf32, #tpu.memory_space<vmem>>)
        %dma_start3A_134 = arith.constant 0 : i32
        %dma_start3A_135 = tpu.memref_slice %arg8[%mul3A_116, %dma_start3A_134] : memref<32x128xi32, #tpu.memory_space<vmem>> -> memref<1x128xi32, #tpu.memory_space<vmem>>
        %dma_start3A_136 = tpu.memref_squeeze %dma_start3A_135 : memref<1x128xi32, #tpu.memory_space<vmem>> -> memref<128xi32, #tpu.memory_space<vmem>>
        %dma_start3A_137 = arith.constant 0 : i32
        %dma_start3A_138 = arith.constant 0 : i32
        %dma_start3A_139 = tpu.memref_slice %arg6[%dma_start3A_137, %dma_start3A_138] : memref<10112x128xf32, #tpu.memory_space<vmem_shared>> -> memref<10112x128xf32, #tpu.memory_space<vmem_shared>>
        tpu.enqueue_indirect_dma source(%arg9 : memref<128x128xf32, #tpu.memory_space<vmem>>) target(%dma_start3A_139 : memref<10112x128xf32, #tpu.memory_space<vmem_shared>>) offsets(%dma_start3A_136 : memref<128xi32, #tpu.memory_space<vmem>>) semaphore(%arg12 : memref<!tpu.dma_semaphore, #tpu.memory_space<semaphore_mem>>) {add = true}
        %lt3A = arith.cmpi slt, %add3A_118, %min3A_61 : i32
        %convert_element_type3A_140 = arith.extui %lt3A : i1 to i32
        %cond3A_141 = arith.constant 0 : i32
        %cond3A_142 = arith.cmpi ne, %convert_element_type3A_140, %cond3A_141 : i32
        scf.if %cond3A_142 {
          %gt3A_144 = arith.constant 0 : i32
          %gt3A_145 = arith.cmpi sgt, %while3A_113, %gt3A_144 : i32
          %convert_element_type3A_146 = arith.extui %gt3A_145 : i1 to i32
          %cond3A_147 = arith.constant 0 : i32
          %cond3A_148 = arith.cmpi ne, %convert_element_type3A_146, %cond3A_147 : i32
          scf.if %cond3A_148 {
            %sub3A_167 = arith.constant 2 : i32
            %sub3A_168 = arith.subi %add3A_118, %sub3A_167 : i32
            %dma_wait3A_169 = arith.constant 0 : i32
            %dma_wait3A_170 = tpu.memref_slice %arg8[%sub3A_168, %dma_wait3A_169] : memref<32x128xi32, #tpu.memory_space<vmem>> -> memref<1x128xi32, #tpu.memory_space<vmem>>
            %dma_wait3A_171 = tpu.memref_squeeze %dma_wait3A_170 : memref<1x128xi32, #tpu.memory_space<vmem>> -> memref<128xi32, #tpu.memory_space<vmem>>
            %dma_wait3A_172 = arith.constant 0 : i32
            %dma_wait3A_173 = arith.constant 0 : i32
            %dma_wait3A_174 = tpu.memref_slice %arg6[%dma_wait3A_172, %dma_wait3A_173] : memref<10112x128xf32, #tpu.memory_space<vmem_shared>> -> memref<10112x128xf32, #tpu.memory_space<vmem_shared>>
            tpu.wait_indirect_dma semaphore(%arg13 : memref<!tpu.dma_semaphore, #tpu.memory_space<semaphore_mem>>) src(%arg10 : memref<128x128xf32, #tpu.memory_space<vmem>>) dst(%dma_wait3A_174 : memref<10112x128xf32, #tpu.memory_space<vmem_shared>>)
          } else {
          }
          %dma_start3A_149 = arith.constant 0 : i32
          %dma_start3A_150 = tpu.memref_slice %arg7[%add3A_118, %dma_start3A_149] : memref<32x128xi32, #tpu.memory_space<vmem>> -> memref<1x128xi32, #tpu.memory_space<vmem>>
          %dma_start3A_151 = tpu.memref_squeeze %dma_start3A_150 : memref<1x128xi32, #tpu.memory_space<vmem>> -> memref<128xi32, #tpu.memory_space<vmem>>
          %dma_start3A_152 = arith.constant 0 : i32
          %dma_start3A_153 = arith.constant 0 : i32
          %dma_start3A_154 = tpu.memref_slice %arg2[%dma_start3A_152, %dma_start3A_153] : memref<10112x128xf32, #tpu.memory_space<hbm>> -> memref<10112x128xf32, #tpu.memory_space<hbm>>
          tpu.enqueue_indirect_dma source(%dma_start3A_154 : memref<10112x128xf32, #tpu.memory_space<hbm>>) target(%arg10 : memref<128x128xf32, #tpu.memory_space<vmem>>) offsets(%dma_start3A_151 : memref<128xi32, #tpu.memory_space<vmem>>) semaphore(%arg11 : memref<!tpu.dma_semaphore, #tpu.memory_space<semaphore_mem>>)
          %dma_wait3A_155 = arith.constant 0 : i32
          %dma_wait3A_156 = tpu.memref_slice %arg7[%add3A_118, %dma_wait3A_155] : memref<32x128xi32, #tpu.memory_space<vmem>> -> memref<1x128xi32, #tpu.memory_space<vmem>>
          %dma_wait3A_157 = tpu.memref_squeeze %dma_wait3A_156 : memref<1x128xi32, #tpu.memory_space<vmem>> -> memref<128xi32, #tpu.memory_space<vmem>>
          %dma_wait3A_158 = arith.constant 0 : i32
          %dma_wait3A_159 = arith.constant 0 : i32
          %dma_wait3A_160 = tpu.memref_slice %arg2[%dma_wait3A_158, %dma_wait3A_159] : memref<10112x128xf32, #tpu.memory_space<hbm>> -> memref<10112x128xf32, #tpu.memory_space<hbm>>
          tpu.wait_indirect_dma semaphore(%arg11 : memref<!tpu.dma_semaphore, #tpu.memory_space<semaphore_mem>>) src(%dma_wait3A_160 : memref<10112x128xf32, #tpu.memory_space<hbm>>) dst(%arg10 : memref<128x128xf32, #tpu.memory_space<vmem>>)
          %dma_start3A_161 = arith.constant 0 : i32
          %dma_start3A_162 = tpu.memref_slice %arg8[%add3A_118, %dma_start3A_161] : memref<32x128xi32, #tpu.memory_space<vmem>> -> memref<1x128xi32, #tpu.memory_space<vmem>>
          %dma_start3A_163 = tpu.memref_squeeze %dma_start3A_162 : memref<1x128xi32, #tpu.memory_space<vmem>> -> memref<128xi32, #tpu.memory_space<vmem>>
          %dma_start3A_164 = arith.constant 0 : i32
          %dma_start3A_165 = arith.constant 0 : i32
          %dma_start3A_166 = tpu.memref_slice %arg6[%dma_start3A_164, %dma_start3A_165] : memref<10112x128xf32, #tpu.memory_space<vmem_shared>> -> memref<10112x128xf32, #tpu.memory_space<vmem_shared>>
          tpu.enqueue_indirect_dma source(%arg10 : memref<128x128xf32, #tpu.memory_space<vmem>>) target(%dma_start3A_166 : memref<10112x128xf32, #tpu.memory_space<vmem_shared>>) offsets(%dma_start3A_163 : memref<128xi32, #tpu.memory_space<vmem>>) semaphore(%arg13 : memref<!tpu.dma_semaphore, #tpu.memory_space<semaphore_mem>>) {add = true}
        } else {
        }
        %while3A_143 = arith.constant 0 : i32
        scf.yield %while3A_143 : i32
      }
      %dma_wait3A = arith.constant 0 : i32
      %dma_wait3A_104 = arith.constant 0 : i32
      %dma_wait3A_105 = tpu.memref_slice %arg8[%dma_wait3A, %dma_wait3A_104] : memref<32x128xi32, #tpu.memory_space<vmem>> -> memref<1x128xi32, #tpu.memory_space<vmem>>
      %dma_wait3A_106 = tpu.memref_squeeze %dma_wait3A_105 : memref<1x128xi32, #tpu.memory_space<vmem>> -> memref<128xi32, #tpu.memory_space<vmem>>
      %dma_wait3A_107 = arith.constant 0 : i32
      %dma_wait3A_108 = arith.constant 0 : i32
      %dma_wait3A_109 = tpu.memref_slice %arg6[%dma_wait3A_107, %dma_wait3A_108] : memref<10112x128xf32, #tpu.memory_space<vmem_shared>> -> memref<10112x128xf32, #tpu.memory_space<vmem_shared>>
      tpu.wait_indirect_dma semaphore(%arg12 : memref<!tpu.dma_semaphore, #tpu.memory_space<semaphore_mem>>) src(%arg9 : memref<128x128xf32, #tpu.memory_space<vmem>>) dst(%dma_wait3A_109 : memref<10112x128xf32, #tpu.memory_space<vmem_shared>>)
      %ge3A = arith.constant 2 : i32
      %ge3A_110 = arith.cmpi sge, %min3A_61, %ge3A : i32
      %convert_element_type3A = arith.extui %ge3A_110 : i1 to i32
      %cond3A = arith.constant 0 : i32
      %cond3A_111 = arith.cmpi ne, %convert_element_type3A, %cond3A : i32
      scf.if %cond3A_111 {
        %dma_wait3A_113 = arith.constant 0 : i32
        %dma_wait3A_114 = arith.constant 0 : i32
        %dma_wait3A_115 = tpu.memref_slice %arg8[%dma_wait3A_113, %dma_wait3A_114] : memref<32x128xi32, #tpu.memory_space<vmem>> -> memref<1x128xi32, #tpu.memory_space<vmem>>
        %dma_wait3A_116 = tpu.memref_squeeze %dma_wait3A_115 : memref<1x128xi32, #tpu.memory_space<vmem>> -> memref<128xi32, #tpu.memory_space<vmem>>
        %dma_wait3A_117 = arith.constant 0 : i32
        %dma_wait3A_118 = arith.constant 0 : i32
        %dma_wait3A_119 = tpu.memref_slice %arg6[%dma_wait3A_117, %dma_wait3A_118] : memref<10112x128xf32, #tpu.memory_space<vmem_shared>> -> memref<10112x128xf32, #tpu.memory_space<vmem_shared>>
        tpu.wait_indirect_dma semaphore(%arg13 : memref<!tpu.dma_semaphore, #tpu.memory_space<semaphore_mem>>) src(%arg10 : memref<128x128xf32, #tpu.memory_space<vmem>>) dst(%dma_wait3A_119 : memref<10112x128xf32, #tpu.memory_space<vmem_shared>>)
      } else {
      }
      %while3A_112 = arith.constant 0 : i32
      scf.yield %while3A_112 : i32
    }
    %barrier3A_55 = arith.constant 0 : index
    tpu.barrier barrier_id(%barrier3A_55)
    "tpu.region"() ({
      %run_scoped3A = tpu.sem_alloc : memref<!tpu.dma_semaphore, #tpu.memory_space<semaphore_mem>>
      %dma_start3A = arith.constant 0 : i32
      %dma_start3A_56 = arith.constant 0 : i32
      %dma_start3A_57 = tpu.memref_slice %arg5[%arg0, %dma_start3A, %dma_start3A_56] : memref<2x10112x128xf32, #tpu.memory_space<hbm>> -> memref<1x10112x128xf32, #tpu.memory_space<hbm>>
      %dma_start3A_58 = tpu.memref_squeeze %dma_start3A_57 : memref<1x10112x128xf32, #tpu.memory_space<hbm>> -> memref<10112x128xf32, #tpu.memory_space<hbm>>
      %dma_start3A_59 = arith.constant 0 : i32
      %dma_start3A_60 = tpu.memref_slice %dma_start3A_58[%mul3A_11, %dma_start3A_59] : memref<10112x128xf32, #tpu.memory_space<hbm>> -> memref<632x128xf32, #tpu.memory_space<hbm>>
      %dma_start3A_61 = arith.constant 0 : i32
      %dma_start3A_62 = tpu.memref_slice %arg6[%mul3A_11, %dma_start3A_61] : memref<10112x128xf32, #tpu.memory_space<vmem_shared>> -> memref<632x128xf32, #tpu.memory_space<vmem_shared>>
      tpu.enqueue_dma source(%dma_start3A_62 : memref<632x128xf32, #tpu.memory_space<vmem_shared>>) target(%dma_start3A_60 : memref<632x128xf32, #tpu.memory_space<hbm>>) target_semaphore(%run_scoped3A : memref<!tpu.dma_semaphore, #tpu.memory_space<semaphore_mem>>)
      %dma_wait3A = arith.constant 0 : i32
      %dma_wait3A_63 = arith.constant 0 : i32
      %dma_wait3A_64 = tpu.memref_slice %arg5[%arg0, %dma_wait3A, %dma_wait3A_63] : memref<2x10112x128xf32, #tpu.memory_space<hbm>> -> memref<1x10112x128xf32, #tpu.memory_space<hbm>>
      %dma_wait3A_65 = tpu.memref_squeeze %dma_wait3A_64 : memref<1x10112x128xf32, #tpu.memory_space<hbm>> -> memref<10112x128xf32, #tpu.memory_space<hbm>>
      %dma_wait3A_66 = arith.constant 0 : i32
      %dma_wait3A_67 = tpu.memref_slice %dma_wait3A_65[%mul3A_11, %dma_wait3A_66] : memref<10112x128xf32, #tpu.memory_space<hbm>> -> memref<632x128xf32, #tpu.memory_space<hbm>>
      %dma_wait3A_68 = arith.constant 0 : i32
      %dma_wait3A_69 = tpu.memref_slice %arg6[%mul3A_11, %dma_wait3A_68] : memref<10112x128xf32, #tpu.memory_space<vmem_shared>> -> memref<632x128xf32, #tpu.memory_space<vmem_shared>>
      tpu.wait_dma2 semaphore(%run_scoped3A : memref<!tpu.dma_semaphore, #tpu.memory_space<semaphore_mem>>) src(%dma_wait3A_69 : memref<632x128xf32, #tpu.memory_space<vmem_shared>>) dst(%dma_wait3A_67 : memref<632x128xf32, #tpu.memory_space<hbm>>)
      tpu.yield
    }) : () -> ()
    return
  }
}

#map = affine_map<(d0, d1) -> (0, 0, 0)>
module attributes {stable_mosaic.version = 14 : i64} {
  func.func @_sc_deg(%arg0: i32, %arg1: i32, %arg2: memref<32x96x128xi32, #tpu.memory_space<hbm>>, %arg3: memref<2x10112x128xf32, #tpu.memory_space<hbm>>, %arg4: memref<10112x128xf32, #tpu.memory_space<vmem_shared>>, %arg5: memref<32x128xi32, #tpu.memory_space<vmem>>, %arg6: memref<128x128xf32, #tpu.memory_space<vmem>>, %arg7: memref<!tpu.dma_semaphore, #tpu.memory_space<semaphore_mem>>) attributes {dimension_semantics = [#tpu.dimension_semantics<core_parallel>, #tpu.dimension_semantics<subcore_parallel>], iteration_bounds = array<i64: 2, 16>, scalar_prefetch = 0 : i64, scratch_operands = 4 : i64, tpu.core_type = #tpu.core_type<sc_vector_subcore>, window_params = [{transform_indices = #map}, {transform_indices = #map}]} {
    %mul3A = arith.constant 16 : i32
    %mul3A_0 = arith.muli %arg0, %mul3A : i32
    %add3A = arith.addi %mul3A_0, %arg1 : i32
    %eq3A = arith.constant 0 : i32
    %eq3A_1 = arith.cmpi eq, %arg0, %eq3A : i32
    %jit3A = arith.constant 79 : i32
    %jit3A_2 = arith.constant 78 : i32
    %select_n3A = arith.select %eq3A_1, %jit3A, %jit3A_2 : i32
    %broadcast_in_dim3A = arith.constant 0.000000e+00 : f32
    %broadcast_in_dim3A_3 = vector.broadcast %broadcast_in_dim3A : f32 to vector<16xf32>
    %scan3A = arith.constant 0 : i32
    %scan3A_4 = arith.constant 0 : i32
    %scan3A_5 = arith.constant 128 : i32
    %scan3A_6 = arith.addi %scan3A_4, %scan3A_5 : i32
    %scan3A_7 = arith.constant 1 : i32
    %scan3A_8 = scf.for %scan3A_65 = %scan3A_4 to %scan3A_6 step %scan3A_7 iter_args(%scan3A_66 = %scan3A) -> (i32)  : i32 {
      %swap3A = arith.index_cast %scan3A_65 : i32 to index
      %swap3A_67 = arith.constant 0 : index
      %swap3A_68 = tpu.vector_load %arg6[%swap3A, %swap3A_67] {strides = array<i32>} : memref<128x128xf32, #tpu.memory_space<vmem>>, vector<1x16xf32>,
      %swap3A_69 = vector.shape_cast %swap3A_68 : vector<1x16xf32> to vector<16xf32>
      %swap3A_70 = vector.shape_cast %broadcast_in_dim3A_3 : vector<16xf32> to vector<1x16xf32>
      tpu.vector_store %arg6[%swap3A, %swap3A_67], %swap3A_70 {strides = array<i32>} : memref<128x128xf32, #tpu.memory_space<vmem>>, vector<1x16xf32>,
      %swap3A_71 = arith.index_cast %scan3A_65 : i32 to index
      %swap3A_72 = arith.constant 16 : index
      %swap3A_73 = tpu.vector_load %arg6[%swap3A_71, %swap3A_72] {strides = array<i32>} : memref<128x128xf32, #tpu.memory_space<vmem>>, vector<1x16xf32>,
      %swap3A_74 = vector.shape_cast %swap3A_73 : vector<1x16xf32> to vector<16xf32>
      %swap3A_75 = vector.shape_cast %broadcast_in_dim3A_3 : vector<16xf32> to vector<1x16xf32>
      tpu.vector_store %arg6[%swap3A_71, %swap3A_72], %swap3A_75 {strides = array<i32>} : memref<128x128xf32, #tpu.memory_space<vmem>>, vector<1x16xf32>,
      %swap3A_76 = arith.index_cast %scan3A_65 : i32 to index
      %swap3A_77 = arith.constant 32 : index
      %swap3A_78 = tpu.vector_load %arg6[%swap3A_76, %swap3A_77] {strides = array<i32>} : memref<128x128xf32, #tpu.memory_space<vmem>>, vector<1x16xf32>,
      %swap3A_79 = vector.shape_cast %swap3A_78 : vector<1x16xf32> to vector<16xf32>
      %swap3A_80 = vector.shape_cast %broadcast_in_dim3A_3 : vector<16xf32> to vector<1x16xf32>
      tpu.vector_store %arg6[%swap3A_76, %swap3A_77], %swap3A_80 {strides = array<i32>} : memref<128x128xf32, #tpu.memory_space<vmem>>, vector<1x16xf32>,
      %swap3A_81 = arith.index_cast %scan3A_65 : i32 to index
      %swap3A_82 = arith.constant 48 : index
      %swap3A_83 = tpu.vector_load %arg6[%swap3A_81, %swap3A_82] {strides = array<i32>} : memref<128x128xf32, #tpu.memory_space<vmem>>, vector<1x16xf32>,
      %swap3A_84 = vector.shape_cast %swap3A_83 : vector<1x16xf32> to vector<16xf32>
      %swap3A_85 = vector.shape_cast %broadcast_in_dim3A_3 : vector<16xf32> to vector<1x16xf32>
      tpu.vector_store %arg6[%swap3A_81, %swap3A_82], %swap3A_85 {strides = array<i32>} : memref<128x128xf32, #tpu.memory_space<vmem>>, vector<1x16xf32>,
      %swap3A_86 = arith.index_cast %scan3A_65 : i32 to index
      %swap3A_87 = arith.constant 64 : index
      %swap3A_88 = tpu.vector_load %arg6[%swap3A_86, %swap3A_87] {strides = array<i32>} : memref<128x128xf32, #tpu.memory_space<vmem>>, vector<1x16xf32>,
      %swap3A_89 = vector.shape_cast %swap3A_88 : vector<1x16xf32> to vector<16xf32>
      %swap3A_90 = vector.shape_cast %broadcast_in_dim3A_3 : vector<16xf32> to vector<1x16xf32>
      tpu.vector_store %arg6[%swap3A_86, %swap3A_87], %swap3A_90 {strides = array<i32>} : memref<128x128xf32, #tpu.memory_space<vmem>>, vector<1x16xf32>,
      %swap3A_91 = arith.index_cast %scan3A_65 : i32 to index
      %swap3A_92 = arith.constant 80 : index
      %swap3A_93 = tpu.vector_load %arg6[%swap3A_91, %swap3A_92] {strides = array<i32>} : memref<128x128xf32, #tpu.memory_space<vmem>>, vector<1x16xf32>,
      %swap3A_94 = vector.shape_cast %swap3A_93 : vector<1x16xf32> to vector<16xf32>
      %swap3A_95 = vector.shape_cast %broadcast_in_dim3A_3 : vector<16xf32> to vector<1x16xf32>
      tpu.vector_store %arg6[%swap3A_91, %swap3A_92], %swap3A_95 {strides = array<i32>} : memref<128x128xf32, #tpu.memory_space<vmem>>, vector<1x16xf32>,
      %swap3A_96 = arith.index_cast %scan3A_65 : i32 to index
      %swap3A_97 = arith.constant 96 : index
      %swap3A_98 = tpu.vector_load %arg6[%swap3A_96, %swap3A_97] {strides = array<i32>} : memref<128x128xf32, #tpu.memory_space<vmem>>, vector<1x16xf32>,
      %swap3A_99 = vector.shape_cast %swap3A_98 : vector<1x16xf32> to vector<16xf32>
      %swap3A_100 = vector.shape_cast %broadcast_in_dim3A_3 : vector<16xf32> to vector<1x16xf32>
      tpu.vector_store %arg6[%swap3A_96, %swap3A_97], %swap3A_100 {strides = array<i32>} : memref<128x128xf32, #tpu.memory_space<vmem>>, vector<1x16xf32>,
      %swap3A_101 = arith.index_cast %scan3A_65 : i32 to index
      %swap3A_102 = arith.constant 112 : index
      %swap3A_103 = tpu.vector_load %arg6[%swap3A_101, %swap3A_102] {strides = array<i32>} : memref<128x128xf32, #tpu.memory_space<vmem>>, vector<1x16xf32>,
      %swap3A_104 = vector.shape_cast %swap3A_103 : vector<1x16xf32> to vector<16xf32>
      %swap3A_105 = vector.shape_cast %broadcast_in_dim3A_3 : vector<16xf32> to vector<1x16xf32>
      tpu.vector_store %arg6[%swap3A_101, %swap3A_102], %swap3A_105 {strides = array<i32>} : memref<128x128xf32, #tpu.memory_space<vmem>>, vector<1x16xf32>,
      %scan3A_106 = arith.constant 0 : i32
      scf.yield %scan3A_106 : i32
    }
    %scan3A_9 = arith.constant 128 : i32
    %mul3A_10 = arith.constant 632 : i32
    %mul3A_11 = arith.muli %arg1, %mul3A_10 : i32
    %add3A_12 = arith.constant 0 : i32
    %add3A_13 = arith.addi %mul3A_11, %add3A_12 : i32
    "tpu.region"() ({
      %run_scoped3A = tpu.sem_alloc : memref<!tpu.dma_semaphore, #tpu.memory_space<semaphore_mem>>
      %dma_start3A = arith.constant 0 : i32
      %dma_start3A_65 = arith.constant 0 : i32
      %dma_start3A_66 = tpu.memref_slice %arg6[%dma_start3A, %dma_start3A_65] : memref<128x128xf32, #tpu.memory_space<vmem>> -> memref<128x128xf32, #tpu.memory_space<vmem>>
      %dma_start3A_67 = arith.constant 0 : i32
      %dma_start3A_68 = tpu.memref_slice %arg4[%add3A_13, %dma_start3A_67] : memref<10112x128xf32, #tpu.memory_space<vmem_shared>> -> memref<128x128xf32, #tpu.memory_space<vmem_shared>>
      %dma_start3A_69 = arith.constant 0 : i32
      %dma_start3A_70 = tpu.memref_slice %arg4[%add3A_13, %dma_start3A_69] : memref<10112x128xf32, #tpu.memory_space<vmem_shared>> -> memref<128x128xf32, #tpu.memory_space<vmem_shared>>
      %dma_start3A_71 = arith.constant 0 : i32
      %dma_start3A_72 = arith.constant 0 : i32
      %dma_start3A_73 = tpu.memref_slice %arg6[%dma_start3A_71, %dma_start3A_72] : memref<128x128xf32, #tpu.memory_space<vmem>> -> memref<128x128xf32, #tpu.memory_space<vmem>>
      tpu.enqueue_dma source(%dma_start3A_73 : memref<128x128xf32, #tpu.memory_space<vmem>>) target(%dma_start3A_70 : memref<128x128xf32, #tpu.memory_space<vmem_shared>>) target_semaphore(%run_scoped3A : memref<!tpu.dma_semaphore, #tpu.memory_space<semaphore_mem>>)
      %dma_wait3A = arith.constant 0 : i32
      %dma_wait3A_74 = arith.constant 0 : i32
      %dma_wait3A_75 = tpu.memref_slice %arg6[%dma_wait3A, %dma_wait3A_74] : memref<128x128xf32, #tpu.memory_space<vmem>> -> memref<128x128xf32, #tpu.memory_space<vmem>>
      %dma_wait3A_76 = arith.constant 0 : i32
      %dma_wait3A_77 = tpu.memref_slice %arg4[%add3A_13, %dma_wait3A_76] : memref<10112x128xf32, #tpu.memory_space<vmem_shared>> -> memref<128x128xf32, #tpu.memory_space<vmem_shared>>
      %dma_wait3A_78 = arith.constant 0 : i32
      %dma_wait3A_79 = tpu.memref_slice %arg4[%add3A_13, %dma_wait3A_78] : memref<10112x128xf32, #tpu.memory_space<vmem_shared>> -> memref<128x128xf32, #tpu.memory_space<vmem_shared>>
      %dma_wait3A_80 = arith.constant 0 : i32
      %dma_wait3A_81 = arith.constant 0 : i32
      %dma_wait3A_82 = tpu.memref_slice %arg6[%dma_wait3A_80, %dma_wait3A_81] : memref<128x128xf32, #tpu.memory_space<vmem>> -> memref<128x128xf32, #tpu.memory_space<vmem>>
      tpu.wait_dma2 semaphore(%run_scoped3A : memref<!tpu.dma_semaphore, #tpu.memory_space<semaphore_mem>>) src(%dma_wait3A_82 : memref<128x128xf32, #tpu.memory_space<vmem>>) dst(%dma_wait3A_79 : memref<128x128xf32, #tpu.memory_space<vmem_shared>>)
      tpu.yield
    }) : () -> ()
    %add3A_14 = arith.constant 128 : i32
    %add3A_15 = arith.addi %mul3A_11, %add3A_14 : i32
    "tpu.region"() ({
      %run_scoped3A = tpu.sem_alloc : memref<!tpu.dma_semaphore, #tpu.memory_space<semaphore_mem>>
      %dma_start3A = arith.constant 0 : i32
      %dma_start3A_65 = arith.constant 0 : i32
      %dma_start3A_66 = tpu.memref_slice %arg6[%dma_start3A, %dma_start3A_65] : memref<128x128xf32, #tpu.memory_space<vmem>> -> memref<128x128xf32, #tpu.memory_space<vmem>>
      %dma_start3A_67 = arith.constant 0 : i32
      %dma_start3A_68 = tpu.memref_slice %arg4[%add3A_15, %dma_start3A_67] : memref<10112x128xf32, #tpu.memory_space<vmem_shared>> -> memref<128x128xf32, #tpu.memory_space<vmem_shared>>
      %dma_start3A_69 = arith.constant 0 : i32
      %dma_start3A_70 = tpu.memref_slice %arg4[%add3A_15, %dma_start3A_69] : memref<10112x128xf32, #tpu.memory_space<vmem_shared>> -> memref<128x128xf32, #tpu.memory_space<vmem_shared>>
      %dma_start3A_71 = arith.constant 0 : i32
      %dma_start3A_72 = arith.constant 0 : i32
      %dma_start3A_73 = tpu.memref_slice %arg6[%dma_start3A_71, %dma_start3A_72] : memref<128x128xf32, #tpu.memory_space<vmem>> -> memref<128x128xf32, #tpu.memory_space<vmem>>
      tpu.enqueue_dma source(%dma_start3A_73 : memref<128x128xf32, #tpu.memory_space<vmem>>) target(%dma_start3A_70 : memref<128x128xf32, #tpu.memory_space<vmem_shared>>) target_semaphore(%run_scoped3A : memref<!tpu.dma_semaphore, #tpu.memory_space<semaphore_mem>>)
      %dma_wait3A = arith.constant 0 : i32
      %dma_wait3A_74 = arith.constant 0 : i32
      %dma_wait3A_75 = tpu.memref_slice %arg6[%dma_wait3A, %dma_wait3A_74] : memref<128x128xf32, #tpu.memory_space<vmem>> -> memref<128x128xf32, #tpu.memory_space<vmem>>
      %dma_wait3A_76 = arith.constant 0 : i32
      %dma_wait3A_77 = tpu.memref_slice %arg4[%add3A_15, %dma_wait3A_76] : memref<10112x128xf32, #tpu.memory_space<vmem_shared>> -> memref<128x128xf32, #tpu.memory_space<vmem_shared>>
      %dma_wait3A_78 = arith.constant 0 : i32
      %dma_wait3A_79 = tpu.memref_slice %arg4[%add3A_15, %dma_wait3A_78] : memref<10112x128xf32, #tpu.memory_space<vmem_shared>> -> memref<128x128xf32, #tpu.memory_space<vmem_shared>>
      %dma_wait3A_80 = arith.constant 0 : i32
      %dma_wait3A_81 = arith.constant 0 : i32
      %dma_wait3A_82 = tpu.memref_slice %arg6[%dma_wait3A_80, %dma_wait3A_81] : memref<128x128xf32, #tpu.memory_space<vmem>> -> memref<128x128xf32, #tpu.memory_space<vmem>>
      tpu.wait_dma2 semaphore(%run_scoped3A : memref<!tpu.dma_semaphore, #tpu.memory_space<semaphore_mem>>) src(%dma_wait3A_82 : memref<128x128xf32, #tpu.memory_space<vmem>>) dst(%dma_wait3A_79 : memref<128x128xf32, #tpu.memory_space<vmem_shared>>)
      tpu.yield
    }) : () -> ()
    %add3A_16 = arith.constant 256 : i32
    %add3A_17 = arith.addi %mul3A_11, %add3A_16 : i32
    "tpu.region"() ({
      %run_scoped3A = tpu.sem_alloc : memref<!tpu.dma_semaphore, #tpu.memory_space<semaphore_mem>>
      %dma_start3A = arith.constant 0 : i32
      %dma_start3A_65 = arith.constant 0 : i32
      %dma_start3A_66 = tpu.memref_slice %arg6[%dma_start3A, %dma_start3A_65] : memref<128x128xf32, #tpu.memory_space<vmem>> -> memref<128x128xf32, #tpu.memory_space<vmem>>
      %dma_start3A_67 = arith.constant 0 : i32
      %dma_start3A_68 = tpu.memref_slice %arg4[%add3A_17, %dma_start3A_67] : memref<10112x128xf32, #tpu.memory_space<vmem_shared>> -> memref<128x128xf32, #tpu.memory_space<vmem_shared>>
      %dma_start3A_69 = arith.constant 0 : i32
      %dma_start3A_70 = tpu.memref_slice %arg4[%add3A_17, %dma_start3A_69] : memref<10112x128xf32, #tpu.memory_space<vmem_shared>> -> memref<128x128xf32, #tpu.memory_space<vmem_shared>>
      %dma_start3A_71 = arith.constant 0 : i32
      %dma_start3A_72 = arith.constant 0 : i32
      %dma_start3A_73 = tpu.memref_slice %arg6[%dma_start3A_71, %dma_start3A_72] : memref<128x128xf32, #tpu.memory_space<vmem>> -> memref<128x128xf32, #tpu.memory_space<vmem>>
      tpu.enqueue_dma source(%dma_start3A_73 : memref<128x128xf32, #tpu.memory_space<vmem>>) target(%dma_start3A_70 : memref<128x128xf32, #tpu.memory_space<vmem_shared>>) target_semaphore(%run_scoped3A : memref<!tpu.dma_semaphore, #tpu.memory_space<semaphore_mem>>)
      %dma_wait3A = arith.constant 0 : i32
      %dma_wait3A_74 = arith.constant 0 : i32
      %dma_wait3A_75 = tpu.memref_slice %arg6[%dma_wait3A, %dma_wait3A_74] : memref<128x128xf32, #tpu.memory_space<vmem>> -> memref<128x128xf32, #tpu.memory_space<vmem>>
      %dma_wait3A_76 = arith.constant 0 : i32
      %dma_wait3A_77 = tpu.memref_slice %arg4[%add3A_17, %dma_wait3A_76] : memref<10112x128xf32, #tpu.memory_space<vmem_shared>> -> memref<128x128xf32, #tpu.memory_space<vmem_shared>>
      %dma_wait3A_78 = arith.constant 0 : i32
      %dma_wait3A_79 = tpu.memref_slice %arg4[%add3A_17, %dma_wait3A_78] : memref<10112x128xf32, #tpu.memory_space<vmem_shared>> -> memref<128x128xf32, #tpu.memory_space<vmem_shared>>
      %dma_wait3A_80 = arith.constant 0 : i32
      %dma_wait3A_81 = arith.constant 0 : i32
      %dma_wait3A_82 = tpu.memref_slice %arg6[%dma_wait3A_80, %dma_wait3A_81] : memref<128x128xf32, #tpu.memory_space<vmem>> -> memref<128x128xf32, #tpu.memory_space<vmem>>
      tpu.wait_dma2 semaphore(%run_scoped3A : memref<!tpu.dma_semaphore, #tpu.memory_space<semaphore_mem>>) src(%dma_wait3A_82 : memref<128x128xf32, #tpu.memory_space<vmem>>) dst(%dma_wait3A_79 : memref<128x128xf32, #tpu.memory_space<vmem_shared>>)
      tpu.yield
    }) : () -> ()
    %add3A_18 = arith.constant 384 : i32
    %add3A_19 = arith.addi %mul3A_11, %add3A_18 : i32
    "tpu.region"() ({
      %run_scoped3A = tpu.sem_alloc : memref<!tpu.dma_semaphore, #tpu.memory_space<semaphore_mem>>
      %dma_start3A = arith.constant 0 : i32
      %dma_start3A_65 = arith.constant 0 : i32
      %dma_start3A_66 = tpu.memref_slice %arg6[%dma_start3A, %dma_start3A_65] : memref<128x128xf32, #tpu.memory_space<vmem>> -> memref<128x128xf32, #tpu.memory_space<vmem>>
      %dma_start3A_67 = arith.constant 0 : i32
      %dma_start3A_68 = tpu.memref_slice %arg4[%add3A_19, %dma_start3A_67] : memref<10112x128xf32, #tpu.memory_space<vmem_shared>> -> memref<128x128xf32, #tpu.memory_space<vmem_shared>>
      %dma_start3A_69 = arith.constant 0 : i32
      %dma_start3A_70 = tpu.memref_slice %arg4[%add3A_19, %dma_start3A_69] : memref<10112x128xf32, #tpu.memory_space<vmem_shared>> -> memref<128x128xf32, #tpu.memory_space<vmem_shared>>
      %dma_start3A_71 = arith.constant 0 : i32
      %dma_start3A_72 = arith.constant 0 : i32
      %dma_start3A_73 = tpu.memref_slice %arg6[%dma_start3A_71, %dma_start3A_72] : memref<128x128xf32, #tpu.memory_space<vmem>> -> memref<128x128xf32, #tpu.memory_space<vmem>>
      tpu.enqueue_dma source(%dma_start3A_73 : memref<128x128xf32, #tpu.memory_space<vmem>>) target(%dma_start3A_70 : memref<128x128xf32, #tpu.memory_space<vmem_shared>>) target_semaphore(%run_scoped3A : memref<!tpu.dma_semaphore, #tpu.memory_space<semaphore_mem>>)
      %dma_wait3A = arith.constant 0 : i32
      %dma_wait3A_74 = arith.constant 0 : i32
      %dma_wait3A_75 = tpu.memref_slice %arg6[%dma_wait3A, %dma_wait3A_74] : memref<128x128xf32, #tpu.memory_space<vmem>> -> memref<128x128xf32, #tpu.memory_space<vmem>>
      %dma_wait3A_76 = arith.constant 0 : i32
      %dma_wait3A_77 = tpu.memref_slice %arg4[%add3A_19, %dma_wait3A_76] : memref<10112x128xf32, #tpu.memory_space<vmem_shared>> -> memref<128x128xf32, #tpu.memory_space<vmem_shared>>
      %dma_wait3A_78 = arith.constant 0 : i32
      %dma_wait3A_79 = tpu.memref_slice %arg4[%add3A_19, %dma_wait3A_78] : memref<10112x128xf32, #tpu.memory_space<vmem_shared>> -> memref<128x128xf32, #tpu.memory_space<vmem_shared>>
      %dma_wait3A_80 = arith.constant 0 : i32
      %dma_wait3A_81 = arith.constant 0 : i32
      %dma_wait3A_82 = tpu.memref_slice %arg6[%dma_wait3A_80, %dma_wait3A_81] : memref<128x128xf32, #tpu.memory_space<vmem>> -> memref<128x128xf32, #tpu.memory_space<vmem>>
      tpu.wait_dma2 semaphore(%run_scoped3A : memref<!tpu.dma_semaphore, #tpu.memory_space<semaphore_mem>>) src(%dma_wait3A_82 : memref<128x128xf32, #tpu.memory_space<vmem>>) dst(%dma_wait3A_79 : memref<128x128xf32, #tpu.memory_space<vmem_shared>>)
      tpu.yield
    }) : () -> ()
    %add3A_20 = arith.constant 512 : i32
    %add3A_21 = arith.addi %mul3A_11, %add3A_20 : i32
    "tpu.region"() ({
      %run_scoped3A = tpu.sem_alloc : memref<!tpu.dma_semaphore, #tpu.memory_space<semaphore_mem>>
      %dma_start3A = arith.constant 0 : i32
      %dma_start3A_65 = arith.constant 0 : i32
      %dma_start3A_66 = tpu.memref_slice %arg6[%dma_start3A, %dma_start3A_65] : memref<128x128xf32, #tpu.memory_space<vmem>> -> memref<120x128xf32, #tpu.memory_space<vmem>>
      %dma_start3A_67 = arith.constant 0 : i32
      %dma_start3A_68 = tpu.memref_slice %arg4[%add3A_21, %dma_start3A_67] : memref<10112x128xf32, #tpu.memory_space<vmem_shared>> -> memref<120x128xf32, #tpu.memory_space<vmem_shared>>
      %dma_start3A_69 = arith.constant 0 : i32
      %dma_start3A_70 = tpu.memref_slice %arg4[%add3A_21, %dma_start3A_69] : memref<10112x128xf32, #tpu.memory_space<vmem_shared>> -> memref<120x128xf32, #tpu.memory_space<vmem_shared>>
      %dma_start3A_71 = arith.constant 0 : i32
      %dma_start3A_72 = arith.constant 0 : i32
      %dma_start3A_73 = tpu.memref_slice %arg6[%dma_start3A_71, %dma_start3A_72] : memref<128x128xf32, #tpu.memory_space<vmem>> -> memref<120x128xf32, #tpu.memory_space<vmem>>
      tpu.enqueue_dma source(%dma_start3A_73 : memref<120x128xf32, #tpu.memory_space<vmem>>) target(%dma_start3A_70 : memref<120x128xf32, #tpu.memory_space<vmem_shared>>) target_semaphore(%run_scoped3A : memref<!tpu.dma_semaphore, #tpu.memory_space<semaphore_mem>>)
      %dma_wait3A = arith.constant 0 : i32
      %dma_wait3A_74 = arith.constant 0 : i32
      %dma_wait3A_75 = tpu.memref_slice %arg6[%dma_wait3A, %dma_wait3A_74] : memref<128x128xf32, #tpu.memory_space<vmem>> -> memref<120x128xf32, #tpu.memory_space<vmem>>
      %dma_wait3A_76 = arith.constant 0 : i32
      %dma_wait3A_77 = tpu.memref_slice %arg4[%add3A_21, %dma_wait3A_76] : memref<10112x128xf32, #tpu.memory_space<vmem_shared>> -> memref<120x128xf32, #tpu.memory_space<vmem_shared>>
      %dma_wait3A_78 = arith.constant 0 : i32
      %dma_wait3A_79 = tpu.memref_slice %arg4[%add3A_21, %dma_wait3A_78] : memref<10112x128xf32, #tpu.memory_space<vmem_shared>> -> memref<120x128xf32, #tpu.memory_space<vmem_shared>>
      %dma_wait3A_80 = arith.constant 0 : i32
      %dma_wait3A_81 = arith.constant 0 : i32
      %dma_wait3A_82 = tpu.memref_slice %arg6[%dma_wait3A_80, %dma_wait3A_81] : memref<128x128xf32, #tpu.memory_space<vmem>> -> memref<120x128xf32, #tpu.memory_space<vmem>>
      tpu.wait_dma2 semaphore(%run_scoped3A : memref<!tpu.dma_semaphore, #tpu.memory_space<semaphore_mem>>) src(%dma_wait3A_82 : memref<120x128xf32, #tpu.memory_space<vmem>>) dst(%dma_wait3A_79 : memref<120x128xf32, #tpu.memory_space<vmem_shared>>)
      tpu.yield
    }) : () -> ()
    %broadcast_in_dim3A_22 = arith.constant 1.000000e+00 : f32
    %broadcast_in_dim3A_23 = vector.broadcast %broadcast_in_dim3A_22 : f32 to vector<16xf32>
    %scan3A_24 = arith.constant 0 : i32
    %scan3A_25 = arith.constant 0 : i32
    %scan3A_26 = arith.constant 128 : i32
    %scan3A_27 = arith.addi %scan3A_25, %scan3A_26 : i32
    %scan3A_28 = arith.constant 1 : i32
    %scan3A_29 = scf.for %scan3A_65 = %scan3A_25 to %scan3A_27 step %scan3A_28 iter_args(%scan3A_66 = %scan3A_24) -> (i32)  : i32 {
      %swap3A = arith.index_cast %scan3A_65 : i32 to index
      %swap3A_67 = arith.constant 0 : index
      %swap3A_68 = tpu.vector_load %arg6[%swap3A, %swap3A_67] {strides = array<i32>} : memref<128x128xf32, #tpu.memory_space<vmem>>, vector<1x16xf32>,
      %swap3A_69 = vector.shape_cast %swap3A_68 : vector<1x16xf32> to vector<16xf32>
      %swap3A_70 = vector.shape_cast %broadcast_in_dim3A_23 : vector<16xf32> to vector<1x16xf32>
      tpu.vector_store %arg6[%swap3A, %swap3A_67], %swap3A_70 {strides = array<i32>} : memref<128x128xf32, #tpu.memory_space<vmem>>, vector<1x16xf32>,
      %swap3A_71 = arith.index_cast %scan3A_65 : i32 to index
      %swap3A_72 = arith.constant 16 : index
      %swap3A_73 = tpu.vector_load %arg6[%swap3A_71, %swap3A_72] {strides = array<i32>} : memref<128x128xf32, #tpu.memory_space<vmem>>, vector<1x16xf32>,
      %swap3A_74 = vector.shape_cast %swap3A_73 : vector<1x16xf32> to vector<16xf32>
      %swap3A_75 = vector.shape_cast %broadcast_in_dim3A_23 : vector<16xf32> to vector<1x16xf32>
      tpu.vector_store %arg6[%swap3A_71, %swap3A_72], %swap3A_75 {strides = array<i32>} : memref<128x128xf32, #tpu.memory_space<vmem>>, vector<1x16xf32>,
      %swap3A_76 = arith.index_cast %scan3A_65 : i32 to index
      %swap3A_77 = arith.constant 32 : index
      %swap3A_78 = tpu.vector_load %arg6[%swap3A_76, %swap3A_77] {strides = array<i32>} : memref<128x128xf32, #tpu.memory_space<vmem>>, vector<1x16xf32>,
      %swap3A_79 = vector.shape_cast %swap3A_78 : vector<1x16xf32> to vector<16xf32>
      %swap3A_80 = vector.shape_cast %broadcast_in_dim3A_23 : vector<16xf32> to vector<1x16xf32>
      tpu.vector_store %arg6[%swap3A_76, %swap3A_77], %swap3A_80 {strides = array<i32>} : memref<128x128xf32, #tpu.memory_space<vmem>>, vector<1x16xf32>,
      %swap3A_81 = arith.index_cast %scan3A_65 : i32 to index
      %swap3A_82 = arith.constant 48 : index
      %swap3A_83 = tpu.vector_load %arg6[%swap3A_81, %swap3A_82] {strides = array<i32>} : memref<128x128xf32, #tpu.memory_space<vmem>>, vector<1x16xf32>,
      %swap3A_84 = vector.shape_cast %swap3A_83 : vector<1x16xf32> to vector<16xf32>
      %swap3A_85 = vector.shape_cast %broadcast_in_dim3A_23 : vector<16xf32> to vector<1x16xf32>
      tpu.vector_store %arg6[%swap3A_81, %swap3A_82], %swap3A_85 {strides = array<i32>} : memref<128x128xf32, #tpu.memory_space<vmem>>, vector<1x16xf32>,
      %swap3A_86 = arith.index_cast %scan3A_65 : i32 to index
      %swap3A_87 = arith.constant 64 : index
      %swap3A_88 = tpu.vector_load %arg6[%swap3A_86, %swap3A_87] {strides = array<i32>} : memref<128x128xf32, #tpu.memory_space<vmem>>, vector<1x16xf32>,
      %swap3A_89 = vector.shape_cast %swap3A_88 : vector<1x16xf32> to vector<16xf32>
      %swap3A_90 = vector.shape_cast %broadcast_in_dim3A_23 : vector<16xf32> to vector<1x16xf32>
      tpu.vector_store %arg6[%swap3A_86, %swap3A_87], %swap3A_90 {strides = array<i32>} : memref<128x128xf32, #tpu.memory_space<vmem>>, vector<1x16xf32>,
      %swap3A_91 = arith.index_cast %scan3A_65 : i32 to index
      %swap3A_92 = arith.constant 80 : index
      %swap3A_93 = tpu.vector_load %arg6[%swap3A_91, %swap3A_92] {strides = array<i32>} : memref<128x128xf32, #tpu.memory_space<vmem>>, vector<1x16xf32>,
      %swap3A_94 = vector.shape_cast %swap3A_93 : vector<1x16xf32> to vector<16xf32>
      %swap3A_95 = vector.shape_cast %broadcast_in_dim3A_23 : vector<16xf32> to vector<1x16xf32>
      tpu.vector_store %arg6[%swap3A_91, %swap3A_92], %swap3A_95 {strides = array<i32>} : memref<128x128xf32, #tpu.memory_space<vmem>>, vector<1x16xf32>,
      %swap3A_96 = arith.index_cast %scan3A_65 : i32 to index
      %swap3A_97 = arith.constant 96 : index
      %swap3A_98 = tpu.vector_load %arg6[%swap3A_96, %swap3A_97] {strides = array<i32>} : memref<128x128xf32, #tpu.memory_space<vmem>>, vector<1x16xf32>,
      %swap3A_99 = vector.shape_cast %swap3A_98 : vector<1x16xf32> to vector<16xf32>
      %swap3A_100 = vector.shape_cast %broadcast_in_dim3A_23 : vector<16xf32> to vector<1x16xf32>
      tpu.vector_store %arg6[%swap3A_96, %swap3A_97], %swap3A_100 {strides = array<i32>} : memref<128x128xf32, #tpu.memory_space<vmem>>, vector<1x16xf32>,
      %swap3A_101 = arith.index_cast %scan3A_65 : i32 to index
      %swap3A_102 = arith.constant 112 : index
      %swap3A_103 = tpu.vector_load %arg6[%swap3A_101, %swap3A_102] {strides = array<i32>} : memref<128x128xf32, #tpu.memory_space<vmem>>, vector<1x16xf32>,
      %swap3A_104 = vector.shape_cast %swap3A_103 : vector<1x16xf32> to vector<16xf32>
      %swap3A_105 = vector.shape_cast %broadcast_in_dim3A_23 : vector<16xf32> to vector<1x16xf32>
      tpu.vector_store %arg6[%swap3A_101, %swap3A_102], %swap3A_105 {strides = array<i32>} : memref<128x128xf32, #tpu.memory_space<vmem>>, vector<1x16xf32>,
      %scan3A_106 = arith.constant 0 : i32
      scf.yield %scan3A_106 : i32
    }
    %scan3A_30 = arith.constant 128 : i32
    %barrier3A = arith.constant 0 : index
    tpu.barrier barrier_id(%barrier3A)
    %add3A_31 = arith.constant 32 : i32
    %add3A_32 = arith.addi %select_n3A, %add3A_31 : i32
    %sub3A = arith.constant 1 : i32
    %sub3A_33 = arith.subi %add3A_32, %sub3A : i32
    %jit3A_34 = arith.constant 32 : i32
    %div3A = arith.divsi %sub3A_33, %jit3A_34 : i32
    %sign3A = arith.constant 0 : i32
    %sign3A_35 = arith.cmpi sgt, %sub3A_33, %sign3A : i32
    %sign3A_36 = arith.extui %sign3A_35 : i1 to i32
    %sign3A_37 = arith.constant 0 : i32
    %sign3A_38 = arith.cmpi slt, %sub3A_33, %sign3A_37 : i32
    %sign3A_39 = arith.extui %sign3A_38 : i1 to i32
    %sign3A_40 = arith.subi %sign3A_36, %sign3A_39 : i32
    %sign3A_41 = arith.constant 0 : i32
    %sign3A_42 = arith.cmpi sgt, %jit3A_34, %sign3A_41 : i32
    %sign3A_43 = arith.extui %sign3A_42 : i1 to i32
    %sign3A_44 = arith.constant 0 : i32
    %sign3A_45 = arith.cmpi slt, %jit3A_34, %sign3A_44 : i32
    %sign3A_46 = arith.extui %sign3A_45 : i1 to i32
    %sign3A_47 = arith.subi %sign3A_43, %sign3A_46 : i32
    %ne3A = arith.cmpi ne, %sign3A_40, %sign3A_47 : i32
    %rem3A = arith.remsi %sub3A_33, %jit3A_34 : i32
    %ne3A_48 = arith.constant 0 : i32
    %ne3A_49 = arith.cmpi ne, %rem3A, %ne3A_48 : i32
    %and3A = arith.andi %ne3A, %ne3A_49 : i1
    %sub3A_50 = arith.constant 1 : i32
    %sub3A_51 = arith.subi %div3A, %sub3A_50 : i32
    %select_n3A_52 = arith.select %and3A, %sub3A_51, %div3A : i32
    %while3A = arith.constant 0 : i32
    %while3A_53 = arith.constant 0 : i32
    %while3A_54 = arith.subi %select_n3A_52, %while3A : i32
    %while3A_55 = arith.addi %while3A, %while3A_54 : i32
    %while3A_56 = arith.constant 1 : i32
    %while3A_57 = arith.divsi %while3A_54, %while3A_56 : i32
    %while3A_58 = arith.muli %while3A_57, %while3A_56 : i32
    %while3A_59 = arith.addi %while3A, %while3A_58 : i32
    %while3A_60 = arith.constant 1 : i32
    %while3A_61 = scf.for %while3A_65 = %while3A to %while3A_59 step %while3A_60 iter_args(%while3A_66 = %while3A_53) -> (i32)  : i32 {
      %mul3A_67 = arith.constant 32 : i32
      %mul3A_68 = arith.muli %while3A_65, %mul3A_67 : i32
      %sub3A_69 = arith.subi %select_n3A, %mul3A_68 : i32
      %min3A = arith.constant 32 : i32
      %min3A_70 = arith.minsi %min3A, %sub3A_69 : i32
      %mul3A_71 = arith.constant 32 : i32
      %mul3A_72 = arith.muli %while3A_65, %mul3A_71 : i32
      "tpu.region"() ({
        %run_scoped3A = tpu.sem_alloc : memref<!tpu.dma_semaphore, #tpu.memory_space<semaphore_mem>>
        %dma_start3A = arith.constant 0 : i32
        %dma_start3A_113 = arith.constant 0 : i32
        %dma_start3A_114 = tpu.memref_slice %arg2[%add3A, %dma_start3A, %dma_start3A_113] : memref<32x96x128xi32, #tpu.memory_space<hbm>> -> memref<1x96x128xi32, #tpu.memory_space<hbm>>
        %dma_start3A_115 = tpu.memref_squeeze %dma_start3A_114 : memref<1x96x128xi32, #tpu.memory_space<hbm>> -> memref<96x128xi32, #tpu.memory_space<hbm>>
        %dma_start3A_116 = arith.constant 0 : i32
        %dma_start3A_117 = tpu.memref_slice %dma_start3A_115[%mul3A_72, %dma_start3A_116] : memref<96x128xi32, #tpu.memory_space<hbm>> -> memref<32x128xi32, #tpu.memory_space<hbm>>
        %dma_start3A_118 = arith.constant 0 : i32
        %dma_start3A_119 = arith.constant 0 : i32
        %dma_start3A_120 = tpu.memref_slice %arg2[%add3A, %dma_start3A_118, %dma_start3A_119] : memref<32x96x128xi32, #tpu.memory_space<hbm>> -> memref<1x96x128xi32, #tpu.memory_space<hbm>>
        %dma_start3A_121 = tpu.memref_squeeze %dma_start3A_120 : memref<1x96x128xi32, #tpu.memory_space<hbm>> -> memref<96x128xi32, #tpu.memory_space<hbm>>
        %dma_start3A_122 = arith.constant 0 : i32
        %dma_start3A_123 = tpu.memref_slice %dma_start3A_121[%mul3A_72, %dma_start3A_122] : memref<96x128xi32, #tpu.memory_space<hbm>> -> memref<32x128xi32, #tpu.memory_space<hbm>>
        tpu.enqueue_dma source(%dma_start3A_123 : memref<32x128xi32, #tpu.memory_space<hbm>>) target(%arg5 : memref<32x128xi32, #tpu.memory_space<vmem>>) target_semaphore(%run_scoped3A : memref<!tpu.dma_semaphore, #tpu.memory_space<semaphore_mem>>)
        %dma_wait3A = arith.constant 0 : i32
        %dma_wait3A_124 = arith.constant 0 : i32
        %dma_wait3A_125 = tpu.memref_slice %arg2[%add3A, %dma_wait3A, %dma_wait3A_124] : memref<32x96x128xi32, #tpu.memory_space<hbm>> -> memref<1x96x128xi32, #tpu.memory_space<hbm>>
        %dma_wait3A_126 = tpu.memref_squeeze %dma_wait3A_125 : memref<1x96x128xi32, #tpu.memory_space<hbm>> -> memref<96x128xi32, #tpu.memory_space<hbm>>
        %dma_wait3A_127 = arith.constant 0 : i32
        %dma_wait3A_128 = tpu.memref_slice %dma_wait3A_126[%mul3A_72, %dma_wait3A_127] : memref<96x128xi32, #tpu.memory_space<hbm>> -> memref<32x128xi32, #tpu.memory_space<hbm>>
        %dma_wait3A_129 = arith.constant 0 : i32
        %dma_wait3A_130 = arith.constant 0 : i32
        %dma_wait3A_131 = tpu.memref_slice %arg2[%add3A, %dma_wait3A_129, %dma_wait3A_130] : memref<32x96x128xi32, #tpu.memory_space<hbm>> -> memref<1x96x128xi32, #tpu.memory_space<hbm>>
        %dma_wait3A_132 = tpu.memref_squeeze %dma_wait3A_131 : memref<1x96x128xi32, #tpu.memory_space<hbm>> -> memref<96x128xi32, #tpu.memory_space<hbm>>
        %dma_wait3A_133 = arith.constant 0 : i32
        %dma_wait3A_134 = tpu.memref_slice %dma_wait3A_132[%mul3A_72, %dma_wait3A_133] : memref<96x128xi32, #tpu.memory_space<hbm>> -> memref<32x128xi32, #tpu.memory_space<hbm>>
        tpu.wait_dma2 semaphore(%run_scoped3A : memref<!tpu.dma_semaphore, #tpu.memory_space<semaphore_mem>>) src(%dma_wait3A_134 : memref<32x128xi32, #tpu.memory_space<hbm>>) dst(%arg5 : memref<32x128xi32, #tpu.memory_space<vmem>>)
        tpu.yield
      }) : () -> ()
      %min3A_73 = arith.constant 4 : i32
      %min3A_74 = arith.minsi %min3A_70, %min3A_73 : i32
      %while3A_75 = arith.constant 0 : i32
      %while3A_76 = arith.constant 0 : i32
      %while3A_77 = arith.subi %min3A_74, %while3A_75 : i32
      %while3A_78 = arith.addi %while3A_75, %while3A_77 : i32
      %while3A_79 = arith.constant 1 : i32
      %while3A_80 = arith.divsi %while3A_77, %while3A_79 : i32
      %while3A_81 = arith.muli %while3A_80, %while3A_79 : i32
      %while3A_82 = arith.addi %while3A_75, %while3A_81 : i32
      %while3A_83 = arith.constant 1 : i32
      %while3A_84 = scf.for %while3A_113 = %while3A_75 to %while3A_82 step %while3A_83 iter_args(%while3A_114 = %while3A_76) -> (i32)  : i32 {
        %dma_start3A = arith.constant 0 : i32
        %dma_start3A_115 = tpu.memref_slice %arg5[%while3A_113, %dma_start3A] : memref<32x128xi32, #tpu.memory_space<vmem>> -> memref<1x128xi32, #tpu.memory_space<vmem>>
        %dma_start3A_116 = tpu.memref_squeeze %dma_start3A_115 : memref<1x128xi32, #tpu.memory_space<vmem>> -> memref<128xi32, #tpu.memory_space<vmem>>
        %dma_start3A_117 = arith.constant 0 : i32
        %dma_start3A_118 = arith.constant 0 : i32
        %dma_start3A_119 = tpu.memref_slice %arg4[%dma_start3A_117, %dma_start3A_118] : memref<10112x128xf32, #tpu.memory_space<vmem_shared>> -> memref<10112x128xf32, #tpu.memory_space<vmem_shared>>
        tpu.enqueue_indirect_dma source(%arg6 : memref<128x128xf32, #tpu.memory_space<vmem>>) target(%dma_start3A_119 : memref<10112x128xf32, #tpu.memory_space<vmem_shared>>) offsets(%dma_start3A_116 : memref<128xi32, #tpu.memory_space<vmem>>) semaphore(%arg7 : memref<!tpu.dma_semaphore, #tpu.memory_space<semaphore_mem>>) {add = true}
        %while3A_120 = arith.constant 0 : i32
        scf.yield %while3A_120 : i32
      }
      %while3A_85 = arith.constant 1 : i32
      %while3A_86 = scf.for %while3A_113 = %while3A_82 to %while3A_78 step %while3A_85 iter_args(%while3A_114 = %while3A_84) -> (i32)  : i32 {
        %dma_start3A = arith.constant 0 : i32
        %dma_start3A_115 = tpu.memref_slice %arg5[%while3A_113, %dma_start3A] : memref<32x128xi32, #tpu.memory_space<vmem>> -> memref<1x128xi32, #tpu.memory_space<vmem>>
        %dma_start3A_116 = tpu.memref_squeeze %dma_start3A_115 : memref<1x128xi32, #tpu.memory_space<vmem>> -> memref<128xi32, #tpu.memory_space<vmem>>
        %dma_start3A_117 = arith.constant 0 : i32
        %dma_start3A_118 = arith.constant 0 : i32
        %dma_start3A_119 = tpu.memref_slice %arg4[%dma_start3A_117, %dma_start3A_118] : memref<10112x128xf32, #tpu.memory_space<vmem_shared>> -> memref<10112x128xf32, #tpu.memory_space<vmem_shared>>
        tpu.enqueue_indirect_dma source(%arg6 : memref<128x128xf32, #tpu.memory_space<vmem>>) target(%dma_start3A_119 : memref<10112x128xf32, #tpu.memory_space<vmem_shared>>) offsets(%dma_start3A_116 : memref<128xi32, #tpu.memory_space<vmem>>) semaphore(%arg7 : memref<!tpu.dma_semaphore, #tpu.memory_space<semaphore_mem>>) {add = true}
        %while3A_120 = arith.constant 0 : i32
        scf.yield %while3A_120 : i32
      }
      %while3A_87 = arith.constant 0 : i32
      %while3A_88 = arith.subi %min3A_70, %min3A_74 : i32
      %while3A_89 = arith.addi %min3A_74, %while3A_88 : i32
      %while3A_90 = arith.constant 1 : i32
      %while3A_91 = arith.divsi %while3A_88, %while3A_90 : i32
      %while3A_92 = arith.muli %while3A_91, %while3A_90 : i32
      %while3A_93 = arith.addi %min3A_74, %while3A_92 : i32
      %while3A_94 = arith.constant 1 : i32
      %while3A_95 = scf.for %while3A_113 = %min3A_74 to %while3A_93 step %while3A_94 iter_args(%while3A_114 = %while3A_87) -> (i32)  : i32 {
        %dma_start3A = arith.constant 0 : i32
        %dma_start3A_115 = tpu.memref_slice %arg5[%while3A_113, %dma_start3A] : memref<32x128xi32, #tpu.memory_space<vmem>> -> memref<1x128xi32, #tpu.memory_space<vmem>>
        %dma_start3A_116 = tpu.memref_squeeze %dma_start3A_115 : memref<1x128xi32, #tpu.memory_space<vmem>> -> memref<128xi32, #tpu.memory_space<vmem>>
        %dma_start3A_117 = arith.constant 0 : i32
        %dma_start3A_118 = arith.constant 0 : i32
        %dma_start3A_119 = tpu.memref_slice %arg4[%dma_start3A_117, %dma_start3A_118] : memref<10112x128xf32, #tpu.memory_space<vmem_shared>> -> memref<10112x128xf32, #tpu.memory_space<vmem_shared>>
        tpu.enqueue_indirect_dma source(%arg6 : memref<128x128xf32, #tpu.memory_space<vmem>>) target(%dma_start3A_119 : memref<10112x128xf32, #tpu.memory_space<vmem_shared>>) offsets(%dma_start3A_116 : memref<128xi32, #tpu.memory_space<vmem>>) semaphore(%arg7 : memref<!tpu.dma_semaphore, #tpu.memory_space<semaphore_mem>>) {add = true}
        %sub3A_120 = arith.constant 4 : i32
        %sub3A_121 = arith.subi %while3A_113, %sub3A_120 : i32
        %dma_wait3A = arith.constant 0 : i32
        %dma_wait3A_122 = tpu.memref_slice %arg5[%sub3A_121, %dma_wait3A] : memref<32x128xi32, #tpu.memory_space<vmem>> -> memref<1x128xi32, #tpu.memory_space<vmem>>
        %dma_wait3A_123 = tpu.memref_squeeze %dma_wait3A_122 : memref<1x128xi32, #tpu.memory_space<vmem>> -> memref<128xi32, #tpu.memory_space<vmem>>
        %dma_wait3A_124 = arith.constant 0 : i32
        %dma_wait3A_125 = arith.constant 0 : i32
        %dma_wait3A_126 = tpu.memref_slice %arg4[%dma_wait3A_124, %dma_wait3A_125] : memref<10112x128xf32, #tpu.memory_space<vmem_shared>> -> memref<10112x128xf32, #tpu.memory_space<vmem_shared>>
        tpu.wait_indirect_dma semaphore(%arg7 : memref<!tpu.dma_semaphore, #tpu.memory_space<semaphore_mem>>) src(%arg6 : memref<128x128xf32, #tpu.memory_space<vmem>>) dst(%dma_wait3A_126 : memref<10112x128xf32, #tpu.memory_space<vmem_shared>>)
        %while3A_127 = arith.constant 0 : i32
        scf.yield %while3A_127 : i32
      }
      %while3A_96 = arith.constant 1 : i32
      %while3A_97 = scf.for %while3A_113 = %while3A_93 to %while3A_89 step %while3A_96 iter_args(%while3A_114 = %while3A_95) -> (i32)  : i32 {
        %dma_start3A = arith.constant 0 : i32
        %dma_start3A_115 = tpu.memref_slice %arg5[%while3A_113, %dma_start3A] : memref<32x128xi32, #tpu.memory_space<vmem>> -> memref<1x128xi32, #tpu.memory_space<vmem>>
        %dma_start3A_116 = tpu.memref_squeeze %dma_start3A_115 : memref<1x128xi32, #tpu.memory_space<vmem>> -> memref<128xi32, #tpu.memory_space<vmem>>
        %dma_start3A_117 = arith.constant 0 : i32
        %dma_start3A_118 = arith.constant 0 : i32
        %dma_start3A_119 = tpu.memref_slice %arg4[%dma_start3A_117, %dma_start3A_118] : memref<10112x128xf32, #tpu.memory_space<vmem_shared>> -> memref<10112x128xf32, #tpu.memory_space<vmem_shared>>
        tpu.enqueue_indirect_dma source(%arg6 : memref<128x128xf32, #tpu.memory_space<vmem>>) target(%dma_start3A_119 : memref<10112x128xf32, #tpu.memory_space<vmem_shared>>) offsets(%dma_start3A_116 : memref<128xi32, #tpu.memory_space<vmem>>) semaphore(%arg7 : memref<!tpu.dma_semaphore, #tpu.memory_space<semaphore_mem>>) {add = true}
        %sub3A_120 = arith.constant 4 : i32
        %sub3A_121 = arith.subi %while3A_113, %sub3A_120 : i32
        %dma_wait3A = arith.constant 0 : i32
        %dma_wait3A_122 = tpu.memref_slice %arg5[%sub3A_121, %dma_wait3A] : memref<32x128xi32, #tpu.memory_space<vmem>> -> memref<1x128xi32, #tpu.memory_space<vmem>>
        %dma_wait3A_123 = tpu.memref_squeeze %dma_wait3A_122 : memref<1x128xi32, #tpu.memory_space<vmem>> -> memref<128xi32, #tpu.memory_space<vmem>>
        %dma_wait3A_124 = arith.constant 0 : i32
        %dma_wait3A_125 = arith.constant 0 : i32
        %dma_wait3A_126 = tpu.memref_slice %arg4[%dma_wait3A_124, %dma_wait3A_125] : memref<10112x128xf32, #tpu.memory_space<vmem_shared>> -> memref<10112x128xf32, #tpu.memory_space<vmem_shared>>
        tpu.wait_indirect_dma semaphore(%arg7 : memref<!tpu.dma_semaphore, #tpu.memory_space<semaphore_mem>>) src(%arg6 : memref<128x128xf32, #tpu.memory_space<vmem>>) dst(%dma_wait3A_126 : memref<10112x128xf32, #tpu.memory_space<vmem_shared>>)
        %while3A_127 = arith.constant 0 : i32
        scf.yield %while3A_127 : i32
      }
      %sub3A_98 = arith.constant 4 : i32
      %sub3A_99 = arith.subi %min3A_70, %sub3A_98 : i32
      %max3A = arith.constant 0 : i32
      %max3A_100 = arith.maxsi %sub3A_99, %max3A : i32
      %while3A_101 = arith.constant 0 : i32
      %while3A_102 = arith.subi %min3A_70, %max3A_100 : i32
      %while3A_103 = arith.addi %max3A_100, %while3A_102 : i32
      %while3A_104 = arith.constant 1 : i32
      %while3A_105 = arith.divsi %while3A_102, %while3A_104 : i32
      %while3A_106 = arith.muli %while3A_105, %while3A_104 : i32
      %while3A_107 = arith.addi %max3A_100, %while3A_106 : i32
      %while3A_108 = arith.constant 1 : i32
      %while3A_109 = scf.for %while3A_113 = %max3A_100 to %while3A_107 step %while3A_108 iter_args(%while3A_114 = %while3A_101) -> (i32)  : i32 {
        %dma_wait3A = arith.constant 0 : i32
        %dma_wait3A_115 = tpu.memref_slice %arg5[%while3A_113, %dma_wait3A] : memref<32x128xi32, #tpu.memory_space<vmem>> -> memref<1x128xi32, #tpu.memory_space<vmem>>
        %dma_wait3A_116 = tpu.memref_squeeze %dma_wait3A_115 : memref<1x128xi32, #tpu.memory_space<vmem>> -> memref<128xi32, #tpu.memory_space<vmem>>
        %dma_wait3A_117 = arith.constant 0 : i32
        %dma_wait3A_118 = arith.constant 0 : i32
        %dma_wait3A_119 = tpu.memref_slice %arg4[%dma_wait3A_117, %dma_wait3A_118] : memref<10112x128xf32, #tpu.memory_space<vmem_shared>> -> memref<10112x128xf32, #tpu.memory_space<vmem_shared>>
        tpu.wait_indirect_dma semaphore(%arg7 : memref<!tpu.dma_semaphore, #tpu.memory_space<semaphore_mem>>) src(%arg6 : memref<128x128xf32, #tpu.memory_space<vmem>>) dst(%dma_wait3A_119 : memref<10112x128xf32, #tpu.memory_space<vmem_shared>>)
        %while3A_120 = arith.constant 0 : i32
        scf.yield %while3A_120 : i32
      }
      %while3A_110 = arith.constant 1 : i32
      %while3A_111 = scf.for %while3A_113 = %while3A_107 to %while3A_103 step %while3A_110 iter_args(%while3A_114 = %while3A_109) -> (i32)  : i32 {
        %dma_wait3A = arith.constant 0 : i32
        %dma_wait3A_115 = tpu.memref_slice %arg5[%while3A_113, %dma_wait3A] : memref<32x128xi32, #tpu.memory_space<vmem>> -> memref<1x128xi32, #tpu.memory_space<vmem>>
        %dma_wait3A_116 = tpu.memref_squeeze %dma_wait3A_115 : memref<1x128xi32, #tpu.memory_space<vmem>> -> memref<128xi32, #tpu.memory_space<vmem>>
        %dma_wait3A_117 = arith.constant 0 : i32
        %dma_wait3A_118 = arith.constant 0 : i32
        %dma_wait3A_119 = tpu.memref_slice %arg4[%dma_wait3A_117, %dma_wait3A_118] : memref<10112x128xf32, #tpu.memory_space<vmem_shared>> -> memref<10112x128xf32, #tpu.memory_space<vmem_shared>>
        tpu.wait_indirect_dma semaphore(%arg7 : memref<!tpu.dma_semaphore, #tpu.memory_space<semaphore_mem>>) src(%arg6 : memref<128x128xf32, #tpu.memory_space<vmem>>) dst(%dma_wait3A_119 : memref<10112x128xf32, #tpu.memory_space<vmem_shared>>)
        %while3A_120 = arith.constant 0 : i32
        scf.yield %while3A_120 : i32
      }
      %while3A_112 = arith.constant 0 : i32
      scf.yield %while3A_112 : i32
    }
    %while3A_62 = arith.constant 1 : i32
    %while3A_63 = scf.for %while3A_65 = %while3A_59 to %while3A_55 step %while3A_62 iter_args(%while3A_66 = %while3A_61) -> (i32)  : i32 {
      %mul3A_67 = arith.constant 32 : i32
      %mul3A_68 = arith.muli %while3A_65, %mul3A_67 : i32
      %sub3A_69 = arith.subi %select_n3A, %mul3A_68 : i32
      %min3A = arith.constant 32 : i32
      %min3A_70 = arith.minsi %min3A, %sub3A_69 : i32
      %mul3A_71 = arith.constant 32 : i32
      %mul3A_72 = arith.muli %while3A_65, %mul3A_71 : i32
      "tpu.region"() ({
        %run_scoped3A = tpu.sem_alloc : memref<!tpu.dma_semaphore, #tpu.memory_space<semaphore_mem>>
        %dma_start3A = arith.constant 0 : i32
        %dma_start3A_113 = arith.constant 0 : i32
        %dma_start3A_114 = tpu.memref_slice %arg2[%add3A, %dma_start3A, %dma_start3A_113] : memref<32x96x128xi32, #tpu.memory_space<hbm>> -> memref<1x96x128xi32, #tpu.memory_space<hbm>>
        %dma_start3A_115 = tpu.memref_squeeze %dma_start3A_114 : memref<1x96x128xi32, #tpu.memory_space<hbm>> -> memref<96x128xi32, #tpu.memory_space<hbm>>
        %dma_start3A_116 = arith.constant 0 : i32
        %dma_start3A_117 = tpu.memref_slice %dma_start3A_115[%mul3A_72, %dma_start3A_116] : memref<96x128xi32, #tpu.memory_space<hbm>> -> memref<32x128xi32, #tpu.memory_space<hbm>>
        %dma_start3A_118 = arith.constant 0 : i32
        %dma_start3A_119 = arith.constant 0 : i32
        %dma_start3A_120 = tpu.memref_slice %arg2[%add3A, %dma_start3A_118, %dma_start3A_119] : memref<32x96x128xi32, #tpu.memory_space<hbm>> -> memref<1x96x128xi32, #tpu.memory_space<hbm>>
        %dma_start3A_121 = tpu.memref_squeeze %dma_start3A_120 : memref<1x96x128xi32, #tpu.memory_space<hbm>> -> memref<96x128xi32, #tpu.memory_space<hbm>>
        %dma_start3A_122 = arith.constant 0 : i32
        %dma_start3A_123 = tpu.memref_slice %dma_start3A_121[%mul3A_72, %dma_start3A_122] : memref<96x128xi32, #tpu.memory_space<hbm>> -> memref<32x128xi32, #tpu.memory_space<hbm>>
        tpu.enqueue_dma source(%dma_start3A_123 : memref<32x128xi32, #tpu.memory_space<hbm>>) target(%arg5 : memref<32x128xi32, #tpu.memory_space<vmem>>) target_semaphore(%run_scoped3A : memref<!tpu.dma_semaphore, #tpu.memory_space<semaphore_mem>>)
        %dma_wait3A = arith.constant 0 : i32
        %dma_wait3A_124 = arith.constant 0 : i32
        %dma_wait3A_125 = tpu.memref_slice %arg2[%add3A, %dma_wait3A, %dma_wait3A_124] : memref<32x96x128xi32, #tpu.memory_space<hbm>> -> memref<1x96x128xi32, #tpu.memory_space<hbm>>
        %dma_wait3A_126 = tpu.memref_squeeze %dma_wait3A_125 : memref<1x96x128xi32, #tpu.memory_space<hbm>> -> memref<96x128xi32, #tpu.memory_space<hbm>>
        %dma_wait3A_127 = arith.constant 0 : i32
        %dma_wait3A_128 = tpu.memref_slice %dma_wait3A_126[%mul3A_72, %dma_wait3A_127] : memref<96x128xi32, #tpu.memory_space<hbm>> -> memref<32x128xi32, #tpu.memory_space<hbm>>
        %dma_wait3A_129 = arith.constant 0 : i32
        %dma_wait3A_130 = arith.constant 0 : i32
        %dma_wait3A_131 = tpu.memref_slice %arg2[%add3A, %dma_wait3A_129, %dma_wait3A_130] : memref<32x96x128xi32, #tpu.memory_space<hbm>> -> memref<1x96x128xi32, #tpu.memory_space<hbm>>
        %dma_wait3A_132 = tpu.memref_squeeze %dma_wait3A_131 : memref<1x96x128xi32, #tpu.memory_space<hbm>> -> memref<96x128xi32, #tpu.memory_space<hbm>>
        %dma_wait3A_133 = arith.constant 0 : i32
        %dma_wait3A_134 = tpu.memref_slice %dma_wait3A_132[%mul3A_72, %dma_wait3A_133] : memref<96x128xi32, #tpu.memory_space<hbm>> -> memref<32x128xi32, #tpu.memory_space<hbm>>
        tpu.wait_dma2 semaphore(%run_scoped3A : memref<!tpu.dma_semaphore, #tpu.memory_space<semaphore_mem>>) src(%dma_wait3A_134 : memref<32x128xi32, #tpu.memory_space<hbm>>) dst(%arg5 : memref<32x128xi32, #tpu.memory_space<vmem>>)
        tpu.yield
      }) : () -> ()
      %min3A_73 = arith.constant 4 : i32
      %min3A_74 = arith.minsi %min3A_70, %min3A_73 : i32
      %while3A_75 = arith.constant 0 : i32
      %while3A_76 = arith.constant 0 : i32
      %while3A_77 = arith.subi %min3A_74, %while3A_75 : i32
      %while3A_78 = arith.addi %while3A_75, %while3A_77 : i32
      %while3A_79 = arith.constant 1 : i32
      %while3A_80 = arith.divsi %while3A_77, %while3A_79 : i32
      %while3A_81 = arith.muli %while3A_80, %while3A_79 : i32
      %while3A_82 = arith.addi %while3A_75, %while3A_81 : i32
      %while3A_83 = arith.constant 1 : i32
      %while3A_84 = scf.for %while3A_113 = %while3A_75 to %while3A_82 step %while3A_83 iter_args(%while3A_114 = %while3A_76) -> (i32)  : i32 {
        %dma_start3A = arith.constant 0 : i32
        %dma_start3A_115 = tpu.memref_slice %arg5[%while3A_113, %dma_start3A] : memref<32x128xi32, #tpu.memory_space<vmem>> -> memref<1x128xi32, #tpu.memory_space<vmem>>
        %dma_start3A_116 = tpu.memref_squeeze %dma_start3A_115 : memref<1x128xi32, #tpu.memory_space<vmem>> -> memref<128xi32, #tpu.memory_space<vmem>>
        %dma_start3A_117 = arith.constant 0 : i32
        %dma_start3A_118 = arith.constant 0 : i32
        %dma_start3A_119 = tpu.memref_slice %arg4[%dma_start3A_117, %dma_start3A_118] : memref<10112x128xf32, #tpu.memory_space<vmem_shared>> -> memref<10112x128xf32, #tpu.memory_space<vmem_shared>>
        tpu.enqueue_indirect_dma source(%arg6 : memref<128x128xf32, #tpu.memory_space<vmem>>) target(%dma_start3A_119 : memref<10112x128xf32, #tpu.memory_space<vmem_shared>>) offsets(%dma_start3A_116 : memref<128xi32, #tpu.memory_space<vmem>>) semaphore(%arg7 : memref<!tpu.dma_semaphore, #tpu.memory_space<semaphore_mem>>) {add = true}
        %while3A_120 = arith.constant 0 : i32
        scf.yield %while3A_120 : i32
      }
      %while3A_85 = arith.constant 1 : i32
      %while3A_86 = scf.for %while3A_113 = %while3A_82 to %while3A_78 step %while3A_85 iter_args(%while3A_114 = %while3A_84) -> (i32)  : i32 {
        %dma_start3A = arith.constant 0 : i32
        %dma_start3A_115 = tpu.memref_slice %arg5[%while3A_113, %dma_start3A] : memref<32x128xi32, #tpu.memory_space<vmem>> -> memref<1x128xi32, #tpu.memory_space<vmem>>
        %dma_start3A_116 = tpu.memref_squeeze %dma_start3A_115 : memref<1x128xi32, #tpu.memory_space<vmem>> -> memref<128xi32, #tpu.memory_space<vmem>>
        %dma_start3A_117 = arith.constant 0 : i32
        %dma_start3A_118 = arith.constant 0 : i32
        %dma_start3A_119 = tpu.memref_slice %arg4[%dma_start3A_117, %dma_start3A_118] : memref<10112x128xf32, #tpu.memory_space<vmem_shared>> -> memref<10112x128xf32, #tpu.memory_space<vmem_shared>>
        tpu.enqueue_indirect_dma source(%arg6 : memref<128x128xf32, #tpu.memory_space<vmem>>) target(%dma_start3A_119 : memref<10112x128xf32, #tpu.memory_space<vmem_shared>>) offsets(%dma_start3A_116 : memref<128xi32, #tpu.memory_space<vmem>>) semaphore(%arg7 : memref<!tpu.dma_semaphore, #tpu.memory_space<semaphore_mem>>) {add = true}
        %while3A_120 = arith.constant 0 : i32
        scf.yield %while3A_120 : i32
      }
      %while3A_87 = arith.constant 0 : i32
      %while3A_88 = arith.subi %min3A_70, %min3A_74 : i32
      %while3A_89 = arith.addi %min3A_74, %while3A_88 : i32
      %while3A_90 = arith.constant 1 : i32
      %while3A_91 = arith.divsi %while3A_88, %while3A_90 : i32
      %while3A_92 = arith.muli %while3A_91, %while3A_90 : i32
      %while3A_93 = arith.addi %min3A_74, %while3A_92 : i32
      %while3A_94 = arith.constant 1 : i32
      %while3A_95 = scf.for %while3A_113 = %min3A_74 to %while3A_93 step %while3A_94 iter_args(%while3A_114 = %while3A_87) -> (i32)  : i32 {
        %dma_start3A = arith.constant 0 : i32
        %dma_start3A_115 = tpu.memref_slice %arg5[%while3A_113, %dma_start3A] : memref<32x128xi32, #tpu.memory_space<vmem>> -> memref<1x128xi32, #tpu.memory_space<vmem>>
        %dma_start3A_116 = tpu.memref_squeeze %dma_start3A_115 : memref<1x128xi32, #tpu.memory_space<vmem>> -> memref<128xi32, #tpu.memory_space<vmem>>
        %dma_start3A_117 = arith.constant 0 : i32
        %dma_start3A_118 = arith.constant 0 : i32
        %dma_start3A_119 = tpu.memref_slice %arg4[%dma_start3A_117, %dma_start3A_118] : memref<10112x128xf32, #tpu.memory_space<vmem_shared>> -> memref<10112x128xf32, #tpu.memory_space<vmem_shared>>
        tpu.enqueue_indirect_dma source(%arg6 : memref<128x128xf32, #tpu.memory_space<vmem>>) target(%dma_start3A_119 : memref<10112x128xf32, #tpu.memory_space<vmem_shared>>) offsets(%dma_start3A_116 : memref<128xi32, #tpu.memory_space<vmem>>) semaphore(%arg7 : memref<!tpu.dma_semaphore, #tpu.memory_space<semaphore_mem>>) {add = true}
        %sub3A_120 = arith.constant 4 : i32
        %sub3A_121 = arith.subi %while3A_113, %sub3A_120 : i32
        %dma_wait3A = arith.constant 0 : i32
        %dma_wait3A_122 = tpu.memref_slice %arg5[%sub3A_121, %dma_wait3A] : memref<32x128xi32, #tpu.memory_space<vmem>> -> memref<1x128xi32, #tpu.memory_space<vmem>>
        %dma_wait3A_123 = tpu.memref_squeeze %dma_wait3A_122 : memref<1x128xi32, #tpu.memory_space<vmem>> -> memref<128xi32, #tpu.memory_space<vmem>>
        %dma_wait3A_124 = arith.constant 0 : i32
        %dma_wait3A_125 = arith.constant 0 : i32
        %dma_wait3A_126 = tpu.memref_slice %arg4[%dma_wait3A_124, %dma_wait3A_125] : memref<10112x128xf32, #tpu.memory_space<vmem_shared>> -> memref<10112x128xf32, #tpu.memory_space<vmem_shared>>
        tpu.wait_indirect_dma semaphore(%arg7 : memref<!tpu.dma_semaphore, #tpu.memory_space<semaphore_mem>>) src(%arg6 : memref<128x128xf32, #tpu.memory_space<vmem>>) dst(%dma_wait3A_126 : memref<10112x128xf32, #tpu.memory_space<vmem_shared>>)
        %while3A_127 = arith.constant 0 : i32
        scf.yield %while3A_127 : i32
      }
      %while3A_96 = arith.constant 1 : i32
      %while3A_97 = scf.for %while3A_113 = %while3A_93 to %while3A_89 step %while3A_96 iter_args(%while3A_114 = %while3A_95) -> (i32)  : i32 {
        %dma_start3A = arith.constant 0 : i32
        %dma_start3A_115 = tpu.memref_slice %arg5[%while3A_113, %dma_start3A] : memref<32x128xi32, #tpu.memory_space<vmem>> -> memref<1x128xi32, #tpu.memory_space<vmem>>
        %dma_start3A_116 = tpu.memref_squeeze %dma_start3A_115 : memref<1x128xi32, #tpu.memory_space<vmem>> -> memref<128xi32, #tpu.memory_space<vmem>>
        %dma_start3A_117 = arith.constant 0 : i32
        %dma_start3A_118 = arith.constant 0 : i32
        %dma_start3A_119 = tpu.memref_slice %arg4[%dma_start3A_117, %dma_start3A_118] : memref<10112x128xf32, #tpu.memory_space<vmem_shared>> -> memref<10112x128xf32, #tpu.memory_space<vmem_shared>>
        tpu.enqueue_indirect_dma source(%arg6 : memref<128x128xf32, #tpu.memory_space<vmem>>) target(%dma_start3A_119 : memref<10112x128xf32, #tpu.memory_space<vmem_shared>>) offsets(%dma_start3A_116 : memref<128xi32, #tpu.memory_space<vmem>>) semaphore(%arg7 : memref<!tpu.dma_semaphore, #tpu.memory_space<semaphore_mem>>) {add = true}
        %sub3A_120 = arith.constant 4 : i32
        %sub3A_121 = arith.subi %while3A_113, %sub3A_120 : i32
        %dma_wait3A = arith.constant 0 : i32
        %dma_wait3A_122 = tpu.memref_slice %arg5[%sub3A_121, %dma_wait3A] : memref<32x128xi32, #tpu.memory_space<vmem>> -> memref<1x128xi32, #tpu.memory_space<vmem>>
        %dma_wait3A_123 = tpu.memref_squeeze %dma_wait3A_122 : memref<1x128xi32, #tpu.memory_space<vmem>> -> memref<128xi32, #tpu.memory_space<vmem>>
        %dma_wait3A_124 = arith.constant 0 : i32
        %dma_wait3A_125 = arith.constant 0 : i32
        %dma_wait3A_126 = tpu.memref_slice %arg4[%dma_wait3A_124, %dma_wait3A_125] : memref<10112x128xf32, #tpu.memory_space<vmem_shared>> -> memref<10112x128xf32, #tpu.memory_space<vmem_shared>>
        tpu.wait_indirect_dma semaphore(%arg7 : memref<!tpu.dma_semaphore, #tpu.memory_space<semaphore_mem>>) src(%arg6 : memref<128x128xf32, #tpu.memory_space<vmem>>) dst(%dma_wait3A_126 : memref<10112x128xf32, #tpu.memory_space<vmem_shared>>)
        %while3A_127 = arith.constant 0 : i32
        scf.yield %while3A_127 : i32
      }
      %sub3A_98 = arith.constant 4 : i32
      %sub3A_99 = arith.subi %min3A_70, %sub3A_98 : i32
      %max3A = arith.constant 0 : i32
      %max3A_100 = arith.maxsi %sub3A_99, %max3A : i32
      %while3A_101 = arith.constant 0 : i32
      %while3A_102 = arith.subi %min3A_70, %max3A_100 : i32
      %while3A_103 = arith.addi %max3A_100, %while3A_102 : i32
      %while3A_104 = arith.constant 1 : i32
      %while3A_105 = arith.divsi %while3A_102, %while3A_104 : i32
      %while3A_106 = arith.muli %while3A_105, %while3A_104 : i32
      %while3A_107 = arith.addi %max3A_100, %while3A_106 : i32
      %while3A_108 = arith.constant 1 : i32
      %while3A_109 = scf.for %while3A_113 = %max3A_100 to %while3A_107 step %while3A_108 iter_args(%while3A_114 = %while3A_101) -> (i32)  : i32 {
        %dma_wait3A = arith.constant 0 : i32
        %dma_wait3A_115 = tpu.memref_slice %arg5[%while3A_113, %dma_wait3A] : memref<32x128xi32, #tpu.memory_space<vmem>> -> memref<1x128xi32, #tpu.memory_space<vmem>>
        %dma_wait3A_116 = tpu.memref_squeeze %dma_wait3A_115 : memref<1x128xi32, #tpu.memory_space<vmem>> -> memref<128xi32, #tpu.memory_space<vmem>>
        %dma_wait3A_117 = arith.constant 0 : i32
        %dma_wait3A_118 = arith.constant 0 : i32
        %dma_wait3A_119 = tpu.memref_slice %arg4[%dma_wait3A_117, %dma_wait3A_118] : memref<10112x128xf32, #tpu.memory_space<vmem_shared>> -> memref<10112x128xf32, #tpu.memory_space<vmem_shared>>
        tpu.wait_indirect_dma semaphore(%arg7 : memref<!tpu.dma_semaphore, #tpu.memory_space<semaphore_mem>>) src(%arg6 : memref<128x128xf32, #tpu.memory_space<vmem>>) dst(%dma_wait3A_119 : memref<10112x128xf32, #tpu.memory_space<vmem_shared>>)
        %while3A_120 = arith.constant 0 : i32
        scf.yield %while3A_120 : i32
      }
      %while3A_110 = arith.constant 1 : i32
      %while3A_111 = scf.for %while3A_113 = %while3A_107 to %while3A_103 step %while3A_110 iter_args(%while3A_114 = %while3A_109) -> (i32)  : i32 {
        %dma_wait3A = arith.constant 0 : i32
        %dma_wait3A_115 = tpu.memref_slice %arg5[%while3A_113, %dma_wait3A] : memref<32x128xi32, #tpu.memory_space<vmem>> -> memref<1x128xi32, #tpu.memory_space<vmem>>
        %dma_wait3A_116 = tpu.memref_squeeze %dma_wait3A_115 : memref<1x128xi32, #tpu.memory_space<vmem>> -> memref<128xi32, #tpu.memory_space<vmem>>
        %dma_wait3A_117 = arith.constant 0 : i32
        %dma_wait3A_118 = arith.constant 0 : i32
        %dma_wait3A_119 = tpu.memref_slice %arg4[%dma_wait3A_117, %dma_wait3A_118] : memref<10112x128xf32, #tpu.memory_space<vmem_shared>> -> memref<10112x128xf32, #tpu.memory_space<vmem_shared>>
        tpu.wait_indirect_dma semaphore(%arg7 : memref<!tpu.dma_semaphore, #tpu.memory_space<semaphore_mem>>) src(%arg6 : memref<128x128xf32, #tpu.memory_space<vmem>>) dst(%dma_wait3A_119 : memref<10112x128xf32, #tpu.memory_space<vmem_shared>>)
        %while3A_120 = arith.constant 0 : i32
        scf.yield %while3A_120 : i32
      }
      %while3A_112 = arith.constant 0 : i32
      scf.yield %while3A_112 : i32
    }
    %barrier3A_64 = arith.constant 0 : index
    tpu.barrier barrier_id(%barrier3A_64)
    "tpu.region"() ({
      %run_scoped3A = tpu.sem_alloc : memref<!tpu.dma_semaphore, #tpu.memory_space<semaphore_mem>>
      %dma_start3A = arith.constant 0 : i32
      %dma_start3A_65 = arith.constant 0 : i32
      %dma_start3A_66 = tpu.memref_slice %arg3[%arg0, %dma_start3A, %dma_start3A_65] : memref<2x10112x128xf32, #tpu.memory_space<hbm>> -> memref<1x10112x128xf32, #tpu.memory_space<hbm>>
      %dma_start3A_67 = tpu.memref_squeeze %dma_start3A_66 : memref<1x10112x128xf32, #tpu.memory_space<hbm>> -> memref<10112x128xf32, #tpu.memory_space<hbm>>
      %dma_start3A_68 = arith.constant 0 : i32
      %dma_start3A_69 = tpu.memref_slice %dma_start3A_67[%mul3A_11, %dma_start3A_68] : memref<10112x128xf32, #tpu.memory_space<hbm>> -> memref<632x128xf32, #tpu.memory_space<hbm>>
      %dma_start3A_70 = arith.constant 0 : i32
      %dma_start3A_71 = tpu.memref_slice %arg4[%mul3A_11, %dma_start3A_70] : memref<10112x128xf32, #tpu.memory_space<vmem_shared>> -> memref<632x128xf32, #tpu.memory_space<vmem_shared>>
      tpu.enqueue_dma source(%dma_start3A_71 : memref<632x128xf32, #tpu.memory_space<vmem_shared>>) target(%dma_start3A_69 : memref<632x128xf32, #tpu.memory_space<hbm>>) target_semaphore(%run_scoped3A : memref<!tpu.dma_semaphore, #tpu.memory_space<semaphore_mem>>)
      %dma_wait3A = arith.constant 0 : i32
      %dma_wait3A_72 = arith.constant 0 : i32
      %dma_wait3A_73 = tpu.memref_slice %arg3[%arg0, %dma_wait3A, %dma_wait3A_72] : memref<2x10112x128xf32, #tpu.memory_space<hbm>> -> memref<1x10112x128xf32, #tpu.memory_space<hbm>>
      %dma_wait3A_74 = tpu.memref_squeeze %dma_wait3A_73 : memref<1x10112x128xf32, #tpu.memory_space<hbm>> -> memref<10112x128xf32, #tpu.memory_space<hbm>>
      %dma_wait3A_75 = arith.constant 0 : i32
      %dma_wait3A_76 = tpu.memref_slice %dma_wait3A_74[%mul3A_11, %dma_wait3A_75] : memref<10112x128xf32, #tpu.memory_space<hbm>> -> memref<632x128xf32, #tpu.memory_space<hbm>>
      %dma_wait3A_77 = arith.constant 0 : i32
      %dma_wait3A_78 = tpu.memref_slice %arg4[%mul3A_11, %dma_wait3A_77] : memref<10112x128xf32, #tpu.memory_space<vmem_shared>> -> memref<632x128xf32, #tpu.memory_space<vmem_shared>>
      tpu.wait_dma2 semaphore(%run_scoped3A : memref<!tpu.dma_semaphore, #tpu.memory_space<semaphore_mem>>) src(%dma_wait3A_78 : memref<632x128xf32, #tpu.memory_space<vmem_shared>>) dst(%dma_wait3A_76 : memref<632x128xf32, #tpu.memory_space<hbm>>)
      tpu.yield
    }) : () -> ()
    return
  }
}

module attributes {stable_mosaic.version = 14 : i64} {
  func.func @_tc_pre_body(%arg0: memref<2x10112x128xf32, #tpu.memory_space<vmem>>, %arg1: memref<10112x128xf32, #tpu.memory_space<vmem>>, %arg2: memref<128x128xf32, #tpu.memory_space<vmem>>, %arg3: memref<10112x128xf32, #tpu.memory_space<vmem>>, %arg4: memref<10112x128xf32, #tpu.memory_space<vmem>>) attributes {dimension_semantics = [], scalar_prefetch = 0 : i64, scratch_operands = 0 : i64, tpu.core_type = #tpu.core_type<tc>} {
    %get3A = arith.constant 0 : index
    %get3A_0 = arith.constant 0 : index
    %get3A_1 = arith.constant 0 : index
    %get3A_2 = vector.load %arg0[%get3A, %get3A_0, %get3A_1] : memref<2x10112x128xf32, #tpu.memory_space<vmem>>, vector<1x10112x128xf32>
    %get3A_3 = vector.shape_cast %get3A_2 : vector<1x10112x128xf32> to vector<10112x128xf32>
    %get3A_4 = arith.constant 1 : index
    %get3A_5 = arith.constant 0 : index
    %get3A_6 = arith.constant 0 : index
    %get3A_7 = vector.load %arg0[%get3A_4, %get3A_5, %get3A_6] : memref<2x10112x128xf32, #tpu.memory_space<vmem>>, vector<1x10112x128xf32>
    %get3A_8 = vector.shape_cast %get3A_7 : vector<1x10112x128xf32> to vector<10112x128xf32>
    %add3A = arith.addf %get3A_3, %get3A_8 : vector<10112x128xf32>
    %add3A_9 = arith.constant 1.000000e+00 : f32
    %add3A_10 = vector.broadcast %add3A_9 : f32 to vector<10112x128xf32>
    %add3A_11 = arith.addf %add3A, %add3A_10 : vector<10112x128xf32>
    %rsqrt3A = math.rsqrt %add3A_11 : vector<10112x128xf32>
    %swap3A = arith.constant 0 : index
    %swap3A_12 = arith.constant 0 : index
    %swap3A_13 = vector.load %arg3[%swap3A, %swap3A_12] : memref<10112x128xf32, #tpu.memory_space<vmem>>, vector<10112x128xf32>
    tpu.vector_store %arg3[%swap3A, %swap3A_12], %rsqrt3A {strides = array<i32>} : memref<10112x128xf32, #tpu.memory_space<vmem>>, vector<10112x128xf32>,
    %get3A_14 = arith.constant 0 : index
    %get3A_15 = arith.constant 0 : index
    %get3A_16 = vector.load %arg1[%get3A_14, %get3A_15] : memref<10112x128xf32, #tpu.memory_space<vmem>>, vector<10112x128xf32>
    %get3A_17 = arith.constant 0 : index
    %get3A_18 = arith.constant 0 : index
    %get3A_19 = vector.load %arg2[%get3A_17, %get3A_18] : memref<128x128xf32, #tpu.memory_space<vmem>>, vector<128x128xf32>
    %transpose3A = tpu.transpose %get3A_19, [1, 0] : vector<128x128xf32> -> vector<128x128xf32>
    %dot_general3A = arith.constant dense<0.000000e+00> : vector<10112x128xf32>
    %dot_general3A_20 = tpu.matmul %get3A_16, %transpose3A, %dot_general3A {dimension_numbers = #tpu.dot_dimension_numbers<[1], [0], [0], [1], [0, 0, 1, 1], [], []>, transpose_lhs_hint = false} : vector<10112x128xf32>, vector<128x128xf32>, vector<10112x128xf32> -> vector<10112x128xf32>
    %mul3A = arith.mulf %rsqrt3A, %dot_general3A_20 : vector<10112x128xf32>
    %swap3A_21 = arith.constant 0 : index
    %swap3A_22 = arith.constant 0 : index
    %swap3A_23 = vector.load %arg4[%swap3A_21, %swap3A_22] : memref<10112x128xf32, #tpu.memory_space<vmem>>, vector<10112x128xf32>
    tpu.vector_store %arg4[%swap3A_21, %swap3A_22], %mul3A {strides = array<i32>} : memref<10112x128xf32, #tpu.memory_space<vmem>>, vector<10112x128xf32>,
    return
  }
}

module attributes {stable_mosaic.version = 14 : i64} {
  func.func @_tc_mid_body(%arg0: memref<2x10112x128xf32, #tpu.memory_space<vmem>>, %arg1: memref<10112x128xf32, #tpu.memory_space<vmem>>, %arg2: memref<10112x128xf32, #tpu.memory_space<vmem>>, %arg3: memref<128xf32, #tpu.memory_space<vmem>>, %arg4: memref<128xf32, #tpu.memory_space<vmem>>, %arg5: memref<128xf32, #tpu.memory_space<vmem>>, %arg6: memref<128x128xf32, #tpu.memory_space<vmem>>, %arg7: memref<10112x128xf32, #tpu.memory_space<vmem>>) attributes {dimension_semantics = [], scalar_prefetch = 0 : i64, scratch_operands = 0 : i64, tpu.core_type = #tpu.core_type<tc>} {
    %get3A = arith.constant 0 : index
    %get3A_0 = arith.constant 0 : index
    %get3A_1 = vector.load %arg2[%get3A, %get3A_0] : memref<10112x128xf32, #tpu.memory_space<vmem>>, vector<10112x128xf32>
    %get3A_2 = arith.constant 0 : index
    %get3A_3 = arith.constant 0 : index
    %get3A_4 = arith.constant 0 : index
    %get3A_5 = vector.load %arg0[%get3A_2, %get3A_3, %get3A_4] : memref<2x10112x128xf32, #tpu.memory_space<vmem>>, vector<1x10112x128xf32>
    %get3A_6 = vector.shape_cast %get3A_5 : vector<1x10112x128xf32> to vector<10112x128xf32>
    %get3A_7 = arith.constant 1 : index
    %get3A_8 = arith.constant 0 : index
    %get3A_9 = arith.constant 0 : index
    %get3A_10 = vector.load %arg0[%get3A_7, %get3A_8, %get3A_9] : memref<2x10112x128xf32, #tpu.memory_space<vmem>>, vector<1x10112x128xf32>
    %get3A_11 = vector.shape_cast %get3A_10 : vector<1x10112x128xf32> to vector<10112x128xf32>
    %add3A = arith.addf %get3A_6, %get3A_11 : vector<10112x128xf32>
    %get3A_12 = arith.constant 0 : index
    %get3A_13 = arith.constant 0 : index
    %get3A_14 = vector.load %arg1[%get3A_12, %get3A_13] : memref<10112x128xf32, #tpu.memory_space<vmem>>, vector<10112x128xf32>
    %add3A_15 = arith.addf %add3A, %get3A_14 : vector<10112x128xf32>
    %mul3A = arith.mulf %get3A_1, %add3A_15 : vector<10112x128xf32>
    %get3A_16 = arith.constant 0 : index
    %get3A_17 = vector.load %arg3[%get3A_16] : memref<128xf32, #tpu.memory_space<vmem>>, vector<128xf32>
    %broadcast_in_dim3A = vector.shape_cast %get3A_17 : vector<128xf32> to vector<1x128xf32>
    %add3A_18 = vector.broadcast %broadcast_in_dim3A : vector<1x128xf32> to vector<10112x128xf32>
    %add3A_19 = arith.addf %mul3A, %add3A_18 : vector<10112x128xf32>
    %get3A_20 = arith.constant 0 : index
    %get3A_21 = vector.load %arg4[%get3A_20] : memref<128xf32, #tpu.memory_space<vmem>>, vector<128xf32>
    %rsqrt3A = arith.constant 1.000010e+00 : f32
    %rsqrt3A_22 = math.rsqrt %rsqrt3A : f32
    %mul3A_23 = vector.broadcast %rsqrt3A_22 : f32 to vector<128xf32>
    %mul3A_24 = arith.mulf %get3A_21, %mul3A_23 : vector<128xf32>
    %broadcast_in_dim3A_25 = vector.shape_cast %mul3A_24 : vector<128xf32> to vector<1x128xf32>
    %mul3A_26 = vector.broadcast %broadcast_in_dim3A_25 : vector<1x128xf32> to vector<10112x128xf32>
    %mul3A_27 = arith.mulf %add3A_19, %mul3A_26 : vector<10112x128xf32>
    %get3A_28 = arith.constant 0 : index
    %get3A_29 = vector.load %arg5[%get3A_28] : memref<128xf32, #tpu.memory_space<vmem>>, vector<128xf32>
    %broadcast_in_dim3A_30 = vector.shape_cast %get3A_29 : vector<128xf32> to vector<1x128xf32>
    %add3A_31 = vector.broadcast %broadcast_in_dim3A_30 : vector<1x128xf32> to vector<10112x128xf32>
    %add3A_32 = arith.addf %mul3A_27, %add3A_31 : vector<10112x128xf32>
    %max3A = arith.constant 0.000000e+00 : f32
    %max3A_33 = vector.broadcast %max3A : f32 to vector<10112x128xf32>
    %max3A_34 = arith.maximumf %add3A_32, %max3A_33 : vector<10112x128xf32>
    %get3A_35 = arith.constant 0 : index
    %get3A_36 = arith.constant 0 : index
    %get3A_37 = vector.load %arg6[%get3A_35, %get3A_36] : memref<128x128xf32, #tpu.memory_space<vmem>>, vector<128x128xf32>
    %transpose3A = tpu.transpose %get3A_37, [1, 0] : vector<128x128xf32> -> vector<128x128xf32>
    %dot_general3A = arith.constant dense<0.000000e+00> : vector<10112x128xf32>
    %dot_general3A_38 = tpu.matmul %max3A_34, %transpose3A, %dot_general3A {dimension_numbers = #tpu.dot_dimension_numbers<[1], [0], [0], [1], [0, 0, 1, 1], [], []>, transpose_lhs_hint = false} : vector<10112x128xf32>, vector<128x128xf32>, vector<10112x128xf32> -> vector<10112x128xf32>
    %iota3A = tpu.iota {dimensions = array<i32: 0>} : vector<10112x128xi32>
    %lt3A = arith.constant 10000 : i32
    %lt3A_39 = vector.broadcast %lt3A : i32 to vector<10112x128xi32>
    %lt3A_40 = arith.cmpi slt, %iota3A, %lt3A_39 : vector<10112x128xi32>
    %mul3A_41 = arith.mulf %get3A_1, %dot_general3A_38 : vector<10112x128xf32>
    %jit3A = arith.constant 0.000000e+00 : f32
    %broadcast_in_dim3A_42 = vector.broadcast %jit3A : f32 to vector<10112x128xf32>
    %select_n3A = arith.select %lt3A_40, %mul3A_41, %broadcast_in_dim3A_42 : vector<10112x128xi1>, vector<10112x128xf32>
    %swap3A = arith.constant 0 : index
    %swap3A_43 = arith.constant 0 : index
    %swap3A_44 = vector.load %arg7[%swap3A, %swap3A_43] : memref<10112x128xf32, #tpu.memory_space<vmem>>, vector<10112x128xf32>
    tpu.vector_store %arg7[%swap3A, %swap3A_43], %select_n3A {strides = array<i32>} : memref<10112x128xf32, #tpu.memory_space<vmem>>, vector<10112x128xf32>,
    return
  }
}

module attributes {stable_mosaic.version = 14 : i64} {
  func.func @_tc_final_body(%arg0: memref<2x10112x128xf32, #tpu.memory_space<vmem>>, %arg1: memref<10112x128xf32, #tpu.memory_space<vmem>>, %arg2: memref<10112x128xf32, #tpu.memory_space<vmem>>, %arg3: memref<128xf32, #tpu.memory_space<vmem>>, %arg4: memref<10000xi32, #tpu.memory_space<vmem>>, %arg5: memref<64x128xf32, #tpu.memory_space<vmem>>, %arg6: memref<64xf32, #tpu.memory_space<vmem>>, %arg7: memref<64x128xf32, #tpu.memory_space<vmem>>, %arg8: memref<128xf32, #tpu.memory_space<vmem>>, %arg9: memref<64x128xf32, #tpu.memory_space<vmem>>) attributes {dimension_semantics = [], scalar_prefetch = 0 : i64, scratch_operands = 0 : i64, tpu.core_type = #tpu.core_type<tc>} {
    %get3A = arith.constant 0 : index
    %get3A_0 = arith.constant 0 : index
    %get3A_1 = vector.load %arg2[%get3A, %get3A_0] : memref<10112x128xf32, #tpu.memory_space<vmem>>, vector<10112x128xf32>
    %get3A_2 = arith.constant 0 : index
    %get3A_3 = arith.constant 0 : index
    %get3A_4 = arith.constant 0 : index
    %get3A_5 = vector.load %arg0[%get3A_2, %get3A_3, %get3A_4] : memref<2x10112x128xf32, #tpu.memory_space<vmem>>, vector<1x10112x128xf32>
    %get3A_6 = vector.shape_cast %get3A_5 : vector<1x10112x128xf32> to vector<10112x128xf32>
    %get3A_7 = arith.constant 1 : index
    %get3A_8 = arith.constant 0 : index
    %get3A_9 = arith.constant 0 : index
    %get3A_10 = vector.load %arg0[%get3A_7, %get3A_8, %get3A_9] : memref<2x10112x128xf32, #tpu.memory_space<vmem>>, vector<1x10112x128xf32>
    %get3A_11 = vector.shape_cast %get3A_10 : vector<1x10112x128xf32> to vector<10112x128xf32>
    %add3A = arith.addf %get3A_6, %get3A_11 : vector<10112x128xf32>
    %get3A_12 = arith.constant 0 : index
    %get3A_13 = arith.constant 0 : index
    %get3A_14 = vector.load %arg1[%get3A_12, %get3A_13] : memref<10112x128xf32, #tpu.memory_space<vmem>>, vector<10112x128xf32>
    %add3A_15 = arith.addf %add3A, %get3A_14 : vector<10112x128xf32>
    %mul3A = arith.mulf %get3A_1, %add3A_15 : vector<10112x128xf32>
    %get3A_16 = arith.constant 0 : index
    %get3A_17 = vector.load %arg3[%get3A_16] : memref<128xf32, #tpu.memory_space<vmem>>, vector<128xf32>
    %broadcast_in_dim3A = vector.shape_cast %get3A_17 : vector<128xf32> to vector<1x128xf32>
    %add3A_18 = vector.broadcast %broadcast_in_dim3A : vector<1x128xf32> to vector<10112x128xf32>
    %add3A_19 = arith.addf %mul3A, %add3A_18 : vector<10112x128xf32>
    %slice3A = vector.extract_strided_slice %add3A_19 {offsets = [0, 0], sizes = [10000, 128], strides = [1, 1]} : vector<10112x128xf32> to vector<10000x128xf32>
    %iota3A = tpu.iota {dimensions = array<i32: 0>} : vector<64x10000xi32>
    %get3A_20 = arith.constant 0 : index
    %get3A_21 = vector.load %arg4[%get3A_20] : memref<10000xi32, #tpu.memory_space<vmem>>, vector<10000xi32>
    %broadcast_in_dim3A_22 = vector.shape_cast %get3A_21 : vector<10000xi32> to vector<1x10000xi32>
    %broadcast_in_dim3A_23 = vector.shape_cast %broadcast_in_dim3A_22 : vector<1x10000xi32> to vector<1x10000xi32>
    %broadcast_in_dim3A_24 = vector.broadcast %broadcast_in_dim3A_23 : vector<1x10000xi32> to vector<64x10000xi32>
    %eq3A = arith.cmpi eq, %iota3A, %broadcast_in_dim3A_24 : vector<64x10000xi32>
    %convert_element_type3A = arith.extui %eq3A : vector<64x10000xi1> to vector<64x10000xi32>
    %convert_element_type3A_25 = arith.sitofp %convert_element_type3A : vector<64x10000xi32> to vector<64x10000xf32>
    %dot_general3A = arith.constant dense<0.000000e+00> : vector<64x128xf32>
    %dot_general3A_26 = tpu.matmul %convert_element_type3A_25, %slice3A, %dot_general3A {dimension_numbers = #tpu.dot_dimension_numbers<[1], [0], [0], [1], [0, 0, 1, 1], [], []>, transpose_lhs_hint = false} : vector<64x10000xf32>, vector<10000x128xf32>, vector<64x128xf32> -> vector<64x128xf32>
    %broadcast_in_dim3A_27 = arith.constant 1.000000e+00 : f32
    %broadcast_in_dim3A_28 = vector.broadcast %broadcast_in_dim3A_27 : f32 to vector<10000x128xf32>
    %dot_general3A_29 = arith.constant dense<0.000000e+00> : vector<64x128xf32>
    %dot_general3A_30 = tpu.matmul %convert_element_type3A_25, %broadcast_in_dim3A_28, %dot_general3A_29 {dimension_numbers = #tpu.dot_dimension_numbers<[1], [0], [0], [1], [0, 0, 1, 1], [], []>, transpose_lhs_hint = false} : vector<64x10000xf32>, vector<10000x128xf32>, vector<64x128xf32> -> vector<64x128xf32>
    %max3A = arith.constant 1.000000e+00 : f32
    %max3A_31 = vector.broadcast %max3A : f32 to vector<64x128xf32>
    %max3A_32 = arith.maximumf %dot_general3A_30, %max3A_31 : vector<64x128xf32>
    %div3A = arith.divf %dot_general3A_26, %max3A_32 : vector<64x128xf32>
    %get3A_33 = arith.constant 0 : index
    %get3A_34 = arith.constant 0 : index
    %get3A_35 = vector.load %arg5[%get3A_33, %get3A_34] : memref<64x128xf32, #tpu.memory_space<vmem>>, vector<64x128xf32>
    %transpose3A = tpu.transpose %get3A_35, [1, 0] : vector<64x128xf32> -> vector<128x64xf32>
    %dot_general3A_36 = arith.constant dense<0.000000e+00> : vector<64x64xf32>
    %dot_general3A_37 = tpu.matmul %div3A, %transpose3A, %dot_general3A_36 {dimension_numbers = #tpu.dot_dimension_numbers<[1], [0], [0], [1], [0, 0, 1, 1], [], []>, transpose_lhs_hint = false} : vector<64x128xf32>, vector<128x64xf32>, vector<64x64xf32> -> vector<64x64xf32>
    %get3A_38 = arith.constant 0 : index
    %get3A_39 = vector.load %arg6[%get3A_38] : memref<64xf32, #tpu.memory_space<vmem>>, vector<64xf32>
    %broadcast_in_dim3A_40 = vector.shape_cast %get3A_39 : vector<64xf32> to vector<1x64xf32>
    %add3A_41 = vector.broadcast %broadcast_in_dim3A_40 : vector<1x64xf32> to vector<64x64xf32>
    %add3A_42 = arith.addf %dot_general3A_37, %add3A_41 : vector<64x64xf32>
    %max3A_43 = arith.constant 0.000000e+00 : f32
    %max3A_44 = vector.broadcast %max3A_43 : f32 to vector<64x64xf32>
    %max3A_45 = arith.maximumf %add3A_42, %max3A_44 : vector<64x64xf32>
    %get3A_46 = arith.constant 0 : index
    %get3A_47 = arith.constant 0 : index
    %get3A_48 = vector.load %arg7[%get3A_46, %get3A_47] : memref<64x128xf32, #tpu.memory_space<vmem>>, vector<64x128xf32>
    %dot_general3A_49 = arith.constant dense<0.000000e+00> : vector<64x128xf32>
    %dot_general3A_50 = tpu.matmul %max3A_45, %get3A_48, %dot_general3A_49 {dimension_numbers = #tpu.dot_dimension_numbers<[1], [0], [0], [1], [0, 0, 1, 1], [], []>, transpose_lhs_hint = false} : vector<64x64xf32>, vector<64x128xf32>, vector<64x128xf32> -> vector<64x128xf32>
    %get3A_51 = arith.constant 0 : index
    %get3A_52 = vector.load %arg8[%get3A_51] : memref<128xf32, #tpu.memory_space<vmem>>, vector<128xf32>
    %broadcast_in_dim3A_53 = vector.shape_cast %get3A_52 : vector<128xf32> to vector<1x128xf32>
    %add3A_54 = vector.broadcast %broadcast_in_dim3A_53 : vector<1x128xf32> to vector<64x128xf32>
    %add3A_55 = arith.addf %dot_general3A_50, %add3A_54 : vector<64x128xf32>
    %swap3A = arith.constant 0 : index
    %swap3A_56 = arith.constant 0 : index
    %swap3A_57 = vector.load %arg9[%swap3A, %swap3A_56] : memref<64x128xf32, #tpu.memory_space<vmem>>, vector<64x128xf32>
    tpu.vector_store %arg9[%swap3A, %swap3A_56], %add3A_55 {strides = array<i32>} : memref<64x128xf32, #tpu.memory_space<vmem>>, vector<64x128xf32>,
    return
  }
}

</mosaic_0001>

<sc_bundles>
// kernel: kernel.10.cloned.1.call-start
scs
__scs_entry_jumppad:
0x0: {  	(pc) =	sbr.rel $0x88, $3  }
0x1: {  	(tag) =	ssettag $0x0;
	lr =	simm.s32 $0x1  }
0x2: {  	[smem:$0x3F90] =	sst lr;
	_ =	strace $0xD0000000  }
0x3: {  	_ = 	snop  }
0x4: {  	_ = 	snop  }
0x5: {  	_ = 	snop  }
0x6: {  	_ = 	snop  }
0x7: {  	_ = 	snop  }
__scs_overlays_trampoline_lowered:
0x8: {  	[smem:$0x3F9F] =	sst s0  }
0x9: {  	[smem:$0x3FA0] =	sst s1  }
0xa: {  	[smem:$0x3FA1] =	sst s2  }
0xb: {  	[smem:$0x3FA2] =	sst s3  }
0xc: {  	[smem:$0x3FA3] =	sst s4  }
0xd: {  	[smem:$0x3FA4] =	sst s5  }
0xe: {  	[smem:$0x3FA5] =	sst s6  }
0xf: {  	[smem:$0x3FA6] =	sst s7  }
0x10: {  	[smem:$0x3FA7] =	sst s8  }
0x11: {  	[smem:$0x3FA8] =	sst s9;
	s0 =	simm.s32 @!p0 $0x0  }
0x12: {  	s1 =	sld [smem:$0x3F8E];
	s0 =	simm.s32 @p0 $0x1  }
0x13: {  	[smem:$0x3FA9] =	sst s0;
	s0 =	simm.s32 @!p1 $0x0  }
0x14: {  	s2 =	sld [smem:$0x3F8D];
	s0 =	simm.s32 @p1 $0x1  }
0x15: {  	[smem:$0x3FAA] =	sst s0;
	s0 =	simm.s32 @!p2 $0x0  }
0x16: {  	s3 =	sld [smem:$0x3FDB];
	s0 =	simm.s32 @p2 $0x1  }
0x17: {  	s4 =	simm.s32 $0x1BF5;
	[smem:$0x3FAC] =	sst s0  }
0x18: {  	s0 =	sld [smem:$0x3F8F];
	_ =	swait.ge [sflag:s4], $0x0  }
0x19: {  	s7 =	sld [smem:$0x3F90]  }
0x1a: {  	s8 =	sadd.s32 $0xFFFFE003, lr  }
0x1b: {  	s9 =	sadd.s32 $0xFFFFFEF7, lr;
	s5 =	simm.s32 $0xFFFFFFFF;
	p2 =	slt.u32 s8, $0xFFFFF086  }
0x1c: {  	p1 =	slt.u32 s9, $0xF7A;
	s5 =	simm.s32 @!p2 $0x0  }
0x1d: {  	s5 =	simm.s32 @p1 $0x1;
	p0 =	seq.s32 s7, s2  }
0x1e: {  	s7 =	smul.u32 @!p0 $0xF7A, s2;
	p2 =	seq.s32 @!p0 s5, $0x0  }
0x1f: {  	s9 =	smul.u32 $0xF7A, s1;
	s8 =	simm.s32 @!p0 $0x1BF5;
	p2 =	por !p2, p0  }
0x20: {  	[sflag:s8] =	ssyncset.s32 @!p0 $0xFFFFF086;
	s6 =	sadd.s32 @!p0 s3, s7;
	s7 =	simm.s32 @!p0 $0x108  }
0x21: {  	s3 =	sadd.s32 s3, s9;
	s6 =	sadd.s32 @!p0 $0x88, s6;
	s7 =	simm.s32 @p2 $0x1082  }
0x22: {  	[simem:s7], [sflag:s8] =	dma.local @!p0 [hbm:s6], $0xF7A  }
0x23: {  	s9 =	sor.u32 $0xD0000000, s2;
	s6 =	simm.s32 $0x108;
	_ =	swait.ge @!p0 [sflag:s8], $0x0  }
0x24: {  	s3 =	sadd.s32 $0x88, s3;
	s6 =	simm.s32 @!p1 $0x1082;
	[sflag:s4] =	ssyncset.s32 $0xFFFFF086  }
0x25: {  	[simem:s6], [sflag:s4] =	dma.local [hbm:s3], $0xF7A  }
0x26: {  	[smem:$0x3F90] =	sst s1;
	(tag) =	ssettag s2;
	_ =	strace s9  }
0x27: {  	s1 =	sld [smem:$0x3FA0]  }
0x28: {  	s2 =	sld [smem:$0x3FA1]  }
0x29: {  	s4 =	sld [smem:$0x3FA3]  }
0x2a: {  	p0 =	seq.s32 s5, $0x0;
	s5 =	sld [smem:$0x3FA4]  }
0x2b: {  	s6 =	sld [smem:$0x3FA5]  }
0x2c: {  	s7 =	sld [smem:$0x3FA6]  }
0x2d: {  	s3 =	simm.s32 $0x108;
	s8 =	sld [smem:$0x3FA7]  }
0x2e: {  	s3 =	simm.s32 @!p0 $0x1082;
	s9 =	sld [smem:$0x3FA8]  }
0x2f: {  	lr =	sadd.s32 s0, s3;
	s0 =	sld [smem:$0x3F9F]  }
0x30: {  	s3 =	sld [smem:$0x3FA2]  }
0x31: {  	[smem:$0x3FAB] =	sst s10  }
0x32: {  	s10 =	sld [smem:$0x3FA9];
	_ =	sdelay $0x3  }
0x33: {  	p0 =	seq.s32 s10, $0x1;
	s10 =	sld [smem:$0x3FAB];
	_ =	sdelay $0x3  }
0x34: {  	[smem:$0x3FAB] =	sst s10  }
0x35: {  	s10 =	sld [smem:$0x3FAA];
	_ =	sdelay $0x3  }
0x36: {  	p1 =	seq.s32 s10, $0x1;
	s10 =	sld [smem:$0x3FAB];
	_ =	sdelay $0x3  }
0x37: {  	[smem:$0x3FAB] =	sst s10  }
0x38: {  	s10 =	sld [smem:$0x3FAC]  }
0x39: {  	_ = 	snop;
	(pc) =	sbr.ind lr, $3  }
0x3a: {  	_ = 	snop  }
0x3b: {  	_ = 	snop  }
0x3c: {  	p2 =	seq.s32 s10, $0x1;
	s10 =	sld [smem:$0x3FAB]  }
0x3d: {  	_ =	shalt  }
0x3e: {  	_ =	shalt  }
0x3f: {  	_ =	shalt  }
0x40: {  	_ =	shalt  }
0x41: {  	_ =	shalt  }
0x42: {  	_ =	shalt  }
0x43: {  	_ =	shalt  }
0x44: {  	_ =	shalt  }
0x45: {  	_ =	shalt  }
0x46: {  	_ =	shalt  }
0x47: {  	_ =	shalt  }
0x48: {  	_ =	shalt  }
0x49: {  	_ =	shalt  }
0x4a: {  	_ =	shalt  }
0x4b: {  	_ =	shalt  }
0x4c: {  	_ =	shalt  }
0x4d: {  	_ =	shalt  }
0x4e: {  	_ =	shalt  }
0x4f: {  	_ =	shalt  }
0x50: {  	_ =	shalt  }
0x51: {  	_ =	shalt  }
0x52: {  	_ =	shalt  }
0x53: {  	_ =	shalt  }
0x54: {  	_ =	shalt  }
0x55: {  	_ =	shalt  }
0x56: {  	_ =	shalt  }
0x57: {  	_ =	shalt  }
0x58: {  	_ =	shalt  }
0x59: {  	_ =	shalt  }
0x5a: {  	_ =	shalt  }
0x5b: {  	_ =	shalt  }
0x5c: {  	_ =	shalt  }
0x5d: {  	_ =	shalt  }
0x5e: {  	_ =	shalt  }
0x5f: {  	_ =	shalt  }
0x60: {  	_ =	shalt  }
0x61: {  	_ =	shalt  }
0x62: {  	_ =	shalt  }
0x63: {  	_ =	shalt  }
0x64: {  	_ =	shalt  }
0x65: {  	_ =	shalt  }
0x66: {  	_ =	shalt  }
0x67: {  	_ =	shalt  }
0x68: {  	_ =	shalt  }
0x69: {  	_ =	shalt  }
0x6a: {  	_ =	shalt  }
0x6b: {  	_ =	shalt  }
0x6c: {  	_ =	shalt  }
0x6d: {  	_ =	shalt  }
0x6e: {  	_ =	shalt  }
0x6f: {  	_ =	shalt  }
0x70: {  	_ =	shalt  }
0x71: {  	_ =	shalt  }
0x72: {  	_ =	shalt  }
0x73: {  	_ =	shalt  }
0x74: {  	_ =	shalt  }
0x75: {  	_ =	shalt  }
0x76: {  	_ =	shalt  }
0x77: {  	_ =	shalt  }
0x78: {  	_ =	shalt  }
0x79: {  	_ =	shalt  }
0x7a: {  	_ =	shalt  }
0x7b: {  	_ =	shalt  }
0x7c: {  	_ =	shalt  }
0x7d: {  	_ =	shalt  }
0x7e: {  	_ =	shalt  }
0x7f: {  	_ =	shalt  }
0x80: {  	_ =	shalt  }
0x81: {  	_ =	shalt  }
0x82: {  	_ =	shalt  }
0x83: {  	_ =	shalt  }
0x84: {  	_ =	shalt  }
0x85: {  	_ =	shalt  }
0x86: {  	_ =	shalt  }
0x87: {  	_ =	shalt  }
.Lfunc_end0:
.L_simem_size_0:
called_computation_lowered:
.L_overlay_start_0:
0x88: {  	s2 =	sld [smem:$0x3FD9]  }
0x89: {  	s3 =	sld [smem:$0x3FFE];
	_ =	sdelay $0x1  }
0x8a: {  	s1 =	srdreg.scid  }
0x8b: {  	s0 =	sand.u32 $0x1, s1  }
0x8c: {  	s16 =	sshll.u32 s0, $0xA;
	s2 =	sadd.s32 s3, s2  }
0x8d: {  	s2 =	sadd.s32 s2, s16  }
0x8e: {  	[smem:$0x3FB7] =	sst s2  }
0x8f: {  	_ = 	snop  }
0x90: {  	(tm) =	ssettm $0x1  }
0x91: {  	s17 =	sld [smem:$0x3FFB];
	_ =	sdelay $0x3  }
0x92: {  	_ =	strace s17  }
0x93: {  	s2 =	sld [smem:$0x3FFC];
	_ =	sdelay $0x3  }
0x94: {  	_ =	strace s2  }
0x95: {  	s2 =	sld [smem:$0x3FFD];
	_ =	sdelay $0x3  }
0x96: {  	_ =	strace s2  }
0x97: {  	_ =	strace $0x8FFFFFFF  }
0x98: {  	s18 =	sld [smem:$0x3FDB];
	_ =	sdelay $0x1  }
0x99: {  	s19 =	simm.s32 $_scs_section_size  }
0x9a: {  	s4 =	simm.s32 $_size__tile_overlayer_lowered;
	s5 =	simm.s32 $_tile_overlayer_lowered  }
0x9b: {  	s22 =	simm.s32 $0x1BFF;
	s21 =	sshll.u32 s5, $0x1;
	s2 =	sadd.s32 s19, s18  }
0x9c: {  	s6 =	simm.s32 $0x0;
	s20 =	sshll.u32 s4, $0x1;
	s4 =	sadd.s32 s21, s2  }
0x9d: {  	[timem:s6], [sflag:s22] =	dma.local [hbm:s4], s20  }
0x9e: {  	_ =	swait.ge [sflag:s22], s20  }
0x9f: {  	s3 =	ssub.s32 $0x0, s20;
	[sflag:s22] =	ssyncset.done $0x0  }
0xa0: {  	[sflag:s22] =	ssyncadd.s32 s3;
	_ =	sdelay $0x1  }
0xa1: {  	s23 =	simm.s32 $0x1B8B  }
0xa2: {  	_ =	swait.ge [sflag:s23], $0x1  }
0xa3: {  	[sflag:s23] =	ssyncset.done $0x0  }
0xa4: {  	s25 =	simm.s32 $0x1B8E;
	s24 =	sld [smem:$0x3FFE];
	[sflag:s23] =	ssyncadd.s32 $0xFFFFFFFF  }
0xa5: {  	s26 =	simm.s32 $execute0_lowered;
	[smem:$0x3FD2] =	sst s25  }
0xa6: {  	s4 =	sshll.u32 s26, $0x1;
	_ =	strace $0x80000046;
	[dreg:$0x1] =	wrdreg $0xFFFFFFFF  }
0xa7: {  	s28 =	simm.s32 $_size_execute0_lowered;
	s2 =	sadd.s32 s2, s4;
	[dreg:$0x0] =	wrdreg $0x0  }
0xa8: {  	s4 =	sshll.u32 s28, $0x1;
	[dreg:$0x2] =	wrdreg s2  }
0xa9: {  	[dreg:$0x3] =	wrdreg s4  }
0xaa: {  	[dreg:$0x4] =	wrdreg $0xC0  }
0xab: {  	_ =	task [dreg:s6], $0x5FFFF  }
0xac: {  	[dreg:$0x1] =	wrdreg $0xFFFFFFFF  }
0xad: {  	[dreg:$0x0] =	wrdreg $0x60  }
0xae: {  	[dreg:$0x2] =	wrdreg s24  }
0xaf: {  	[dreg:$0x3] =	wrdreg $0x0  }
0xb0: {  	[dreg:$0x4] =	wrdreg $0x9  }
0xb1: {  	_ =	task.clear_ibuf [dreg:s6], $0x5FFFF;
	_ =	strace $0x90000046  }
0xb2: {  	s29 =	simm.s32 $0x9;
	_ =	strace $0x80000048  }
0xb3: {  	_ =	swait.ge [sflag:s29], $0x1  }
0xb4: {  	[sflag:s29] =	ssyncadd.s32 $0xFFFFFFFF  }
0xb5: {  	_ =	strace $0x90000048  }
0xb6: {  	_ =	sfence  }
0xb7: {  	s30 =	sld [smem:$0x0];
	_ =	sdelay $0x2  }
0xb8: {  	s31 =	sshll.u32 s1, $0xD;
	s1 =	sshrl.u32 s1, $0x2  }
0xb9: {  	s3 =	sand.u32 $0x4000, s31;
	s1 =	sadd.s32 s1, s30  }
0xba: {  	s0 =	sor.u32 s3, s0;
	s1 =	sshll.u32 s1, $0x11  }
0xbb: {  	s0 =	sor.u32 s1, s0  }
0xbc: {  	s0 =	sadd.s32 $0x8F2B, s0  }
0xbd: {  	[sflag:s0] =	ssyncadd.remote.s32 $0x1  }
0xbe: {  	_ =	sfence.sel $0xFFFF  }
0xbf: {  	[dreg:$0x0] =	wrdreg $0xFFFFFFFF;
	(pc) =	sbr.abs _section_cstart, $3  }
0xc0: {  	[dreg:$0x1] =	wrdreg $0xFFFFFFFF  }
0xc1: {  	_ =	task.clear_ibuf [dreg:s6], $0x2FFFF;
	_ =	strace $0x9FFFFFFF  }
0xc2: {  	(tm) =	ssettm $0x7FFFFFFF  }
0xc3: {  	_ =	shalt  }
tec
execute0_lowered:
.L_overlay_start_1:
0x0: {  	(tag) =	ssettag $0x1  }
0x1: {  	s6 =	rddreg [dreg:$0x0]  }
0x2: {  	s1 =	rddreg [dreg:$0x1]  }
0x3: {  	s2 =	srdreg.scid;
	s0 =	rddreg [dreg:$0x2]  }
0x4: {  	s4 =	simm.s32 $0x0;
	s13 =	simm.s32 $0x2;
	s14 =	simm.s32 $0x13C00  }
0x5: {  	s15 =	simm.s32 $0x80;
	s16 =	simm.s32 $0x13C80;
	s17 =	simm.s32 $0x13D00  }
0x6: {  	s18 =	simm.s32 $0x13D80;
	s3 =	sand.u32 $0x1, s2;
	s2 =	stileid.u32  }
0x7: {  	s19 =	simm.s32 $0x1;
	[smem:$0x7FF] =	sst s4;
	s7 =	smul.u32 $0x4F000, s2  }
0x8: {  	s5 =	sshll.u32 s3, $0x4;
	_ =	strace $0x80000047;
	s8 =	smul.u32 $0x27800, s3  }
0x9: {  	s9 =	ssub.s32 $0x2, s3;
	s22 =	smul.u32 $0x2780, s2;
	s5 =	sor.u32 s2, s5  }
0xa: {  	s11 =	sshrl.u32 s9, $0x1;
	s5 =	smul.u32 $0x600, s5;
	s12 =	sadd.s32 s8, s6  }
0xb: {  	s7 =	sshrl.u32 s7, $0x2;
	s11 =	ssub.s32 s9, s11;
	s21 =	sadd.s32 $0xFC00, s12  }
0xc: {  	s11 =	smax.u32 s11, $0x1;
	s12 =	simm.s32 $0x14C00;
	s10 =	sadd.s32 s5, s6  }
0xd: {  	s5 =	sadd.s32 s7, s1;
	s21 =	sadd.s32 s22, s21;
	s22 =	simm.s32 $0x0  }
0xe: {  	s6 =	sadd.s32 $0x4000, s5;
	s7 =	sadd.s32 $0x8000, s5;
	s10 =	sadd.s32 $0x3C00, s10  }
0xf: {  	v0 =	vimm.f32 $0.0e+00;
	v1 =	vimm.f32 $1.000000000e+00;
	s8 =	sadd.s32 $0xC000, s5;
	s9 =	sadd.s32 $0x10000, s5;
	s20 =	sadd.s32 $0x200, s10  }
.LBB2_1:
0x10: {  	s23 =	simm.s32 $0x0;
	s24 =	simm.s32 $0x200  }
.LBB2_2:
0x11: {  	p0 =	sne.s32 s24, $0xFE00;
	[tilespmem:s23+$0x14C70] =	vst v0  }
0x12: {  	[tilespmem:s23+$0x14C00] =	vst v0  }
0x13: {  	[tilespmem:s23+$0x14C10] =	vst v0  }
.Ltmp0:
0x14: {  	[tilespmem:s23+$0x14C20] =	vst v0;
	(pc) =	sbr.rel @p0 .LBB2_2-.Ltmp0, $4  }
0x15: {  	[tilespmem:s23+$0x14C30] =	vst v0  }
0x16: {  	[tilespmem:s23+$0x14C40] =	vst v0  }
0x17: {  	[tilespmem:s23+$0x14C50] =	vst v0  }
0x18: {  	[tilespmem:s23+$0x14C60] =	vst v0;
	s23 =	sshra.s32 s24, $0x2;
	s24 =	sadd.s32 $0x200, s24  }
0x19: {  	[tilespmem:s23+$0x14C70] =	vst v0  }
0x1a: {  	[tilespmem:s23+$0x14C00] =	vst v0  }
0x1b: {  	[tilespmem:s23+$0x14C10] =	vst v0  }
0x1c: {  	[tilespmem:s23+$0x14C20] =	vst v0  }
0x1d: {  	[tilespmem:s23+$0x14C30] =	vst v0  }
0x1e: {  	[tilespmem:s23+$0x14C40] =	vst v0  }
0x1f: {  	[tilespmem:s23+$0x14C50] =	vst v0  }
0x20: {  	[tilespmem:s23+$0x14C60] =	vst v0  }
0x21: {  	[spmem:s5] =	stream.linear.scatter [tilespmem:s12], [sflag:$0x2], $0x4000, $0x38;
	[tilespmem:$0x18C00] =	vst v63  }
0x22: {  	_ =	swait.ge [sflag:s13], $0x4000  }
0x23: {  	[sflag:s13] =	ssyncset.done $0x0  }
0x24: {  	[sflag:s13] =	ssyncadd.s32 $0xFFFFC000  }
0x25: {  	[spmem:s6] =	stream.linear.scatter [tilespmem:s12], [sflag:$0x2], $0x4000, $0x38;
	[tilespmem:$0x18C00] =	vst v63  }
0x26: {  	_ =	swait.ge [sflag:s13], $0x4000  }
0x27: {  	[sflag:s13] =	ssyncset.done $0x0  }
0x28: {  	[sflag:s13] =	ssyncadd.s32 $0xFFFFC000  }
0x29: {  	[spmem:s7] =	stream.linear.scatter [tilespmem:s12], [sflag:$0x2], $0x4000, $0x38;
	[tilespmem:$0x18C00] =	vst v63  }
0x2a: {  	_ =	swait.ge [sflag:s13], $0x4000  }
0x2b: {  	[sflag:s13] =	ssyncset.done $0x0  }
0x2c: {  	[sflag:s13] =	ssyncadd.s32 $0xFFFFC000  }
0x2d: {  	[spmem:s8] =	stream.linear.scatter [tilespmem:s12], [sflag:$0x2], $0x4000, $0x38;
	[tilespmem:$0x18C00] =	vst v63  }
0x2e: {  	_ =	swait.ge [sflag:s13], $0x4000  }
0x2f: {  	[sflag:s13] =	ssyncset.done $0x0  }
0x30: {  	[sflag:s13] =	ssyncadd.s32 $0xFFFFC000  }
0x31: {  	[spmem:s9] =	stream.linear.scatter [tilespmem:s12], [sflag:$0x2], $0x3C00, $0x38;
	[tilespmem:$0x18C00] =	vst v63  }
0x32: {  	_ =	swait.ge [sflag:s13], $0x3C00  }
0x33: {  	[sflag:s13] =	ssyncset.done $0x0  }
0x34: {  	s23 =	simm.s32 $0x0;
	s24 =	simm.s32 $0x200;
	[sflag:s13] =	ssyncadd.s32 $0xFFFFC400  }
.LBB2_4:
0x35: {  	p0 =	sne.s32 s24, $0xFE00;
	[tilespmem:s23+$0x14C70] =	vst v1  }
0x36: {  	[tilespmem:s23+$0x14C00] =	vst v1  }
0x37: {  	[tilespmem:s23+$0x14C10] =	vst v1  }
.Ltmp1:
0x38: {  	[tilespmem:s23+$0x14C20] =	vst v1;
	(pc) =	sbr.rel @p0 .LBB2_4-.Ltmp1, $4  }
0x39: {  	[tilespmem:s23+$0x14C30] =	vst v1  }
0x3a: {  	[tilespmem:s23+$0x14C40] =	vst v1  }
0x3b: {  	[tilespmem:s23+$0x14C50] =	vst v1  }
0x3c: {  	[tilespmem:s23+$0x14C60] =	vst v1;
	s23 =	sshra.s32 s24, $0x2;
	s24 =	sadd.s32 $0x200, s24  }
0x3d: {  	[tilespmem:s23+$0x14C70] =	vst v1  }
0x3e: {  	[tilespmem:s23+$0x14C00] =	vst v1  }
0x3f: {  	[tilespmem:s23+$0x14C10] =	vst v1  }
0x40: {  	[tilespmem:s23+$0x14C20] =	vst v1  }
0x41: {  	[tilespmem:s23+$0x14C30] =	vst v1  }
0x42: {  	[tilespmem:s23+$0x14C40] =	vst v1  }
0x43: {  	[tilespmem:s23+$0x14C50] =	vst v1  }
0x44: {  	[tilespmem:s23+$0x14C60] =	vst v1  }
0x45: {  	[bflag:$0x0] =	sbarrier.arrive $0xFFFF  }
0x46: {  	[tilespmem:s14], [sflag:$0x2] =	stream.linear.gather [hbm4b:s10+s4], $0x1000, $0x38;
	[tilespmem:$0x18C00] =	vst v63  }
0x47: {  	_ =	swait.ge [sflag:s13], $0x1000  }
0x48: {  	[sflag:s13] =	ssyncset.done $0x0  }
0x49: {  	[sflag:s13] =	ssyncadd.s32 $0xFFFFF000  }
0x4a: {  	[spmem:s1] =	stream.indirect.scatter.add.f32 [tilespmem:s12], [sflag:$0x1], $0x80, s14, s15, $0xb8;
	[tilespmem:$0x18C00] =	vst v63  }
0x4b: {  	_ = 	snop  }
0x4c: {  	[spmem:s1] =	stream.indirect.scatter.add.f32 [tilespmem:s12], [sflag:$0x1], $0x80, s16, s15, $0xb8;
	[tilespmem:$0x18C00] =	vst v63  }
0x4d: {  	_ = 	snop  }
0x4e: {  	[spmem:s1] =	stream.indirect.scatter.add.f32 [tilespmem:s12], [sflag:$0x1], $0x80, s17, s15, $0xb8;
	[tilespmem:$0x18C00] =	vst v63  }
0x4f: {  	_ = 	snop  }
0x50: {  	[spmem:s1] =	stream.indirect.scatter.add.f32 [tilespmem:s12], [sflag:$0x1], $0x80, s18, s15, $0xb8;
	[tilespmem:$0x18C00] =	vst v63  }
0x51: {  	s31 =	simm.s32 $0x13E00  }
0x52: {  	[spmem:s1] =	stream.indirect.scatter.add.f32 [tilespmem:s12], [sflag:$0x1], $0x80, s31, s15, $0xb8;
	[tilespmem:$0x18C00] =	vst v63  }
0x53: {  	s23 =	simm.s32 $0xA00;
	_ =	swait.ge [sflag:s19], $0x4000  }
.LBB2_6:
0x54: {  	s24 =	sshra.s32 s23, $0x2;
	[sflag:s19] =	ssyncset.done $0x0;
	p0 =	sne.s32 s23, $0x3E00  }
.Ltmp2:
0x55: {  	s24 =	sadd.s32 $0x13C00, s24;
	[sflag:s19] =	ssyncadd.s32 $0xFFFFC000;
	(pc) =	sbr.rel @p0 .LBB2_6-.Ltmp2, $3  }
0x56: {  	[spmem:s1] =	stream.indirect.scatter.add.f32 [tilespmem:s12], [sflag:$0x1], $0x80, s24, s15, $0xb8;
	[tilespmem:$0x18C00] =	vst v63  }
0x57: {  	s23 =	sadd.s32 $0x200, s23;
	_ =	sdelay $0x1  }
0x58: {  	_ =	swait.ge [sflag:s19], $0x4000  }
0x59: {  	[sflag:s19] =	ssyncset.done $0x0  }
0x5a: {  	[sflag:s19] =	ssyncadd.s32 $0xFFFFC000  }
0x5b: {  	_ =	swait.ge [sflag:s19], $0x4000  }
0x5c: {  	[sflag:s19] =	ssyncset.done $0x0  }
0x5d: {  	[sflag:s19] =	ssyncadd.s32 $0xFFFFC000  }
0x5e: {  	_ =	swait.ge [sflag:s19], $0x4000  }
0x5f: {  	[sflag:s19] =	ssyncset.done $0x0  }
0x60: {  	[sflag:s19] =	ssyncadd.s32 $0xFFFFC000  }
0x61: {  	_ =	swait.ge [sflag:s19], $0x4000  }
0x62: {  	[sflag:s19] =	ssyncset.done $0x0  }
0x63: {  	[sflag:s19] =	ssyncadd.s32 $0xFFFFC000  }
0x64: {  	_ =	swait.ge [sflag:s19], $0x4000  }
0x65: {  	[sflag:s19] =	ssyncset.done $0x0  }
0x66: {  	[sflag:s19] =	ssyncadd.s32 $0xFFFFC000  }
0x67: {  	[tilespmem:s14], [sflag:$0x2] =	stream.linear.gather [hbm4b:s20+s4], $0x1000, $0x38;
	[tilespmem:$0x18C00] =	vst v63  }
0x68: {  	_ =	swait.ge [sflag:s13], $0x1000  }
0x69: {  	[sflag:s13] =	ssyncset.done $0x0  }
0x6a: {  	[sflag:s13] =	ssyncadd.s32 $0xFFFFF000  }
0x6b: {  	[spmem:s1] =	stream.indirect.scatter.add.f32 [tilespmem:s12], [sflag:$0x1], $0x80, s14, s15, $0xb8;
	[tilespmem:$0x18C00] =	vst v63  }
0x6c: {  	_ = 	snop  }
0x6d: {  	[spmem:s1] =	stream.indirect.scatter.add.f32 [tilespmem:s12], [sflag:$0x1], $0x80, s16, s15, $0xb8;
	[tilespmem:$0x18C00] =	vst v63  }
0x6e: {  	_ = 	snop  }
0x6f: {  	[spmem:s1] =	stream.indirect.scatter.add.f32 [tilespmem:s12], [sflag:$0x1], $0x80, s17, s15, $0xb8;
	[tilespmem:$0x18C00] =	vst v63  }
0x70: {  	_ = 	snop  }
0x71: {  	[spmem:s1] =	stream.indirect.scatter.add.f32 [tilespmem:s12], [sflag:$0x1], $0x80, s18, s15, $0xb8;
	[tilespmem:$0x18C00] =	vst v63  }
0x72: {  	s23 =	simm.s32 $0x13E00  }
0x73: {  	[spmem:s1] =	stream.indirect.scatter.add.f32 [tilespmem:s12], [sflag:$0x1], $0x80, s23, s15, $0xb8;
	[tilespmem:$0x18C00] =	vst v63  }
0x74: {  	s23 =	simm.s32 $0xA00;
	_ =	swait.ge [sflag:s19], $0x4000  }
.LBB2_8:
0x75: {  	s24 =	sshra.s32 s23, $0x2;
	[sflag:s19] =	ssyncset.done $0x0;
	p0 =	sne.s32 s23, $0x3E00  }
.Ltmp3:
0x76: {  	s24 =	sadd.s32 $0x13C00, s24;
	[sflag:s19] =	ssyncadd.s32 $0xFFFFC000;
	(pc) =	sbr.rel @p0 .LBB2_8-.Ltmp3, $3  }
0x77: {  	[spmem:s1] =	stream.indirect.scatter.add.f32 [tilespmem:s12], [sflag:$0x1], $0x80, s24, s15, $0xb8;
	[tilespmem:$0x18C00] =	vst v63  }
0x78: {  	s23 =	sadd.s32 $0x200, s23;
	_ =	sdelay $0x1  }
0x79: {  	_ =	swait.ge [sflag:s19], $0x4000  }
0x7a: {  	[sflag:s19] =	ssyncset.done $0x0  }
0x7b: {  	[sflag:s19] =	ssyncadd.s32 $0xFFFFC000  }
0x7c: {  	_ =	swait.ge [sflag:s19], $0x4000  }
0x7d: {  	[sflag:s19] =	ssyncset.done $0x0  }
0x7e: {  	[sflag:s19] =	ssyncadd.s32 $0xFFFFC000  }
0x7f: {  	_ =	swait.ge [sflag:s19], $0x4000  }
0x80: {  	[sflag:s19] =	ssyncset.done $0x0  }
0x81: {  	[sflag:s19] =	ssyncadd.s32 $0xFFFFC000  }
0x82: {  	_ =	swait.ge [sflag:s19], $0x4000  }
0x83: {  	[sflag:s19] =	ssyncset.done $0x0  }
0x84: {  	[sflag:s19] =	ssyncadd.s32 $0xFFFFC000  }
0x85: {  	_ =	swait.ge [sflag:s19], $0x4000  }
0x86: {  	[sflag:s19] =	ssyncset.done $0x0  }
0x87: {  	s23 =	sadd.s32 $0x400, s10;
	[sflag:s19] =	ssyncadd.s32 $0xFFFFC000  }
0x88: {  	[tilespmem:s14], [sflag:$0x2] =	stream.linear.gather [hbm4b:s23+s4], $0x1000, $0x38;
	[tilespmem:$0x18C00] =	vst v63  }
0x89: {  	_ =	swait.ge [sflag:s13], $0x1000  }
0x8a: {  	[sflag:s13] =	ssyncset.done $0x0  }
0x8b: {  	[sflag:s13] =	ssyncadd.s32 $0xFFFFF000  }
0x8c: {  	[spmem:s1] =	stream.indirect.scatter.add.f32 [tilespmem:s12], [sflag:$0x1], $0x80, s14, s15, $0xb8;
	[tilespmem:$0x18C00] =	vst v63  }
0x8d: {  	_ = 	snop  }
0x8e: {  	[spmem:s1] =	stream.indirect.scatter.add.f32 [tilespmem:s12], [sflag:$0x1], $0x80, s16, s15, $0xb8;
	[tilespmem:$0x18C00] =	vst v63  }
0x8f: {  	_ = 	snop  }
0x90: {  	[spmem:s1] =	stream.indirect.scatter.add.f32 [tilespmem:s12], [sflag:$0x1], $0x80, s17, s15, $0xb8;
	[tilespmem:$0x18C00] =	vst v63  }
0x91: {  	s24 =	simm.s32 $0x13E00;
	s23 =	simm.s32 $0x5  }
0x92: {  	[spmem:s1] =	stream.indirect.scatter.add.f32 [tilespmem:s12], [sflag:$0x1], $0x80, s18, s15, $0xb8;
	[tilespmem:$0x18C00] =	vst v63  }
.LBB2_10:
0x93: {  	s25 =	sxor.u32 s23, s3  }
0x94: {  	p0 =	sne.s32 s25, $0xF  }
.Ltmp4:
0x95: {  	_ = 	snop;
	(pc) =	sbr.rel @p0 .LBB2_10-.Ltmp4, $4  }
0x96: {  	[spmem:s1] =	stream.indirect.scatter.add.f32 [tilespmem:s12], [sflag:$0x1], $0x80, s24, s15, $0xb8;
	[tilespmem:$0x18C00] =	vst v63  }
0x97: {  	_ =	swait.ge [sflag:s19], $0x4000  }
0x98: {  	[sflag:s19] =	ssyncset.done $0x0  }
0x99: {  	s23 =	sadd.s32 $0x1, s23;
	s24 =	sadd.s32 $0x80, s24;
	[sflag:s19] =	ssyncadd.s32 $0xFFFFC000  }
0x9a: {  	_ =	swait.ge [sflag:s19], $0x4000  }
0x9b: {  	[sflag:s19] =	ssyncset.done $0x0  }
0x9c: {  	[sflag:s19] =	ssyncadd.s32 $0xFFFFC000  }
0x9d: {  	_ =	swait.ge [sflag:s19], $0x4000  }
0x9e: {  	[sflag:s19] =	ssyncset.done $0x0  }
0x9f: {  	[sflag:s19] =	ssyncadd.s32 $0xFFFFC000  }
0xa0: {  	_ =	swait.ge [sflag:s19], $0x4000  }
0xa1: {  	[sflag:s19] =	ssyncset.done $0x0  }
0xa2: {  	[sflag:s19] =	ssyncadd.s32 $0xFFFFC000  }
0xa3: {  	_ =	swait.ge [sflag:s19], $0x4000  }
0xa4: {  	s23 =	sshll.u32 s2, $0x6;
	s22 =	sadd.s32 $0x1, s22;
	[sflag:s19] =	ssyncset.done $0x0  }
0xa5: {  	s24 =	sshrl.u32 s5, $0x3;
	p0 =	sne.s32 s22, s11;
	[sflag:s19] =	ssyncadd.s32 $0xFFFFC000  }
.Ltmp5:
0xa6: {  	s23 =	sor.u32 $0x1C02, s23;
	[bflag:$0x0] =	sbarrier.arrive $0xFFFF;
	(pc) =	sbr.rel @p0 .LBB2_1-.Ltmp5, $4  }
0xa7: {  	[hbm:s21], [sflag:s23] =	dma.local [spmem:s24], $0x2780  }
0xa8: {  	_ =	swait.ge [sflag:s13], $0x2780  }
0xa9: {  	[sflag:s13] =	ssyncset.done $0x0  }
0xaa: {  	[sflag:s13] =	ssyncadd.s32 $0xFFFFD880  }
0xab: {  	_ =	sfence.sel $0x180000  }
0xac: {  	[bflag:$0x0] =	sbarrier.arrive $0xFFFF  }
0xad: {  	p0 =	sne.s32 s2, $0x0;
	_ =	strace $0x90000047  }
0xae: {  	s0 =	sadd.s32 @!p0 $0x100000, s0;
	[bflag:$0x2] =	sbarrier.arrive $0xFFFF  }
0xaf: {  	[sflag:s0] =	ssyncadd.tile.s32 @!p0 $0x1;
	_ =	shalt  }
.Lfunc_end2:
_tile_overlayer_lowered:
.L_overlay_start_2:
0xb0: {  	(tag) =	ssettag $0x2  }
0xb1: {  	s0 =	rddreg [dreg:$0x0];
	s2 =	stileid.u32  }
0xb2: {  	s1 =	rddreg [dreg:$0x1];
	p0 =	sne.s32 s2, $0x0  }
0xb3: {  	s3 =	rddreg [dreg:$0x2];
	[bflag:$0x3] =	sbarrier.arrive $0xFFFF;
	s2 =	simm.s32 @!p0 $0x1C02  }
0xb4: {  	[timem:s3], [sflag:s2] =	dma.local @!p0 [hbm:s0], s1  }
0xb5: {  	s0 =	simm.s32 @!p0 $0x2  }
0xb6: {  	_ =	swait.ge @!p0 [sflag:s0], s1  }
0xb7: {  	s1 =	ssub.s32 @!p0 $0x0, s1;
	[sflag:s0] =	ssyncset.done @!p0 $0x0  }
0xb8: {  	[sflag:s0] =	ssyncadd.s32 @!p0 s1  }
0xb9: {  	[bflag:$0x3] =	sbarrier.arrive $0xFFFF  }
0xba: {  	_ =	shalt  }

// kernel: kernel.13.cloned.1.call-start
scs
__scs_entry_jumppad:
0x0: {  	(pc) =	sbr.rel $0x88, $3  }
0x1: {  	(tag) =	ssettag $0x0;
	lr =	simm.s32 $0x1  }
0x2: {  	[smem:$0x3F90] =	sst lr;
	_ =	strace $0xD0000000  }
0x3: {  	_ = 	snop  }
0x4: {  	_ = 	snop  }
0x5: {  	_ = 	snop  }
0x6: {  	_ = 	snop  }
0x7: {  	_ = 	snop  }
__scs_overlays_trampoline_lowered:
0x8: {  	[smem:$0x3F9F] =	sst s0  }
0x9: {  	[smem:$0x3FA0] =	sst s1  }
0xa: {  	[smem:$0x3FA1] =	sst s2  }
0xb: {  	[smem:$0x3FA2] =	sst s3  }
0xc: {  	[smem:$0x3FA3] =	sst s4  }
0xd: {  	[smem:$0x3FA4] =	sst s5  }
0xe: {  	[smem:$0x3FA5] =	sst s6  }
0xf: {  	[smem:$0x3FA6] =	sst s7  }
0x10: {  	[smem:$0x3FA7] =	sst s8  }
0x11: {  	[smem:$0x3FA8] =	sst s9;
	s0 =	simm.s32 @!p0 $0x0  }
0x12: {  	s1 =	sld [smem:$0x3F8E];
	s0 =	simm.s32 @p0 $0x1  }
0x13: {  	[smem:$0x3FA9] =	sst s0;
	s0 =	simm.s32 @!p1 $0x0  }
0x14: {  	s2 =	sld [smem:$0x3F8D];
	s0 =	simm.s32 @p1 $0x1  }
0x15: {  	[smem:$0x3FAA] =	sst s0;
	s0 =	simm.s32 @!p2 $0x0  }
0x16: {  	s3 =	sld [smem:$0x3FDB];
	s0 =	simm.s32 @p2 $0x1  }
0x17: {  	s4 =	simm.s32 $0x1BF5;
	[smem:$0x3FAC] =	sst s0  }
0x18: {  	s0 =	sld [smem:$0x3F8F];
	_ =	swait.ge [sflag:s4], $0x0  }
0x19: {  	s7 =	sld [smem:$0x3F90]  }
0x1a: {  	s8 =	sadd.s32 $0xFFFFE003, lr  }
0x1b: {  	s9 =	sadd.s32 $0xFFFFFEF7, lr;
	s5 =	simm.s32 $0xFFFFFFFF;
	p2 =	slt.u32 s8, $0xFFFFF086  }
0x1c: {  	p1 =	slt.u32 s9, $0xF7A;
	s5 =	simm.s32 @!p2 $0x0  }
0x1d: {  	s5 =	simm.s32 @p1 $0x1;
	p0 =	seq.s32 s7, s2  }
0x1e: {  	s7 =	smul.u32 @!p0 $0xF7A, s2;
	p2 =	seq.s32 @!p0 s5, $0x0  }
0x1f: {  	s9 =	smul.u32 $0xF7A, s1;
	s8 =	simm.s32 @!p0 $0x1BF5;
	p2 =	por !p2, p0  }
0x20: {  	[sflag:s8] =	ssyncset.s32 @!p0 $0xFFFFF086;
	s6 =	sadd.s32 @!p0 s3, s7;
	s7 =	simm.s32 @!p0 $0x108  }
0x21: {  	s3 =	sadd.s32 s3, s9;
	s6 =	sadd.s32 @!p0 $0x88, s6;
	s7 =	simm.s32 @p2 $0x1082  }
0x22: {  	[simem:s7], [sflag:s8] =	dma.local @!p0 [hbm:s6], $0xF7A  }
0x23: {  	s9 =	sor.u32 $0xD0000000, s2;
	s6 =	simm.s32 $0x108;
	_ =	swait.ge @!p0 [sflag:s8], $0x0  }
0x24: {  	s3 =	sadd.s32 $0x88, s3;
	s6 =	simm.s32 @!p1 $0x1082;
	[sflag:s4] =	ssyncset.s32 $0xFFFFF086  }
0x25: {  	[simem:s6], [sflag:s4] =	dma.local [hbm:s3], $0xF7A  }
0x26: {  	[smem:$0x3F90] =	sst s1;
	(tag) =	ssettag s2;
	_ =	strace s9  }
0x27: {  	s1 =	sld [smem:$0x3FA0]  }
0x28: {  	s2 =	sld [smem:$0x3FA1]  }
0x29: {  	s4 =	sld [smem:$0x3FA3]  }
0x2a: {  	p0 =	seq.s32 s5, $0x0;
	s5 =	sld [smem:$0x3FA4]  }
0x2b: {  	s6 =	sld [smem:$0x3FA5]  }
0x2c: {  	s7 =	sld [smem:$0x3FA6]  }
0x2d: {  	s3 =	simm.s32 $0x108;
	s8 =	sld [smem:$0x3FA7]  }
0x2e: {  	s3 =	simm.s32 @!p0 $0x1082;
	s9 =	sld [smem:$0x3FA8]  }
0x2f: {  	lr =	sadd.s32 s0, s3;
	s0 =	sld [smem:$0x3F9F]  }
0x30: {  	s3 =	sld [smem:$0x3FA2]  }
0x31: {  	[smem:$0x3FAB] =	sst s10  }
0x32: {  	s10 =	sld [smem:$0x3FA9];
	_ =	sdelay $0x3  }
0x33: {  	p0 =	seq.s32 s10, $0x1;
	s10 =	sld [smem:$0x3FAB];
	_ =	sdelay $0x3  }
0x34: {  	[smem:$0x3FAB] =	sst s10  }
0x35: {  	s10 =	sld [smem:$0x3FAA];
	_ =	sdelay $0x3  }
0x36: {  	p1 =	seq.s32 s10, $0x1;
	s10 =	sld [smem:$0x3FAB];
	_ =	sdelay $0x3  }
0x37: {  	[smem:$0x3FAB] =	sst s10  }
0x38: {  	s10 =	sld [smem:$0x3FAC]  }
0x39: {  	_ = 	snop;
	(pc) =	sbr.ind lr, $3  }
0x3a: {  	_ = 	snop  }
0x3b: {  	_ = 	snop  }
0x3c: {  	p2 =	seq.s32 s10, $0x1;
	s10 =	sld [smem:$0x3FAB]  }
0x3d: {  	_ =	shalt  }
0x3e: {  	_ =	shalt  }
0x3f: {  	_ =	shalt  }
0x40: {  	_ =	shalt  }
0x41: {  	_ =	shalt  }
0x42: {  	_ =	shalt  }
0x43: {  	_ =	shalt  }
0x44: {  	_ =	shalt  }
0x45: {  	_ =	shalt  }
0x46: {  	_ =	shalt  }
0x47: {  	_ =	shalt  }
0x48: {  	_ =	shalt  }
0x49: {  	_ =	shalt  }
0x4a: {  	_ =	shalt  }
0x4b: {  	_ =	shalt  }
0x4c: {  	_ =	shalt  }
0x4d: {  	_ =	shalt  }
0x4e: {  	_ =	shalt  }
0x4f: {  	_ =	shalt  }
0x50: {  	_ =	shalt  }
0x51: {  	_ =	shalt  }
0x52: {  	_ =	shalt  }
0x53: {  	_ =	shalt  }
0x54: {  	_ =	shalt  }
0x55: {  	_ =	shalt  }
0x56: {  	_ =	shalt  }
0x57: {  	_ =	shalt  }
0x58: {  	_ =	shalt  }
0x59: {  	_ =	shalt  }
0x5a: {  	_ =	shalt  }
0x5b: {  	_ =	shalt  }
0x5c: {  	_ =	shalt  }
0x5d: {  	_ =	shalt  }
0x5e: {  	_ =	shalt  }
0x5f: {  	_ =	shalt  }
0x60: {  	_ =	shalt  }
0x61: {  	_ =	shalt  }
0x62: {  	_ =	shalt  }
0x63: {  	_ =	shalt  }
0x64: {  	_ =	shalt  }
0x65: {  	_ =	shalt  }
0x66: {  	_ =	shalt  }
0x67: {  	_ =	shalt  }
0x68: {  	_ =	shalt  }
0x69: {  	_ =	shalt  }
0x6a: {  	_ =	shalt  }
0x6b: {  	_ =	shalt  }
0x6c: {  	_ =	shalt  }
0x6d: {  	_ =	shalt  }
0x6e: {  	_ =	shalt  }
0x6f: {  	_ =	shalt  }
0x70: {  	_ =	shalt  }
0x71: {  	_ =	shalt  }
0x72: {  	_ =	shalt  }
0x73: {  	_ =	shalt  }
0x74: {  	_ =	shalt  }
0x75: {  	_ =	shalt  }
0x76: {  	_ =	shalt  }
0x77: {  	_ =	shalt  }
0x78: {  	_ =	shalt  }
0x79: {  	_ =	shalt  }
0x7a: {  	_ =	shalt  }
0x7b: {  	_ =	shalt  }
0x7c: {  	_ =	shalt  }
0x7d: {  	_ =	shalt  }
0x7e: {  	_ =	shalt  }
0x7f: {  	_ =	shalt  }
0x80: {  	_ =	shalt  }
0x81: {  	_ =	shalt  }
0x82: {  	_ =	shalt  }
0x83: {  	_ =	shalt  }
0x84: {  	_ =	shalt  }
0x85: {  	_ =	shalt  }
0x86: {  	_ =	shalt  }
0x87: {  	_ =	shalt  }
.Lfunc_end0:
.L_simem_size_0:
called_computation.1_lowered:
.L_overlay_start_0:
0x88: {  	s2 =	sld [smem:$0x3FD9]  }
0x89: {  	s3 =	sld [smem:$0x3FFE];
	_ =	sdelay $0x1  }
0x8a: {  	s1 =	srdreg.scid  }
0x8b: {  	s0 =	sand.u32 $0x1, s1  }
0x8c: {  	s16 =	sshll.u32 s0, $0xA;
	s2 =	sadd.s32 s3, s2  }
0x8d: {  	s2 =	sadd.s32 s2, s16  }
0x8e: {  	[smem:$0x3FB7] =	sst s2  }
0x8f: {  	_ = 	snop  }
0x90: {  	(tm) =	ssettm $0x1  }
0x91: {  	s17 =	sld [smem:$0x3FFB];
	_ =	sdelay $0x3  }
0x92: {  	_ =	strace s17  }
0x93: {  	s2 =	sld [smem:$0x3FFC];
	_ =	sdelay $0x3  }
0x94: {  	_ =	strace s2  }
0x95: {  	s2 =	sld [smem:$0x3FFD];
	_ =	sdelay $0x3  }
0x96: {  	_ =	strace s2  }
0x97: {  	_ =	strace $0x8FFFFFFF  }
0x98: {  	s18 =	sld [smem:$0x3FDB];
	_ =	sdelay $0x1  }
0x99: {  	s19 =	simm.s32 $_scs_section_size  }
0x9a: {  	s4 =	simm.s32 $_size__tile_overlayer_lowered;
	s5 =	simm.s32 $_tile_overlayer_lowered  }
0x9b: {  	s22 =	simm.s32 $0x1BFF;
	s21 =	sshll.u32 s5, $0x1;
	s2 =	sadd.s32 s19, s18  }
0x9c: {  	s6 =	simm.s32 $0x0;
	s20 =	sshll.u32 s4, $0x1;
	s4 =	sadd.s32 s21, s2  }
0x9d: {  	[timem:s6], [sflag:s22] =	dma.local [hbm:s4], s20  }
0x9e: {  	_ =	swait.ge [sflag:s22], s20  }
0x9f: {  	s3 =	ssub.s32 $0x0, s20;
	[sflag:s22] =	ssyncset.done $0x0  }
0xa0: {  	[sflag:s22] =	ssyncadd.s32 s3;
	_ =	sdelay $0x1  }
0xa1: {  	s23 =	simm.s32 $0x1B8B  }
0xa2: {  	_ =	swait.ge [sflag:s23], $0x1  }
0xa3: {  	[sflag:s23] =	ssyncset.done $0x0  }
0xa4: {  	s25 =	simm.s32 $0x1B8E;
	s24 =	sld [smem:$0x3FFE];
	[sflag:s23] =	ssyncadd.s32 $0xFFFFFFFF  }
0xa5: {  	s26 =	simm.s32 $execute0_lowered;
	[smem:$0x3FD2] =	sst s25  }
0xa6: {  	s4 =	sshll.u32 s26, $0x1;
	_ =	strace $0x80000049;
	[dreg:$0x1] =	wrdreg $0xFFFFFFFF  }
0xa7: {  	s28 =	simm.s32 $_size_execute0_lowered;
	s2 =	sadd.s32 s2, s4;
	[dreg:$0x0] =	wrdreg $0x0  }
0xa8: {  	s4 =	sshll.u32 s28, $0x1;
	[dreg:$0x2] =	wrdreg s2  }
0xa9: {  	[dreg:$0x3] =	wrdreg s4  }
0xaa: {  	[dreg:$0x4] =	wrdreg $0xC0  }
0xab: {  	_ =	task [dreg:s6], $0x5FFFF  }
0xac: {  	[dreg:$0x1] =	wrdreg $0xFFFFFFFF  }
0xad: {  	[dreg:$0x0] =	wrdreg $0x60  }
0xae: {  	[dreg:$0x2] =	wrdreg s24  }
0xaf: {  	[dreg:$0x3] =	wrdreg $0x0  }
0xb0: {  	[dreg:$0x4] =	wrdreg $0x9  }
0xb1: {  	_ =	task.clear_ibuf [dreg:s6], $0x5FFFF;
	_ =	strace $0x90000049  }
0xb2: {  	s29 =	simm.s32 $0x9;
	_ =	strace $0x8000004B  }
0xb3: {  	_ =	swait.ge [sflag:s29], $0x1  }
0xb4: {  	[sflag:s29] =	ssyncadd.s32 $0xFFFFFFFF  }
0xb5: {  	_ =	strace $0x9000004B  }
0xb6: {  	_ =	sfence  }
0xb7: {  	s30 =	sld [smem:$0x0];
	_ =	sdelay $0x2  }
0xb8: {  	s31 =	sshll.u32 s1, $0xD;
	s1 =	sshrl.u32 s1, $0x2  }
0xb9: {  	s3 =	sand.u32 $0x4000, s31;
	s1 =	sadd.s32 s1, s30  }
0xba: {  	s0 =	sor.u32 s3, s0;
	s1 =	sshll.u32 s1, $0x11  }
0xbb: {  	s0 =	sor.u32 s1, s0  }
0xbc: {  	s0 =	sadd.s32 $0x8F2B, s0  }
0xbd: {  	[sflag:s0] =	ssyncadd.remote.s32 $0x1  }
0xbe: {  	_ =	sfence.sel $0xFFFF  }
0xbf: {  	[dreg:$0x0] =	wrdreg $0xFFFFFFFF;
	(pc) =	sbr.abs _section_cstart, $3  }
0xc0: {  	[dreg:$0x1] =	wrdreg $0xFFFFFFFF  }
0xc1: {  	_ =	task.clear_ibuf [dreg:s6], $0x2FFFF;
	_ =	strace $0x9FFFFFFF  }
0xc2: {  	(tm) =	ssettm $0x7FFFFFFF  }
0xc3: {  	_ =	shalt  }
tec
execute0_lowered:
.L_overlay_start_1:
0x0: {  	(tag) =	ssettag $0x1  }
0x1: {  	s0 =	srdreg.scid;
	s1 =	rddreg [dreg:$0x0]  }
0x2: {  	s10 =	stileid.u32;
	s2 =	rddreg [dreg:$0x1];
	s14 =	simm.s32 $0x15C00  }
0x3: {  	s15 =	simm.s32 $0x4;
	s16 =	simm.s32 $0x13C00;
	s17 =	simm.s32 $0x14C00  }
0x4: {  	s18 =	simm.s32 $0x80;
	s19 =	simm.s32 $0x1;
	s7 =	smul.u32 $0x4F000, s10  }
0x5: {  	s20 =	simm.s32 $0x13C80;
	s0 =	sand.u32 $0x1, s0;
	s30 =	smul.u32 $0x2780, s10  }
0x6: {  	s21 =	simm.s32 $0x19C00;
	s3 =	sshll.u32 s0, $0x4;
	s6 =	smul.u32 $0x27800, s0  }
0x7: {  	s22 =	ssub.s32 $0x2, s0;
	s4 =	sor.u32 s10, s3;
	s3 =	simm.s32 $0x0  }
0x8: {  	s23 =	sshrl.u32 s22, $0x1;
	s7 =	sshrl.u32 s7, $0x2;
	s5 =	smul.u32 $0x600, s4  }
0x9: {  	[smem:$0x7FF] =	sst s3;
	s4 =	sadd.s32 $0xFC00, s1;
	s9 =	ssub.s32 s22, s23  }
0xa: {  	s22 =	simm.s32 $0x14C80;
	s23 =	simm.s32 $0x2;
	s31 =	smax.u32 s9, $0x1  }
0xb: {  	s8 =	sadd.s32 s5, s1;
	s1 =	sadd.s32 s6, s1;
	s6 =	sadd.s32 s7, s2  }
0xc: {  	_ =	strace $0x8000004A;
	[dreg:$0x7] =	wrdreg s31;
	s24 =	sadd.s32 $0x4000, s6  }
.Ltmp0:
0xd: {  	s25 =	sadd.s32 $0x8000, s6;
	[dreg:$0x3] =	wrdreg s24;
	(pc) =	sbr.rel .LBB2_1-.Ltmp0, $4  }
0xe: {  	s5 =	sxor.u32 $0x4F, s0;
	s26 =	sadd.s32 $0xC000, s6;
	[dreg:$0x4] =	wrdreg s25  }
0xf: {  	s28 =	sadd.s32 $0x10000, s6;
	s11 =	sadd.s32 $0x5EC00, s8;
	[dreg:$0x5] =	wrdreg s26  }
0x10: {  	s12 =	sadd.s32 $0x3C00, s8;
	s29 =	sadd.s32 $0x6AC00, s1;
	[dreg:$0x6] =	wrdreg s28  }
0x11: {  	v0 =	vimm.f32 $0.0e+00;
	s24 =	sadd.s32 s30, s29;
	s25 =	simm.s32 $0x3;
	s26 =	simm.s32 $0x0  }
.LBB2_9:
0x12: {  	s0 =	stileid.u32  }
0x13: {  	s0 =	sshll.u32 s0, $0x6  }
0x14: {  	[bflag:$0x0] =	sbarrier.arrive $0xFFFF;
	s1 =	sshrl.u32 s6, $0x3;
	s0 =	sor.u32 $0x1C04, s0  }
0x15: {  	[hbm:s24], [sflag:s0] =	dma.local [spmem:s1], $0x2780  }
0x16: {  	_ =	swait.ge [sflag:s15], $0x2780  }
0x17: {  	s3 =	sadd.s32 $0x1, s3;
	s31 =	rddreg [dreg:$0x7]  }
0x18: {  	p0 =	sne.s32 s3, s31  }
.Ltmp1:
0x19: {  	_ = 	snop;
	(pc) =	sbr.rel @!p0 .LBB2_10-.Ltmp1, $3  }
0x1a: {  	_ =	sdelay $0x1  }
0x1b: {  	[sflag:s15] =	ssyncset.done $0x0  }
0x1c: {  	[sflag:s15] =	ssyncadd.s32 $0xFFFFD880  }
.LBB2_1:
0x1d: {  	s0 =	simm.s32 $0x0;
	s1 =	simm.s32 $0x200  }
.LBB2_2:
0x1e: {  	p0 =	sne.s32 s1, $0xFE00;
	[tilespmem:s0+$0x15C70] =	vst v0  }
0x1f: {  	[tilespmem:s0+$0x15C00] =	vst v0  }
0x20: {  	[tilespmem:s0+$0x15C10] =	vst v0  }
.Ltmp2:
0x21: {  	[tilespmem:s0+$0x15C20] =	vst v0;
	(pc) =	sbr.rel @p0 .LBB2_2-.Ltmp2, $4  }
0x22: {  	[tilespmem:s0+$0x15C30] =	vst v0  }
0x23: {  	[tilespmem:s0+$0x15C40] =	vst v0  }
0x24: {  	[tilespmem:s0+$0x15C50] =	vst v0  }
0x25: {  	[tilespmem:s0+$0x15C60] =	vst v0;
	s0 =	sshra.s32 s1, $0x2;
	s1 =	sadd.s32 $0x200, s1  }
0x26: {  	[tilespmem:s0+$0x15C70] =	vst v0  }
0x27: {  	[tilespmem:s0+$0x15C00] =	vst v0  }
0x28: {  	[tilespmem:s0+$0x15C10] =	vst v0  }
0x29: {  	[tilespmem:s0+$0x15C20] =	vst v0  }
0x2a: {  	[tilespmem:s0+$0x15C30] =	vst v0  }
0x2b: {  	[tilespmem:s0+$0x15C40] =	vst v0  }
0x2c: {  	[tilespmem:s0+$0x15C50] =	vst v0  }
0x2d: {  	[tilespmem:s0+$0x15C60] =	vst v0  }
0x2e: {  	[spmem:s6] =	stream.linear.scatter [tilespmem:s14], [sflag:$0x4], $0x4000, $0x38;
	[tilespmem:$0x1DC00] =	vst v63  }
0x2f: {  	_ =	swait.ge [sflag:s15], $0x4000  }
0x30: {  	[sflag:s15] =	ssyncset.done $0x0  }
0x31: {  	s10 =	rddreg [dreg:$0x3];
	[sflag:s15] =	ssyncadd.s32 $0xFFFFC000  }
0x32: {  	[spmem:s10] =	stream.linear.scatter [tilespmem:s14], [sflag:$0x4], $0x4000, $0x38;
	[tilespmem:$0x1DC00] =	vst v63  }
0x33: {  	_ =	swait.ge [sflag:s15], $0x4000  }
0x34: {  	[sflag:s15] =	ssyncset.done $0x0  }
0x35: {  	s13 =	rddreg [dreg:$0x4];
	[sflag:s15] =	ssyncadd.s32 $0xFFFFC000  }
0x36: {  	[spmem:s13] =	stream.linear.scatter [tilespmem:s14], [sflag:$0x4], $0x4000, $0x38;
	[tilespmem:$0x1DC00] =	vst v63  }
0x37: {  	_ =	swait.ge [sflag:s15], $0x4000  }
0x38: {  	[sflag:s15] =	ssyncset.done $0x0  }
0x39: {  	s30 =	rddreg [dreg:$0x5];
	[sflag:s15] =	ssyncadd.s32 $0xFFFFC000  }
0x3a: {  	[spmem:s30] =	stream.linear.scatter [tilespmem:s14], [sflag:$0x4], $0x4000, $0x38;
	[tilespmem:$0x1DC00] =	vst v63  }
0x3b: {  	_ =	swait.ge [sflag:s15], $0x4000  }
0x3c: {  	[sflag:s15] =	ssyncset.done $0x0  }
0x3d: {  	s31 =	rddreg [dreg:$0x6];
	[sflag:s15] =	ssyncadd.s32 $0xFFFFC000  }
0x3e: {  	[spmem:s31] =	stream.linear.scatter [tilespmem:s14], [sflag:$0x4], $0x3C00, $0x38;
	[tilespmem:$0x1DC00] =	vst v63  }
.Ltmp3:
0x3f: {  	_ =	swait.ge [sflag:s15], $0x3C00;
	(pc) =	sbr.rel .LBB2_4-.Ltmp3, $4  }
0x40: {  	[sflag:s15] =	ssyncset.done $0x0  }
0x41: {  	[sflag:s15] =	ssyncadd.s32 $0xFFFFC400  }
0x42: {  	[bflag:$0x0] =	sbarrier.arrive $0xFFFF  }
0x43: {  	s28 =	smov.u32 s5;
	s29 =	simm.s32 $0x0  }
.LBB2_7:
0x44: {  	[sflag:s10] =	ssyncadd.s32 @!p0 $0xFFFFC000  }
0x45: {  	[spmem:s2] =	stream.indirect.scatter.add.f32 @!p0 [tilespmem:s9], [sflag:$0x3], $0x80, s13, s8, $0xb8;
	[tilespmem:$0x1DC00] =	vst v63  }
.LBB2_8:
0x46: {  	s29 =	sadd.s32 $0x1, s29  }
0x47: {  	_ =	swait.ge [sflag:s23], $0x4000;
	p0 =	sne.s32 s29, $0x3  }
.Ltmp4:
0x48: {  	[sflag:s23] =	ssyncset.done $0x0;
	(pc) =	sbr.rel @!p0 .LBB2_9-.Ltmp4, $4  }
0x49: {  	[sflag:s23] =	ssyncadd.s32 $0xFFFFC000  }
0x4a: {  	_ =	swait.ge [sflag:s25], $0x4000  }
0x4b: {  	[sflag:s25] =	ssyncset.done $0x0  }
0x4c: {  	s28 =	sadd.s32 $0xFFFFFFE0, s28;
	[sflag:s25] =	ssyncadd.s32 $0xFFFFC000  }
.LBB2_4:
0x4d: {  	s0 =	sshll.u32 s29, $0x9  }
0x4e: {  	s1 =	sadd.s32 s0, s11  }
0x4f: {  	[tilespmem:s16], [sflag:$0x4] =	stream.linear.gather [hbm4b:s1+s26], $0x1000, $0x38;
	[tilespmem:$0x1DC00] =	vst v63  }
0x50: {  	_ =	swait.ge [sflag:s15], $0x1000  }
0x51: {  	[sflag:s15] =	ssyncset.done $0x0  }
0x52: {  	s0 =	sadd.s32 s0, s12;
	[sflag:s15] =	ssyncadd.s32 $0xFFFFF000  }
0x53: {  	[tilespmem:s17], [sflag:$0x4] =	stream.linear.gather [hbm4b:s0+s26], $0x1000, $0x38;
	[tilespmem:$0x1DC00] =	vst v63  }
0x54: {  	_ =	swait.ge [sflag:s15], $0x1000  }
0x55: {  	[sflag:s15] =	ssyncset.done $0x0  }
0x56: {  	[sflag:s15] =	ssyncadd.s32 $0xFFFFF000  }
0x57: {  	[tilespmem:s14], [sflag:$0x1] =	stream.indirect.gather [hbm4b:s4+s18], $0x80, s16, s18, $0xb8;
	[tilespmem:$0x1DC00] =	vst v63  }
0x58: {  	s30 =	smin.u32 s28, $0x20;
	_ =	swait.ge [sflag:s19], $0x4000  }
0x59: {  	s0 =	sadd.s32 $0x1, s30;
	[sflag:s19] =	ssyncset.done $0x0  }
0x5a: {  	s31 =	sshrl.u32 s0, $0x1;
	[sflag:s19] =	ssyncadd.s32 $0xFFFFC000  }
0x5b: {  	[spmem:s2] =	stream.indirect.scatter.add.f32 [tilespmem:s14], [sflag:$0x2], $0x80, s17, s18, $0xb8;
	[tilespmem:$0x1DC00] =	vst v63  }
0x5c: {  	p0 =	seq.s32 s31, $0x1  }
0x5d: {  	[tilespmem:s21], [sflag:$0x1] =	stream.indirect.gather [hbm4b:s4+s18], $0x80, s20, s18, $0xb8;
	[tilespmem:$0x1DC00] =	vst v63  }
.Ltmp5:
0x5e: {  	_ = 	snop;
	(pc) =	sbr.rel @p0 .LBB2_8-.Ltmp5, $4  }
0x5f: {  	_ =	swait.ge [sflag:s19], $0x4000  }
0x60: {  	[sflag:s19] =	ssyncset.done $0x0  }
0x61: {  	[sflag:s19] =	ssyncadd.s32 $0xFFFFC000  }
0x62: {  	[spmem:s2] =	stream.indirect.scatter.add.f32 [tilespmem:s21], [sflag:$0x3], $0x80, s22, s18, $0xb8;
	[tilespmem:$0x1DC00] =	vst v63  }
0x63: {  	_ =	swait.ge [sflag:s23], $0x4000  }
0x64: {  	s1 =	sshll.u32 s29, $0x5;
	[sflag:s23] =	ssyncset.done $0x0  }
0x65: {  	s7 =	simm.s32 $0x13D00;
	s1 =	ssub.s32 s5, s1;
	[sflag:s23] =	ssyncadd.s32 $0xFFFFC000  }
0x66: {  	[tilespmem:s14], [sflag:$0x1] =	stream.indirect.gather [hbm4b:s4+s18], $0x80, s7, s18, $0xb8;
	[tilespmem:$0x1DC00] =	vst v63  }
0x67: {  	s0 =	sand.u32 $0x7E, s0;
	s30 =	smin.u32 s1, $0x20;
	_ =	swait.ge [sflag:s19], $0x4000  }
0x68: {  	s31 =	simm.s32 $0x14D00;
	p0 =	sle.u32 s30, $0x3;
	[sflag:s19] =	ssyncset.done $0x0  }
0x69: {  	s1 =	sadd.s32 $0xFFFFFFFE, s0;
	s7 =	simm.s32 @!p0 $0x3;
	[sflag:s19] =	ssyncadd.s32 $0xFFFFC000  }
0x6a: {  	[spmem:s2] =	stream.indirect.scatter.add.f32 [tilespmem:s14], [sflag:$0x2], $0x80, s31, s18, $0xb8;
	[tilespmem:$0x1DC00] =	vst v63  }
0x6b: {  	p1 =	sne.s32 s1, $0x2;
	s8 =	simm.s32 @!p0 $0x80;
	_ =	swait.ge @!p0 [sflag:s7], $0x4000  }
.Ltmp6:
0x6c: {  	s9 =	simm.s32 @!p0 $0x19C00;
	[sflag:s7] =	ssyncset.done @!p0 $0x0;
	(pc) =	sbr.rel @!p1 .LBB2_7-.Ltmp6, $4  }
0x6d: {  	s0 =	simm.s32 @!p0 $0x13D80;
	s10 =	simm.s32 @!p0 $0x1;
	[sflag:s7] =	ssyncadd.s32 @!p0 $0xFFFFC000  }
0x6e: {  	[tilespmem:s9], [sflag:$0x1] =	stream.indirect.gather @!p0 [hbm4b:s4+s8], $0x80, s0, s8, $0xb8;
	[tilespmem:$0x1DC00] =	vst v63  }
0x6f: {  	s13 =	simm.s32 @!p0 $0x14D80;
	_ =	swait.ge @!p0 [sflag:s10], $0x4000  }
0x70: {  	s7 =	simm.s32 $0x13E00;
	s0 =	simm.s32 $0x2;
	[sflag:s10] =	ssyncset.done @!p0 $0x0  }
.LBB2_6:
0x71: {  	[sflag:s10] =	ssyncadd.s32 @!p0 $0xFFFFC000  }
0x72: {  	s31 =	sadd.s32 $0x100, s31;
	s10 =	smov.u32 s0;
	s0 =	sadd.s32 $0x2, s0  }
0x73: {  	[spmem:s2] =	stream.indirect.scatter.add.f32 @!p0 [tilespmem:s9], [sflag:$0x3], $0x80, s13, s8, $0xb8;
	[tilespmem:$0x1DC00] =	vst v63  }
0x74: {  	p1 =	sne.s32 s1, s0;
	_ =	swait.ge [sflag:s23], $0x4000  }
0x75: {  	[sflag:s23] =	ssyncset.done $0x0  }
0x76: {  	[sflag:s23] =	ssyncadd.s32 $0xFFFFC000  }
0x77: {  	[tilespmem:s14], [sflag:$0x1] =	stream.indirect.gather [hbm4b:s4+s18], $0x80, s7, s18, $0xb8;
	[tilespmem:$0x1DC00] =	vst v63  }
0x78: {  	s8 =	sadd.s32 $0x3, s10;
	_ =	swait.ge [sflag:s19], $0x4000  }
0x79: {  	p0 =	sge.u32 s8, s30;
	[sflag:s19] =	ssyncset.done $0x0  }
0x7a: {  	s10 =	simm.s32 @!p0 $0x3;
	[sflag:s19] =	ssyncadd.s32 $0xFFFFC000  }
0x7b: {  	[spmem:s2] =	stream.indirect.scatter.add.f32 [tilespmem:s14], [sflag:$0x2], $0x80, s31, s18, $0xb8;
	[tilespmem:$0x1DC00] =	vst v63  }
0x7c: {  	s8 =	simm.s32 @!p0 $0x80;
	s9 =	simm.s32 @!p0 $0x19C00;
	_ =	swait.ge @!p0 [sflag:s10], $0x4000  }
.Ltmp7:
0x7d: {  	s13 =	sadd.s32 @!p0 $0x80, s7;
	[sflag:s10] =	ssyncset.done @!p0 $0x0;
	(pc) =	sbr.rel @p1 .LBB2_6-.Ltmp7, $4  }
0x7e: {  	[sflag:s10] =	ssyncadd.s32 @!p0 $0xFFFFC000;
	s10 =	simm.s32 @!p0 $0x1  }
0x7f: {  	[tilespmem:s9], [sflag:$0x1] =	stream.indirect.gather @!p0 [hbm4b:s4+s8], $0x80, s13, s8, $0xb8;
	[tilespmem:$0x1DC00] =	vst v63  }
0x80: {  	_ =	swait.ge @!p0 [sflag:s10], $0x4000  }
0x81: {  	s7 =	sadd.s32 $0x100, s7;
	s13 =	sadd.s32 @!p0 $0x80, s31;
	[sflag:s10] =	ssyncset.done @!p0 $0x0  }
.Ltmp8:
0x82: {  	_ = 	snop;
	(pc) =	sbr.rel .LBB2_7-.Ltmp8, $1  }
0x83: {  	_ =	sdelay $0x3  }
.LBB2_10:
0x84: {  	_ =	sfence.sel $0x180000  }
0x85: {  	[bflag:$0x0] =	sbarrier.arrive $0xFFFF  }
0x86: {  	_ =	strace $0x9000004A  }
0x87: {  	s0 =	stileid.u32;
	[bflag:$0x2] =	sbarrier.arrive $0xFFFF  }
0x88: {  	p0 =	sne.s32 s0, $0x0;
	s0 =	rddreg [dreg:$0x2]  }
0x89: {  	s0 =	sadd.s32 @!p0 $0x100000, s0  }
0x8a: {  	[sflag:s0] =	ssyncadd.tile.s32 @!p0 $0x1;
	_ =	shalt  }
.Lfunc_end2:
_tile_overlayer_lowered:
.L_overlay_start_2:
0x8b: {  	(tag) =	ssettag $0x2  }
0x8c: {  	s0 =	rddreg [dreg:$0x0];
	s2 =	stileid.u32  }
0x8d: {  	s1 =	rddreg [dreg:$0x1];
	p0 =	sne.s32 s2, $0x0  }
0x8e: {  	s3 =	rddreg [dreg:$0x2];
	[bflag:$0x3] =	sbarrier.arrive $0xFFFF;
	s2 =	simm.s32 @!p0 $0x1C04  }
0x8f: {  	[timem:s3], [sflag:s2] =	dma.local @!p0 [hbm:s0], s1  }
0x90: {  	s0 =	simm.s32 @!p0 $0x4  }
0x91: {  	_ =	swait.ge @!p0 [sflag:s0], s1  }
0x92: {  	s1 =	ssub.s32 @!p0 $0x0, s1;
	[sflag:s0] =	ssyncset.done @!p0 $0x0  }
0x93: {  	[sflag:s0] =	ssyncadd.s32 @!p0 s1  }
0x94: {  	[bflag:$0x3] =	sbarrier.arrive $0xFFFF  }
0x95: {  	_ =	shalt  }

// kernel: kernel.16.cloned.1.call-start
scs
__scs_entry_jumppad:
0x0: {  	(pc) =	sbr.rel $0x88, $3  }
0x1: {  	(tag) =	ssettag $0x0;
	lr =	simm.s32 $0x1  }
0x2: {  	[smem:$0x3F90] =	sst lr;
	_ =	strace $0xD0000000  }
0x3: {  	_ = 	snop  }
0x4: {  	_ = 	snop  }
0x5: {  	_ = 	snop  }
0x6: {  	_ = 	snop  }
0x7: {  	_ = 	snop  }
__scs_overlays_trampoline_lowered:
0x8: {  	[smem:$0x3F9F] =	sst s0  }
0x9: {  	[smem:$0x3FA0] =	sst s1  }
0xa: {  	[smem:$0x3FA1] =	sst s2  }
0xb: {  	[smem:$0x3FA2] =	sst s3  }
0xc: {  	[smem:$0x3FA3] =	sst s4  }
0xd: {  	[smem:$0x3FA4] =	sst s5  }
0xe: {  	[smem:$0x3FA5] =	sst s6  }
0xf: {  	[smem:$0x3FA6] =	sst s7  }
0x10: {  	[smem:$0x3FA7] =	sst s8  }
0x11: {  	[smem:$0x3FA8] =	sst s9;
	s0 =	simm.s32 @!p0 $0x0  }
0x12: {  	s1 =	sld [smem:$0x3F8E];
	s0 =	simm.s32 @p0 $0x1  }
0x13: {  	[smem:$0x3FA9] =	sst s0;
	s0 =	simm.s32 @!p1 $0x0  }
0x14: {  	s2 =	sld [smem:$0x3F8D];
	s0 =	simm.s32 @p1 $0x1  }
0x15: {  	[smem:$0x3FAA] =	sst s0;
	s0 =	simm.s32 @!p2 $0x0  }
0x16: {  	s3 =	sld [smem:$0x3FDB];
	s0 =	simm.s32 @p2 $0x1  }
0x17: {  	s4 =	simm.s32 $0x1BF5;
	[smem:$0x3FAC] =	sst s0  }
0x18: {  	s0 =	sld [smem:$0x3F8F];
	_ =	swait.ge [sflag:s4], $0x0  }
0x19: {  	s7 =	sld [smem:$0x3F90]  }
0x1a: {  	s8 =	sadd.s32 $0xFFFFE003, lr  }
0x1b: {  	s9 =	sadd.s32 $0xFFFFFEF7, lr;
	s5 =	simm.s32 $0xFFFFFFFF;
	p2 =	slt.u32 s8, $0xFFFFF086  }
0x1c: {  	p1 =	slt.u32 s9, $0xF7A;
	s5 =	simm.s32 @!p2 $0x0  }
0x1d: {  	s5 =	simm.s32 @p1 $0x1;
	p0 =	seq.s32 s7, s2  }
0x1e: {  	s7 =	smul.u32 @!p0 $0xF7A, s2;
	p2 =	seq.s32 @!p0 s5, $0x0  }
0x1f: {  	s9 =	smul.u32 $0xF7A, s1;
	s8 =	simm.s32 @!p0 $0x1BF5;
	p2 =	por !p2, p0  }
0x20: {  	[sflag:s8] =	ssyncset.s32 @!p0 $0xFFFFF086;
	s6 =	sadd.s32 @!p0 s3, s7;
	s7 =	simm.s32 @!p0 $0x108  }
0x21: {  	s3 =	sadd.s32 s3, s9;
	s6 =	sadd.s32 @!p0 $0x88, s6;
	s7 =	simm.s32 @p2 $0x1082  }
0x22: {  	[simem:s7], [sflag:s8] =	dma.local @!p0 [hbm:s6], $0xF7A  }
0x23: {  	s9 =	sor.u32 $0xD0000000, s2;
	s6 =	simm.s32 $0x108;
	_ =	swait.ge @!p0 [sflag:s8], $0x0  }
0x24: {  	s3 =	sadd.s32 $0x88, s3;
	s6 =	simm.s32 @!p1 $0x1082;
	[sflag:s4] =	ssyncset.s32 $0xFFFFF086  }
0x25: {  	[simem:s6], [sflag:s4] =	dma.local [hbm:s3], $0xF7A  }
0x26: {  	[smem:$0x3F90] =	sst s1;
	(tag) =	ssettag s2;
	_ =	strace s9  }
0x27: {  	s1 =	sld [smem:$0x3FA0]  }
0x28: {  	s2 =	sld [smem:$0x3FA1]  }
0x29: {  	s4 =	sld [smem:$0x3FA3]  }
0x2a: {  	p0 =	seq.s32 s5, $0x0;
	s5 =	sld [smem:$0x3FA4]  }
0x2b: {  	s6 =	sld [smem:$0x3FA5]  }
0x2c: {  	s7 =	sld [smem:$0x3FA6]  }
0x2d: {  	s3 =	simm.s32 $0x108;
	s8 =	sld [smem:$0x3FA7]  }
0x2e: {  	s3 =	simm.s32 @!p0 $0x1082;
	s9 =	sld [smem:$0x3FA8]  }
0x2f: {  	lr =	sadd.s32 s0, s3;
	s0 =	sld [smem:$0x3F9F]  }
0x30: {  	s3 =	sld [smem:$0x3FA2]  }
0x31: {  	[smem:$0x3FAB] =	sst s10  }
0x32: {  	s10 =	sld [smem:$0x3FA9];
	_ =	sdelay $0x3  }
0x33: {  	p0 =	seq.s32 s10, $0x1;
	s10 =	sld [smem:$0x3FAB];
	_ =	sdelay $0x3  }
0x34: {  	[smem:$0x3FAB] =	sst s10  }
0x35: {  	s10 =	sld [smem:$0x3FAA];
	_ =	sdelay $0x3  }
0x36: {  	p1 =	seq.s32 s10, $0x1;
	s10 =	sld [smem:$0x3FAB];
	_ =	sdelay $0x3  }
0x37: {  	[smem:$0x3FAB] =	sst s10  }
0x38: {  	s10 =	sld [smem:$0x3FAC]  }
0x39: {  	_ = 	snop;
	(pc) =	sbr.ind lr, $3  }
0x3a: {  	_ = 	snop  }
0x3b: {  	_ = 	snop  }
0x3c: {  	p2 =	seq.s32 s10, $0x1;
	s10 =	sld [smem:$0x3FAB]  }
0x3d: {  	_ =	shalt  }
0x3e: {  	_ =	shalt  }
0x3f: {  	_ =	shalt  }
0x40: {  	_ =	shalt  }
0x41: {  	_ =	shalt  }
0x42: {  	_ =	shalt  }
0x43: {  	_ =	shalt  }
0x44: {  	_ =	shalt  }
0x45: {  	_ =	shalt  }
0x46: {  	_ =	shalt  }
0x47: {  	_ =	shalt  }
0x48: {  	_ =	shalt  }
0x49: {  	_ =	shalt  }
0x4a: {  	_ =	shalt  }
0x4b: {  	_ =	shalt  }
0x4c: {  	_ =	shalt  }
0x4d: {  	_ =	shalt  }
0x4e: {  	_ =	shalt  }
0x4f: {  	_ =	shalt  }
0x50: {  	_ =	shalt  }
0x51: {  	_ =	shalt  }
0x52: {  	_ =	shalt  }
0x53: {  	_ =	shalt  }
0x54: {  	_ =	shalt  }
0x55: {  	_ =	shalt  }
0x56: {  	_ =	shalt  }
0x57: {  	_ =	shalt  }
0x58: {  	_ =	shalt  }
0x59: {  	_ =	shalt  }
0x5a: {  	_ =	shalt  }
0x5b: {  	_ =	shalt  }
0x5c: {  	_ =	shalt  }
0x5d: {  	_ =	shalt  }
0x5e: {  	_ =	shalt  }
0x5f: {  	_ =	shalt  }
0x60: {  	_ =	shalt  }
0x61: {  	_ =	shalt  }
0x62: {  	_ =	shalt  }
0x63: {  	_ =	shalt  }
0x64: {  	_ =	shalt  }
0x65: {  	_ =	shalt  }
0x66: {  	_ =	shalt  }
0x67: {  	_ =	shalt  }
0x68: {  	_ =	shalt  }
0x69: {  	_ =	shalt  }
0x6a: {  	_ =	shalt  }
0x6b: {  	_ =	shalt  }
0x6c: {  	_ =	shalt  }
0x6d: {  	_ =	shalt  }
0x6e: {  	_ =	shalt  }
0x6f: {  	_ =	shalt  }
0x70: {  	_ =	shalt  }
0x71: {  	_ =	shalt  }
0x72: {  	_ =	shalt  }
0x73: {  	_ =	shalt  }
0x74: {  	_ =	shalt  }
0x75: {  	_ =	shalt  }
0x76: {  	_ =	shalt  }
0x77: {  	_ =	shalt  }
0x78: {  	_ =	shalt  }
0x79: {  	_ =	shalt  }
0x7a: {  	_ =	shalt  }
0x7b: {  	_ =	shalt  }
0x7c: {  	_ =	shalt  }
0x7d: {  	_ =	shalt  }
0x7e: {  	_ =	shalt  }
0x7f: {  	_ =	shalt  }
0x80: {  	_ =	shalt  }
0x81: {  	_ =	shalt  }
0x82: {  	_ =	shalt  }
0x83: {  	_ =	shalt  }
0x84: {  	_ =	shalt  }
0x85: {  	_ =	shalt  }
0x86: {  	_ =	shalt  }
0x87: {  	_ =	shalt  }
.Lfunc_end0:
.L_simem_size_0:
called_computation.2_lowered:
.L_overlay_start_0:
0x88: {  	s2 =	sld [smem:$0x3FD9]  }
0x89: {  	s3 =	sld [smem:$0x3FFE];
	_ =	sdelay $0x1  }
0x8a: {  	s1 =	srdreg.scid  }
0x8b: {  	s0 =	sand.u32 $0x1, s1  }
0x8c: {  	s16 =	sshll.u32 s0, $0xA;
	s2 =	sadd.s32 s3, s2  }
0x8d: {  	s2 =	sadd.s32 s2, s16  }
0x8e: {  	[smem:$0x3FB7] =	sst s2  }
0x8f: {  	_ = 	snop  }
0x90: {  	(tm) =	ssettm $0x1  }
0x91: {  	s17 =	sld [smem:$0x3FFB];
	_ =	sdelay $0x3  }
0x92: {  	_ =	strace s17  }
0x93: {  	s2 =	sld [smem:$0x3FFC];
	_ =	sdelay $0x3  }
0x94: {  	_ =	strace s2  }
0x95: {  	s2 =	sld [smem:$0x3FFD];
	_ =	sdelay $0x3  }
0x96: {  	_ =	strace s2  }
0x97: {  	_ =	strace $0x8FFFFFFF  }
0x98: {  	s18 =	sld [smem:$0x3FDB];
	_ =	sdelay $0x1  }
0x99: {  	s19 =	simm.s32 $_scs_section_size  }
0x9a: {  	s4 =	simm.s32 $_size__tile_overlayer_lowered;
	s5 =	simm.s32 $_tile_overlayer_lowered  }
0x9b: {  	s22 =	simm.s32 $0x1BFF;
	s21 =	sshll.u32 s5, $0x1;
	s2 =	sadd.s32 s19, s18  }
0x9c: {  	s6 =	simm.s32 $0x0;
	s20 =	sshll.u32 s4, $0x1;
	s4 =	sadd.s32 s21, s2  }
0x9d: {  	[timem:s6], [sflag:s22] =	dma.local [hbm:s4], s20  }
0x9e: {  	_ =	swait.ge [sflag:s22], s20  }
0x9f: {  	s3 =	ssub.s32 $0x0, s20;
	[sflag:s22] =	ssyncset.done $0x0  }
0xa0: {  	[sflag:s22] =	ssyncadd.s32 s3;
	_ =	sdelay $0x1  }
0xa1: {  	s23 =	simm.s32 $0x1B8B  }
0xa2: {  	_ =	swait.ge [sflag:s23], $0x1  }
0xa3: {  	[sflag:s23] =	ssyncset.done $0x0  }
0xa4: {  	s25 =	simm.s32 $0x1B8E;
	s24 =	sld [smem:$0x3FFE];
	[sflag:s23] =	ssyncadd.s32 $0xFFFFFFFF  }
0xa5: {  	s26 =	simm.s32 $execute0_lowered;
	[smem:$0x3FD2] =	sst s25  }
0xa6: {  	s4 =	sshll.u32 s26, $0x1;
	_ =	strace $0x8000004C;
	[dreg:$0x1] =	wrdreg $0xFFFFFFFF  }
0xa7: {  	s28 =	simm.s32 $_size_execute0_lowered;
	s2 =	sadd.s32 s2, s4;
	[dreg:$0x0] =	wrdreg $0x0  }
0xa8: {  	s4 =	sshll.u32 s28, $0x1;
	[dreg:$0x2] =	wrdreg s2  }
0xa9: {  	[dreg:$0x3] =	wrdreg s4  }
0xaa: {  	[dreg:$0x4] =	wrdreg $0xC0  }
0xab: {  	_ =	task [dreg:s6], $0x5FFFF  }
0xac: {  	[dreg:$0x1] =	wrdreg $0xFFFFFFFF  }
0xad: {  	[dreg:$0x0] =	wrdreg $0x60  }
0xae: {  	[dreg:$0x2] =	wrdreg s24  }
0xaf: {  	[dreg:$0x3] =	wrdreg $0x0  }
0xb0: {  	[dreg:$0x4] =	wrdreg $0x9  }
0xb1: {  	_ =	task.clear_ibuf [dreg:s6], $0x5FFFF;
	_ =	strace $0x9000004C  }
0xb2: {  	s29 =	simm.s32 $0x9;
	_ =	strace $0x8000004E  }
0xb3: {  	_ =	swait.ge [sflag:s29], $0x1  }
0xb4: {  	[sflag:s29] =	ssyncadd.s32 $0xFFFFFFFF  }
0xb5: {  	_ =	strace $0x9000004E  }
0xb6: {  	_ =	sfence  }
0xb7: {  	s30 =	sld [smem:$0x0];
	_ =	sdelay $0x2  }
0xb8: {  	s31 =	sshll.u32 s1, $0xD;
	s1 =	sshrl.u32 s1, $0x2  }
0xb9: {  	s3 =	sand.u32 $0x4000, s31;
	s1 =	sadd.s32 s1, s30  }
0xba: {  	s0 =	sor.u32 s3, s0;
	s1 =	sshll.u32 s1, $0x11  }
0xbb: {  	s0 =	sor.u32 s1, s0  }
0xbc: {  	s0 =	sadd.s32 $0x8F2B, s0  }
0xbd: {  	[sflag:s0] =	ssyncadd.remote.s32 $0x1  }
0xbe: {  	_ =	sfence.sel $0xFFFF  }
0xbf: {  	[dreg:$0x0] =	wrdreg $0xFFFFFFFF;
	(pc) =	sbr.abs _section_cstart, $3  }
0xc0: {  	[dreg:$0x1] =	wrdreg $0xFFFFFFFF  }
0xc1: {  	_ =	task.clear_ibuf [dreg:s6], $0x2FFFF;
	_ =	strace $0x9FFFFFFF  }
0xc2: {  	(tm) =	ssettm $0x7FFFFFFF  }
0xc3: {  	_ =	shalt  }
tec
execute0_lowered:
.L_overlay_start_1:
0x0: {  	(tag) =	ssettag $0x1  }
0x1: {  	s0 =	srdreg.scid;
	s1 =	rddreg [dreg:$0x0]  }
0x2: {  	s10 =	stileid.u32;
	s2 =	rddreg [dreg:$0x1];
	s14 =	simm.s32 $0x15C00  }
0x3: {  	s15 =	simm.s32 $0x4;
	s16 =	simm.s32 $0x13C00;
	s17 =	simm.s32 $0x14C00  }
0x4: {  	s18 =	simm.s32 $0x80;
	s19 =	simm.s32 $0x1;
	s7 =	smul.u32 $0x4F000, s10  }
0x5: {  	s20 =	simm.s32 $0x13C80;
	s0 =	sand.u32 $0x1, s0;
	s30 =	smul.u32 $0x2780, s10  }
0x6: {  	s21 =	simm.s32 $0x19C00;
	s3 =	sshll.u32 s0, $0x4;
	s6 =	smul.u32 $0x27800, s0  }
0x7: {  	s22 =	ssub.s32 $0x2, s0;
	s4 =	sor.u32 s10, s3;
	s3 =	simm.s32 $0x0  }
0x8: {  	s23 =	sshrl.u32 s22, $0x1;
	s7 =	sshrl.u32 s7, $0x2;
	s5 =	smul.u32 $0x600, s4  }
0x9: {  	[smem:$0x7FF] =	sst s3;
	s4 =	sadd.s32 $0xFC00, s1;
	s9 =	ssub.s32 s22, s23  }
0xa: {  	s22 =	simm.s32 $0x14C80;
	s23 =	simm.s32 $0x2;
	s31 =	smax.u32 s9, $0x1  }
0xb: {  	s8 =	sadd.s32 s5, s1;
	s1 =	sadd.s32 s6, s1;
	s6 =	sadd.s32 s7, s2  }
0xc: {  	_ =	strace $0x8000004D;
	[dreg:$0x7] =	wrdreg s31;
	s24 =	sadd.s32 $0x4000, s6  }
.Ltmp0:
0xd: {  	s25 =	sadd.s32 $0x8000, s6;
	[dreg:$0x3] =	wrdreg s24;
	(pc) =	sbr.rel .LBB2_1-.Ltmp0, $4  }
0xe: {  	s5 =	sxor.u32 $0x4F, s0;
	s26 =	sadd.s32 $0xC000, s6;
	[dreg:$0x4] =	wrdreg s25  }
0xf: {  	s28 =	sadd.s32 $0x10000, s6;
	s11 =	sadd.s32 $0x5EC00, s8;
	[dreg:$0x5] =	wrdreg s26  }
0x10: {  	s12 =	sadd.s32 $0x3C00, s8;
	s29 =	sadd.s32 $0x6AC00, s1;
	[dreg:$0x6] =	wrdreg s28  }
0x11: {  	v0 =	vimm.f32 $0.0e+00;
	s24 =	sadd.s32 s30, s29;
	s25 =	simm.s32 $0x3;
	s26 =	simm.s32 $0x0  }
.LBB2_9:
0x12: {  	s0 =	stileid.u32  }
0x13: {  	s0 =	sshll.u32 s0, $0x6  }
0x14: {  	[bflag:$0x0] =	sbarrier.arrive $0xFFFF;
	s1 =	sshrl.u32 s6, $0x3;
	s0 =	sor.u32 $0x1C04, s0  }
0x15: {  	[hbm:s24], [sflag:s0] =	dma.local [spmem:s1], $0x2780  }
0x16: {  	_ =	swait.ge [sflag:s15], $0x2780  }
0x17: {  	s3 =	sadd.s32 $0x1, s3;
	s31 =	rddreg [dreg:$0x7]  }
0x18: {  	p0 =	sne.s32 s3, s31  }
.Ltmp1:
0x19: {  	_ = 	snop;
	(pc) =	sbr.rel @!p0 .LBB2_10-.Ltmp1, $3  }
0x1a: {  	_ =	sdelay $0x1  }
0x1b: {  	[sflag:s15] =	ssyncset.done $0x0  }
0x1c: {  	[sflag:s15] =	ssyncadd.s32 $0xFFFFD880  }
.LBB2_1:
0x1d: {  	s0 =	simm.s32 $0x0;
	s1 =	simm.s32 $0x200  }
.LBB2_2:
0x1e: {  	p0 =	sne.s32 s1, $0xFE00;
	[tilespmem:s0+$0x15C70] =	vst v0  }
0x1f: {  	[tilespmem:s0+$0x15C00] =	vst v0  }
0x20: {  	[tilespmem:s0+$0x15C10] =	vst v0  }
.Ltmp2:
0x21: {  	[tilespmem:s0+$0x15C20] =	vst v0;
	(pc) =	sbr.rel @p0 .LBB2_2-.Ltmp2, $4  }
0x22: {  	[tilespmem:s0+$0x15C30] =	vst v0  }
0x23: {  	[tilespmem:s0+$0x15C40] =	vst v0  }
0x24: {  	[tilespmem:s0+$0x15C50] =	vst v0  }
0x25: {  	[tilespmem:s0+$0x15C60] =	vst v0;
	s0 =	sshra.s32 s1, $0x2;
	s1 =	sadd.s32 $0x200, s1  }
0x26: {  	[tilespmem:s0+$0x15C70] =	vst v0  }
0x27: {  	[tilespmem:s0+$0x15C00] =	vst v0  }
0x28: {  	[tilespmem:s0+$0x15C10] =	vst v0  }
0x29: {  	[tilespmem:s0+$0x15C20] =	vst v0  }
0x2a: {  	[tilespmem:s0+$0x15C30] =	vst v0  }
0x2b: {  	[tilespmem:s0+$0x15C40] =	vst v0  }
0x2c: {  	[tilespmem:s0+$0x15C50] =	vst v0  }
0x2d: {  	[tilespmem:s0+$0x15C60] =	vst v0  }
0x2e: {  	[spmem:s6] =	stream.linear.scatter [tilespmem:s14], [sflag:$0x4], $0x4000, $0x38;
	[tilespmem:$0x1DC00] =	vst v63  }
0x2f: {  	_ =	swait.ge [sflag:s15], $0x4000  }
0x30: {  	[sflag:s15] =	ssyncset.done $0x0  }
0x31: {  	s10 =	rddreg [dreg:$0x3];
	[sflag:s15] =	ssyncadd.s32 $0xFFFFC000  }
0x32: {  	[spmem:s10] =	stream.linear.scatter [tilespmem:s14], [sflag:$0x4], $0x4000, $0x38;
	[tilespmem:$0x1DC00] =	vst v63  }
0x33: {  	_ =	swait.ge [sflag:s15], $0x4000  }
0x34: {  	[sflag:s15] =	ssyncset.done $0x0  }
0x35: {  	s13 =	rddreg [dreg:$0x4];
	[sflag:s15] =	ssyncadd.s32 $0xFFFFC000  }
0x36: {  	[spmem:s13] =	stream.linear.scatter [tilespmem:s14], [sflag:$0x4], $0x4000, $0x38;
	[tilespmem:$0x1DC00] =	vst v63  }
0x37: {  	_ =	swait.ge [sflag:s15], $0x4000  }
0x38: {  	[sflag:s15] =	ssyncset.done $0x0  }
0x39: {  	s30 =	rddreg [dreg:$0x5];
	[sflag:s15] =	ssyncadd.s32 $0xFFFFC000  }
0x3a: {  	[spmem:s30] =	stream.linear.scatter [tilespmem:s14], [sflag:$0x4], $0x4000, $0x38;
	[tilespmem:$0x1DC00] =	vst v63  }
0x3b: {  	_ =	swait.ge [sflag:s15], $0x4000  }
0x3c: {  	[sflag:s15] =	ssyncset.done $0x0  }
0x3d: {  	s31 =	rddreg [dreg:$0x6];
	[sflag:s15] =	ssyncadd.s32 $0xFFFFC000  }
0x3e: {  	[spmem:s31] =	stream.linear.scatter [tilespmem:s14], [sflag:$0x4], $0x3C00, $0x38;
	[tilespmem:$0x1DC00] =	vst v63  }
.Ltmp3:
0x3f: {  	_ =	swait.ge [sflag:s15], $0x3C00;
	(pc) =	sbr.rel .LBB2_4-.Ltmp3, $4  }
0x40: {  	[sflag:s15] =	ssyncset.done $0x0  }
0x41: {  	[sflag:s15] =	ssyncadd.s32 $0xFFFFC400  }
0x42: {  	[bflag:$0x0] =	sbarrier.arrive $0xFFFF  }
0x43: {  	s28 =	smov.u32 s5;
	s29 =	simm.s32 $0x0  }
.LBB2_7:
0x44: {  	[sflag:s10] =	ssyncadd.s32 @!p0 $0xFFFFC000  }
0x45: {  	[spmem:s2] =	stream.indirect.scatter.add.f32 @!p0 [tilespmem:s9], [sflag:$0x3], $0x80, s13, s8, $0xb8;
	[tilespmem:$0x1DC00] =	vst v63  }
.LBB2_8:
0x46: {  	s29 =	sadd.s32 $0x1, s29  }
0x47: {  	_ =	swait.ge [sflag:s23], $0x4000;
	p0 =	sne.s32 s29, $0x3  }
.Ltmp4:
0x48: {  	[sflag:s23] =	ssyncset.done $0x0;
	(pc) =	sbr.rel @!p0 .LBB2_9-.Ltmp4, $4  }
0x49: {  	[sflag:s23] =	ssyncadd.s32 $0xFFFFC000  }
0x4a: {  	_ =	swait.ge [sflag:s25], $0x4000  }
0x4b: {  	[sflag:s25] =	ssyncset.done $0x0  }
0x4c: {  	s28 =	sadd.s32 $0xFFFFFFE0, s28;
	[sflag:s25] =	ssyncadd.s32 $0xFFFFC000  }
.LBB2_4:
0x4d: {  	s0 =	sshll.u32 s29, $0x9  }
0x4e: {  	s1 =	sadd.s32 s0, s11  }
0x4f: {  	[tilespmem:s16], [sflag:$0x4] =	stream.linear.gather [hbm4b:s1+s26], $0x1000, $0x38;
	[tilespmem:$0x1DC00] =	vst v63  }
0x50: {  	_ =	swait.ge [sflag:s15], $0x1000  }
0x51: {  	[sflag:s15] =	ssyncset.done $0x0  }
0x52: {  	s0 =	sadd.s32 s0, s12;
	[sflag:s15] =	ssyncadd.s32 $0xFFFFF000  }
0x53: {  	[tilespmem:s17], [sflag:$0x4] =	stream.linear.gather [hbm4b:s0+s26], $0x1000, $0x38;
	[tilespmem:$0x1DC00] =	vst v63  }
0x54: {  	_ =	swait.ge [sflag:s15], $0x1000  }
0x55: {  	[sflag:s15] =	ssyncset.done $0x0  }
0x56: {  	[sflag:s15] =	ssyncadd.s32 $0xFFFFF000  }
0x57: {  	[tilespmem:s14], [sflag:$0x1] =	stream.indirect.gather [hbm4b:s4+s18], $0x80, s16, s18, $0xb8;
	[tilespmem:$0x1DC00] =	vst v63  }
0x58: {  	s30 =	smin.u32 s28, $0x20;
	_ =	swait.ge [sflag:s19], $0x4000  }
0x59: {  	s0 =	sadd.s32 $0x1, s30;
	[sflag:s19] =	ssyncset.done $0x0  }
0x5a: {  	s31 =	sshrl.u32 s0, $0x1;
	[sflag:s19] =	ssyncadd.s32 $0xFFFFC000  }
0x5b: {  	[spmem:s2] =	stream.indirect.scatter.add.f32 [tilespmem:s14], [sflag:$0x2], $0x80, s17, s18, $0xb8;
	[tilespmem:$0x1DC00] =	vst v63  }
0x5c: {  	p0 =	seq.s32 s31, $0x1  }
0x5d: {  	[tilespmem:s21], [sflag:$0x1] =	stream.indirect.gather [hbm4b:s4+s18], $0x80, s20, s18, $0xb8;
	[tilespmem:$0x1DC00] =	vst v63  }
.Ltmp5:
0x5e: {  	_ = 	snop;
	(pc) =	sbr.rel @p0 .LBB2_8-.Ltmp5, $4  }
0x5f: {  	_ =	swait.ge [sflag:s19], $0x4000  }
0x60: {  	[sflag:s19] =	ssyncset.done $0x0  }
0x61: {  	[sflag:s19] =	ssyncadd.s32 $0xFFFFC000  }
0x62: {  	[spmem:s2] =	stream.indirect.scatter.add.f32 [tilespmem:s21], [sflag:$0x3], $0x80, s22, s18, $0xb8;
	[tilespmem:$0x1DC00] =	vst v63  }
0x63: {  	_ =	swait.ge [sflag:s23], $0x4000  }
0x64: {  	s1 =	sshll.u32 s29, $0x5;
	[sflag:s23] =	ssyncset.done $0x0  }
0x65: {  	s7 =	simm.s32 $0x13D00;
	s1 =	ssub.s32 s5, s1;
	[sflag:s23] =	ssyncadd.s32 $0xFFFFC000  }
0x66: {  	[tilespmem:s14], [sflag:$0x1] =	stream.indirect.gather [hbm4b:s4+s18], $0x80, s7, s18, $0xb8;
	[tilespmem:$0x1DC00] =	vst v63  }
0x67: {  	s0 =	sand.u32 $0x7E, s0;
	s30 =	smin.u32 s1, $0x20;
	_ =	swait.ge [sflag:s19], $0x4000  }
0x68: {  	s31 =	simm.s32 $0x14D00;
	p0 =	sle.u32 s30, $0x3;
	[sflag:s19] =	ssyncset.done $0x0  }
0x69: {  	s1 =	sadd.s32 $0xFFFFFFFE, s0;
	s7 =	simm.s32 @!p0 $0x3;
	[sflag:s19] =	ssyncadd.s32 $0xFFFFC000  }
0x6a: {  	[spmem:s2] =	stream.indirect.scatter.add.f32 [tilespmem:s14], [sflag:$0x2], $0x80, s31, s18, $0xb8;
	[tilespmem:$0x1DC00] =	vst v63  }
0x6b: {  	p1 =	sne.s32 s1, $0x2;
	s8 =	simm.s32 @!p0 $0x80;
	_ =	swait.ge @!p0 [sflag:s7], $0x4000  }
.Ltmp6:
0x6c: {  	s9 =	simm.s32 @!p0 $0x19C00;
	[sflag:s7] =	ssyncset.done @!p0 $0x0;
	(pc) =	sbr.rel @!p1 .LBB2_7-.Ltmp6, $4  }
0x6d: {  	s0 =	simm.s32 @!p0 $0x13D80;
	s10 =	simm.s32 @!p0 $0x1;
	[sflag:s7] =	ssyncadd.s32 @!p0 $0xFFFFC000  }
0x6e: {  	[tilespmem:s9], [sflag:$0x1] =	stream.indirect.gather @!p0 [hbm4b:s4+s8], $0x80, s0, s8, $0xb8;
	[tilespmem:$0x1DC00] =	vst v63  }
0x6f: {  	s13 =	simm.s32 @!p0 $0x14D80;
	_ =	swait.ge @!p0 [sflag:s10], $0x4000  }
0x70: {  	s7 =	simm.s32 $0x13E00;
	s0 =	simm.s32 $0x2;
	[sflag:s10] =	ssyncset.done @!p0 $0x0  }
.LBB2_6:
0x71: {  	[sflag:s10] =	ssyncadd.s32 @!p0 $0xFFFFC000  }
0x72: {  	s31 =	sadd.s32 $0x100, s31;
	s10 =	smov.u32 s0;
	s0 =	sadd.s32 $0x2, s0  }
0x73: {  	[spmem:s2] =	stream.indirect.scatter.add.f32 @!p0 [tilespmem:s9], [sflag:$0x3], $0x80, s13, s8, $0xb8;
	[tilespmem:$0x1DC00] =	vst v63  }
0x74: {  	p1 =	sne.s32 s1, s0;
	_ =	swait.ge [sflag:s23], $0x4000  }
0x75: {  	[sflag:s23] =	ssyncset.done $0x0  }
0x76: {  	[sflag:s23] =	ssyncadd.s32 $0xFFFFC000  }
0x77: {  	[tilespmem:s14], [sflag:$0x1] =	stream.indirect.gather [hbm4b:s4+s18], $0x80, s7, s18, $0xb8;
	[tilespmem:$0x1DC00] =	vst v63  }
0x78: {  	s8 =	sadd.s32 $0x3, s10;
	_ =	swait.ge [sflag:s19], $0x4000  }
0x79: {  	p0 =	sge.u32 s8, s30;
	[sflag:s19] =	ssyncset.done $0x0  }
0x7a: {  	s10 =	simm.s32 @!p0 $0x3;
	[sflag:s19] =	ssyncadd.s32 $0xFFFFC000  }
0x7b: {  	[spmem:s2] =	stream.indirect.scatter.add.f32 [tilespmem:s14], [sflag:$0x2], $0x80, s31, s18, $0xb8;
	[tilespmem:$0x1DC00] =	vst v63  }
0x7c: {  	s8 =	simm.s32 @!p0 $0x80;
	s9 =	simm.s32 @!p0 $0x19C00;
	_ =	swait.ge @!p0 [sflag:s10], $0x4000  }
.Ltmp7:
0x7d: {  	s13 =	sadd.s32 @!p0 $0x80, s7;
	[sflag:s10] =	ssyncset.done @!p0 $0x0;
	(pc) =	sbr.rel @p1 .LBB2_6-.Ltmp7, $4  }
0x7e: {  	[sflag:s10] =	ssyncadd.s32 @!p0 $0xFFFFC000;
	s10 =	simm.s32 @!p0 $0x1  }
0x7f: {  	[tilespmem:s9], [sflag:$0x1] =	stream.indirect.gather @!p0 [hbm4b:s4+s8], $0x80, s13, s8, $0xb8;
	[tilespmem:$0x1DC00] =	vst v63  }
0x80: {  	_ =	swait.ge @!p0 [sflag:s10], $0x4000  }
0x81: {  	s7 =	sadd.s32 $0x100, s7;
	s13 =	sadd.s32 @!p0 $0x80, s31;
	[sflag:s10] =	ssyncset.done @!p0 $0x0  }
.Ltmp8:
0x82: {  	_ = 	snop;
	(pc) =	sbr.rel .LBB2_7-.Ltmp8, $1  }
0x83: {  	_ =	sdelay $0x3  }
.LBB2_10:
0x84: {  	_ =	sfence.sel $0x180000  }
0x85: {  	[bflag:$0x0] =	sbarrier.arrive $0xFFFF  }
0x86: {  	_ =	strace $0x9000004D  }
0x87: {  	s0 =	stileid.u32;
	[bflag:$0x2] =	sbarrier.arrive $0xFFFF  }
0x88: {  	p0 =	sne.s32 s0, $0x0;
	s0 =	rddreg [dreg:$0x2]  }
0x89: {  	s0 =	sadd.s32 @!p0 $0x100000, s0  }
0x8a: {  	[sflag:s0] =	ssyncadd.tile.s32 @!p0 $0x1;
	_ =	shalt  }
.Lfunc_end2:
_tile_overlayer_lowered:
.L_overlay_start_2:
0x8b: {  	(tag) =	ssettag $0x2  }
0x8c: {  	s0 =	rddreg [dreg:$0x0];
	s2 =	stileid.u32  }
0x8d: {  	s1 =	rddreg [dreg:$0x1];
	p0 =	sne.s32 s2, $0x0  }
0x8e: {  	s3 =	rddreg [dreg:$0x2];
	[bflag:$0x3] =	sbarrier.arrive $0xFFFF;
	s2 =	simm.s32 @!p0 $0x1C04  }
0x8f: {  	[timem:s3], [sflag:s2] =	dma.local @!p0 [hbm:s0], s1  }
0x90: {  	s0 =	simm.s32 @!p0 $0x4  }
0x91: {  	_ =	swait.ge @!p0 [sflag:s0], s1  }
0x92: {  	s1 =	ssub.s32 @!p0 $0x0, s1;
	[sflag:s0] =	ssyncset.done @!p0 $0x0  }
0x93: {  	[sflag:s0] =	ssyncadd.s32 @!p0 s1  }
0x94: {  	[bflag:$0x3] =	sbarrier.arrive $0xFFFF  }
0x95: {  	_ =	shalt  }

// kernel: kernel.19.cloned.1.call-start
scs
__scs_entry_jumppad:
0x0: {  	(pc) =	sbr.rel $0x88, $3  }
0x1: {  	(tag) =	ssettag $0x0;
	lr =	simm.s32 $0x1  }
0x2: {  	[smem:$0x3F90] =	sst lr;
	_ =	strace $0xD0000000  }
0x3: {  	_ = 	snop  }
0x4: {  	_ = 	snop  }
0x5: {  	_ = 	snop  }
0x6: {  	_ = 	snop  }
0x7: {  	_ = 	snop  }
__scs_overlays_trampoline_lowered:
0x8: {  	[smem:$0x3F9F] =	sst s0  }
0x9: {  	[smem:$0x3FA0] =	sst s1  }
0xa: {  	[smem:$0x3FA1] =	sst s2  }
0xb: {  	[smem:$0x3FA2] =	sst s3  }
0xc: {  	[smem:$0x3FA3] =	sst s4  }
0xd: {  	[smem:$0x3FA4] =	sst s5  }
0xe: {  	[smem:$0x3FA5] =	sst s6  }
0xf: {  	[smem:$0x3FA6] =	sst s7  }
0x10: {  	[smem:$0x3FA7] =	sst s8  }
0x11: {  	[smem:$0x3FA8] =	sst s9;
	s0 =	simm.s32 @!p0 $0x0  }
0x12: {  	s1 =	sld [smem:$0x3F8E];
	s0 =	simm.s32 @p0 $0x1  }
0x13: {  	[smem:$0x3FA9] =	sst s0;
	s0 =	simm.s32 @!p1 $0x0  }
0x14: {  	s2 =	sld [smem:$0x3F8D];
	s0 =	simm.s32 @p1 $0x1  }
0x15: {  	[smem:$0x3FAA] =	sst s0;
	s0 =	simm.s32 @!p2 $0x0  }
0x16: {  	s3 =	sld [smem:$0x3FDB];
	s0 =	simm.s32 @p2 $0x1  }
0x17: {  	s4 =	simm.s32 $0x1BF5;
	[smem:$0x3FAC] =	sst s0  }
0x18: {  	s0 =	sld [smem:$0x3F8F];
	_ =	swait.ge [sflag:s4], $0x0  }
0x19: {  	s7 =	sld [smem:$0x3F90]  }
0x1a: {  	s8 =	sadd.s32 $0xFFFFE003, lr  }
0x1b: {  	s9 =	sadd.s32 $0xFFFFFEF7, lr;
	s5 =	simm.s32 $0xFFFFFFFF;
	p2 =	slt.u32 s8, $0xFFFFF086  }
0x1c: {  	p1 =	slt.u32 s9, $0xF7A;
	s5 =	simm.s32 @!p2 $0x0  }
0x1d: {  	s5 =	simm.s32 @p1 $0x1;
	p0 =	seq.s32 s7, s2  }
0x1e: {  	s7 =	smul.u32 @!p0 $0xF7A, s2;
	p2 =	seq.s32 @!p0 s5, $0x0  }
0x1f: {  	s9 =	smul.u32 $0xF7A, s1;
	s8 =	simm.s32 @!p0 $0x1BF5;
	p2 =	por !p2, p0  }
0x20: {  	[sflag:s8] =	ssyncset.s32 @!p0 $0xFFFFF086;
	s6 =	sadd.s32 @!p0 s3, s7;
	s7 =	simm.s32 @!p0 $0x108  }
0x21: {  	s3 =	sadd.s32 s3, s9;
	s6 =	sadd.s32 @!p0 $0x88, s6;
	s7 =	simm.s32 @p2 $0x1082  }
0x22: {  	[simem:s7], [sflag:s8] =	dma.local @!p0 [hbm:s6], $0xF7A  }
0x23: {  	s9 =	sor.u32 $0xD0000000, s2;
	s6 =	simm.s32 $0x108;
	_ =	swait.ge @!p0 [sflag:s8], $0x0  }
0x24: {  	s3 =	sadd.s32 $0x88, s3;
	s6 =	simm.s32 @!p1 $0x1082;
	[sflag:s4] =	ssyncset.s32 $0xFFFFF086  }
0x25: {  	[simem:s6], [sflag:s4] =	dma.local [hbm:s3], $0xF7A  }
0x26: {  	[smem:$0x3F90] =	sst s1;
	(tag) =	ssettag s2;
	_ =	strace s9  }
0x27: {  	s1 =	sld [smem:$0x3FA0]  }
0x28: {  	s2 =	sld [smem:$0x3FA1]  }
0x29: {  	s4 =	sld [smem:$0x3FA3]  }
0x2a: {  	p0 =	seq.s32 s5, $0x0;
	s5 =	sld [smem:$0x3FA4]  }
0x2b: {  	s6 =	sld [smem:$0x3FA5]  }
0x2c: {  	s7 =	sld [smem:$0x3FA6]  }
0x2d: {  	s3 =	simm.s32 $0x108;
	s8 =	sld [smem:$0x3FA7]  }
0x2e: {  	s3 =	simm.s32 @!p0 $0x1082;
	s9 =	sld [smem:$0x3FA8]  }
0x2f: {  	lr =	sadd.s32 s0, s3;
	s0 =	sld [smem:$0x3F9F]  }
0x30: {  	s3 =	sld [smem:$0x3FA2]  }
0x31: {  	[smem:$0x3FAB] =	sst s10  }
0x32: {  	s10 =	sld [smem:$0x3FA9];
	_ =	sdelay $0x3  }
0x33: {  	p0 =	seq.s32 s10, $0x1;
	s10 =	sld [smem:$0x3FAB];
	_ =	sdelay $0x3  }
0x34: {  	[smem:$0x3FAB] =	sst s10  }
0x35: {  	s10 =	sld [smem:$0x3FAA];
	_ =	sdelay $0x3  }
0x36: {  	p1 =	seq.s32 s10, $0x1;
	s10 =	sld [smem:$0x3FAB];
	_ =	sdelay $0x3  }
0x37: {  	[smem:$0x3FAB] =	sst s10  }
0x38: {  	s10 =	sld [smem:$0x3FAC]  }
0x39: {  	_ = 	snop;
	(pc) =	sbr.ind lr, $3  }
0x3a: {  	_ = 	snop  }
0x3b: {  	_ = 	snop  }
0x3c: {  	p2 =	seq.s32 s10, $0x1;
	s10 =	sld [smem:$0x3FAB]  }
0x3d: {  	_ =	shalt  }
0x3e: {  	_ =	shalt  }
0x3f: {  	_ =	shalt  }
0x40: {  	_ =	shalt  }
0x41: {  	_ =	shalt  }
0x42: {  	_ =	shalt  }
0x43: {  	_ =	shalt  }
0x44: {  	_ =	shalt  }
0x45: {  	_ =	shalt  }
0x46: {  	_ =	shalt  }
0x47: {  	_ =	shalt  }
0x48: {  	_ =	shalt  }
0x49: {  	_ =	shalt  }
0x4a: {  	_ =	shalt  }
0x4b: {  	_ =	shalt  }
0x4c: {  	_ =	shalt  }
0x4d: {  	_ =	shalt  }
0x4e: {  	_ =	shalt  }
0x4f: {  	_ =	shalt  }
0x50: {  	_ =	shalt  }
0x51: {  	_ =	shalt  }
0x52: {  	_ =	shalt  }
0x53: {  	_ =	shalt  }
0x54: {  	_ =	shalt  }
0x55: {  	_ =	shalt  }
0x56: {  	_ =	shalt  }
0x57: {  	_ =	shalt  }
0x58: {  	_ =	shalt  }
0x59: {  	_ =	shalt  }
0x5a: {  	_ =	shalt  }
0x5b: {  	_ =	shalt  }
0x5c: {  	_ =	shalt  }
0x5d: {  	_ =	shalt  }
0x5e: {  	_ =	shalt  }
0x5f: {  	_ =	shalt  }
0x60: {  	_ =	shalt  }
0x61: {  	_ =	shalt  }
0x62: {  	_ =	shalt  }
0x63: {  	_ =	shalt  }
0x64: {  	_ =	shalt  }
0x65: {  	_ =	shalt  }
0x66: {  	_ =	shalt  }
0x67: {  	_ =	shalt  }
0x68: {  	_ =	shalt  }
0x69: {  	_ =	shalt  }
0x6a: {  	_ =	shalt  }
0x6b: {  	_ =	shalt  }
0x6c: {  	_ =	shalt  }
0x6d: {  	_ =	shalt  }
0x6e: {  	_ =	shalt  }
0x6f: {  	_ =	shalt  }
0x70: {  	_ =	shalt  }
0x71: {  	_ =	shalt  }
0x72: {  	_ =	shalt  }
0x73: {  	_ =	shalt  }
0x74: {  	_ =	shalt  }
0x75: {  	_ =	shalt  }
0x76: {  	_ =	shalt  }
0x77: {  	_ =	shalt  }
0x78: {  	_ =	shalt  }
0x79: {  	_ =	shalt  }
0x7a: {  	_ =	shalt  }
0x7b: {  	_ =	shalt  }
0x7c: {  	_ =	shalt  }
0x7d: {  	_ =	shalt  }
0x7e: {  	_ =	shalt  }
0x7f: {  	_ =	shalt  }
0x80: {  	_ =	shalt  }
0x81: {  	_ =	shalt  }
0x82: {  	_ =	shalt  }
0x83: {  	_ =	shalt  }
0x84: {  	_ =	shalt  }
0x85: {  	_ =	shalt  }
0x86: {  	_ =	shalt  }
0x87: {  	_ =	shalt  }
.Lfunc_end0:
.L_simem_size_0:
called_computation.3_lowered:
.L_overlay_start_0:
0x88: {  	s2 =	sld [smem:$0x3FD9]  }
0x89: {  	s3 =	sld [smem:$0x3FFE];
	_ =	sdelay $0x1  }
0x8a: {  	s1 =	srdreg.scid  }
0x8b: {  	s0 =	sand.u32 $0x1, s1  }
0x8c: {  	s16 =	sshll.u32 s0, $0xA;
	s2 =	sadd.s32 s3, s2  }
0x8d: {  	s2 =	sadd.s32 s2, s16  }
0x8e: {  	[smem:$0x3FB7] =	sst s2  }
0x8f: {  	_ = 	snop  }
0x90: {  	(tm) =	ssettm $0x1  }
0x91: {  	s17 =	sld [smem:$0x3FFB];
	_ =	sdelay $0x3  }
0x92: {  	_ =	strace s17  }
0x93: {  	s2 =	sld [smem:$0x3FFC];
	_ =	sdelay $0x3  }
0x94: {  	_ =	strace s2  }
0x95: {  	s2 =	sld [smem:$0x3FFD];
	_ =	sdelay $0x3  }
0x96: {  	_ =	strace s2  }
0x97: {  	_ =	strace $0x8FFFFFFF  }
0x98: {  	s18 =	sld [smem:$0x3FDB];
	_ =	sdelay $0x1  }
0x99: {  	s19 =	simm.s32 $_scs_section_size  }
0x9a: {  	s4 =	simm.s32 $_size__tile_overlayer_lowered;
	s5 =	simm.s32 $_tile_overlayer_lowered  }
0x9b: {  	s22 =	simm.s32 $0x1BFF;
	s21 =	sshll.u32 s5, $0x1;
	s2 =	sadd.s32 s19, s18  }
0x9c: {  	s6 =	simm.s32 $0x0;
	s20 =	sshll.u32 s4, $0x1;
	s4 =	sadd.s32 s21, s2  }
0x9d: {  	[timem:s6], [sflag:s22] =	dma.local [hbm:s4], s20  }
0x9e: {  	_ =	swait.ge [sflag:s22], s20  }
0x9f: {  	s3 =	ssub.s32 $0x0, s20;
	[sflag:s22] =	ssyncset.done $0x0  }
0xa0: {  	[sflag:s22] =	ssyncadd.s32 s3;
	_ =	sdelay $0x1  }
0xa1: {  	s23 =	simm.s32 $0x1B8B  }
0xa2: {  	_ =	swait.ge [sflag:s23], $0x1  }
0xa3: {  	[sflag:s23] =	ssyncset.done $0x0  }
0xa4: {  	s25 =	simm.s32 $0x1B8E;
	s24 =	sld [smem:$0x3FFE];
	[sflag:s23] =	ssyncadd.s32 $0xFFFFFFFF  }
0xa5: {  	s26 =	simm.s32 $execute0_lowered;
	[smem:$0x3FD2] =	sst s25  }
0xa6: {  	s4 =	sshll.u32 s26, $0x1;
	_ =	strace $0x8000004F;
	[dreg:$0x1] =	wrdreg $0xFFFFFFFF  }
0xa7: {  	s28 =	simm.s32 $_size_execute0_lowered;
	s2 =	sadd.s32 s2, s4;
	[dreg:$0x0] =	wrdreg $0x0  }
0xa8: {  	s4 =	sshll.u32 s28, $0x1;
	[dreg:$0x2] =	wrdreg s2  }
0xa9: {  	[dreg:$0x3] =	wrdreg s4  }
0xaa: {  	[dreg:$0x4] =	wrdreg $0xC0  }
0xab: {  	_ =	task [dreg:s6], $0x5FFFF  }
0xac: {  	[dreg:$0x1] =	wrdreg $0xFFFFFFFF  }
0xad: {  	[dreg:$0x0] =	wrdreg $0x60  }
0xae: {  	[dreg:$0x2] =	wrdreg s24  }
0xaf: {  	[dreg:$0x3] =	wrdreg $0x0  }
0xb0: {  	[dreg:$0x4] =	wrdreg $0x9  }
0xb1: {  	_ =	task.clear_ibuf [dreg:s6], $0x5FFFF;
	_ =	strace $0x9000004F  }
0xb2: {  	s29 =	simm.s32 $0x9;
	_ =	strace $0x80000051  }
0xb3: {  	_ =	swait.ge [sflag:s29], $0x1  }
0xb4: {  	[sflag:s29] =	ssyncadd.s32 $0xFFFFFFFF  }
0xb5: {  	_ =	strace $0x90000051  }
0xb6: {  	_ =	sfence  }
0xb7: {  	s30 =	sld [smem:$0x0];
	_ =	sdelay $0x2  }
0xb8: {  	s31 =	sshll.u32 s1, $0xD;
	s1 =	sshrl.u32 s1, $0x2  }
0xb9: {  	s3 =	sand.u32 $0x4000, s31;
	s1 =	sadd.s32 s1, s30  }
0xba: {  	s0 =	sor.u32 s3, s0;
	s1 =	sshll.u32 s1, $0x11  }
0xbb: {  	s0 =	sor.u32 s1, s0  }
0xbc: {  	s0 =	sadd.s32 $0x8F2B, s0  }
0xbd: {  	[sflag:s0] =	ssyncadd.remote.s32 $0x1  }
0xbe: {  	_ =	sfence.sel $0xFFFF  }
0xbf: {  	[dreg:$0x0] =	wrdreg $0xFFFFFFFF;
	(pc) =	sbr.abs _section_cstart, $3  }
0xc0: {  	[dreg:$0x1] =	wrdreg $0xFFFFFFFF  }
0xc1: {  	_ =	task.clear_ibuf [dreg:s6], $0x2FFFF;
	_ =	strace $0x9FFFFFFF  }
0xc2: {  	(tm) =	ssettm $0x7FFFFFFF  }
0xc3: {  	_ =	shalt  }
tec
execute0_lowered:
.L_overlay_start_1:
0x0: {  	(tag) =	ssettag $0x1  }
0x1: {  	s0 =	srdreg.scid;
	s1 =	rddreg [dreg:$0x0]  }
0x2: {  	s10 =	stileid.u32;
	s2 =	rddreg [dreg:$0x1];
	s14 =	simm.s32 $0x15C00  }
0x3: {  	s15 =	simm.s32 $0x4;
	s16 =	simm.s32 $0x13C00;
	s17 =	simm.s32 $0x14C00  }
0x4: {  	s18 =	simm.s32 $0x80;
	s19 =	simm.s32 $0x1;
	s7 =	smul.u32 $0x4F000, s10  }
0x5: {  	s20 =	simm.s32 $0x13C80;
	s0 =	sand.u32 $0x1, s0;
	s30 =	smul.u32 $0x2780, s10  }
0x6: {  	s21 =	simm.s32 $0x19C00;
	s3 =	sshll.u32 s0, $0x4;
	s6 =	smul.u32 $0x27800, s0  }
0x7: {  	s22 =	ssub.s32 $0x2, s0;
	s4 =	sor.u32 s10, s3;
	s3 =	simm.s32 $0x0  }
0x8: {  	s23 =	sshrl.u32 s22, $0x1;
	s7 =	sshrl.u32 s7, $0x2;
	s5 =	smul.u32 $0x600, s4  }
0x9: {  	[smem:$0x7FF] =	sst s3;
	s4 =	sadd.s32 $0xFC00, s1;
	s9 =	ssub.s32 s22, s23  }
0xa: {  	s22 =	simm.s32 $0x14C80;
	s23 =	simm.s32 $0x2;
	s31 =	smax.u32 s9, $0x1  }
0xb: {  	s8 =	sadd.s32 s5, s1;
	s1 =	sadd.s32 s6, s1;
	s6 =	sadd.s32 s7, s2  }
0xc: {  	_ =	strace $0x80000050;
	[dreg:$0x7] =	wrdreg s31;
	s24 =	sadd.s32 $0x4000, s6  }
.Ltmp0:
0xd: {  	s25 =	sadd.s32 $0x8000, s6;
	[dreg:$0x3] =	wrdreg s24;
	(pc) =	sbr.rel .LBB2_1-.Ltmp0, $4  }
0xe: {  	s5 =	sxor.u32 $0x4F, s0;
	s26 =	sadd.s32 $0xC000, s6;
	[dreg:$0x4] =	wrdreg s25  }
0xf: {  	s28 =	sadd.s32 $0x10000, s6;
	s11 =	sadd.s32 $0x5EC00, s8;
	[dreg:$0x5] =	wrdreg s26  }
0x10: {  	s12 =	sadd.s32 $0x3C00, s8;
	s29 =	sadd.s32 $0x6AC00, s1;
	[dreg:$0x6] =	wrdreg s28  }
0x11: {  	v0 =	vimm.f32 $0.0e+00;
	s24 =	sadd.s32 s30, s29;
	s25 =	simm.s32 $0x3;
	s26 =	simm.s32 $0x0  }
.LBB2_9:
0x12: {  	s0 =	stileid.u32  }
0x13: {  	s0 =	sshll.u32 s0, $0x6  }
0x14: {  	[bflag:$0x0] =	sbarrier.arrive $0xFFFF;
	s1 =	sshrl.u32 s6, $0x3;
	s0 =	sor.u32 $0x1C04, s0  }
0x15: {  	[hbm:s24], [sflag:s0] =	dma.local [spmem:s1], $0x2780  }
0x16: {  	_ =	swait.ge [sflag:s15], $0x2780  }
0x17: {  	s3 =	sadd.s32 $0x1, s3;
	s31 =	rddreg [dreg:$0x7]  }
0x18: {  	p0 =	sne.s32 s3, s31  }
.Ltmp1:
0x19: {  	_ = 	snop;
	(pc) =	sbr.rel @!p0 .LBB2_10-.Ltmp1, $3  }
0x1a: {  	_ =	sdelay $0x1  }
0x1b: {  	[sflag:s15] =	ssyncset.done $0x0  }
0x1c: {  	[sflag:s15] =	ssyncadd.s32 $0xFFFFD880  }
.LBB2_1:
0x1d: {  	s0 =	simm.s32 $0x0;
	s1 =	simm.s32 $0x200  }
.LBB2_2:
0x1e: {  	p0 =	sne.s32 s1, $0xFE00;
	[tilespmem:s0+$0x15C70] =	vst v0  }
0x1f: {  	[tilespmem:s0+$0x15C00] =	vst v0  }
0x20: {  	[tilespmem:s0+$0x15C10] =	vst v0  }
.Ltmp2:
0x21: {  	[tilespmem:s0+$0x15C20] =	vst v0;
	(pc) =	sbr.rel @p0 .LBB2_2-.Ltmp2, $4  }
0x22: {  	[tilespmem:s0+$0x15C30] =	vst v0  }
0x23: {  	[tilespmem:s0+$0x15C40] =	vst v0  }
0x24: {  	[tilespmem:s0+$0x15C50] =	vst v0  }
0x25: {  	[tilespmem:s0+$0x15C60] =	vst v0;
	s0 =	sshra.s32 s1, $0x2;
	s1 =	sadd.s32 $0x200, s1  }
0x26: {  	[tilespmem:s0+$0x15C70] =	vst v0  }
0x27: {  	[tilespmem:s0+$0x15C00] =	vst v0  }
0x28: {  	[tilespmem:s0+$0x15C10] =	vst v0  }
0x29: {  	[tilespmem:s0+$0x15C20] =	vst v0  }
0x2a: {  	[tilespmem:s0+$0x15C30] =	vst v0  }
0x2b: {  	[tilespmem:s0+$0x15C40] =	vst v0  }
0x2c: {  	[tilespmem:s0+$0x15C50] =	vst v0  }
0x2d: {  	[tilespmem:s0+$0x15C60] =	vst v0  }
0x2e: {  	[spmem:s6] =	stream.linear.scatter [tilespmem:s14], [sflag:$0x4], $0x4000, $0x38;
	[tilespmem:$0x1DC00] =	vst v63  }
0x2f: {  	_ =	swait.ge [sflag:s15], $0x4000  }
0x30: {  	[sflag:s15] =	ssyncset.done $0x0  }
0x31: {  	s10 =	rddreg [dreg:$0x3];
	[sflag:s15] =	ssyncadd.s32 $0xFFFFC000  }
0x32: {  	[spmem:s10] =	stream.linear.scatter [tilespmem:s14], [sflag:$0x4], $0x4000, $0x38;
	[tilespmem:$0x1DC00] =	vst v63  }
0x33: {  	_ =	swait.ge [sflag:s15], $0x4000  }
0x34: {  	[sflag:s15] =	ssyncset.done $0x0  }
0x35: {  	s13 =	rddreg [dreg:$0x4];
	[sflag:s15] =	ssyncadd.s32 $0xFFFFC000  }
0x36: {  	[spmem:s13] =	stream.linear.scatter [tilespmem:s14], [sflag:$0x4], $0x4000, $0x38;
	[tilespmem:$0x1DC00] =	vst v63  }
0x37: {  	_ =	swait.ge [sflag:s15], $0x4000  }
0x38: {  	[sflag:s15] =	ssyncset.done $0x0  }
0x39: {  	s30 =	rddreg [dreg:$0x5];
	[sflag:s15] =	ssyncadd.s32 $0xFFFFC000  }
0x3a: {  	[spmem:s30] =	stream.linear.scatter [tilespmem:s14], [sflag:$0x4], $0x4000, $0x38;
	[tilespmem:$0x1DC00] =	vst v63  }
0x3b: {  	_ =	swait.ge [sflag:s15], $0x4000  }
0x3c: {  	[sflag:s15] =	ssyncset.done $0x0  }
0x3d: {  	s31 =	rddreg [dreg:$0x6];
	[sflag:s15] =	ssyncadd.s32 $0xFFFFC000  }
0x3e: {  	[spmem:s31] =	stream.linear.scatter [tilespmem:s14], [sflag:$0x4], $0x3C00, $0x38;
	[tilespmem:$0x1DC00] =	vst v63  }
.Ltmp3:
0x3f: {  	_ =	swait.ge [sflag:s15], $0x3C00;
	(pc) =	sbr.rel .LBB2_4-.Ltmp3, $4  }
0x40: {  	[sflag:s15] =	ssyncset.done $0x0  }
0x41: {  	[sflag:s15] =	ssyncadd.s32 $0xFFFFC400  }
0x42: {  	[bflag:$0x0] =	sbarrier.arrive $0xFFFF  }
0x43: {  	s28 =	smov.u32 s5;
	s29 =	simm.s32 $0x0  }
.LBB2_7:
0x44: {  	[sflag:s10] =	ssyncadd.s32 @!p0 $0xFFFFC000  }
0x45: {  	[spmem:s2] =	stream.indirect.scatter.add.f32 @!p0 [tilespmem:s9], [sflag:$0x3], $0x80, s13, s8, $0xb8;
	[tilespmem:$0x1DC00] =	vst v63  }
.LBB2_8:
0x46: {  	s29 =	sadd.s32 $0x1, s29  }
0x47: {  	_ =	swait.ge [sflag:s23], $0x4000;
	p0 =	sne.s32 s29, $0x3  }
.Ltmp4:
0x48: {  	[sflag:s23] =	ssyncset.done $0x0;
	(pc) =	sbr.rel @!p0 .LBB2_9-.Ltmp4, $4  }
0x49: {  	[sflag:s23] =	ssyncadd.s32 $0xFFFFC000  }
0x4a: {  	_ =	swait.ge [sflag:s25], $0x4000  }
0x4b: {  	[sflag:s25] =	ssyncset.done $0x0  }
0x4c: {  	s28 =	sadd.s32 $0xFFFFFFE0, s28;
	[sflag:s25] =	ssyncadd.s32 $0xFFFFC000  }
.LBB2_4:
0x4d: {  	s0 =	sshll.u32 s29, $0x9  }
0x4e: {  	s1 =	sadd.s32 s0, s11  }
0x4f: {  	[tilespmem:s16], [sflag:$0x4] =	stream.linear.gather [hbm4b:s1+s26], $0x1000, $0x38;
	[tilespmem:$0x1DC00] =	vst v63  }
0x50: {  	_ =	swait.ge [sflag:s15], $0x1000  }
0x51: {  	[sflag:s15] =	ssyncset.done $0x0  }
0x52: {  	s0 =	sadd.s32 s0, s12;
	[sflag:s15] =	ssyncadd.s32 $0xFFFFF000  }
0x53: {  	[tilespmem:s17], [sflag:$0x4] =	stream.linear.gather [hbm4b:s0+s26], $0x1000, $0x38;
	[tilespmem:$0x1DC00] =	vst v63  }
0x54: {  	_ =	swait.ge [sflag:s15], $0x1000  }
0x55: {  	[sflag:s15] =	ssyncset.done $0x0  }
0x56: {  	[sflag:s15] =	ssyncadd.s32 $0xFFFFF000  }
0x57: {  	[tilespmem:s14], [sflag:$0x1] =	stream.indirect.gather [hbm4b:s4+s18], $0x80, s16, s18, $0xb8;
	[tilespmem:$0x1DC00] =	vst v63  }
0x58: {  	s30 =	smin.u32 s28, $0x20;
	_ =	swait.ge [sflag:s19], $0x4000  }
0x59: {  	s0 =	sadd.s32 $0x1, s30;
	[sflag:s19] =	ssyncset.done $0x0  }
0x5a: {  	s31 =	sshrl.u32 s0, $0x1;
	[sflag:s19] =	ssyncadd.s32 $0xFFFFC000  }
0x5b: {  	[spmem:s2] =	stream.indirect.scatter.add.f32 [tilespmem:s14], [sflag:$0x2], $0x80, s17, s18, $0xb8;
	[tilespmem:$0x1DC00] =	vst v63  }
0x5c: {  	p0 =	seq.s32 s31, $0x1  }
0x5d: {  	[tilespmem:s21], [sflag:$0x1] =	stream.indirect.gather [hbm4b:s4+s18], $0x80, s20, s18, $0xb8;
	[tilespmem:$0x1DC00] =	vst v63  }
.Ltmp5:
0x5e: {  	_ = 	snop;
	(pc) =	sbr.rel @p0 .LBB2_8-.Ltmp5, $4  }
0x5f: {  	_ =	swait.ge [sflag:s19], $0x4000  }
0x60: {  	[sflag:s19] =	ssyncset.done $0x0  }
0x61: {  	[sflag:s19] =	ssyncadd.s32 $0xFFFFC000  }
0x62: {  	[spmem:s2] =	stream.indirect.scatter.add.f32 [tilespmem:s21], [sflag:$0x3], $0x80, s22, s18, $0xb8;
	[tilespmem:$0x1DC00] =	vst v63  }
0x63: {  	_ =	swait.ge [sflag:s23], $0x4000  }
0x64: {  	s1 =	sshll.u32 s29, $0x5;
	[sflag:s23] =	ssyncset.done $0x0  }
0x65: {  	s7 =	simm.s32 $0x13D00;
	s1 =	ssub.s32 s5, s1;
	[sflag:s23] =	ssyncadd.s32 $0xFFFFC000  }
0x66: {  	[tilespmem:s14], [sflag:$0x1] =	stream.indirect.gather [hbm4b:s4+s18], $0x80, s7, s18, $0xb8;
	[tilespmem:$0x1DC00] =	vst v63  }
0x67: {  	s0 =	sand.u32 $0x7E, s0;
	s30 =	smin.u32 s1, $0x20;
	_ =	swait.ge [sflag:s19], $0x4000  }
0x68: {  	s31 =	simm.s32 $0x14D00;
	p0 =	sle.u32 s30, $0x3;
	[sflag:s19] =	ssyncset.done $0x0  }
0x69: {  	s1 =	sadd.s32 $0xFFFFFFFE, s0;
	s7 =	simm.s32 @!p0 $0x3;
	[sflag:s19] =	ssyncadd.s32 $0xFFFFC000  }
0x6a: {  	[spmem:s2] =	stream.indirect.scatter.add.f32 [tilespmem:s14], [sflag:$0x2], $0x80, s31, s18, $0xb8;
	[tilespmem:$0x1DC00] =	vst v63  }
0x6b: {  	p1 =	sne.s32 s1, $0x2;
	s8 =	simm.s32 @!p0 $0x80;
	_ =	swait.ge @!p0 [sflag:s7], $0x4000  }
.Ltmp6:
0x6c: {  	s9 =	simm.s32 @!p0 $0x19C00;
	[sflag:s7] =	ssyncset.done @!p0 $0x0;
	(pc) =	sbr.rel @!p1 .LBB2_7-.Ltmp6, $4  }
0x6d: {  	s0 =	simm.s32 @!p0 $0x13D80;
	s10 =	simm.s32 @!p0 $0x1;
	[sflag:s7] =	ssyncadd.s32 @!p0 $0xFFFFC000  }
0x6e: {  	[tilespmem:s9], [sflag:$0x1] =	stream.indirect.gather @!p0 [hbm4b:s4+s8], $0x80, s0, s8, $0xb8;
	[tilespmem:$0x1DC00] =	vst v63  }
0x6f: {  	s13 =	simm.s32 @!p0 $0x14D80;
	_ =	swait.ge @!p0 [sflag:s10], $0x4000  }
0x70: {  	s7 =	simm.s32 $0x13E00;
	s0 =	simm.s32 $0x2;
	[sflag:s10] =	ssyncset.done @!p0 $0x0  }
.LBB2_6:
0x71: {  	[sflag:s10] =	ssyncadd.s32 @!p0 $0xFFFFC000  }
0x72: {  	s31 =	sadd.s32 $0x100, s31;
	s10 =	smov.u32 s0;
	s0 =	sadd.s32 $0x2, s0  }
0x73: {  	[spmem:s2] =	stream.indirect.scatter.add.f32 @!p0 [tilespmem:s9], [sflag:$0x3], $0x80, s13, s8, $0xb8;
	[tilespmem:$0x1DC00] =	vst v63  }
0x74: {  	p1 =	sne.s32 s1, s0;
	_ =	swait.ge [sflag:s23], $0x4000  }
0x75: {  	[sflag:s23] =	ssyncset.done $0x0  }
0x76: {  	[sflag:s23] =	ssyncadd.s32 $0xFFFFC000  }
0x77: {  	[tilespmem:s14], [sflag:$0x1] =	stream.indirect.gather [hbm4b:s4+s18], $0x80, s7, s18, $0xb8;
	[tilespmem:$0x1DC00] =	vst v63  }
0x78: {  	s8 =	sadd.s32 $0x3, s10;
	_ =	swait.ge [sflag:s19], $0x4000  }
0x79: {  	p0 =	sge.u32 s8, s30;
	[sflag:s19] =	ssyncset.done $0x0  }
0x7a: {  	s10 =	simm.s32 @!p0 $0x3;
	[sflag:s19] =	ssyncadd.s32 $0xFFFFC000  }
0x7b: {  	[spmem:s2] =	stream.indirect.scatter.add.f32 [tilespmem:s14], [sflag:$0x2], $0x80, s31, s18, $0xb8;
	[tilespmem:$0x1DC00] =	vst v63  }
0x7c: {  	s8 =	simm.s32 @!p0 $0x80;
	s9 =	simm.s32 @!p0 $0x19C00;
	_ =	swait.ge @!p0 [sflag:s10], $0x4000  }
.Ltmp7:
0x7d: {  	s13 =	sadd.s32 @!p0 $0x80, s7;
	[sflag:s10] =	ssyncset.done @!p0 $0x0;
	(pc) =	sbr.rel @p1 .LBB2_6-.Ltmp7, $4  }
0x7e: {  	[sflag:s10] =	ssyncadd.s32 @!p0 $0xFFFFC000;
	s10 =	simm.s32 @!p0 $0x1  }
0x7f: {  	[tilespmem:s9], [sflag:$0x1] =	stream.indirect.gather @!p0 [hbm4b:s4+s8], $0x80, s13, s8, $0xb8;
	[tilespmem:$0x1DC00] =	vst v63  }
0x80: {  	_ =	swait.ge @!p0 [sflag:s10], $0x4000  }
0x81: {  	s7 =	sadd.s32 $0x100, s7;
	s13 =	sadd.s32 @!p0 $0x80, s31;
	[sflag:s10] =	ssyncset.done @!p0 $0x0  }
.Ltmp8:
0x82: {  	_ = 	snop;
	(pc) =	sbr.rel .LBB2_7-.Ltmp8, $1  }
0x83: {  	_ =	sdelay $0x3  }
.LBB2_10:
0x84: {  	_ =	sfence.sel $0x180000  }
0x85: {  	[bflag:$0x0] =	sbarrier.arrive $0xFFFF  }
0x86: {  	_ =	strace $0x90000050  }
0x87: {  	s0 =	stileid.u32;
	[bflag:$0x2] =	sbarrier.arrive $0xFFFF  }
0x88: {  	p0 =	sne.s32 s0, $0x0;
	s0 =	rddreg [dreg:$0x2]  }
0x89: {  	s0 =	sadd.s32 @!p0 $0x100000, s0  }
0x8a: {  	[sflag:s0] =	ssyncadd.tile.s32 @!p0 $0x1;
	_ =	shalt  }
.Lfunc_end2:
_tile_overlayer_lowered:
.L_overlay_start_2:
0x8b: {  	(tag) =	ssettag $0x2  }
0x8c: {  	s0 =	rddreg [dreg:$0x0];
	s2 =	stileid.u32  }
0x8d: {  	s1 =	rddreg [dreg:$0x1];
	p0 =	sne.s32 s2, $0x0  }
0x8e: {  	s3 =	rddreg [dreg:$0x2];
	[bflag:$0x3] =	sbarrier.arrive $0xFFFF;
	s2 =	simm.s32 @!p0 $0x1C04  }
0x8f: {  	[timem:s3], [sflag:s2] =	dma.local @!p0 [hbm:s0], s1  }
0x90: {  	s0 =	simm.s32 @!p0 $0x4  }
0x91: {  	_ =	swait.ge @!p0 [sflag:s0], s1  }
0x92: {  	s1 =	ssub.s32 @!p0 $0x0, s1;
	[sflag:s0] =	ssyncset.done @!p0 $0x0  }
0x93: {  	[sflag:s0] =	ssyncadd.s32 @!p0 s1  }
0x94: {  	[bflag:$0x3] =	sbarrier.arrive $0xFFFF  }
0x95: {  	_ =	shalt  }

</sc_bundles>
